<compile_context>
chip_gen: v7x
topology: tpu7x:2x2x1
jax: 0.10.2.dev20260603
libtpu: 0.0.44.dev20260713+nightly
codegen_flags: <defaults>
</compile_context>

<pallas_src>
import dataclasses
import functools

import jax
import jax.numpy as jnp
from jax import lax
from jax.experimental import pallas as pl
from jax.experimental.pallas import tpu as pltpu
from jax.experimental.pallas import tpu_sc as plsc

N = 100000
M = 32
B = 4
D = 3

NUM_TILES = 32
CHUNK = 64
NODES_PER_TILE = 3136
NCHUNKS = NODES_PER_TILE // CHUNK
IDX_ROWS = CHUNK * M // 128
WROW = 184


def _sc_body(fs16_hbm, idx_hbm, w_hbm, out_hbm,
             idx0, idx1, g0, g1, w0, w1, wsk, accbuf, resbuf, sem0, sem1):
    cid = lax.axis_index("c")
    sid = lax.axis_index("s")
    wid = cid * 16 + sid
    tile_base = jnp.minimum(wid * NODES_PER_TILE, N - NODES_PER_TILE)

    lane = jnp.arange(16, dtype=jnp.int32)
    patt = jnp.where((lane & 3) < D, (lane & 3) * 49, 156)
    patts = tuple(jnp.where((lane & 3) < D, patt + j, patt) for j in range(8))

    slots = ((idx0, g0, w0, sem0), (idx1, g1, w1, sem1))

    zero16 = jnp.zeros((16,), jnp.float32)

    @pl.loop(0, CHUNK)
    def _zrow(n):
        wsk[n, pl.ds(144, 16)] = zero16
        wsk[n, pl.ds(160, 16)] = zero16
        wsk[n, pl.ds(168, 16)] = zero16

    for wbuf in (w0, w1):
        wbuf[pl.ds(CHUNK * D * M, 16)] = zero16

    def fire(i, slot):
        idxb, gb, wb, sem = slots[slot]
        base = pl.multiple_of(tile_base + i * CHUNK, 32)
        pltpu.sync_copy(idx_hbm.at[pl.ds(base * M // 128, IDX_ROWS)], idxb)
        for j in range(IDX_ROWS):
            pltpu.async_copy(fs16_hbm.at[idxb.at[j]],
                             gb.at[pl.ds(j * 128, 128)], sem)
        pltpu.async_copy(w_hbm.at[pl.ds(base * D * M, CHUNK * D * M)],
                         wb.at[pl.ds(0, CHUNK * D * M)], sem)

    def drain(slot):
        idxb, gb, wb, sem = slots[slot]
        pltpu.make_async_copy(fs16_hbm.at[pl.ds(0, CHUNK * M)], gb, sem).wait()
        pltpu.make_async_copy(
            w_hbm.at[pl.ds(0, CHUNK * D * M)],
            wb.at[pl.ds(0, CHUNK * D * M)], sem).wait()

    def compute(i, slot):
        _, gb, wb, _ = slots[slot]

        @pl.loop(0, CHUNK)
        def _skew(n):
            raw = wb.at[pl.ds(n * (D * M), 112)]
            v0a = wb[pl.ds(n * (D * M), 16)]
            v0b = wb[pl.ds(n * (D * M) + 16, 16)]
            wsk[n, pl.ds(0, 16)] = v0a
            wsk[n, pl.ds(16, 16)] = v0b
            v1a = plsc.load_gather(raw, [lane + 31])
            v1b = plsc.load_gather(raw, [lane + 47])
            v1c = plsc.load_gather(raw, [lane + 63])
            wsk[n, pl.ds(48, 16)] = v1a
            wsk[n, pl.ds(64, 16)] = v1b
            wsk[n, pl.ds(80, 16)] = v1c
            v2a = plsc.load_gather(raw, [lane + 62])
            v2b = plsc.load_gather(raw, [lane + 78])
            v2c = plsc.load_gather(raw, [lane + 94])
            wsk[n, pl.ds(96, 16)] = v2a
            wsk[n, pl.ds(112, 16)] = v2b
            wsk[n, pl.ds(128, 16)] = v2c

        @pl.loop(0, CHUNK)
        def _node(n):
            acc0 = jnp.zeros((16,), jnp.float32)
            acc1 = jnp.zeros((16,), jnp.float32)
            acc2 = jnp.zeros((16,), jnp.float32)
            acc3 = jnp.zeros((16,), jnp.float32)
            accs = [acc0, acc1, acc2, acc3]
            for m in range(M):
                wv = plsc.load_gather(
                    wsk.at[n, pl.ds(m & ~7, 160)], [patts[m & 7]])
                gv = gb[n * M + m]
                accs[m & 3] = accs[m & 3] + wv * gv
            acc = (accs[0] + accs[1]) + (accs[2] + accs[3])
            accbuf[pl.ds(n * 16, 16)] = acc

        @pl.loop(0, CHUNK // 16)
        def _fold(g):
            rows = (g * 16 + lane) * 16
            for b in range(B):
                s0 = plsc.load_gather(accbuf, [rows + (4 * b + 0)])
                s1 = plsc.load_gather(accbuf, [rows + (4 * b + 1)])
                s2 = plsc.load_gather(accbuf, [rows + (4 * b + 2)])
                s3 = plsc.load_gather(accbuf, [rows + (4 * b + 3)])
                resbuf[pl.ds(b * NODES_PER_TILE + i * CHUNK + g * 16, 16)] = (
                    (s0 + s1) + (s2 + s3))

    fire(0, 0)

    @pl.loop(0, NCHUNKS - 1, step=2)
    def _pair(g):
        fire(g + 1, 1)
        drain(0)
        compute(g, 0)
        fire(g + 2, 0)
        drain(1)
        compute(g + 1, 1)

    drain(0)
    compute(NCHUNKS - 1, 0)

    for b in range(B):
        pltpu.sync_copy(
            resbuf.at[pl.ds(b * NODES_PER_TILE, NODES_PER_TILE)],
            out_hbm.at[pl.ds(b * N + tile_base, NODES_PER_TILE)])


@jax.jit
def _rbffd_divergence_sc(fs16, idx2d, w_flat):
    mesh = plsc.VectorSubcoreMesh(core_axis_name="c", subcore_axis_name="s")
    cp = pltpu.CompilerParams()
    if "needs_layout_passes" in pltpu.CompilerParams.__dataclass_fields__:
        cp = dataclasses.replace(cp, needs_layout_passes=False)
    if "use_tc_tiling_on_sc" in pltpu.CompilerParams.__dataclass_fields__:
        cp = dataclasses.replace(cp, use_tc_tiling_on_sc=False)
    run = pl.kernel(
        _sc_body,
        out_type=jax.ShapeDtypeStruct((B * N,), jnp.float32),
        mesh=mesh,
        scratch_types=[
            pltpu.VMEM((IDX_ROWS, 128), jnp.int32),
            pltpu.VMEM((IDX_ROWS, 128), jnp.int32),
            pltpu.VMEM((CHUNK * M, 16), jnp.float32),
            pltpu.VMEM((CHUNK * M, 16), jnp.float32),
            pltpu.VMEM((CHUNK * D * M + 16,), jnp.float32),
            pltpu.VMEM((CHUNK * D * M + 16,), jnp.float32),
            pltpu.VMEM((CHUNK, WROW), jnp.float32),
            pltpu.VMEM((CHUNK * 16,), jnp.float32),
            pltpu.VMEM((B * NODES_PER_TILE,), jnp.float32),
            pltpu.SemaphoreType.DMA,
            pltpu.SemaphoreType.DMA,
        ],
        compiler_params=cp,
    )
    return run(fs16, idx2d, w_flat)


def kernel(fs, stencil_indices, weights):
    fs = jnp.asarray(fs, jnp.float32)
    fs16 = jnp.pad(jnp.transpose(fs, (1, 0, 2)),
                   ((0, 0), (0, 0), (0, 1))).reshape(N, 4 * B)
    idx2d = stencil_indices.reshape(N * M // 128, 128)
    w_flat = jnp.asarray(weights, jnp.float32).reshape(-1)
    out_flat = _rbffd_divergence_sc(fs16, idx2d, w_flat)
    return out_flat.reshape(B, N)

# --- scband reference (transcript-rebuilt; emitter-appended) ---
"""Pipeline reference for scband-rbffddivergence-91173565759602 (READ-ONLY COPY).

The authoritative reference and input builder live on the scoring server;
editing this copy changes nothing except your own understanding.
"""

import jax, jax.numpy as jnp
import numpy as np

B, N, M, D = 4, 100000, 32, 3


def setup_inputs(seed: int = 0) -> dict:
    key = jax.random.key(seed)
    k1, k2, k3 = jax.random.split(key, 3)
    fs = jax.random.normal(k1, (B, N, D), dtype=jnp.float32)
    stencil_indices = jax.random.randint(k2, (N, M), 0, N, dtype=jnp.int32)
    # learned/precomputed RBF-FD divergence weights, shape [N, D, M]
    weights = jax.random.normal(k3, (N, D, M), dtype=jnp.float32) / float(M)
    return {"fs": fs, "stencil_indices": stencil_indices, "weights": weights}


def reference(fs, stencil_indices, weights):
    # Faithful translation of RBFFDDivergence.__call__ (float64 cast in the
    # original is kept as float32 here since x64 is not enabled by default).
    fs = jnp.asarray(fs, dtype=jnp.float32)
    if fs.ndim == 2:
        fs = fs[None, ...]
    # gather stencil neighbor values: [B, N, M, D]
    stencil_vals = fs[:, stencil_indices, :]
    # per-node weighted contraction over stencil (m) and spatial dim (d)
    return jnp.einsum('ndm,bnmd->bn', weights, stencil_vals)

if __name__ == "__main__":
    import jax
    _d = setup_inputs()
    print(jax.jit(kernel)(*tuple(_d.values())))

</pallas_src>

<mosaic_0001>
#map = affine_map<(d0, d1) -> (0, 0)>
#map1 = affine_map<(d0, d1) -> (0)>
module attributes {stable_mosaic.version = 14 : i64} {
  func.func @_sc_body(%arg0: i32, %arg1: i32, %arg2: memref<100000x16xf32, #tpu.memory_space<hbm>>, %arg3: memref<25000x128xi32, #tpu.memory_space<hbm>>, %arg4: memref<9600000xf32, #tpu.memory_space<hbm>>, %arg5: memref<400000xf32, #tpu.memory_space<hbm>>, %arg6: memref<16x128xi32, #tpu.memory_space<vmem>>, %arg7: memref<16x128xi32, #tpu.memory_space<vmem>>, %arg8: memref<2048x16xf32, #tpu.memory_space<vmem>>, %arg9: memref<2048x16xf32, #tpu.memory_space<vmem>>, %arg10: memref<6160xf32, #tpu.memory_space<vmem>>, %arg11: memref<6160xf32, #tpu.memory_space<vmem>>, %arg12: memref<64x184xf32, #tpu.memory_space<vmem>>, %arg13: memref<1024xf32, #tpu.memory_space<vmem>>, %arg14: memref<12544xf32, #tpu.memory_space<vmem>>, %arg15: memref<!tpu.dma_semaphore, #tpu.memory_space<semaphore_mem>>, %arg16: memref<!tpu.dma_semaphore, #tpu.memory_space<semaphore_mem>>) attributes {dimension_semantics = [#tpu.dimension_semantics<core_parallel>, #tpu.dimension_semantics<subcore_parallel>], iteration_bounds = array<i64: 2, 16>, scalar_prefetch = 0 : i64, scratch_operands = 11 : i64, tpu.core_type = #tpu.core_type<sc_vector_subcore>, window_params = [{transform_indices = #map}, {transform_indices = #map}, {transform_indices = #map1}, {transform_indices = #map1}]} {
    %mul3A = arith.constant 16 : i32
    %mul3A_0 = arith.muli %arg0, %mul3A : i32
    %add3A = arith.addi %mul3A_0, %arg1 : i32
    %mul3A_1 = arith.constant 3136 : i32
    %mul3A_2 = arith.muli %add3A, %mul3A_1 : i32
    %min3A = arith.constant 96864 : i32
    %min3A_3 = arith.minsi %mul3A_2, %min3A : i32
    %iota3A = tpu.iota {dimensions = array<i32: 0>} : vector<16xi32>
    %and3A = arith.constant 3 : i32
    %and3A_4 = vector.broadcast %and3A : i32 to vector<16xi32>
    %and3A_5 = arith.andi %iota3A, %and3A_4 : vector<16xi32>
    %lt3A = arith.constant 3 : i32
    %lt3A_6 = vector.broadcast %lt3A : i32 to vector<16xi32>
    %lt3A_7 = arith.cmpi slt, %and3A_5, %lt3A_6 : vector<16xi32>
    %and3A_8 = arith.constant 3 : i32
    %and3A_9 = vector.broadcast %and3A_8 : i32 to vector<16xi32>
    %and3A_10 = arith.andi %iota3A, %and3A_9 : vector<16xi32>
    %mul3A_11 = arith.constant 49 : i32
    %mul3A_12 = vector.broadcast %mul3A_11 : i32 to vector<16xi32>
    %mul3A_13 = arith.muli %and3A_10, %mul3A_12 : vector<16xi32>
    %jit3A = arith.constant 156 : i32
    %broadcast_in_dim3A = vector.broadcast %jit3A : i32 to vector<16xi32>
    %select_n3A = arith.select %lt3A_7, %mul3A_13, %broadcast_in_dim3A : vector<16xi1>, vector<16xi32>
    %and3A_14 = arith.constant 3 : i32
    %and3A_15 = vector.broadcast %and3A_14 : i32 to vector<16xi32>
    %and3A_16 = arith.andi %iota3A, %and3A_15 : vector<16xi32>
    %lt3A_17 = arith.constant 3 : i32
    %lt3A_18 = vector.broadcast %lt3A_17 : i32 to vector<16xi32>
    %lt3A_19 = arith.cmpi slt, %and3A_16, %lt3A_18 : vector<16xi32>
    %add3A_20 = arith.constant 0 : i32
    %add3A_21 = vector.broadcast %add3A_20 : i32 to vector<16xi32>
    %add3A_22 = arith.addi %select_n3A, %add3A_21 : vector<16xi32>
    %select_n3A_23 = arith.select %lt3A_19, %add3A_22, %select_n3A : vector<16xi1>, vector<16xi32>
    %and3A_24 = arith.constant 3 : i32
    %and3A_25 = vector.broadcast %and3A_24 : i32 to vector<16xi32>
    %and3A_26 = arith.andi %iota3A, %and3A_25 : vector<16xi32>
    %lt3A_27 = arith.constant 3 : i32
    %lt3A_28 = vector.broadcast %lt3A_27 : i32 to vector<16xi32>
    %lt3A_29 = arith.cmpi slt, %and3A_26, %lt3A_28 : vector<16xi32>
    %add3A_30 = arith.constant 1 : i32
    %add3A_31 = vector.broadcast %add3A_30 : i32 to vector<16xi32>
    %add3A_32 = arith.addi %select_n3A, %add3A_31 : vector<16xi32>
    %select_n3A_33 = arith.select %lt3A_29, %add3A_32, %select_n3A : vector<16xi1>, vector<16xi32>
    %and3A_34 = arith.constant 3 : i32
    %and3A_35 = vector.broadcast %and3A_34 : i32 to vector<16xi32>
    %and3A_36 = arith.andi %iota3A, %and3A_35 : vector<16xi32>
    %lt3A_37 = arith.constant 3 : i32
    %lt3A_38 = vector.broadcast %lt3A_37 : i32 to vector<16xi32>
    %lt3A_39 = arith.cmpi slt, %and3A_36, %lt3A_38 : vector<16xi32>
    %add3A_40 = arith.constant 2 : i32
    %add3A_41 = vector.broadcast %add3A_40 : i32 to vector<16xi32>
    %add3A_42 = arith.addi %select_n3A, %add3A_41 : vector<16xi32>
    %select_n3A_43 = arith.select %lt3A_39, %add3A_42, %select_n3A : vector<16xi1>, vector<16xi32>
    %and3A_44 = arith.constant 3 : i32
    %and3A_45 = vector.broadcast %and3A_44 : i32 to vector<16xi32>
    %and3A_46 = arith.andi %iota3A, %and3A_45 : vector<16xi32>
    %lt3A_47 = arith.constant 3 : i32
    %lt3A_48 = vector.broadcast %lt3A_47 : i32 to vector<16xi32>
    %lt3A_49 = arith.cmpi slt, %and3A_46, %lt3A_48 : vector<16xi32>
    %add3A_50 = arith.constant 3 : i32
    %add3A_51 = vector.broadcast %add3A_50 : i32 to vector<16xi32>
    %add3A_52 = arith.addi %select_n3A, %add3A_51 : vector<16xi32>
    %select_n3A_53 = arith.select %lt3A_49, %add3A_52, %select_n3A : vector<16xi1>, vector<16xi32>
    %and3A_54 = arith.constant 3 : i32
    %and3A_55 = vector.broadcast %and3A_54 : i32 to vector<16xi32>
    %and3A_56 = arith.andi %iota3A, %and3A_55 : vector<16xi32>
    %lt3A_57 = arith.constant 3 : i32
    %lt3A_58 = vector.broadcast %lt3A_57 : i32 to vector<16xi32>
    %lt3A_59 = arith.cmpi slt, %and3A_56, %lt3A_58 : vector<16xi32>
    %add3A_60 = arith.constant 4 : i32
    %add3A_61 = vector.broadcast %add3A_60 : i32 to vector<16xi32>
    %add3A_62 = arith.addi %select_n3A, %add3A_61 : vector<16xi32>
    %select_n3A_63 = arith.select %lt3A_59, %add3A_62, %select_n3A : vector<16xi1>, vector<16xi32>
    %and3A_64 = arith.constant 3 : i32
    %and3A_65 = vector.broadcast %and3A_64 : i32 to vector<16xi32>
    %and3A_66 = arith.andi %iota3A, %and3A_65 : vector<16xi32>
    %lt3A_67 = arith.constant 3 : i32
    %lt3A_68 = vector.broadcast %lt3A_67 : i32 to vector<16xi32>
    %lt3A_69 = arith.cmpi slt, %and3A_66, %lt3A_68 : vector<16xi32>
    %add3A_70 = arith.constant 5 : i32
    %add3A_71 = vector.broadcast %add3A_70 : i32 to vector<16xi32>
    %add3A_72 = arith.addi %select_n3A, %add3A_71 : vector<16xi32>
    %select_n3A_73 = arith.select %lt3A_69, %add3A_72, %select_n3A : vector<16xi1>, vector<16xi32>
    %and3A_74 = arith.constant 3 : i32
    %and3A_75 = vector.broadcast %and3A_74 : i32 to vector<16xi32>
    %and3A_76 = arith.andi %iota3A, %and3A_75 : vector<16xi32>
    %lt3A_77 = arith.constant 3 : i32
    %lt3A_78 = vector.broadcast %lt3A_77 : i32 to vector<16xi32>
    %lt3A_79 = arith.cmpi slt, %and3A_76, %lt3A_78 : vector<16xi32>
    %add3A_80 = arith.constant 6 : i32
    %add3A_81 = vector.broadcast %add3A_80 : i32 to vector<16xi32>
    %add3A_82 = arith.addi %select_n3A, %add3A_81 : vector<16xi32>
    %select_n3A_83 = arith.select %lt3A_79, %add3A_82, %select_n3A : vector<16xi1>, vector<16xi32>
    %and3A_84 = arith.constant 3 : i32
    %and3A_85 = vector.broadcast %and3A_84 : i32 to vector<16xi32>
    %and3A_86 = arith.andi %iota3A, %and3A_85 : vector<16xi32>
    %lt3A_87 = arith.constant 3 : i32
    %lt3A_88 = vector.broadcast %lt3A_87 : i32 to vector<16xi32>
    %lt3A_89 = arith.cmpi slt, %and3A_86, %lt3A_88 : vector<16xi32>
    %add3A_90 = arith.constant 7 : i32
    %add3A_91 = vector.broadcast %add3A_90 : i32 to vector<16xi32>
    %add3A_92 = arith.addi %select_n3A, %add3A_91 : vector<16xi32>
    %select_n3A_93 = arith.select %lt3A_89, %add3A_92, %select_n3A : vector<16xi1>, vector<16xi32>
    %broadcast_in_dim3A_94 = arith.constant 0.000000e+00 : f32
    %broadcast_in_dim3A_95 = vector.broadcast %broadcast_in_dim3A_94 : f32 to vector<16xf32>
    %scan3A = arith.constant 0 : i32
    %scan3A_96 = arith.constant 64 : i32
    %scan3A_97 = arith.addi %scan3A, %scan3A_96 : i32
    %scan3A_98 = arith.constant 1 : i32
    scf.for %scan3A_336 = %scan3A to %scan3A_97 step %scan3A_98  : i32 {
      %mul3A_337 = arith.constant 1 : i32
      %mul3A_338 = arith.muli %scan3A_336, %mul3A_337 : i32
      %add3A_339 = arith.constant 0 : i32
      %add3A_340 = arith.addi %add3A_339, %mul3A_338 : i32
      %swap3A_341 = arith.index_cast %add3A_340 : i32 to index
      %swap3A_342 = arith.constant 144 : index
      %swap3A_343 = tpu.vector_load %arg12[%swap3A_341, %swap3A_342] {strides = array<i32>} : memref<64x184xf32, #tpu.memory_space<vmem>>, vector<16xf32>,
      tpu.vector_store %arg12[%swap3A_341, %swap3A_342], %broadcast_in_dim3A_95 {strides = array<i32>} : memref<64x184xf32, #tpu.memory_space<vmem>>, vector<16xf32>,
      %swap3A_344 = arith.index_cast %add3A_340 : i32 to index
      %swap3A_345 = arith.constant 160 : index
      %swap3A_346 = tpu.vector_load %arg12[%swap3A_344, %swap3A_345] {strides = array<i32>} : memref<64x184xf32, #tpu.memory_space<vmem>>, vector<16xf32>,
      tpu.vector_store %arg12[%swap3A_344, %swap3A_345], %broadcast_in_dim3A_95 {strides = array<i32>} : memref<64x184xf32, #tpu.memory_space<vmem>>, vector<16xf32>,
      %swap3A_347 = arith.index_cast %add3A_340 : i32 to index
      %swap3A_348 = arith.constant 168 : index
      %swap3A_349 = tpu.vector_load %arg12[%swap3A_347, %swap3A_348] {strides = array<i32>} : memref<64x184xf32, #tpu.memory_space<vmem>>, vector<16xf32>,
      tpu.vector_store %arg12[%swap3A_347, %swap3A_348], %broadcast_in_dim3A_95 {strides = array<i32>} : memref<64x184xf32, #tpu.memory_space<vmem>>, vector<16xf32>,
    }
    %scan3A_99 = arith.constant 64 : i32
    %swap3A = arith.constant 6144 : index
    %swap3A_100 = tpu.vector_load %arg10[%swap3A] {strides = array<i32>} : memref<6160xf32, #tpu.memory_space<vmem>>, vector<16xf32>,
    tpu.vector_store %arg10[%swap3A], %broadcast_in_dim3A_95 {strides = array<i32>} : memref<6160xf32, #tpu.memory_space<vmem>>, vector<16xf32>,
    %swap3A_101 = arith.constant 6144 : index
    %swap3A_102 = tpu.vector_load %arg11[%swap3A_101] {strides = array<i32>} : memref<6160xf32, #tpu.memory_space<vmem>>, vector<16xf32>,
    tpu.vector_store %arg11[%swap3A_101], %broadcast_in_dim3A_95 {strides = array<i32>} : memref<6160xf32, #tpu.memory_space<vmem>>, vector<16xf32>,
    %add3A_103 = arith.constant 0 : i32
    %add3A_104 = arith.addi %min3A_3, %add3A_103 : i32
    %multiple_of3A = tpu.assume_multiple %add3A_104, 32 : i32
    %mul3A_105 = arith.constant 32 : i32
    %mul3A_106 = arith.muli %multiple_of3A, %mul3A_105 : i32
    %jit3A_107 = arith.constant 128 : i32
    %div3A = arith.divsi %mul3A_106, %jit3A_107 : i32
    %sign3A = arith.constant 0 : i32
    %sign3A_108 = arith.cmpi sgt, %mul3A_106, %sign3A : i32
    %sign3A_109 = arith.extui %sign3A_108 : i1 to i32
    %sign3A_110 = arith.constant 0 : i32
    %sign3A_111 = arith.cmpi slt, %mul3A_106, %sign3A_110 : i32
    %sign3A_112 = arith.extui %sign3A_111 : i1 to i32
    %sign3A_113 = arith.subi %sign3A_109, %sign3A_112 : i32
    %sign3A_114 = arith.constant 0 : i32
    %sign3A_115 = arith.cmpi sgt, %jit3A_107, %sign3A_114 : i32
    %sign3A_116 = arith.extui %sign3A_115 : i1 to i32
    %sign3A_117 = arith.constant 0 : i32
    %sign3A_118 = arith.cmpi slt, %jit3A_107, %sign3A_117 : i32
    %sign3A_119 = arith.extui %sign3A_118 : i1 to i32
    %sign3A_120 = arith.subi %sign3A_116, %sign3A_119 : i32
    %ne3A = arith.cmpi ne, %sign3A_113, %sign3A_120 : i32
    %rem3A = arith.remsi %mul3A_106, %jit3A_107 : i32
    %ne3A_121 = arith.constant 0 : i32
    %ne3A_122 = arith.cmpi ne, %rem3A, %ne3A_121 : i32
    %and3A_123 = arith.andi %ne3A, %ne3A_122 : i1
    %sub3A = arith.constant 1 : i32
    %sub3A_124 = arith.subi %div3A, %sub3A : i32
    %select_n3A_125 = arith.select %and3A_123, %sub3A_124, %div3A : i32
    "tpu.region"() ({
      %run_scoped3A = tpu.sem_alloc : memref<!tpu.dma_semaphore, #tpu.memory_space<semaphore_mem>>
      %dma_start3A_336 = arith.constant 0 : i32
      %dma_start3A_337 = tpu.memref_slice %arg3[%select_n3A_125, %dma_start3A_336] : memref<25000x128xi32, #tpu.memory_space<hbm>> -> memref<16x128xi32, #tpu.memory_space<hbm>>
      %dma_start3A_338 = arith.constant 0 : i32
      %dma_start3A_339 = tpu.memref_slice %arg3[%select_n3A_125, %dma_start3A_338] : memref<25000x128xi32, #tpu.memory_space<hbm>> -> memref<16x128xi32, #tpu.memory_space<hbm>>
      tpu.enqueue_dma source(%dma_start3A_339 : memref<16x128xi32, #tpu.memory_space<hbm>>) target(%arg6 : memref<16x128xi32, #tpu.memory_space<vmem>>) target_semaphore(%run_scoped3A : memref<!tpu.dma_semaphore, #tpu.memory_space<semaphore_mem>>)
      %dma_wait3A_340 = arith.constant 0 : i32
      %dma_wait3A_341 = tpu.memref_slice %arg3[%select_n3A_125, %dma_wait3A_340] : memref<25000x128xi32, #tpu.memory_space<hbm>> -> memref<16x128xi32, #tpu.memory_space<hbm>>
      %dma_wait3A_342 = arith.constant 0 : i32
      %dma_wait3A_343 = tpu.memref_slice %arg3[%select_n3A_125, %dma_wait3A_342] : memref<25000x128xi32, #tpu.memory_space<hbm>> -> memref<16x128xi32, #tpu.memory_space<hbm>>
      tpu.wait_dma2 semaphore(%run_scoped3A : memref<!tpu.dma_semaphore, #tpu.memory_space<semaphore_mem>>) src(%dma_wait3A_343 : memref<16x128xi32, #tpu.memory_space<hbm>>) dst(%arg6 : memref<16x128xi32, #tpu.memory_space<vmem>>)
      tpu.yield
    }) : () -> ()
    %dma_start3A = arith.constant 0 : i32
    %dma_start3A_126 = arith.constant 0 : i32
    %dma_start3A_127 = arith.constant 0 : i32
    %dma_start3A_128 = tpu.memref_slice %arg8[%dma_start3A_126, %dma_start3A_127] : memref<2048x16xf32, #tpu.memory_space<vmem>> -> memref<128x16xf32, #tpu.memory_space<vmem>>
    %dma_start3A_129 = arith.constant 0 : i32
    %dma_start3A_130 = tpu.memref_slice %arg6[%dma_start3A, %dma_start3A_129] : memref<16x128xi32, #tpu.memory_space<vmem>> -> memref<1x128xi32, #tpu.memory_space<vmem>>
    %dma_start3A_131 = tpu.memref_squeeze %dma_start3A_130 : memref<1x128xi32, #tpu.memory_space<vmem>> -> memref<128xi32, #tpu.memory_space<vmem>>
    %dma_start3A_132 = arith.constant 0 : i32
    %dma_start3A_133 = arith.constant 0 : i32
    %dma_start3A_134 = tpu.memref_slice %arg2[%dma_start3A_132, %dma_start3A_133] : memref<100000x16xf32, #tpu.memory_space<hbm>> -> memref<100000x16xf32, #tpu.memory_space<hbm>>
    tpu.enqueue_indirect_dma source(%dma_start3A_134 : memref<100000x16xf32, #tpu.memory_space<hbm>>) target(%dma_start3A_128 : memref<128x16xf32, #tpu.memory_space<vmem>>) offsets(%dma_start3A_131 : memref<128xi32, #tpu.memory_space<vmem>>) semaphore(%arg15 : memref<!tpu.dma_semaphore, #tpu.memory_space<semaphore_mem>>)
    %dma_start3A_135 = arith.constant 1 : i32
    %dma_start3A_136 = arith.constant 128 : i32
    %dma_start3A_137 = arith.constant 0 : i32
    %dma_start3A_138 = tpu.memref_slice %arg8[%dma_start3A_136, %dma_start3A_137] : memref<2048x16xf32, #tpu.memory_space<vmem>> -> memref<128x16xf32, #tpu.memory_space<vmem>>
    %dma_start3A_139 = arith.constant 0 : i32
    %dma_start3A_140 = tpu.memref_slice %arg6[%dma_start3A_135, %dma_start3A_139] : memref<16x128xi32, #tpu.memory_space<vmem>> -> memref<1x128xi32, #tpu.memory_space<vmem>>
    %dma_start3A_141 = tpu.memref_squeeze %dma_start3A_140 : memref<1x128xi32, #tpu.memory_space<vmem>> -> memref<128xi32, #tpu.memory_space<vmem>>
    %dma_start3A_142 = arith.constant 0 : i32
    %dma_start3A_143 = arith.constant 0 : i32
    %dma_start3A_144 = tpu.memref_slice %arg2[%dma_start3A_142, %dma_start3A_143] : memref<100000x16xf32, #tpu.memory_space<hbm>> -> memref<100000x16xf32, #tpu.memory_space<hbm>>
    tpu.enqueue_indirect_dma source(%dma_start3A_144 : memref<100000x16xf32, #tpu.memory_space<hbm>>) target(%dma_start3A_138 : memref<128x16xf32, #tpu.memory_space<vmem>>) offsets(%dma_start3A_141 : memref<128xi32, #tpu.memory_space<vmem>>) semaphore(%arg15 : memref<!tpu.dma_semaphore, #tpu.memory_space<semaphore_mem>>)
    %dma_start3A_145 = arith.constant 2 : i32
    %dma_start3A_146 = arith.constant 256 : i32
    %dma_start3A_147 = arith.constant 0 : i32
    %dma_start3A_148 = tpu.memref_slice %arg8[%dma_start3A_146, %dma_start3A_147] : memref<2048x16xf32, #tpu.memory_space<vmem>> -> memref<128x16xf32, #tpu.memory_space<vmem>>
    %dma_start3A_149 = arith.constant 0 : i32
    %dma_start3A_150 = tpu.memref_slice %arg6[%dma_start3A_145, %dma_start3A_149] : memref<16x128xi32, #tpu.memory_space<vmem>> -> memref<1x128xi32, #tpu.memory_space<vmem>>
    %dma_start3A_151 = tpu.memref_squeeze %dma_start3A_150 : memref<1x128xi32, #tpu.memory_space<vmem>> -> memref<128xi32, #tpu.memory_space<vmem>>
    %dma_start3A_152 = arith.constant 0 : i32
    %dma_start3A_153 = arith.constant 0 : i32
    %dma_start3A_154 = tpu.memref_slice %arg2[%dma_start3A_152, %dma_start3A_153] : memref<100000x16xf32, #tpu.memory_space<hbm>> -> memref<100000x16xf32, #tpu.memory_space<hbm>>
    tpu.enqueue_indirect_dma source(%dma_start3A_154 : memref<100000x16xf32, #tpu.memory_space<hbm>>) target(%dma_start3A_148 : memref<128x16xf32, #tpu.memory_space<vmem>>) offsets(%dma_start3A_151 : memref<128xi32, #tpu.memory_space<vmem>>) semaphore(%arg15 : memref<!tpu.dma_semaphore, #tpu.memory_space<semaphore_mem>>)
    %dma_start3A_155 = arith.constant 3 : i32
    %dma_start3A_156 = arith.constant 384 : i32
    %dma_start3A_157 = arith.constant 0 : i32
    %dma_start3A_158 = tpu.memref_slice %arg8[%dma_start3A_156, %dma_start3A_157] : memref<2048x16xf32, #tpu.memory_space<vmem>> -> memref<128x16xf32, #tpu.memory_space<vmem>>
    %dma_start3A_159 = arith.constant 0 : i32
    %dma_start3A_160 = tpu.memref_slice %arg6[%dma_start3A_155, %dma_start3A_159] : memref<16x128xi32, #tpu.memory_space<vmem>> -> memref<1x128xi32, #tpu.memory_space<vmem>>
    %dma_start3A_161 = tpu.memref_squeeze %dma_start3A_160 : memref<1x128xi32, #tpu.memory_space<vmem>> -> memref<128xi32, #tpu.memory_space<vmem>>
    %dma_start3A_162 = arith.constant 0 : i32
    %dma_start3A_163 = arith.constant 0 : i32
    %dma_start3A_164 = tpu.memref_slice %arg2[%dma_start3A_162, %dma_start3A_163] : memref<100000x16xf32, #tpu.memory_space<hbm>> -> memref<100000x16xf32, #tpu.memory_space<hbm>>
    tpu.enqueue_indirect_dma source(%dma_start3A_164 : memref<100000x16xf32, #tpu.memory_space<hbm>>) target(%dma_start3A_158 : memref<128x16xf32, #tpu.memory_space<vmem>>) offsets(%dma_start3A_161 : memref<128xi32, #tpu.memory_space<vmem>>) semaphore(%arg15 : memref<!tpu.dma_semaphore, #tpu.memory_space<semaphore_mem>>)
    %dma_start3A_165 = arith.constant 4 : i32
    %dma_start3A_166 = arith.constant 512 : i32
    %dma_start3A_167 = arith.constant 0 : i32
    %dma_start3A_168 = tpu.memref_slice %arg8[%dma_start3A_166, %dma_start3A_167] : memref<2048x16xf32, #tpu.memory_space<vmem>> -> memref<128x16xf32, #tpu.memory_space<vmem>>
    %dma_start3A_169 = arith.constant 0 : i32
    %dma_start3A_170 = tpu.memref_slice %arg6[%dma_start3A_165, %dma_start3A_169] : memref<16x128xi32, #tpu.memory_space<vmem>> -> memref<1x128xi32, #tpu.memory_space<vmem>>
    %dma_start3A_171 = tpu.memref_squeeze %dma_start3A_170 : memref<1x128xi32, #tpu.memory_space<vmem>> -> memref<128xi32, #tpu.memory_space<vmem>>
    %dma_start3A_172 = arith.constant 0 : i32
    %dma_start3A_173 = arith.constant 0 : i32
    %dma_start3A_174 = tpu.memref_slice %arg2[%dma_start3A_172, %dma_start3A_173] : memref<100000x16xf32, #tpu.memory_space<hbm>> -> memref<100000x16xf32, #tpu.memory_space<hbm>>
    tpu.enqueue_indirect_dma source(%dma_start3A_174 : memref<100000x16xf32, #tpu.memory_space<hbm>>) target(%dma_start3A_168 : memref<128x16xf32, #tpu.memory_space<vmem>>) offsets(%dma_start3A_171 : memref<128xi32, #tpu.memory_space<vmem>>) semaphore(%arg15 : memref<!tpu.dma_semaphore, #tpu.memory_space<semaphore_mem>>)
    %dma_start3A_175 = arith.constant 5 : i32
    %dma_start3A_176 = arith.constant 640 : i32
    %dma_start3A_177 = arith.constant 0 : i32
    %dma_start3A_178 = tpu.memref_slice %arg8[%dma_start3A_176, %dma_start3A_177] : memref<2048x16xf32, #tpu.memory_space<vmem>> -> memref<128x16xf32, #tpu.memory_space<vmem>>
    %dma_start3A_179 = arith.constant 0 : i32
    %dma_start3A_180 = tpu.memref_slice %arg6[%dma_start3A_175, %dma_start3A_179] : memref<16x128xi32, #tpu.memory_space<vmem>> -> memref<1x128xi32, #tpu.memory_space<vmem>>
    %dma_start3A_181 = tpu.memref_squeeze %dma_start3A_180 : memref<1x128xi32, #tpu.memory_space<vmem>> -> memref<128xi32, #tpu.memory_space<vmem>>
    %dma_start3A_182 = arith.constant 0 : i32
    %dma_start3A_183 = arith.constant 0 : i32
    %dma_start3A_184 = tpu.memref_slice %arg2[%dma_start3A_182, %dma_start3A_183] : memref<100000x16xf32, #tpu.memory_space<hbm>> -> memref<100000x16xf32, #tpu.memory_space<hbm>>
    tpu.enqueue_indirect_dma source(%dma_start3A_184 : memref<100000x16xf32, #tpu.memory_space<hbm>>) target(%dma_start3A_178 : memref<128x16xf32, #tpu.memory_space<vmem>>) offsets(%dma_start3A_181 : memref<128xi32, #tpu.memory_space<vmem>>) semaphore(%arg15 : memref<!tpu.dma_semaphore, #tpu.memory_space<semaphore_mem>>)
    %dma_start3A_185 = arith.constant 6 : i32
    %dma_start3A_186 = arith.constant 768 : i32
    %dma_start3A_187 = arith.constant 0 : i32
    %dma_start3A_188 = tpu.memref_slice %arg8[%dma_start3A_186, %dma_start3A_187] : memref<2048x16xf32, #tpu.memory_space<vmem>> -> memref<128x16xf32, #tpu.memory_space<vmem>>
    %dma_start3A_189 = arith.constant 0 : i32
    %dma_start3A_190 = tpu.memref_slice %arg6[%dma_start3A_185, %dma_start3A_189] : memref<16x128xi32, #tpu.memory_space<vmem>> -> memref<1x128xi32, #tpu.memory_space<vmem>>
    %dma_start3A_191 = tpu.memref_squeeze %dma_start3A_190 : memref<1x128xi32, #tpu.memory_space<vmem>> -> memref<128xi32, #tpu.memory_space<vmem>>
    %dma_start3A_192 = arith.constant 0 : i32
    %dma_start3A_193 = arith.constant 0 : i32
    %dma_start3A_194 = tpu.memref_slice %arg2[%dma_start3A_192, %dma_start3A_193] : memref<100000x16xf32, #tpu.memory_space<hbm>> -> memref<100000x16xf32, #tpu.memory_space<hbm>>
    tpu.enqueue_indirect_dma source(%dma_start3A_194 : memref<100000x16xf32, #tpu.memory_space<hbm>>) target(%dma_start3A_188 : memref<128x16xf32, #tpu.memory_space<vmem>>) offsets(%dma_start3A_191 : memref<128xi32, #tpu.memory_space<vmem>>) semaphore(%arg15 : memref<!tpu.dma_semaphore, #tpu.memory_space<semaphore_mem>>)
    %dma_start3A_195 = arith.constant 7 : i32
    %dma_start3A_196 = arith.constant 896 : i32
    %dma_start3A_197 = arith.constant 0 : i32
    %dma_start3A_198 = tpu.memref_slice %arg8[%dma_start3A_196, %dma_start3A_197] : memref<2048x16xf32, #tpu.memory_space<vmem>> -> memref<128x16xf32, #tpu.memory_space<vmem>>
    %dma_start3A_199 = arith.constant 0 : i32
    %dma_start3A_200 = tpu.memref_slice %arg6[%dma_start3A_195, %dma_start3A_199] : memref<16x128xi32, #tpu.memory_space<vmem>> -> memref<1x128xi32, #tpu.memory_space<vmem>>
    %dma_start3A_201 = tpu.memref_squeeze %dma_start3A_200 : memref<1x128xi32, #tpu.memory_space<vmem>> -> memref<128xi32, #tpu.memory_space<vmem>>
    %dma_start3A_202 = arith.constant 0 : i32
    %dma_start3A_203 = arith.constant 0 : i32
    %dma_start3A_204 = tpu.memref_slice %arg2[%dma_start3A_202, %dma_start3A_203] : memref<100000x16xf32, #tpu.memory_space<hbm>> -> memref<100000x16xf32, #tpu.memory_space<hbm>>
    tpu.enqueue_indirect_dma source(%dma_start3A_204 : memref<100000x16xf32, #tpu.memory_space<hbm>>) target(%dma_start3A_198 : memref<128x16xf32, #tpu.memory_space<vmem>>) offsets(%dma_start3A_201 : memref<128xi32, #tpu.memory_space<vmem>>) semaphore(%arg15 : memref<!tpu.dma_semaphore, #tpu.memory_space<semaphore_mem>>)
    %dma_start3A_205 = arith.constant 8 : i32
    %dma_start3A_206 = arith.constant 1024 : i32
    %dma_start3A_207 = arith.constant 0 : i32
    %dma_start3A_208 = tpu.memref_slice %arg8[%dma_start3A_206, %dma_start3A_207] : memref<2048x16xf32, #tpu.memory_space<vmem>> -> memref<128x16xf32, #tpu.memory_space<vmem>>
    %dma_start3A_209 = arith.constant 0 : i32
    %dma_start3A_210 = tpu.memref_slice %arg6[%dma_start3A_205, %dma_start3A_209] : memref<16x128xi32, #tpu.memory_space<vmem>> -> memref<1x128xi32, #tpu.memory_space<vmem>>
    %dma_start3A_211 = tpu.memref_squeeze %dma_start3A_210 : memref<1x128xi32, #tpu.memory_space<vmem>> -> memref<128xi32, #tpu.memory_space<vmem>>
    %dma_start3A_212 = arith.constant 0 : i32
    %dma_start3A_213 = arith.constant 0 : i32
    %dma_start3A_214 = tpu.memref_slice %arg2[%dma_start3A_212, %dma_start3A_213] : memref<100000x16xf32, #tpu.memory_space<hbm>> -> memref<100000x16xf32, #tpu.memory_space<hbm>>
    tpu.enqueue_indirect_dma source(%dma_start3A_214 : memref<100000x16xf32, #tpu.memory_space<hbm>>) target(%dma_start3A_208 : memref<128x16xf32, #tpu.memory_space<vmem>>) offsets(%dma_start3A_211 : memref<128xi32, #tpu.memory_space<vmem>>) semaphore(%arg15 : memref<!tpu.dma_semaphore, #tpu.memory_space<semaphore_mem>>)
    %dma_start3A_215 = arith.constant 9 : i32
    %dma_start3A_216 = arith.constant 1152 : i32
    %dma_start3A_217 = arith.constant 0 : i32
    %dma_start3A_218 = tpu.memref_slice %arg8[%dma_start3A_216, %dma_start3A_217] : memref<2048x16xf32, #tpu.memory_space<vmem>> -> memref<128x16xf32, #tpu.memory_space<vmem>>
    %dma_start3A_219 = arith.constant 0 : i32
    %dma_start3A_220 = tpu.memref_slice %arg6[%dma_start3A_215, %dma_start3A_219] : memref<16x128xi32, #tpu.memory_space<vmem>> -> memref<1x128xi32, #tpu.memory_space<vmem>>
    %dma_start3A_221 = tpu.memref_squeeze %dma_start3A_220 : memref<1x128xi32, #tpu.memory_space<vmem>> -> memref<128xi32, #tpu.memory_space<vmem>>
    %dma_start3A_222 = arith.constant 0 : i32
    %dma_start3A_223 = arith.constant 0 : i32
    %dma_start3A_224 = tpu.memref_slice %arg2[%dma_start3A_222, %dma_start3A_223] : memref<100000x16xf32, #tpu.memory_space<hbm>> -> memref<100000x16xf32, #tpu.memory_space<hbm>>
    tpu.enqueue_indirect_dma source(%dma_start3A_224 : memref<100000x16xf32, #tpu.memory_space<hbm>>) target(%dma_start3A_218 : memref<128x16xf32, #tpu.memory_space<vmem>>) offsets(%dma_start3A_221 : memref<128xi32, #tpu.memory_space<vmem>>) semaphore(%arg15 : memref<!tpu.dma_semaphore, #tpu.memory_space<semaphore_mem>>)
    %dma_start3A_225 = arith.constant 10 : i32
    %dma_start3A_226 = arith.constant 1280 : i32
    %dma_start3A_227 = arith.constant 0 : i32
    %dma_start3A_228 = tpu.memref_slice %arg8[%dma_start3A_226, %dma_start3A_227] : memref<2048x16xf32, #tpu.memory_space<vmem>> -> memref<128x16xf32, #tpu.memory_space<vmem>>
    %dma_start3A_229 = arith.constant 0 : i32
    %dma_start3A_230 = tpu.memref_slice %arg6[%dma_start3A_225, %dma_start3A_229] : memref<16x128xi32, #tpu.memory_space<vmem>> -> memref<1x128xi32, #tpu.memory_space<vmem>>
    %dma_start3A_231 = tpu.memref_squeeze %dma_start3A_230 : memref<1x128xi32, #tpu.memory_space<vmem>> -> memref<128xi32, #tpu.memory_space<vmem>>
    %dma_start3A_232 = arith.constant 0 : i32
    %dma_start3A_233 = arith.constant 0 : i32
    %dma_start3A_234 = tpu.memref_slice %arg2[%dma_start3A_232, %dma_start3A_233] : memref<100000x16xf32, #tpu.memory_space<hbm>> -> memref<100000x16xf32, #tpu.memory_space<hbm>>
    tpu.enqueue_indirect_dma source(%dma_start3A_234 : memref<100000x16xf32, #tpu.memory_space<hbm>>) target(%dma_start3A_228 : memref<128x16xf32, #tpu.memory_space<vmem>>) offsets(%dma_start3A_231 : memref<128xi32, #tpu.memory_space<vmem>>) semaphore(%arg15 : memref<!tpu.dma_semaphore, #tpu.memory_space<semaphore_mem>>)
    %dma_start3A_235 = arith.constant 11 : i32
    %dma_start3A_236 = arith.constant 1408 : i32
    %dma_start3A_237 = arith.constant 0 : i32
    %dma_start3A_238 = tpu.memref_slice %arg8[%dma_start3A_236, %dma_start3A_237] : memref<2048x16xf32, #tpu.memory_space<vmem>> -> memref<128x16xf32, #tpu.memory_space<vmem>>
    %dma_start3A_239 = arith.constant 0 : i32
    %dma_start3A_240 = tpu.memref_slice %arg6[%dma_start3A_235, %dma_start3A_239] : memref<16x128xi32, #tpu.memory_space<vmem>> -> memref<1x128xi32, #tpu.memory_space<vmem>>
    %dma_start3A_241 = tpu.memref_squeeze %dma_start3A_240 : memref<1x128xi32, #tpu.memory_space<vmem>> -> memref<128xi32, #tpu.memory_space<vmem>>
    %dma_start3A_242 = arith.constant 0 : i32
    %dma_start3A_243 = arith.constant 0 : i32
    %dma_start3A_244 = tpu.memref_slice %arg2[%dma_start3A_242, %dma_start3A_243] : memref<100000x16xf32, #tpu.memory_space<hbm>> -> memref<100000x16xf32, #tpu.memory_space<hbm>>
    tpu.enqueue_indirect_dma source(%dma_start3A_244 : memref<100000x16xf32, #tpu.memory_space<hbm>>) target(%dma_start3A_238 : memref<128x16xf32, #tpu.memory_space<vmem>>) offsets(%dma_start3A_241 : memref<128xi32, #tpu.memory_space<vmem>>) semaphore(%arg15 : memref<!tpu.dma_semaphore, #tpu.memory_space<semaphore_mem>>)
    %dma_start3A_245 = arith.constant 12 : i32
    %dma_start3A_246 = arith.constant 1536 : i32
    %dma_start3A_247 = arith.constant 0 : i32
    %dma_start3A_248 = tpu.memref_slice %arg8[%dma_start3A_246, %dma_start3A_247] : memref<2048x16xf32, #tpu.memory_space<vmem>> -> memref<128x16xf32, #tpu.memory_space<vmem>>
    %dma_start3A_249 = arith.constant 0 : i32
    %dma_start3A_250 = tpu.memref_slice %arg6[%dma_start3A_245, %dma_start3A_249] : memref<16x128xi32, #tpu.memory_space<vmem>> -> memref<1x128xi32, #tpu.memory_space<vmem>>
    %dma_start3A_251 = tpu.memref_squeeze %dma_start3A_250 : memref<1x128xi32, #tpu.memory_space<vmem>> -> memref<128xi32, #tpu.memory_space<vmem>>
    %dma_start3A_252 = arith.constant 0 : i32
    %dma_start3A_253 = arith.constant 0 : i32
    %dma_start3A_254 = tpu.memref_slice %arg2[%dma_start3A_252, %dma_start3A_253] : memref<100000x16xf32, #tpu.memory_space<hbm>> -> memref<100000x16xf32, #tpu.memory_space<hbm>>
    tpu.enqueue_indirect_dma source(%dma_start3A_254 : memref<100000x16xf32, #tpu.memory_space<hbm>>) target(%dma_start3A_248 : memref<128x16xf32, #tpu.memory_space<vmem>>) offsets(%dma_start3A_251 : memref<128xi32, #tpu.memory_space<vmem>>) semaphore(%arg15 : memref<!tpu.dma_semaphore, #tpu.memory_space<semaphore_mem>>)
    %dma_start3A_255 = arith.constant 13 : i32
    %dma_start3A_256 = arith.constant 1664 : i32
    %dma_start3A_257 = arith.constant 0 : i32
    %dma_start3A_258 = tpu.memref_slice %arg8[%dma_start3A_256, %dma_start3A_257] : memref<2048x16xf32, #tpu.memory_space<vmem>> -> memref<128x16xf32, #tpu.memory_space<vmem>>
    %dma_start3A_259 = arith.constant 0 : i32
    %dma_start3A_260 = tpu.memref_slice %arg6[%dma_start3A_255, %dma_start3A_259] : memref<16x128xi32, #tpu.memory_space<vmem>> -> memref<1x128xi32, #tpu.memory_space<vmem>>
    %dma_start3A_261 = tpu.memref_squeeze %dma_start3A_260 : memref<1x128xi32, #tpu.memory_space<vmem>> -> memref<128xi32, #tpu.memory_space<vmem>>
    %dma_start3A_262 = arith.constant 0 : i32
    %dma_start3A_263 = arith.constant 0 : i32
    %dma_start3A_264 = tpu.memref_slice %arg2[%dma_start3A_262, %dma_start3A_263] : memref<100000x16xf32, #tpu.memory_space<hbm>> -> memref<100000x16xf32, #tpu.memory_space<hbm>>
    tpu.enqueue_indirect_dma source(%dma_start3A_264 : memref<100000x16xf32, #tpu.memory_space<hbm>>) target(%dma_start3A_258 : memref<128x16xf32, #tpu.memory_space<vmem>>) offsets(%dma_start3A_261 : memref<128xi32, #tpu.memory_space<vmem>>) semaphore(%arg15 : memref<!tpu.dma_semaphore, #tpu.memory_space<semaphore_mem>>)
    %dma_start3A_265 = arith.constant 14 : i32
    %dma_start3A_266 = arith.constant 1792 : i32
    %dma_start3A_267 = arith.constant 0 : i32
    %dma_start3A_268 = tpu.memref_slice %arg8[%dma_start3A_266, %dma_start3A_267] : memref<2048x16xf32, #tpu.memory_space<vmem>> -> memref<128x16xf32, #tpu.memory_space<vmem>>
    %dma_start3A_269 = arith.constant 0 : i32
    %dma_start3A_270 = tpu.memref_slice %arg6[%dma_start3A_265, %dma_start3A_269] : memref<16x128xi32, #tpu.memory_space<vmem>> -> memref<1x128xi32, #tpu.memory_space<vmem>>
    %dma_start3A_271 = tpu.memref_squeeze %dma_start3A_270 : memref<1x128xi32, #tpu.memory_space<vmem>> -> memref<128xi32, #tpu.memory_space<vmem>>
    %dma_start3A_272 = arith.constant 0 : i32
    %dma_start3A_273 = arith.constant 0 : i32
    %dma_start3A_274 = tpu.memref_slice %arg2[%dma_start3A_272, %dma_start3A_273] : memref<100000x16xf32, #tpu.memory_space<hbm>> -> memref<100000x16xf32, #tpu.memory_space<hbm>>
    tpu.enqueue_indirect_dma source(%dma_start3A_274 : memref<100000x16xf32, #tpu.memory_space<hbm>>) target(%dma_start3A_268 : memref<128x16xf32, #tpu.memory_space<vmem>>) offsets(%dma_start3A_271 : memref<128xi32, #tpu.memory_space<vmem>>) semaphore(%arg15 : memref<!tpu.dma_semaphore, #tpu.memory_space<semaphore_mem>>)
    %dma_start3A_275 = arith.constant 15 : i32
    %dma_start3A_276 = arith.constant 1920 : i32
    %dma_start3A_277 = arith.constant 0 : i32
    %dma_start3A_278 = tpu.memref_slice %arg8[%dma_start3A_276, %dma_start3A_277] : memref<2048x16xf32, #tpu.memory_space<vmem>> -> memref<128x16xf32, #tpu.memory_space<vmem>>
    %dma_start3A_279 = arith.constant 0 : i32
    %dma_start3A_280 = tpu.memref_slice %arg6[%dma_start3A_275, %dma_start3A_279] : memref<16x128xi32, #tpu.memory_space<vmem>> -> memref<1x128xi32, #tpu.memory_space<vmem>>
    %dma_start3A_281 = tpu.memref_squeeze %dma_start3A_280 : memref<1x128xi32, #tpu.memory_space<vmem>> -> memref<128xi32, #tpu.memory_space<vmem>>
    %dma_start3A_282 = arith.constant 0 : i32
    %dma_start3A_283 = arith.constant 0 : i32
    %dma_start3A_284 = tpu.memref_slice %arg2[%dma_start3A_282, %dma_start3A_283] : memref<100000x16xf32, #tpu.memory_space<hbm>> -> memref<100000x16xf32, #tpu.memory_space<hbm>>
    tpu.enqueue_indirect_dma source(%dma_start3A_284 : memref<100000x16xf32, #tpu.memory_space<hbm>>) target(%dma_start3A_278 : memref<128x16xf32, #tpu.memory_space<vmem>>) offsets(%dma_start3A_281 : memref<128xi32, #tpu.memory_space<vmem>>) semaphore(%arg15 : memref<!tpu.dma_semaphore, #tpu.memory_space<semaphore_mem>>)
    %mul3A_285 = arith.constant 3 : i32
    %mul3A_286 = arith.muli %multiple_of3A, %mul3A_285 : i32
    %mul3A_287 = arith.constant 32 : i32
    %mul3A_288 = arith.muli %mul3A_286, %mul3A_287 : i32
    %dma_start3A_289 = arith.constant 0 : i32
    %dma_start3A_290 = tpu.memref_slice %arg10[%dma_start3A_289] : memref<6160xf32, #tpu.memory_space<vmem>> -> memref<6144xf32, #tpu.memory_space<vmem>>
    %dma_start3A_291 = tpu.memref_slice %arg4[%mul3A_288] : memref<9600000xf32, #tpu.memory_space<hbm>> -> memref<6144xf32, #tpu.memory_space<hbm>>
    %dma_start3A_292 = arith.constant 0 : i32
    %dma_start3A_293 = tpu.memref_slice %arg10[%dma_start3A_292] : memref<6160xf32, #tpu.memory_space<vmem>> -> memref<6144xf32, #tpu.memory_space<vmem>>
    %dma_start3A_294 = tpu.memref_slice %arg4[%mul3A_288] : memref<9600000xf32, #tpu.memory_space<hbm>> -> memref<6144xf32, #tpu.memory_space<hbm>>
    tpu.enqueue_dma source(%dma_start3A_294 : memref<6144xf32, #tpu.memory_space<hbm>>) target(%dma_start3A_293 : memref<6144xf32, #tpu.memory_space<vmem>>) target_semaphore(%arg15 : memref<!tpu.dma_semaphore, #tpu.memory_space<semaphore_mem>>)
    %scan3A_295 = arith.constant 0 : i32
    %scan3A_296 = arith.constant 24 : i32
    %scan3A_297 = arith.addi %scan3A_295, %scan3A_296 : i32
    %scan3A_298 = arith.constant 1 : i32
    scf.for %scan3A_336 = %scan3A_295 to %scan3A_297 step %scan3A_298  : i32 {
      %mul3A_337 = arith.constant 2 : i32
      %mul3A_338 = arith.muli %scan3A_336, %mul3A_337 : i32
      %add3A_339 = arith.constant 0 : i32
      %add3A_340 = arith.addi %add3A_339, %mul3A_338 : i32
      %add3A_341 = arith.constant 1 : i32
      %add3A_342 = arith.addi %add3A_340, %add3A_341 : i32
      %mul3A_343 = arith.constant 64 : i32
      %mul3A_344 = arith.muli %add3A_342, %mul3A_343 : i32
      %add3A_345 = arith.addi %min3A_3, %mul3A_344 : i32
      %multiple_of3A_346 = tpu.assume_multiple %add3A_345, 32 : i32
      %mul3A_347 = arith.constant 32 : i32
      %mul3A_348 = arith.muli %multiple_of3A_346, %mul3A_347 : i32
      %jit3A_349 = arith.constant 128 : i32
      %div3A_350 = arith.divsi %mul3A_348, %jit3A_349 : i32
      %sign3A_351 = arith.constant 0 : i32
      %sign3A_352 = arith.cmpi sgt, %mul3A_348, %sign3A_351 : i32
      %sign3A_353 = arith.extui %sign3A_352 : i1 to i32
      %sign3A_354 = arith.constant 0 : i32
      %sign3A_355 = arith.cmpi slt, %mul3A_348, %sign3A_354 : i32
      %sign3A_356 = arith.extui %sign3A_355 : i1 to i32
      %sign3A_357 = arith.subi %sign3A_353, %sign3A_356 : i32
      %sign3A_358 = arith.constant 0 : i32
      %sign3A_359 = arith.cmpi sgt, %jit3A_349, %sign3A_358 : i32
      %sign3A_360 = arith.extui %sign3A_359 : i1 to i32
      %sign3A_361 = arith.constant 0 : i32
      %sign3A_362 = arith.cmpi slt, %jit3A_349, %sign3A_361 : i32
      %sign3A_363 = arith.extui %sign3A_362 : i1 to i32
      %sign3A_364 = arith.subi %sign3A_360, %sign3A_363 : i32
      %ne3A_365 = arith.cmpi ne, %sign3A_357, %sign3A_364 : i32
      %rem3A_366 = arith.remsi %mul3A_348, %jit3A_349 : i32
      %ne3A_367 = arith.constant 0 : i32
      %ne3A_368 = arith.cmpi ne, %rem3A_366, %ne3A_367 : i32
      %and3A_369 = arith.andi %ne3A_365, %ne3A_368 : i1
      %sub3A_370 = arith.constant 1 : i32
      %sub3A_371 = arith.subi %div3A_350, %sub3A_370 : i32
      %select_n3A_372 = arith.select %and3A_369, %sub3A_371, %div3A_350 : i32
      "tpu.region"() ({
        %run_scoped3A = tpu.sem_alloc : memref<!tpu.dma_semaphore, #tpu.memory_space<semaphore_mem>>
        %dma_start3A_805 = arith.constant 0 : i32
        %dma_start3A_806 = tpu.memref_slice %arg3[%select_n3A_372, %dma_start3A_805] : memref<25000x128xi32, #tpu.memory_space<hbm>> -> memref<16x128xi32, #tpu.memory_space<hbm>>
        %dma_start3A_807 = arith.constant 0 : i32
        %dma_start3A_808 = tpu.memref_slice %arg3[%select_n3A_372, %dma_start3A_807] : memref<25000x128xi32, #tpu.memory_space<hbm>> -> memref<16x128xi32, #tpu.memory_space<hbm>>
        tpu.enqueue_dma source(%dma_start3A_808 : memref<16x128xi32, #tpu.memory_space<hbm>>) target(%arg7 : memref<16x128xi32, #tpu.memory_space<vmem>>) target_semaphore(%run_scoped3A : memref<!tpu.dma_semaphore, #tpu.memory_space<semaphore_mem>>)
        %dma_wait3A_809 = arith.constant 0 : i32
        %dma_wait3A_810 = tpu.memref_slice %arg3[%select_n3A_372, %dma_wait3A_809] : memref<25000x128xi32, #tpu.memory_space<hbm>> -> memref<16x128xi32, #tpu.memory_space<hbm>>
        %dma_wait3A_811 = arith.constant 0 : i32
        %dma_wait3A_812 = tpu.memref_slice %arg3[%select_n3A_372, %dma_wait3A_811] : memref<25000x128xi32, #tpu.memory_space<hbm>> -> memref<16x128xi32, #tpu.memory_space<hbm>>
        tpu.wait_dma2 semaphore(%run_scoped3A : memref<!tpu.dma_semaphore, #tpu.memory_space<semaphore_mem>>) src(%dma_wait3A_812 : memref<16x128xi32, #tpu.memory_space<hbm>>) dst(%arg7 : memref<16x128xi32, #tpu.memory_space<vmem>>)
        tpu.yield
      }) : () -> ()
      %dma_start3A_373 = arith.constant 0 : i32
      %dma_start3A_374 = arith.constant 0 : i32
      %dma_start3A_375 = arith.constant 0 : i32
      %dma_start3A_376 = tpu.memref_slice %arg9[%dma_start3A_374, %dma_start3A_375] : memref<2048x16xf32, #tpu.memory_space<vmem>> -> memref<128x16xf32, #tpu.memory_space<vmem>>
      %dma_start3A_377 = arith.constant 0 : i32
      %dma_start3A_378 = tpu.memref_slice %arg7[%dma_start3A_373, %dma_start3A_377] : memref<16x128xi32, #tpu.memory_space<vmem>> -> memref<1x128xi32, #tpu.memory_space<vmem>>
      %dma_start3A_379 = tpu.memref_squeeze %dma_start3A_378 : memref<1x128xi32, #tpu.memory_space<vmem>> -> memref<128xi32, #tpu.memory_space<vmem>>
      %dma_start3A_380 = arith.constant 0 : i32
      %dma_start3A_381 = arith.constant 0 : i32
      %dma_start3A_382 = tpu.memref_slice %arg2[%dma_start3A_380, %dma_start3A_381] : memref<100000x16xf32, #tpu.memory_space<hbm>> -> memref<100000x16xf32, #tpu.memory_space<hbm>>
      tpu.enqueue_indirect_dma source(%dma_start3A_382 : memref<100000x16xf32, #tpu.memory_space<hbm>>) target(%dma_start3A_376 : memref<128x16xf32, #tpu.memory_space<vmem>>) offsets(%dma_start3A_379 : memref<128xi32, #tpu.memory_space<vmem>>) semaphore(%arg16 : memref<!tpu.dma_semaphore, #tpu.memory_space<semaphore_mem>>)
      %dma_start3A_383 = arith.constant 1 : i32
      %dma_start3A_384 = arith.constant 128 : i32
      %dma_start3A_385 = arith.constant 0 : i32
      %dma_start3A_386 = tpu.memref_slice %arg9[%dma_start3A_384, %dma_start3A_385] : memref<2048x16xf32, #tpu.memory_space<vmem>> -> memref<128x16xf32, #tpu.memory_space<vmem>>
      %dma_start3A_387 = arith.constant 0 : i32
      %dma_start3A_388 = tpu.memref_slice %arg7[%dma_start3A_383, %dma_start3A_387] : memref<16x128xi32, #tpu.memory_space<vmem>> -> memref<1x128xi32, #tpu.memory_space<vmem>>
      %dma_start3A_389 = tpu.memref_squeeze %dma_start3A_388 : memref<1x128xi32, #tpu.memory_space<vmem>> -> memref<128xi32, #tpu.memory_space<vmem>>
      %dma_start3A_390 = arith.constant 0 : i32
      %dma_start3A_391 = arith.constant 0 : i32
      %dma_start3A_392 = tpu.memref_slice %arg2[%dma_start3A_390, %dma_start3A_391] : memref<100000x16xf32, #tpu.memory_space<hbm>> -> memref<100000x16xf32, #tpu.memory_space<hbm>>
      tpu.enqueue_indirect_dma source(%dma_start3A_392 : memref<100000x16xf32, #tpu.memory_space<hbm>>) target(%dma_start3A_386 : memref<128x16xf32, #tpu.memory_space<vmem>>) offsets(%dma_start3A_389 : memref<128xi32, #tpu.memory_space<vmem>>) semaphore(%arg16 : memref<!tpu.dma_semaphore, #tpu.memory_space<semaphore_mem>>)
      %dma_start3A_393 = arith.constant 2 : i32
      %dma_start3A_394 = arith.constant 256 : i32
      %dma_start3A_395 = arith.constant 0 : i32
      %dma_start3A_396 = tpu.memref_slice %arg9[%dma_start3A_394, %dma_start3A_395] : memref<2048x16xf32, #tpu.memory_space<vmem>> -> memref<128x16xf32, #tpu.memory_space<vmem>>
      %dma_start3A_397 = arith.constant 0 : i32
      %dma_start3A_398 = tpu.memref_slice %arg7[%dma_start3A_393, %dma_start3A_397] : memref<16x128xi32, #tpu.memory_space<vmem>> -> memref<1x128xi32, #tpu.memory_space<vmem>>
      %dma_start3A_399 = tpu.memref_squeeze %dma_start3A_398 : memref<1x128xi32, #tpu.memory_space<vmem>> -> memref<128xi32, #tpu.memory_space<vmem>>
      %dma_start3A_400 = arith.constant 0 : i32
      %dma_start3A_401 = arith.constant 0 : i32
      %dma_start3A_402 = tpu.memref_slice %arg2[%dma_start3A_400, %dma_start3A_401] : memref<100000x16xf32, #tpu.memory_space<hbm>> -> memref<100000x16xf32, #tpu.memory_space<hbm>>
      tpu.enqueue_indirect_dma source(%dma_start3A_402 : memref<100000x16xf32, #tpu.memory_space<hbm>>) target(%dma_start3A_396 : memref<128x16xf32, #tpu.memory_space<vmem>>) offsets(%dma_start3A_399 : memref<128xi32, #tpu.memory_space<vmem>>) semaphore(%arg16 : memref<!tpu.dma_semaphore, #tpu.memory_space<semaphore_mem>>)
      %dma_start3A_403 = arith.constant 3 : i32
      %dma_start3A_404 = arith.constant 384 : i32
      %dma_start3A_405 = arith.constant 0 : i32
      %dma_start3A_406 = tpu.memref_slice %arg9[%dma_start3A_404, %dma_start3A_405] : memref<2048x16xf32, #tpu.memory_space<vmem>> -> memref<128x16xf32, #tpu.memory_space<vmem>>
      %dma_start3A_407 = arith.constant 0 : i32
      %dma_start3A_408 = tpu.memref_slice %arg7[%dma_start3A_403, %dma_start3A_407] : memref<16x128xi32, #tpu.memory_space<vmem>> -> memref<1x128xi32, #tpu.memory_space<vmem>>
      %dma_start3A_409 = tpu.memref_squeeze %dma_start3A_408 : memref<1x128xi32, #tpu.memory_space<vmem>> -> memref<128xi32, #tpu.memory_space<vmem>>
      %dma_start3A_410 = arith.constant 0 : i32
      %dma_start3A_411 = arith.constant 0 : i32
      %dma_start3A_412 = tpu.memref_slice %arg2[%dma_start3A_410, %dma_start3A_411] : memref<100000x16xf32, #tpu.memory_space<hbm>> -> memref<100000x16xf32, #tpu.memory_space<hbm>>
      tpu.enqueue_indirect_dma source(%dma_start3A_412 : memref<100000x16xf32, #tpu.memory_space<hbm>>) target(%dma_start3A_406 : memref<128x16xf32, #tpu.memory_space<vmem>>) offsets(%dma_start3A_409 : memref<128xi32, #tpu.memory_space<vmem>>) semaphore(%arg16 : memref<!tpu.dma_semaphore, #tpu.memory_space<semaphore_mem>>)
      %dma_start3A_413 = arith.constant 4 : i32
      %dma_start3A_414 = arith.constant 512 : i32
      %dma_start3A_415 = arith.constant 0 : i32
      %dma_start3A_416 = tpu.memref_slice %arg9[%dma_start3A_414, %dma_start3A_415] : memref<2048x16xf32, #tpu.memory_space<vmem>> -> memref<128x16xf32, #tpu.memory_space<vmem>>
      %dma_start3A_417 = arith.constant 0 : i32
      %dma_start3A_418 = tpu.memref_slice %arg7[%dma_start3A_413, %dma_start3A_417] : memref<16x128xi32, #tpu.memory_space<vmem>> -> memref<1x128xi32, #tpu.memory_space<vmem>>
      %dma_start3A_419 = tpu.memref_squeeze %dma_start3A_418 : memref<1x128xi32, #tpu.memory_space<vmem>> -> memref<128xi32, #tpu.memory_space<vmem>>
      %dma_start3A_420 = arith.constant 0 : i32
      %dma_start3A_421 = arith.constant 0 : i32
      %dma_start3A_422 = tpu.memref_slice %arg2[%dma_start3A_420, %dma_start3A_421] : memref<100000x16xf32, #tpu.memory_space<hbm>> -> memref<100000x16xf32, #tpu.memory_space<hbm>>
      tpu.enqueue_indirect_dma source(%dma_start3A_422 : memref<100000x16xf32, #tpu.memory_space<hbm>>) target(%dma_start3A_416 : memref<128x16xf32, #tpu.memory_space<vmem>>) offsets(%dma_start3A_419 : memref<128xi32, #tpu.memory_space<vmem>>) semaphore(%arg16 : memref<!tpu.dma_semaphore, #tpu.memory_space<semaphore_mem>>)
      %dma_start3A_423 = arith.constant 5 : i32
      %dma_start3A_424 = arith.constant 640 : i32
      %dma_start3A_425 = arith.constant 0 : i32
      %dma_start3A_426 = tpu.memref_slice %arg9[%dma_start3A_424, %dma_start3A_425] : memref<2048x16xf32, #tpu.memory_space<vmem>> -> memref<128x16xf32, #tpu.memory_space<vmem>>
      %dma_start3A_427 = arith.constant 0 : i32
      %dma_start3A_428 = tpu.memref_slice %arg7[%dma_start3A_423, %dma_start3A_427] : memref<16x128xi32, #tpu.memory_space<vmem>> -> memref<1x128xi32, #tpu.memory_space<vmem>>
      %dma_start3A_429 = tpu.memref_squeeze %dma_start3A_428 : memref<1x128xi32, #tpu.memory_space<vmem>> -> memref<128xi32, #tpu.memory_space<vmem>>
      %dma_start3A_430 = arith.constant 0 : i32
      %dma_start3A_431 = arith.constant 0 : i32
      %dma_start3A_432 = tpu.memref_slice %arg2[%dma_start3A_430, %dma_start3A_431] : memref<100000x16xf32, #tpu.memory_space<hbm>> -> memref<100000x16xf32, #tpu.memory_space<hbm>>
      tpu.enqueue_indirect_dma source(%dma_start3A_432 : memref<100000x16xf32, #tpu.memory_space<hbm>>) target(%dma_start3A_426 : memref<128x16xf32, #tpu.memory_space<vmem>>) offsets(%dma_start3A_429 : memref<128xi32, #tpu.memory_space<vmem>>) semaphore(%arg16 : memref<!tpu.dma_semaphore, #tpu.memory_space<semaphore_mem>>)
      %dma_start3A_433 = arith.constant 6 : i32
      %dma_start3A_434 = arith.constant 768 : i32
      %dma_start3A_435 = arith.constant 0 : i32
      %dma_start3A_436 = tpu.memref_slice %arg9[%dma_start3A_434, %dma_start3A_435] : memref<2048x16xf32, #tpu.memory_space<vmem>> -> memref<128x16xf32, #tpu.memory_space<vmem>>
      %dma_start3A_437 = arith.constant 0 : i32
      %dma_start3A_438 = tpu.memref_slice %arg7[%dma_start3A_433, %dma_start3A_437] : memref<16x128xi32, #tpu.memory_space<vmem>> -> memref<1x128xi32, #tpu.memory_space<vmem>>
      %dma_start3A_439 = tpu.memref_squeeze %dma_start3A_438 : memref<1x128xi32, #tpu.memory_space<vmem>> -> memref<128xi32, #tpu.memory_space<vmem>>
      %dma_start3A_440 = arith.constant 0 : i32
      %dma_start3A_441 = arith.constant 0 : i32
      %dma_start3A_442 = tpu.memref_slice %arg2[%dma_start3A_440, %dma_start3A_441] : memref<100000x16xf32, #tpu.memory_space<hbm>> -> memref<100000x16xf32, #tpu.memory_space<hbm>>
      tpu.enqueue_indirect_dma source(%dma_start3A_442 : memref<100000x16xf32, #tpu.memory_space<hbm>>) target(%dma_start3A_436 : memref<128x16xf32, #tpu.memory_space<vmem>>) offsets(%dma_start3A_439 : memref<128xi32, #tpu.memory_space<vmem>>) semaphore(%arg16 : memref<!tpu.dma_semaphore, #tpu.memory_space<semaphore_mem>>)
      %dma_start3A_443 = arith.constant 7 : i32
      %dma_start3A_444 = arith.constant 896 : i32
      %dma_start3A_445 = arith.constant 0 : i32
      %dma_start3A_446 = tpu.memref_slice %arg9[%dma_start3A_444, %dma_start3A_445] : memref<2048x16xf32, #tpu.memory_space<vmem>> -> memref<128x16xf32, #tpu.memory_space<vmem>>
      %dma_start3A_447 = arith.constant 0 : i32
      %dma_start3A_448 = tpu.memref_slice %arg7[%dma_start3A_443, %dma_start3A_447] : memref<16x128xi32, #tpu.memory_space<vmem>> -> memref<1x128xi32, #tpu.memory_space<vmem>>
      %dma_start3A_449 = tpu.memref_squeeze %dma_start3A_448 : memref<1x128xi32, #tpu.memory_space<vmem>> -> memref<128xi32, #tpu.memory_space<vmem>>
      %dma_start3A_450 = arith.constant 0 : i32
      %dma_start3A_451 = arith.constant 0 : i32
      %dma_start3A_452 = tpu.memref_slice %arg2[%dma_start3A_450, %dma_start3A_451] : memref<100000x16xf32, #tpu.memory_space<hbm>> -> memref<100000x16xf32, #tpu.memory_space<hbm>>
      tpu.enqueue_indirect_dma source(%dma_start3A_452 : memref<100000x16xf32, #tpu.memory_space<hbm>>) target(%dma_start3A_446 : memref<128x16xf32, #tpu.memory_space<vmem>>) offsets(%dma_start3A_449 : memref<128xi32, #tpu.memory_space<vmem>>) semaphore(%arg16 : memref<!tpu.dma_semaphore, #tpu.memory_space<semaphore_mem>>)
      %dma_start3A_453 = arith.constant 8 : i32
      %dma_start3A_454 = arith.constant 1024 : i32
      %dma_start3A_455 = arith.constant 0 : i32
      %dma_start3A_456 = tpu.memref_slice %arg9[%dma_start3A_454, %dma_start3A_455] : memref<2048x16xf32, #tpu.memory_space<vmem>> -> memref<128x16xf32, #tpu.memory_space<vmem>>
      %dma_start3A_457 = arith.constant 0 : i32
      %dma_start3A_458 = tpu.memref_slice %arg7[%dma_start3A_453, %dma_start3A_457] : memref<16x128xi32, #tpu.memory_space<vmem>> -> memref<1x128xi32, #tpu.memory_space<vmem>>
      %dma_start3A_459 = tpu.memref_squeeze %dma_start3A_458 : memref<1x128xi32, #tpu.memory_space<vmem>> -> memref<128xi32, #tpu.memory_space<vmem>>
      %dma_start3A_460 = arith.constant 0 : i32
      %dma_start3A_461 = arith.constant 0 : i32
      %dma_start3A_462 = tpu.memref_slice %arg2[%dma_start3A_460, %dma_start3A_461] : memref<100000x16xf32, #tpu.memory_space<hbm>> -> memref<100000x16xf32, #tpu.memory_space<hbm>>
      tpu.enqueue_indirect_dma source(%dma_start3A_462 : memref<100000x16xf32, #tpu.memory_space<hbm>>) target(%dma_start3A_456 : memref<128x16xf32, #tpu.memory_space<vmem>>) offsets(%dma_start3A_459 : memref<128xi32, #tpu.memory_space<vmem>>) semaphore(%arg16 : memref<!tpu.dma_semaphore, #tpu.memory_space<semaphore_mem>>)
      %dma_start3A_463 = arith.constant 9 : i32
      %dma_start3A_464 = arith.constant 1152 : i32
      %dma_start3A_465 = arith.constant 0 : i32
      %dma_start3A_466 = tpu.memref_slice %arg9[%dma_start3A_464, %dma_start3A_465] : memref<2048x16xf32, #tpu.memory_space<vmem>> -> memref<128x16xf32, #tpu.memory_space<vmem>>
      %dma_start3A_467 = arith.constant 0 : i32
      %dma_start3A_468 = tpu.memref_slice %arg7[%dma_start3A_463, %dma_start3A_467] : memref<16x128xi32, #tpu.memory_space<vmem>> -> memref<1x128xi32, #tpu.memory_space<vmem>>
      %dma_start3A_469 = tpu.memref_squeeze %dma_start3A_468 : memref<1x128xi32, #tpu.memory_space<vmem>> -> memref<128xi32, #tpu.memory_space<vmem>>
      %dma_start3A_470 = arith.constant 0 : i32
      %dma_start3A_471 = arith.constant 0 : i32
      %dma_start3A_472 = tpu.memref_slice %arg2[%dma_start3A_470, %dma_start3A_471] : memref<100000x16xf32, #tpu.memory_space<hbm>> -> memref<100000x16xf32, #tpu.memory_space<hbm>>
      tpu.enqueue_indirect_dma source(%dma_start3A_472 : memref<100000x16xf32, #tpu.memory_space<hbm>>) target(%dma_start3A_466 : memref<128x16xf32, #tpu.memory_space<vmem>>) offsets(%dma_start3A_469 : memref<128xi32, #tpu.memory_space<vmem>>) semaphore(%arg16 : memref<!tpu.dma_semaphore, #tpu.memory_space<semaphore_mem>>)
      %dma_start3A_473 = arith.constant 10 : i32
      %dma_start3A_474 = arith.constant 1280 : i32
      %dma_start3A_475 = arith.constant 0 : i32
      %dma_start3A_476 = tpu.memref_slice %arg9[%dma_start3A_474, %dma_start3A_475] : memref<2048x16xf32, #tpu.memory_space<vmem>> -> memref<128x16xf32, #tpu.memory_space<vmem>>
      %dma_start3A_477 = arith.constant 0 : i32
      %dma_start3A_478 = tpu.memref_slice %arg7[%dma_start3A_473, %dma_start3A_477] : memref<16x128xi32, #tpu.memory_space<vmem>> -> memref<1x128xi32, #tpu.memory_space<vmem>>
      %dma_start3A_479 = tpu.memref_squeeze %dma_start3A_478 : memref<1x128xi32, #tpu.memory_space<vmem>> -> memref<128xi32, #tpu.memory_space<vmem>>
      %dma_start3A_480 = arith.constant 0 : i32
      %dma_start3A_481 = arith.constant 0 : i32
      %dma_start3A_482 = tpu.memref_slice %arg2[%dma_start3A_480, %dma_start3A_481] : memref<100000x16xf32, #tpu.memory_space<hbm>> -> memref<100000x16xf32, #tpu.memory_space<hbm>>
      tpu.enqueue_indirect_dma source(%dma_start3A_482 : memref<100000x16xf32, #tpu.memory_space<hbm>>) target(%dma_start3A_476 : memref<128x16xf32, #tpu.memory_space<vmem>>) offsets(%dma_start3A_479 : memref<128xi32, #tpu.memory_space<vmem>>) semaphore(%arg16 : memref<!tpu.dma_semaphore, #tpu.memory_space<semaphore_mem>>)
      %dma_start3A_483 = arith.constant 11 : i32
      %dma_start3A_484 = arith.constant 1408 : i32
      %dma_start3A_485 = arith.constant 0 : i32
      %dma_start3A_486 = tpu.memref_slice %arg9[%dma_start3A_484, %dma_start3A_485] : memref<2048x16xf32, #tpu.memory_space<vmem>> -> memref<128x16xf32, #tpu.memory_space<vmem>>
      %dma_start3A_487 = arith.constant 0 : i32
      %dma_start3A_488 = tpu.memref_slice %arg7[%dma_start3A_483, %dma_start3A_487] : memref<16x128xi32, #tpu.memory_space<vmem>> -> memref<1x128xi32, #tpu.memory_space<vmem>>
      %dma_start3A_489 = tpu.memref_squeeze %dma_start3A_488 : memref<1x128xi32, #tpu.memory_space<vmem>> -> memref<128xi32, #tpu.memory_space<vmem>>
      %dma_start3A_490 = arith.constant 0 : i32
      %dma_start3A_491 = arith.constant 0 : i32
      %dma_start3A_492 = tpu.memref_slice %arg2[%dma_start3A_490, %dma_start3A_491] : memref<100000x16xf32, #tpu.memory_space<hbm>> -> memref<100000x16xf32, #tpu.memory_space<hbm>>
      tpu.enqueue_indirect_dma source(%dma_start3A_492 : memref<100000x16xf32, #tpu.memory_space<hbm>>) target(%dma_start3A_486 : memref<128x16xf32, #tpu.memory_space<vmem>>) offsets(%dma_start3A_489 : memref<128xi32, #tpu.memory_space<vmem>>) semaphore(%arg16 : memref<!tpu.dma_semaphore, #tpu.memory_space<semaphore_mem>>)
      %dma_start3A_493 = arith.constant 12 : i32
      %dma_start3A_494 = arith.constant 1536 : i32
      %dma_start3A_495 = arith.constant 0 : i32
      %dma_start3A_496 = tpu.memref_slice %arg9[%dma_start3A_494, %dma_start3A_495] : memref<2048x16xf32, #tpu.memory_space<vmem>> -> memref<128x16xf32, #tpu.memory_space<vmem>>
      %dma_start3A_497 = arith.constant 0 : i32
      %dma_start3A_498 = tpu.memref_slice %arg7[%dma_start3A_493, %dma_start3A_497] : memref<16x128xi32, #tpu.memory_space<vmem>> -> memref<1x128xi32, #tpu.memory_space<vmem>>
      %dma_start3A_499 = tpu.memref_squeeze %dma_start3A_498 : memref<1x128xi32, #tpu.memory_space<vmem>> -> memref<128xi32, #tpu.memory_space<vmem>>
      %dma_start3A_500 = arith.constant 0 : i32
      %dma_start3A_501 = arith.constant 0 : i32
      %dma_start3A_502 = tpu.memref_slice %arg2[%dma_start3A_500, %dma_start3A_501] : memref<100000x16xf32, #tpu.memory_space<hbm>> -> memref<100000x16xf32, #tpu.memory_space<hbm>>
      tpu.enqueue_indirect_dma source(%dma_start3A_502 : memref<100000x16xf32, #tpu.memory_space<hbm>>) target(%dma_start3A_496 : memref<128x16xf32, #tpu.memory_space<vmem>>) offsets(%dma_start3A_499 : memref<128xi32, #tpu.memory_space<vmem>>) semaphore(%arg16 : memref<!tpu.dma_semaphore, #tpu.memory_space<semaphore_mem>>)
      %dma_start3A_503 = arith.constant 13 : i32
      %dma_start3A_504 = arith.constant 1664 : i32
      %dma_start3A_505 = arith.constant 0 : i32
      %dma_start3A_506 = tpu.memref_slice %arg9[%dma_start3A_504, %dma_start3A_505] : memref<2048x16xf32, #tpu.memory_space<vmem>> -> memref<128x16xf32, #tpu.memory_space<vmem>>
      %dma_start3A_507 = arith.constant 0 : i32
      %dma_start3A_508 = tpu.memref_slice %arg7[%dma_start3A_503, %dma_start3A_507] : memref<16x128xi32, #tpu.memory_space<vmem>> -> memref<1x128xi32, #tpu.memory_space<vmem>>
      %dma_start3A_509 = tpu.memref_squeeze %dma_start3A_508 : memref<1x128xi32, #tpu.memory_space<vmem>> -> memref<128xi32, #tpu.memory_space<vmem>>
      %dma_start3A_510 = arith.constant 0 : i32
      %dma_start3A_511 = arith.constant 0 : i32
      %dma_start3A_512 = tpu.memref_slice %arg2[%dma_start3A_510, %dma_start3A_511] : memref<100000x16xf32, #tpu.memory_space<hbm>> -> memref<100000x16xf32, #tpu.memory_space<hbm>>
      tpu.enqueue_indirect_dma source(%dma_start3A_512 : memref<100000x16xf32, #tpu.memory_space<hbm>>) target(%dma_start3A_506 : memref<128x16xf32, #tpu.memory_space<vmem>>) offsets(%dma_start3A_509 : memref<128xi32, #tpu.memory_space<vmem>>) semaphore(%arg16 : memref<!tpu.dma_semaphore, #tpu.memory_space<semaphore_mem>>)
      %dma_start3A_513 = arith.constant 14 : i32
      %dma_start3A_514 = arith.constant 1792 : i32
      %dma_start3A_515 = arith.constant 0 : i32
      %dma_start3A_516 = tpu.memref_slice %arg9[%dma_start3A_514, %dma_start3A_515] : memref<2048x16xf32, #tpu.memory_space<vmem>> -> memref<128x16xf32, #tpu.memory_space<vmem>>
      %dma_start3A_517 = arith.constant 0 : i32
      %dma_start3A_518 = tpu.memref_slice %arg7[%dma_start3A_513, %dma_start3A_517] : memref<16x128xi32, #tpu.memory_space<vmem>> -> memref<1x128xi32, #tpu.memory_space<vmem>>
      %dma_start3A_519 = tpu.memref_squeeze %dma_start3A_518 : memref<1x128xi32, #tpu.memory_space<vmem>> -> memref<128xi32, #tpu.memory_space<vmem>>
      %dma_start3A_520 = arith.constant 0 : i32
      %dma_start3A_521 = arith.constant 0 : i32
      %dma_start3A_522 = tpu.memref_slice %arg2[%dma_start3A_520, %dma_start3A_521] : memref<100000x16xf32, #tpu.memory_space<hbm>> -> memref<100000x16xf32, #tpu.memory_space<hbm>>
      tpu.enqueue_indirect_dma source(%dma_start3A_522 : memref<100000x16xf32, #tpu.memory_space<hbm>>) target(%dma_start3A_516 : memref<128x16xf32, #tpu.memory_space<vmem>>) offsets(%dma_start3A_519 : memref<128xi32, #tpu.memory_space<vmem>>) semaphore(%arg16 : memref<!tpu.dma_semaphore, #tpu.memory_space<semaphore_mem>>)
      %dma_start3A_523 = arith.constant 15 : i32
      %dma_start3A_524 = arith.constant 1920 : i32
      %dma_start3A_525 = arith.constant 0 : i32
      %dma_start3A_526 = tpu.memref_slice %arg9[%dma_start3A_524, %dma_start3A_525] : memref<2048x16xf32, #tpu.memory_space<vmem>> -> memref<128x16xf32, #tpu.memory_space<vmem>>
      %dma_start3A_527 = arith.constant 0 : i32
      %dma_start3A_528 = tpu.memref_slice %arg7[%dma_start3A_523, %dma_start3A_527] : memref<16x128xi32, #tpu.memory_space<vmem>> -> memref<1x128xi32, #tpu.memory_space<vmem>>
      %dma_start3A_529 = tpu.memref_squeeze %dma_start3A_528 : memref<1x128xi32, #tpu.memory_space<vmem>> -> memref<128xi32, #tpu.memory_space<vmem>>
      %dma_start3A_530 = arith.constant 0 : i32
      %dma_start3A_531 = arith.constant 0 : i32
      %dma_start3A_532 = tpu.memref_slice %arg2[%dma_start3A_530, %dma_start3A_531] : memref<100000x16xf32, #tpu.memory_space<hbm>> -> memref<100000x16xf32, #tpu.memory_space<hbm>>
      tpu.enqueue_indirect_dma source(%dma_start3A_532 : memref<100000x16xf32, #tpu.memory_space<hbm>>) target(%dma_start3A_526 : memref<128x16xf32, #tpu.memory_space<vmem>>) offsets(%dma_start3A_529 : memref<128xi32, #tpu.memory_space<vmem>>) semaphore(%arg16 : memref<!tpu.dma_semaphore, #tpu.memory_space<semaphore_mem>>)
      %mul3A_533 = arith.constant 3 : i32
      %mul3A_534 = arith.muli %multiple_of3A_346, %mul3A_533 : i32
      %mul3A_535 = arith.constant 32 : i32
      %mul3A_536 = arith.muli %mul3A_534, %mul3A_535 : i32
      %dma_start3A_537 = arith.constant 0 : i32
      %dma_start3A_538 = tpu.memref_slice %arg11[%dma_start3A_537] : memref<6160xf32, #tpu.memory_space<vmem>> -> memref<6144xf32, #tpu.memory_space<vmem>>
      %dma_start3A_539 = tpu.memref_slice %arg4[%mul3A_536] : memref<9600000xf32, #tpu.memory_space<hbm>> -> memref<6144xf32, #tpu.memory_space<hbm>>
      %dma_start3A_540 = arith.constant 0 : i32
      %dma_start3A_541 = tpu.memref_slice %arg11[%dma_start3A_540] : memref<6160xf32, #tpu.memory_space<vmem>> -> memref<6144xf32, #tpu.memory_space<vmem>>
      %dma_start3A_542 = tpu.memref_slice %arg4[%mul3A_536] : memref<9600000xf32, #tpu.memory_space<hbm>> -> memref<6144xf32, #tpu.memory_space<hbm>>
      tpu.enqueue_dma source(%dma_start3A_542 : memref<6144xf32, #tpu.memory_space<hbm>>) target(%dma_start3A_541 : memref<6144xf32, #tpu.memory_space<vmem>>) target_semaphore(%arg16 : memref<!tpu.dma_semaphore, #tpu.memory_space<semaphore_mem>>)
      %dma_wait3A_543 = arith.constant 0 : i32
      %dma_wait3A_544 = arith.constant 0 : i32
      %dma_wait3A_545 = tpu.memref_slice %arg2[%dma_wait3A_543, %dma_wait3A_544] : memref<100000x16xf32, #tpu.memory_space<hbm>> -> memref<2048x16xf32, #tpu.memory_space<hbm>>
      %dma_wait3A_546 = arith.constant 0 : i32
      %dma_wait3A_547 = arith.constant 0 : i32
      %dma_wait3A_548 = tpu.memref_slice %arg2[%dma_wait3A_546, %dma_wait3A_547] : memref<100000x16xf32, #tpu.memory_space<hbm>> -> memref<2048x16xf32, #tpu.memory_space<hbm>>
      tpu.wait_dma2 semaphore(%arg15 : memref<!tpu.dma_semaphore, #tpu.memory_space<semaphore_mem>>) src(%dma_wait3A_548 : memref<2048x16xf32, #tpu.memory_space<hbm>>) dst(%arg8 : memref<2048x16xf32, #tpu.memory_space<vmem>>)
      %dma_wait3A_549 = arith.constant 0 : i32
      %dma_wait3A_550 = tpu.memref_slice %arg10[%dma_wait3A_549] : memref<6160xf32, #tpu.memory_space<vmem>> -> memref<6144xf32, #tpu.memory_space<vmem>>
      %dma_wait3A_551 = arith.constant 0 : i32
      %dma_wait3A_552 = tpu.memref_slice %arg4[%dma_wait3A_551] : memref<9600000xf32, #tpu.memory_space<hbm>> -> memref<6144xf32, #tpu.memory_space<hbm>>
      %dma_wait3A_553 = arith.constant 0 : i32
      %dma_wait3A_554 = tpu.memref_slice %arg10[%dma_wait3A_553] : memref<6160xf32, #tpu.memory_space<vmem>> -> memref<6144xf32, #tpu.memory_space<vmem>>
      %dma_wait3A_555 = arith.constant 0 : i32
      %dma_wait3A_556 = tpu.memref_slice %arg4[%dma_wait3A_555] : memref<9600000xf32, #tpu.memory_space<hbm>> -> memref<6144xf32, #tpu.memory_space<hbm>>
      tpu.wait_dma2 semaphore(%arg15 : memref<!tpu.dma_semaphore, #tpu.memory_space<semaphore_mem>>) src(%dma_wait3A_556 : memref<6144xf32, #tpu.memory_space<hbm>>) dst(%dma_wait3A_554 : memref<6144xf32, #tpu.memory_space<vmem>>)
      %scan3A_557 = arith.constant 0 : i32
      %scan3A_558 = arith.constant 64 : i32
      %scan3A_559 = arith.addi %scan3A_557, %scan3A_558 : i32
      %scan3A_560 = arith.constant 1 : i32
      scf.for %scan3A_805 = %scan3A_557 to %scan3A_559 step %scan3A_560  : i32 {
        %mul3A_806 = arith.constant 1 : i32
        %mul3A_807 = arith.muli %scan3A_805, %mul3A_806 : i32
        %add3A_808 = arith.constant 0 : i32
        %add3A_809 = arith.addi %add3A_808, %mul3A_807 : i32
        %mul3A_810 = arith.constant 96 : i32
        %mul3A_811 = arith.muli %add3A_809, %mul3A_810 : i32
        %mul3A_812 = arith.constant 96 : i32
        %mul3A_813 = arith.muli %add3A_809, %mul3A_812 : i32
        %get3A = arith.index_cast %mul3A_813 : i32 to index
        %get3A_814 = tpu.vector_load %arg10[%get3A] {strides = array<i32>} : memref<6160xf32, #tpu.memory_space<vmem>>, vector<16xf32>,
        %mul3A_815 = arith.constant 96 : i32
        %mul3A_816 = arith.muli %add3A_809, %mul3A_815 : i32
        %add3A_817 = arith.constant 16 : i32
        %add3A_818 = arith.addi %mul3A_816, %add3A_817 : i32
        %get3A_819 = arith.index_cast %add3A_818 : i32 to index
        %get3A_820 = tpu.vector_load %arg10[%get3A_819] {strides = array<i32>} : memref<6160xf32, #tpu.memory_space<vmem>>, vector<16xf32>,
        %swap3A_821 = arith.index_cast %add3A_809 : i32 to index
        %swap3A_822 = arith.constant 0 : index
        %swap3A_823 = tpu.vector_load %arg12[%swap3A_821, %swap3A_822] {strides = array<i32>} : memref<64x184xf32, #tpu.memory_space<vmem>>, vector<16xf32>,
        tpu.vector_store %arg12[%swap3A_821, %swap3A_822], %get3A_814 {strides = array<i32>} : memref<64x184xf32, #tpu.memory_space<vmem>>, vector<16xf32>,
        %swap3A_824 = arith.index_cast %add3A_809 : i32 to index
        %swap3A_825 = arith.constant 16 : index
        %swap3A_826 = tpu.vector_load %arg12[%swap3A_824, %swap3A_825] {strides = array<i32>} : memref<64x184xf32, #tpu.memory_space<vmem>>, vector<16xf32>,
        tpu.vector_store %arg12[%swap3A_824, %swap3A_825], %get3A_820 {strides = array<i32>} : memref<64x184xf32, #tpu.memory_space<vmem>>, vector<16xf32>,
        %add3A_827 = arith.constant 31 : i32
        %add3A_828 = vector.broadcast %add3A_827 : i32 to vector<16xi32>
        %add3A_829 = arith.addi %iota3A, %add3A_828 : vector<16xi32>
        %gather3A = tpu.memref_slice %arg10[%mul3A_811] : memref<6160xf32, #tpu.memory_space<vmem>> -> memref<112xf32, #tpu.memory_space<vmem>>
        %gather3A_830 = tpu.vector_load_idx %gather3A[%add3A_829] : memref<112xf32, #tpu.memory_space<vmem>>[vector<16xi32>], vector<16xf32>,
        %add3A_831 = arith.constant 47 : i32
        %add3A_832 = vector.broadcast %add3A_831 : i32 to vector<16xi32>
        %add3A_833 = arith.addi %iota3A, %add3A_832 : vector<16xi32>
        %gather3A_834 = tpu.memref_slice %arg10[%mul3A_811] : memref<6160xf32, #tpu.memory_space<vmem>> -> memref<112xf32, #tpu.memory_space<vmem>>
        %gather3A_835 = tpu.vector_load_idx %gather3A_834[%add3A_833] : memref<112xf32, #tpu.memory_space<vmem>>[vector<16xi32>], vector<16xf32>,
        %add3A_836 = arith.constant 63 : i32
        %add3A_837 = vector.broadcast %add3A_836 : i32 to vector<16xi32>
        %add3A_838 = arith.addi %iota3A, %add3A_837 : vector<16xi32>
        %gather3A_839 = tpu.memref_slice %arg10[%mul3A_811] : memref<6160xf32, #tpu.memory_space<vmem>> -> memref<112xf32, #tpu.memory_space<vmem>>
        %gather3A_840 = tpu.vector_load_idx %gather3A_839[%add3A_838] : memref<112xf32, #tpu.memory_space<vmem>>[vector<16xi32>], vector<16xf32>,
        %swap3A_841 = arith.index_cast %add3A_809 : i32 to index
        %swap3A_842 = arith.constant 48 : index
        %swap3A_843 = tpu.vector_load %arg12[%swap3A_841, %swap3A_842] {strides = array<i32>} : memref<64x184xf32, #tpu.memory_space<vmem>>, vector<16xf32>,
        tpu.vector_store %arg12[%swap3A_841, %swap3A_842], %gather3A_830 {strides = array<i32>} : memref<64x184xf32, #tpu.memory_space<vmem>>, vector<16xf32>,
        %swap3A_844 = arith.index_cast %add3A_809 : i32 to index
        %swap3A_845 = arith.constant 64 : index
        %swap3A_846 = tpu.vector_load %arg12[%swap3A_844, %swap3A_845] {strides = array<i32>} : memref<64x184xf32, #tpu.memory_space<vmem>>, vector<16xf32>,
        tpu.vector_store %arg12[%swap3A_844, %swap3A_845], %gather3A_835 {strides = array<i32>} : memref<64x184xf32, #tpu.memory_space<vmem>>, vector<16xf32>,
        %swap3A_847 = arith.index_cast %add3A_809 : i32 to index
        %swap3A_848 = arith.constant 80 : index
        %swap3A_849 = tpu.vector_load %arg12[%swap3A_847, %swap3A_848] {strides = array<i32>} : memref<64x184xf32, #tpu.memory_space<vmem>>, vector<16xf32>,
        tpu.vector_store %arg12[%swap3A_847, %swap3A_848], %gather3A_840 {strides = array<i32>} : memref<64x184xf32, #tpu.memory_space<vmem>>, vector<16xf32>,
        %add3A_850 = arith.constant 62 : i32
        %add3A_851 = vector.broadcast %add3A_850 : i32 to vector<16xi32>
        %add3A_852 = arith.addi %iota3A, %add3A_851 : vector<16xi32>
        %gather3A_853 = tpu.memref_slice %arg10[%mul3A_811] : memref<6160xf32, #tpu.memory_space<vmem>> -> memref<112xf32, #tpu.memory_space<vmem>>
        %gather3A_854 = tpu.vector_load_idx %gather3A_853[%add3A_852] : memref<112xf32, #tpu.memory_space<vmem>>[vector<16xi32>], vector<16xf32>,
        %add3A_855 = arith.constant 78 : i32
        %add3A_856 = vector.broadcast %add3A_855 : i32 to vector<16xi32>
        %add3A_857 = arith.addi %iota3A, %add3A_856 : vector<16xi32>
        %gather3A_858 = tpu.memref_slice %arg10[%mul3A_811] : memref<6160xf32, #tpu.memory_space<vmem>> -> memref<112xf32, #tpu.memory_space<vmem>>
        %gather3A_859 = tpu.vector_load_idx %gather3A_858[%add3A_857] : memref<112xf32, #tpu.memory_space<vmem>>[vector<16xi32>], vector<16xf32>,
        %add3A_860 = arith.constant 94 : i32
        %add3A_861 = vector.broadcast %add3A_860 : i32 to vector<16xi32>
        %add3A_862 = arith.addi %iota3A, %add3A_861 : vector<16xi32>
        %gather3A_863 = tpu.memref_slice %arg10[%mul3A_811] : memref<6160xf32, #tpu.memory_space<vmem>> -> memref<112xf32, #tpu.memory_space<vmem>>
        %gather3A_864 = tpu.vector_load_idx %gather3A_863[%add3A_862] : memref<112xf32, #tpu.memory_space<vmem>>[vector<16xi32>], vector<16xf32>,
        %swap3A_865 = arith.index_cast %add3A_809 : i32 to index
        %swap3A_866 = arith.constant 96 : index
        %swap3A_867 = tpu.vector_load %arg12[%swap3A_865, %swap3A_866] {strides = array<i32>} : memref<64x184xf32, #tpu.memory_space<vmem>>, vector<16xf32>,
        tpu.vector_store %arg12[%swap3A_865, %swap3A_866], %gather3A_854 {strides = array<i32>} : memref<64x184xf32, #tpu.memory_space<vmem>>, vector<16xf32>,
        %swap3A_868 = arith.index_cast %add3A_809 : i32 to index
        %swap3A_869 = arith.constant 112 : index
        %swap3A_870 = tpu.vector_load %arg12[%swap3A_868, %swap3A_869] {strides = array<i32>} : memref<64x184xf32, #tpu.memory_space<vmem>>, vector<16xf32>,
        tpu.vector_store %arg12[%swap3A_868, %swap3A_869], %gather3A_859 {strides = array<i32>} : memref<64x184xf32, #tpu.memory_space<vmem>>, vector<16xf32>,
        %swap3A_871 = arith.index_cast %add3A_809 : i32 to index
        %swap3A_872 = arith.constant 128 : index
        %swap3A_873 = tpu.vector_load %arg12[%swap3A_871, %swap3A_872] {strides = array<i32>} : memref<64x184xf32, #tpu.memory_space<vmem>>, vector<16xf32>,
        tpu.vector_store %arg12[%swap3A_871, %swap3A_872], %gather3A_864 {strides = array<i32>} : memref<64x184xf32, #tpu.memory_space<vmem>>, vector<16xf32>,
      }
      %scan3A_561 = arith.constant 64 : i32
      %scan3A_562 = arith.constant 0 : i32
      %scan3A_563 = arith.constant 64 : i32
      %scan3A_564 = arith.addi %scan3A_562, %scan3A_563 : i32
      %scan3A_565 = arith.constant 1 : i32
      scf.for %scan3A_805 = %scan3A_562 to %scan3A_564 step %scan3A_565  : i32 {
        %mul3A_806 = arith.constant 1 : i32
        %mul3A_807 = arith.muli %scan3A_805, %mul3A_806 : i32
        %add3A_808 = arith.constant 0 : i32
        %add3A_809 = arith.addi %add3A_808, %mul3A_807 : i32
        %broadcast_in_dim3A_810 = arith.constant 0.000000e+00 : f32
        %broadcast_in_dim3A_811 = vector.broadcast %broadcast_in_dim3A_810 : f32 to vector<16xf32>
        %broadcast_in_dim3A_812 = arith.constant 0.000000e+00 : f32
        %broadcast_in_dim3A_813 = vector.broadcast %broadcast_in_dim3A_812 : f32 to vector<16xf32>
        %broadcast_in_dim3A_814 = arith.constant 0.000000e+00 : f32
        %broadcast_in_dim3A_815 = vector.broadcast %broadcast_in_dim3A_814 : f32 to vector<16xf32>
        %broadcast_in_dim3A_816 = arith.constant 0.000000e+00 : f32
        %broadcast_in_dim3A_817 = vector.broadcast %broadcast_in_dim3A_816 : f32 to vector<16xf32>
        %gather3A = arith.constant 0 : i32
        %gather3A_818 = tpu.memref_slice %arg12[%add3A_809, %gather3A] : memref<64x184xf32, #tpu.memory_space<vmem>> -> memref<1x160xf32, #tpu.memory_space<vmem>>
        %gather3A_819 = tpu.memref_squeeze %gather3A_818 : memref<1x160xf32, #tpu.memory_space<vmem>> -> memref<160xf32, #tpu.memory_space<vmem>>
        %gather3A_820 = tpu.vector_load_idx %gather3A_819[%select_n3A_23] : memref<160xf32, #tpu.memory_space<vmem>>[vector<16xi32>], vector<16xf32>,
        %mul3A_821 = arith.constant 32 : i32
        %mul3A_822 = arith.muli %add3A_809, %mul3A_821 : i32
        %add3A_823 = arith.constant 0 : i32
        %add3A_824 = arith.addi %mul3A_822, %add3A_823 : i32
        %get3A = arith.index_cast %add3A_824 : i32 to index
        %get3A_825 = arith.constant 0 : index
        %get3A_826 = tpu.vector_load %arg8[%get3A, %get3A_825] {strides = array<i32>} : memref<2048x16xf32, #tpu.memory_space<vmem>>, vector<16xf32>,
        %mul3A_827 = arith.mulf %gather3A_820, %get3A_826 : vector<16xf32>
        %add3A_828 = arith.addf %broadcast_in_dim3A_811, %mul3A_827 : vector<16xf32>
        %gather3A_829 = arith.constant 0 : i32
        %gather3A_830 = tpu.memref_slice %arg12[%add3A_809, %gather3A_829] : memref<64x184xf32, #tpu.memory_space<vmem>> -> memref<1x160xf32, #tpu.memory_space<vmem>>
        %gather3A_831 = tpu.memref_squeeze %gather3A_830 : memref<1x160xf32, #tpu.memory_space<vmem>> -> memref<160xf32, #tpu.memory_space<vmem>>
        %gather3A_832 = tpu.vector_load_idx %gather3A_831[%select_n3A_33] : memref<160xf32, #tpu.memory_space<vmem>>[vector<16xi32>], vector<16xf32>,
        %mul3A_833 = arith.constant 32 : i32
        %mul3A_834 = arith.muli %add3A_809, %mul3A_833 : i32
        %add3A_835 = arith.constant 1 : i32
        %add3A_836 = arith.addi %mul3A_834, %add3A_835 : i32
        %get3A_837 = arith.index_cast %add3A_836 : i32 to index
        %get3A_838 = arith.constant 0 : index
        %get3A_839 = tpu.vector_load %arg8[%get3A_837, %get3A_838] {strides = array<i32>} : memref<2048x16xf32, #tpu.memory_space<vmem>>, vector<16xf32>,
        %mul3A_840 = arith.mulf %gather3A_832, %get3A_839 : vector<16xf32>
        %add3A_841 = arith.addf %broadcast_in_dim3A_813, %mul3A_840 : vector<16xf32>
        %gather3A_842 = arith.constant 0 : i32
        %gather3A_843 = tpu.memref_slice %arg12[%add3A_809, %gather3A_842] : memref<64x184xf32, #tpu.memory_space<vmem>> -> memref<1x160xf32, #tpu.memory_space<vmem>>
        %gather3A_844 = tpu.memref_squeeze %gather3A_843 : memref<1x160xf32, #tpu.memory_space<vmem>> -> memref<160xf32, #tpu.memory_space<vmem>>
        %gather3A_845 = tpu.vector_load_idx %gather3A_844[%select_n3A_43] : memref<160xf32, #tpu.memory_space<vmem>>[vector<16xi32>], vector<16xf32>,
        %mul3A_846 = arith.constant 32 : i32
        %mul3A_847 = arith.muli %add3A_809, %mul3A_846 : i32
        %add3A_848 = arith.constant 2 : i32
        %add3A_849 = arith.addi %mul3A_847, %add3A_848 : i32
        %get3A_850 = arith.index_cast %add3A_849 : i32 to index
        %get3A_851 = arith.constant 0 : index
        %get3A_852 = tpu.vector_load %arg8[%get3A_850, %get3A_851] {strides = array<i32>} : memref<2048x16xf32, #tpu.memory_space<vmem>>, vector<16xf32>,
        %mul3A_853 = arith.mulf %gather3A_845, %get3A_852 : vector<16xf32>
        %add3A_854 = arith.addf %broadcast_in_dim3A_815, %mul3A_853 : vector<16xf32>
        %gather3A_855 = arith.constant 0 : i32
        %gather3A_856 = tpu.memref_slice %arg12[%add3A_809, %gather3A_855] : memref<64x184xf32, #tpu.memory_space<vmem>> -> memref<1x160xf32, #tpu.memory_space<vmem>>
        %gather3A_857 = tpu.memref_squeeze %gather3A_856 : memref<1x160xf32, #tpu.memory_space<vmem>> -> memref<160xf32, #tpu.memory_space<vmem>>
        %gather3A_858 = tpu.vector_load_idx %gather3A_857[%select_n3A_53] : memref<160xf32, #tpu.memory_space<vmem>>[vector<16xi32>], vector<16xf32>,
        %mul3A_859 = arith.constant 32 : i32
        %mul3A_860 = arith.muli %add3A_809, %mul3A_859 : i32
        %add3A_861 = arith.constant 3 : i32
        %add3A_862 = arith.addi %mul3A_860, %add3A_861 : i32
        %get3A_863 = arith.index_cast %add3A_862 : i32 to index
        %get3A_864 = arith.constant 0 : index
        %get3A_865 = tpu.vector_load %arg8[%get3A_863, %get3A_864] {strides = array<i32>} : memref<2048x16xf32, #tpu.memory_space<vmem>>, vector<16xf32>,
        %mul3A_866 = arith.mulf %gather3A_858, %get3A_865 : vector<16xf32>
        %add3A_867 = arith.addf %broadcast_in_dim3A_817, %mul3A_866 : vector<16xf32>
        %gather3A_868 = arith.constant 0 : i32
        %gather3A_869 = tpu.memref_slice %arg12[%add3A_809, %gather3A_868] : memref<64x184xf32, #tpu.memory_space<vmem>> -> memref<1x160xf32, #tpu.memory_space<vmem>>
        %gather3A_870 = tpu.memref_squeeze %gather3A_869 : memref<1x160xf32, #tpu.memory_space<vmem>> -> memref<160xf32, #tpu.memory_space<vmem>>
        %gather3A_871 = tpu.vector_load_idx %gather3A_870[%select_n3A_63] : memref<160xf32, #tpu.memory_space<vmem>>[vector<16xi32>], vector<16xf32>,
        %mul3A_872 = arith.constant 32 : i32
        %mul3A_873 = arith.muli %add3A_809, %mul3A_872 : i32
        %add3A_874 = arith.constant 4 : i32
        %add3A_875 = arith.addi %mul3A_873, %add3A_874 : i32
        %get3A_876 = arith.index_cast %add3A_875 : i32 to index
        %get3A_877 = arith.constant 0 : index
        %get3A_878 = tpu.vector_load %arg8[%get3A_876, %get3A_877] {strides = array<i32>} : memref<2048x16xf32, #tpu.memory_space<vmem>>, vector<16xf32>,
        %mul3A_879 = arith.mulf %gather3A_871, %get3A_878 : vector<16xf32>
        %add3A_880 = arith.addf %add3A_828, %mul3A_879 : vector<16xf32>
        %gather3A_881 = arith.constant 0 : i32
        %gather3A_882 = tpu.memref_slice %arg12[%add3A_809, %gather3A_881] : memref<64x184xf32, #tpu.memory_space<vmem>> -> memref<1x160xf32, #tpu.memory_space<vmem>>
        %gather3A_883 = tpu.memref_squeeze %gather3A_882 : memref<1x160xf32, #tpu.memory_space<vmem>> -> memref<160xf32, #tpu.memory_space<vmem>>
        %gather3A_884 = tpu.vector_load_idx %gather3A_883[%select_n3A_73] : memref<160xf32, #tpu.memory_space<vmem>>[vector<16xi32>], vector<16xf32>,
        %mul3A_885 = arith.constant 32 : i32
        %mul3A_886 = arith.muli %add3A_809, %mul3A_885 : i32
        %add3A_887 = arith.constant 5 : i32
        %add3A_888 = arith.addi %mul3A_886, %add3A_887 : i32
        %get3A_889 = arith.index_cast %add3A_888 : i32 to index
        %get3A_890 = arith.constant 0 : index
        %get3A_891 = tpu.vector_load %arg8[%get3A_889, %get3A_890] {strides = array<i32>} : memref<2048x16xf32, #tpu.memory_space<vmem>>, vector<16xf32>,
        %mul3A_892 = arith.mulf %gather3A_884, %get3A_891 : vector<16xf32>
        %add3A_893 = arith.addf %add3A_841, %mul3A_892 : vector<16xf32>
        %gather3A_894 = arith.constant 0 : i32
        %gather3A_895 = tpu.memref_slice %arg12[%add3A_809, %gather3A_894] : memref<64x184xf32, #tpu.memory_space<vmem>> -> memref<1x160xf32, #tpu.memory_space<vmem>>
        %gather3A_896 = tpu.memref_squeeze %gather3A_895 : memref<1x160xf32, #tpu.memory_space<vmem>> -> memref<160xf32, #tpu.memory_space<vmem>>
        %gather3A_897 = tpu.vector_load_idx %gather3A_896[%select_n3A_83] : memref<160xf32, #tpu.memory_space<vmem>>[vector<16xi32>], vector<16xf32>,
        %mul3A_898 = arith.constant 32 : i32
        %mul3A_899 = arith.muli %add3A_809, %mul3A_898 : i32
        %add3A_900 = arith.constant 6 : i32
        %add3A_901 = arith.addi %mul3A_899, %add3A_900 : i32
        %get3A_902 = arith.index_cast %add3A_901 : i32 to index
        %get3A_903 = arith.constant 0 : index
        %get3A_904 = tpu.vector_load %arg8[%get3A_902, %get3A_903] {strides = array<i32>} : memref<2048x16xf32, #tpu.memory_space<vmem>>, vector<16xf32>,
        %mul3A_905 = arith.mulf %gather3A_897, %get3A_904 : vector<16xf32>
        %add3A_906 = arith.addf %add3A_854, %mul3A_905 : vector<16xf32>
        %gather3A_907 = arith.constant 0 : i32
        %gather3A_908 = tpu.memref_slice %arg12[%add3A_809, %gather3A_907] : memref<64x184xf32, #tpu.memory_space<vmem>> -> memref<1x160xf32, #tpu.memory_space<vmem>>
        %gather3A_909 = tpu.memref_squeeze %gather3A_908 : memref<1x160xf32, #tpu.memory_space<vmem>> -> memref<160xf32, #tpu.memory_space<vmem>>
        %gather3A_910 = tpu.vector_load_idx %gather3A_909[%select_n3A_93] : memref<160xf32, #tpu.memory_space<vmem>>[vector<16xi32>], vector<16xf32>,
        %mul3A_911 = arith.constant 32 : i32
        %mul3A_912 = arith.muli %add3A_809, %mul3A_911 : i32
        %add3A_913 = arith.constant 7 : i32
        %add3A_914 = arith.addi %mul3A_912, %add3A_913 : i32
        %get3A_915 = arith.index_cast %add3A_914 : i32 to index
        %get3A_916 = arith.constant 0 : index
        %get3A_917 = tpu.vector_load %arg8[%get3A_915, %get3A_916] {strides = array<i32>} : memref<2048x16xf32, #tpu.memory_space<vmem>>, vector<16xf32>,
        %mul3A_918 = arith.mulf %gather3A_910, %get3A_917 : vector<16xf32>
        %add3A_919 = arith.addf %add3A_867, %mul3A_918 : vector<16xf32>
        %gather3A_920 = arith.constant 8 : i32
        %gather3A_921 = tpu.memref_slice %arg12[%add3A_809, %gather3A_920] : memref<64x184xf32, #tpu.memory_space<vmem>> -> memref<1x160xf32, #tpu.memory_space<vmem>>
        %gather3A_922 = tpu.memref_squeeze %gather3A_921 : memref<1x160xf32, #tpu.memory_space<vmem>> -> memref<160xf32, #tpu.memory_space<vmem>>
        %gather3A_923 = tpu.vector_load_idx %gather3A_922[%select_n3A_23] : memref<160xf32, #tpu.memory_space<vmem>>[vector<16xi32>], vector<16xf32>,
        %mul3A_924 = arith.constant 32 : i32
        %mul3A_925 = arith.muli %add3A_809, %mul3A_924 : i32
        %add3A_926 = arith.constant 8 : i32
        %add3A_927 = arith.addi %mul3A_925, %add3A_926 : i32
        %get3A_928 = arith.index_cast %add3A_927 : i32 to index
        %get3A_929 = arith.constant 0 : index
        %get3A_930 = tpu.vector_load %arg8[%get3A_928, %get3A_929] {strides = array<i32>} : memref<2048x16xf32, #tpu.memory_space<vmem>>, vector<16xf32>,
        %mul3A_931 = arith.mulf %gather3A_923, %get3A_930 : vector<16xf32>
        %add3A_932 = arith.addf %add3A_880, %mul3A_931 : vector<16xf32>
        %gather3A_933 = arith.constant 8 : i32
        %gather3A_934 = tpu.memref_slice %arg12[%add3A_809, %gather3A_933] : memref<64x184xf32, #tpu.memory_space<vmem>> -> memref<1x160xf32, #tpu.memory_space<vmem>>
        %gather3A_935 = tpu.memref_squeeze %gather3A_934 : memref<1x160xf32, #tpu.memory_space<vmem>> -> memref<160xf32, #tpu.memory_space<vmem>>
        %gather3A_936 = tpu.vector_load_idx %gather3A_935[%select_n3A_33] : memref<160xf32, #tpu.memory_space<vmem>>[vector<16xi32>], vector<16xf32>,
        %mul3A_937 = arith.constant 32 : i32
        %mul3A_938 = arith.muli %add3A_809, %mul3A_937 : i32
        %add3A_939 = arith.constant 9 : i32
        %add3A_940 = arith.addi %mul3A_938, %add3A_939 : i32
        %get3A_941 = arith.index_cast %add3A_940 : i32 to index
        %get3A_942 = arith.constant 0 : index
        %get3A_943 = tpu.vector_load %arg8[%get3A_941, %get3A_942] {strides = array<i32>} : memref<2048x16xf32, #tpu.memory_space<vmem>>, vector<16xf32>,
        %mul3A_944 = arith.mulf %gather3A_936, %get3A_943 : vector<16xf32>
        %add3A_945 = arith.addf %add3A_893, %mul3A_944 : vector<16xf32>
        %gather3A_946 = arith.constant 8 : i32
        %gather3A_947 = tpu.memref_slice %arg12[%add3A_809, %gather3A_946] : memref<64x184xf32, #tpu.memory_space<vmem>> -> memref<1x160xf32, #tpu.memory_space<vmem>>
        %gather3A_948 = tpu.memref_squeeze %gather3A_947 : memref<1x160xf32, #tpu.memory_space<vmem>> -> memref<160xf32, #tpu.memory_space<vmem>>
        %gather3A_949 = tpu.vector_load_idx %gather3A_948[%select_n3A_43] : memref<160xf32, #tpu.memory_space<vmem>>[vector<16xi32>], vector<16xf32>,
        %mul3A_950 = arith.constant 32 : i32
        %mul3A_951 = arith.muli %add3A_809, %mul3A_950 : i32
        %add3A_952 = arith.constant 10 : i32
        %add3A_953 = arith.addi %mul3A_951, %add3A_952 : i32
        %get3A_954 = arith.index_cast %add3A_953 : i32 to index
        %get3A_955 = arith.constant 0 : index
        %get3A_956 = tpu.vector_load %arg8[%get3A_954, %get3A_955] {strides = array<i32>} : memref<2048x16xf32, #tpu.memory_space<vmem>>, vector<16xf32>,
        %mul3A_957 = arith.mulf %gather3A_949, %get3A_956 : vector<16xf32>
        %add3A_958 = arith.addf %add3A_906, %mul3A_957 : vector<16xf32>
        %gather3A_959 = arith.constant 8 : i32
        %gather3A_960 = tpu.memref_slice %arg12[%add3A_809, %gather3A_959] : memref<64x184xf32, #tpu.memory_space<vmem>> -> memref<1x160xf32, #tpu.memory_space<vmem>>
        %gather3A_961 = tpu.memref_squeeze %gather3A_960 : memref<1x160xf32, #tpu.memory_space<vmem>> -> memref<160xf32, #tpu.memory_space<vmem>>
        %gather3A_962 = tpu.vector_load_idx %gather3A_961[%select_n3A_53] : memref<160xf32, #tpu.memory_space<vmem>>[vector<16xi32>], vector<16xf32>,
        %mul3A_963 = arith.constant 32 : i32
        %mul3A_964 = arith.muli %add3A_809, %mul3A_963 : i32
        %add3A_965 = arith.constant 11 : i32
        %add3A_966 = arith.addi %mul3A_964, %add3A_965 : i32
        %get3A_967 = arith.index_cast %add3A_966 : i32 to index
        %get3A_968 = arith.constant 0 : index
        %get3A_969 = tpu.vector_load %arg8[%get3A_967, %get3A_968] {strides = array<i32>} : memref<2048x16xf32, #tpu.memory_space<vmem>>, vector<16xf32>,
        %mul3A_970 = arith.mulf %gather3A_962, %get3A_969 : vector<16xf32>
        %add3A_971 = arith.addf %add3A_919, %mul3A_970 : vector<16xf32>
        %gather3A_972 = arith.constant 8 : i32
        %gather3A_973 = tpu.memref_slice %arg12[%add3A_809, %gather3A_972] : memref<64x184xf32, #tpu.memory_space<vmem>> -> memref<1x160xf32, #tpu.memory_space<vmem>>
        %gather3A_974 = tpu.memref_squeeze %gather3A_973 : memref<1x160xf32, #tpu.memory_space<vmem>> -> memref<160xf32, #tpu.memory_space<vmem>>
        %gather3A_975 = tpu.vector_load_idx %gather3A_974[%select_n3A_63] : memref<160xf32, #tpu.memory_space<vmem>>[vector<16xi32>], vector<16xf32>,
        %mul3A_976 = arith.constant 32 : i32
        %mul3A_977 = arith.muli %add3A_809, %mul3A_976 : i32
        %add3A_978 = arith.constant 12 : i32
        %add3A_979 = arith.addi %mul3A_977, %add3A_978 : i32
        %get3A_980 = arith.index_cast %add3A_979 : i32 to index
        %get3A_981 = arith.constant 0 : index
        %get3A_982 = tpu.vector_load %arg8[%get3A_980, %get3A_981] {strides = array<i32>} : memref<2048x16xf32, #tpu.memory_space<vmem>>, vector<16xf32>,
        %mul3A_983 = arith.mulf %gather3A_975, %get3A_982 : vector<16xf32>
        %add3A_984 = arith.addf %add3A_932, %mul3A_983 : vector<16xf32>
        %gather3A_985 = arith.constant 8 : i32
        %gather3A_986 = tpu.memref_slice %arg12[%add3A_809, %gather3A_985] : memref<64x184xf32, #tpu.memory_space<vmem>> -> memref<1x160xf32, #tpu.memory_space<vmem>>
        %gather3A_987 = tpu.memref_squeeze %gather3A_986 : memref<1x160xf32, #tpu.memory_space<vmem>> -> memref<160xf32, #tpu.memory_space<vmem>>
        %gather3A_988 = tpu.vector_load_idx %gather3A_987[%select_n3A_73] : memref<160xf32, #tpu.memory_space<vmem>>[vector<16xi32>], vector<16xf32>,
        %mul3A_989 = arith.constant 32 : i32
        %mul3A_990 = arith.muli %add3A_809, %mul3A_989 : i32
        %add3A_991 = arith.constant 13 : i32
        %add3A_992 = arith.addi %mul3A_990, %add3A_991 : i32
        %get3A_993 = arith.index_cast %add3A_992 : i32 to index
        %get3A_994 = arith.constant 0 : index
        %get3A_995 = tpu.vector_load %arg8[%get3A_993, %get3A_994] {strides = array<i32>} : memref<2048x16xf32, #tpu.memory_space<vmem>>, vector<16xf32>,
        %mul3A_996 = arith.mulf %gather3A_988, %get3A_995 : vector<16xf32>
        %add3A_997 = arith.addf %add3A_945, %mul3A_996 : vector<16xf32>
        %gather3A_998 = arith.constant 8 : i32
        %gather3A_999 = tpu.memref_slice %arg12[%add3A_809, %gather3A_998] : memref<64x184xf32, #tpu.memory_space<vmem>> -> memref<1x160xf32, #tpu.memory_space<vmem>>
        %gather3A_1000 = tpu.memref_squeeze %gather3A_999 : memref<1x160xf32, #tpu.memory_space<vmem>> -> memref<160xf32, #tpu.memory_space<vmem>>
        %gather3A_1001 = tpu.vector_load_idx %gather3A_1000[%select_n3A_83] : memref<160xf32, #tpu.memory_space<vmem>>[vector<16xi32>], vector<16xf32>,
        %mul3A_1002 = arith.constant 32 : i32
        %mul3A_1003 = arith.muli %add3A_809, %mul3A_1002 : i32
        %add3A_1004 = arith.constant 14 : i32
        %add3A_1005 = arith.addi %mul3A_1003, %add3A_1004 : i32
        %get3A_1006 = arith.index_cast %add3A_1005 : i32 to index
        %get3A_1007 = arith.constant 0 : index
        %get3A_1008 = tpu.vector_load %arg8[%get3A_1006, %get3A_1007] {strides = array<i32>} : memref<2048x16xf32, #tpu.memory_space<vmem>>, vector<16xf32>,
        %mul3A_1009 = arith.mulf %gather3A_1001, %get3A_1008 : vector<16xf32>
        %add3A_1010 = arith.addf %add3A_958, %mul3A_1009 : vector<16xf32>
        %gather3A_1011 = arith.constant 8 : i32
        %gather3A_1012 = tpu.memref_slice %arg12[%add3A_809, %gather3A_1011] : memref<64x184xf32, #tpu.memory_space<vmem>> -> memref<1x160xf32, #tpu.memory_space<vmem>>
        %gather3A_1013 = tpu.memref_squeeze %gather3A_1012 : memref<1x160xf32, #tpu.memory_space<vmem>> -> memref<160xf32, #tpu.memory_space<vmem>>
        %gather3A_1014 = tpu.vector_load_idx %gather3A_1013[%select_n3A_93] : memref<160xf32, #tpu.memory_space<vmem>>[vector<16xi32>], vector<16xf32>,
        %mul3A_1015 = arith.constant 32 : i32
        %mul3A_1016 = arith.muli %add3A_809, %mul3A_1015 : i32
        %add3A_1017 = arith.constant 15 : i32
        %add3A_1018 = arith.addi %mul3A_1016, %add3A_1017 : i32
        %get3A_1019 = arith.index_cast %add3A_1018 : i32 to index
        %get3A_1020 = arith.constant 0 : index
        %get3A_1021 = tpu.vector_load %arg8[%get3A_1019, %get3A_1020] {strides = array<i32>} : memref<2048x16xf32, #tpu.memory_space<vmem>>, vector<16xf32>,
        %mul3A_1022 = arith.mulf %gather3A_1014, %get3A_1021 : vector<16xf32>
        %add3A_1023 = arith.addf %add3A_971, %mul3A_1022 : vector<16xf32>
        %gather3A_1024 = arith.constant 16 : i32
        %gather3A_1025 = tpu.memref_slice %arg12[%add3A_809, %gather3A_1024] : memref<64x184xf32, #tpu.memory_space<vmem>> -> memref<1x160xf32, #tpu.memory_space<vmem>>
        %gather3A_1026 = tpu.memref_squeeze %gather3A_1025 : memref<1x160xf32, #tpu.memory_space<vmem>> -> memref<160xf32, #tpu.memory_space<vmem>>
        %gather3A_1027 = tpu.vector_load_idx %gather3A_1026[%select_n3A_23] : memref<160xf32, #tpu.memory_space<vmem>>[vector<16xi32>], vector<16xf32>,
        %mul3A_1028 = arith.constant 32 : i32
        %mul3A_1029 = arith.muli %add3A_809, %mul3A_1028 : i32
        %add3A_1030 = arith.constant 16 : i32
        %add3A_1031 = arith.addi %mul3A_1029, %add3A_1030 : i32
        %get3A_1032 = arith.index_cast %add3A_1031 : i32 to index
        %get3A_1033 = arith.constant 0 : index
        %get3A_1034 = tpu.vector_load %arg8[%get3A_1032, %get3A_1033] {strides = array<i32>} : memref<2048x16xf32, #tpu.memory_space<vmem>>, vector<16xf32>,
        %mul3A_1035 = arith.mulf %gather3A_1027, %get3A_1034 : vector<16xf32>
        %add3A_1036 = arith.addf %add3A_984, %mul3A_1035 : vector<16xf32>
        %gather3A_1037 = arith.constant 16 : i32
        %gather3A_1038 = tpu.memref_slice %arg12[%add3A_809, %gather3A_1037] : memref<64x184xf32, #tpu.memory_space<vmem>> -> memref<1x160xf32, #tpu.memory_space<vmem>>
        %gather3A_1039 = tpu.memref_squeeze %gather3A_1038 : memref<1x160xf32, #tpu.memory_space<vmem>> -> memref<160xf32, #tpu.memory_space<vmem>>
        %gather3A_1040 = tpu.vector_load_idx %gather3A_1039[%select_n3A_33] : memref<160xf32, #tpu.memory_space<vmem>>[vector<16xi32>], vector<16xf32>,
        %mul3A_1041 = arith.constant 32 : i32
        %mul3A_1042 = arith.muli %add3A_809, %mul3A_1041 : i32
        %add3A_1043 = arith.constant 17 : i32
        %add3A_1044 = arith.addi %mul3A_1042, %add3A_1043 : i32
        %get3A_1045 = arith.index_cast %add3A_1044 : i32 to index
        %get3A_1046 = arith.constant 0 : index
        %get3A_1047 = tpu.vector_load %arg8[%get3A_1045, %get3A_1046] {strides = array<i32>} : memref<2048x16xf32, #tpu.memory_space<vmem>>, vector<16xf32>,
        %mul3A_1048 = arith.mulf %gather3A_1040, %get3A_1047 : vector<16xf32>
        %add3A_1049 = arith.addf %add3A_997, %mul3A_1048 : vector<16xf32>
        %gather3A_1050 = arith.constant 16 : i32
        %gather3A_1051 = tpu.memref_slice %arg12[%add3A_809, %gather3A_1050] : memref<64x184xf32, #tpu.memory_space<vmem>> -> memref<1x160xf32, #tpu.memory_space<vmem>>
        %gather3A_1052 = tpu.memref_squeeze %gather3A_1051 : memref<1x160xf32, #tpu.memory_space<vmem>> -> memref<160xf32, #tpu.memory_space<vmem>>
        %gather3A_1053 = tpu.vector_load_idx %gather3A_1052[%select_n3A_43] : memref<160xf32, #tpu.memory_space<vmem>>[vector<16xi32>], vector<16xf32>,
        %mul3A_1054 = arith.constant 32 : i32
        %mul3A_1055 = arith.muli %add3A_809, %mul3A_1054 : i32
        %add3A_1056 = arith.constant 18 : i32
        %add3A_1057 = arith.addi %mul3A_1055, %add3A_1056 : i32
        %get3A_1058 = arith.index_cast %add3A_1057 : i32 to index
        %get3A_1059 = arith.constant 0 : index
        %get3A_1060 = tpu.vector_load %arg8[%get3A_1058, %get3A_1059] {strides = array<i32>} : memref<2048x16xf32, #tpu.memory_space<vmem>>, vector<16xf32>,
        %mul3A_1061 = arith.mulf %gather3A_1053, %get3A_1060 : vector<16xf32>
        %add3A_1062 = arith.addf %add3A_1010, %mul3A_1061 : vector<16xf32>
        %gather3A_1063 = arith.constant 16 : i32
        %gather3A_1064 = tpu.memref_slice %arg12[%add3A_809, %gather3A_1063] : memref<64x184xf32, #tpu.memory_space<vmem>> -> memref<1x160xf32, #tpu.memory_space<vmem>>
        %gather3A_1065 = tpu.memref_squeeze %gather3A_1064 : memref<1x160xf32, #tpu.memory_space<vmem>> -> memref<160xf32, #tpu.memory_space<vmem>>
        %gather3A_1066 = tpu.vector_load_idx %gather3A_1065[%select_n3A_53] : memref<160xf32, #tpu.memory_space<vmem>>[vector<16xi32>], vector<16xf32>,
        %mul3A_1067 = arith.constant 32 : i32
        %mul3A_1068 = arith.muli %add3A_809, %mul3A_1067 : i32
        %add3A_1069 = arith.constant 19 : i32
        %add3A_1070 = arith.addi %mul3A_1068, %add3A_1069 : i32
        %get3A_1071 = arith.index_cast %add3A_1070 : i32 to index
        %get3A_1072 = arith.constant 0 : index
        %get3A_1073 = tpu.vector_load %arg8[%get3A_1071, %get3A_1072] {strides = array<i32>} : memref<2048x16xf32, #tpu.memory_space<vmem>>, vector<16xf32>,
        %mul3A_1074 = arith.mulf %gather3A_1066, %get3A_1073 : vector<16xf32>
        %add3A_1075 = arith.addf %add3A_1023, %mul3A_1074 : vector<16xf32>
        %gather3A_1076 = arith.constant 16 : i32
        %gather3A_1077 = tpu.memref_slice %arg12[%add3A_809, %gather3A_1076] : memref<64x184xf32, #tpu.memory_space<vmem>> -> memref<1x160xf32, #tpu.memory_space<vmem>>
        %gather3A_1078 = tpu.memref_squeeze %gather3A_1077 : memref<1x160xf32, #tpu.memory_space<vmem>> -> memref<160xf32, #tpu.memory_space<vmem>>
        %gather3A_1079 = tpu.vector_load_idx %gather3A_1078[%select_n3A_63] : memref<160xf32, #tpu.memory_space<vmem>>[vector<16xi32>], vector<16xf32>,
        %mul3A_1080 = arith.constant 32 : i32
        %mul3A_1081 = arith.muli %add3A_809, %mul3A_1080 : i32
        %add3A_1082 = arith.constant 20 : i32
        %add3A_1083 = arith.addi %mul3A_1081, %add3A_1082 : i32
        %get3A_1084 = arith.index_cast %add3A_1083 : i32 to index
        %get3A_1085 = arith.constant 0 : index
        %get3A_1086 = tpu.vector_load %arg8[%get3A_1084, %get3A_1085] {strides = array<i32>} : memref<2048x16xf32, #tpu.memory_space<vmem>>, vector<16xf32>,
        %mul3A_1087 = arith.mulf %gather3A_1079, %get3A_1086 : vector<16xf32>
        %add3A_1088 = arith.addf %add3A_1036, %mul3A_1087 : vector<16xf32>
        %gather3A_1089 = arith.constant 16 : i32
        %gather3A_1090 = tpu.memref_slice %arg12[%add3A_809, %gather3A_1089] : memref<64x184xf32, #tpu.memory_space<vmem>> -> memref<1x160xf32, #tpu.memory_space<vmem>>
        %gather3A_1091 = tpu.memref_squeeze %gather3A_1090 : memref<1x160xf32, #tpu.memory_space<vmem>> -> memref<160xf32, #tpu.memory_space<vmem>>
        %gather3A_1092 = tpu.vector_load_idx %gather3A_1091[%select_n3A_73] : memref<160xf32, #tpu.memory_space<vmem>>[vector<16xi32>], vector<16xf32>,
        %mul3A_1093 = arith.constant 32 : i32
        %mul3A_1094 = arith.muli %add3A_809, %mul3A_1093 : i32
        %add3A_1095 = arith.constant 21 : i32
        %add3A_1096 = arith.addi %mul3A_1094, %add3A_1095 : i32
        %get3A_1097 = arith.index_cast %add3A_1096 : i32 to index
        %get3A_1098 = arith.constant 0 : index
        %get3A_1099 = tpu.vector_load %arg8[%get3A_1097, %get3A_1098] {strides = array<i32>} : memref<2048x16xf32, #tpu.memory_space<vmem>>, vector<16xf32>,
        %mul3A_1100 = arith.mulf %gather3A_1092, %get3A_1099 : vector<16xf32>
        %add3A_1101 = arith.addf %add3A_1049, %mul3A_1100 : vector<16xf32>
        %gather3A_1102 = arith.constant 16 : i32
        %gather3A_1103 = tpu.memref_slice %arg12[%add3A_809, %gather3A_1102] : memref<64x184xf32, #tpu.memory_space<vmem>> -> memref<1x160xf32, #tpu.memory_space<vmem>>
        %gather3A_1104 = tpu.memref_squeeze %gather3A_1103 : memref<1x160xf32, #tpu.memory_space<vmem>> -> memref<160xf32, #tpu.memory_space<vmem>>
        %gather3A_1105 = tpu.vector_load_idx %gather3A_1104[%select_n3A_83] : memref<160xf32, #tpu.memory_space<vmem>>[vector<16xi32>], vector<16xf32>,
        %mul3A_1106 = arith.constant 32 : i32
        %mul3A_1107 = arith.muli %add3A_809, %mul3A_1106 : i32
        %add3A_1108 = arith.constant 22 : i32
        %add3A_1109 = arith.addi %mul3A_1107, %add3A_1108 : i32
        %get3A_1110 = arith.index_cast %add3A_1109 : i32 to index
        %get3A_1111 = arith.constant 0 : index
        %get3A_1112 = tpu.vector_load %arg8[%get3A_1110, %get3A_1111] {strides = array<i32>} : memref<2048x16xf32, #tpu.memory_space<vmem>>, vector<16xf32>,
        %mul3A_1113 = arith.mulf %gather3A_1105, %get3A_1112 : vector<16xf32>
        %add3A_1114 = arith.addf %add3A_1062, %mul3A_1113 : vector<16xf32>
        %gather3A_1115 = arith.constant 16 : i32
        %gather3A_1116 = tpu.memref_slice %arg12[%add3A_809, %gather3A_1115] : memref<64x184xf32, #tpu.memory_space<vmem>> -> memref<1x160xf32, #tpu.memory_space<vmem>>
        %gather3A_1117 = tpu.memref_squeeze %gather3A_1116 : memref<1x160xf32, #tpu.memory_space<vmem>> -> memref<160xf32, #tpu.memory_space<vmem>>
        %gather3A_1118 = tpu.vector_load_idx %gather3A_1117[%select_n3A_93] : memref<160xf32, #tpu.memory_space<vmem>>[vector<16xi32>], vector<16xf32>,
        %mul3A_1119 = arith.constant 32 : i32
        %mul3A_1120 = arith.muli %add3A_809, %mul3A_1119 : i32
        %add3A_1121 = arith.constant 23 : i32
        %add3A_1122 = arith.addi %mul3A_1120, %add3A_1121 : i32
        %get3A_1123 = arith.index_cast %add3A_1122 : i32 to index
        %get3A_1124 = arith.constant 0 : index
        %get3A_1125 = tpu.vector_load %arg8[%get3A_1123, %get3A_1124] {strides = array<i32>} : memref<2048x16xf32, #tpu.memory_space<vmem>>, vector<16xf32>,
        %mul3A_1126 = arith.mulf %gather3A_1118, %get3A_1125 : vector<16xf32>
        %add3A_1127 = arith.addf %add3A_1075, %mul3A_1126 : vector<16xf32>
        %gather3A_1128 = arith.constant 24 : i32
        %gather3A_1129 = tpu.memref_slice %arg12[%add3A_809, %gather3A_1128] : memref<64x184xf32, #tpu.memory_space<vmem>> -> memref<1x160xf32, #tpu.memory_space<vmem>>
        %gather3A_1130 = tpu.memref_squeeze %gather3A_1129 : memref<1x160xf32, #tpu.memory_space<vmem>> -> memref<160xf32, #tpu.memory_space<vmem>>
        %gather3A_1131 = tpu.vector_load_idx %gather3A_1130[%select_n3A_23] : memref<160xf32, #tpu.memory_space<vmem>>[vector<16xi32>], vector<16xf32>,
        %mul3A_1132 = arith.constant 32 : i32
        %mul3A_1133 = arith.muli %add3A_809, %mul3A_1132 : i32
        %add3A_1134 = arith.constant 24 : i32
        %add3A_1135 = arith.addi %mul3A_1133, %add3A_1134 : i32
        %get3A_1136 = arith.index_cast %add3A_1135 : i32 to index
        %get3A_1137 = arith.constant 0 : index
        %get3A_1138 = tpu.vector_load %arg8[%get3A_1136, %get3A_1137] {strides = array<i32>} : memref<2048x16xf32, #tpu.memory_space<vmem>>, vector<16xf32>,
        %mul3A_1139 = arith.mulf %gather3A_1131, %get3A_1138 : vector<16xf32>
        %add3A_1140 = arith.addf %add3A_1088, %mul3A_1139 : vector<16xf32>
        %gather3A_1141 = arith.constant 24 : i32
        %gather3A_1142 = tpu.memref_slice %arg12[%add3A_809, %gather3A_1141] : memref<64x184xf32, #tpu.memory_space<vmem>> -> memref<1x160xf32, #tpu.memory_space<vmem>>
        %gather3A_1143 = tpu.memref_squeeze %gather3A_1142 : memref<1x160xf32, #tpu.memory_space<vmem>> -> memref<160xf32, #tpu.memory_space<vmem>>
        %gather3A_1144 = tpu.vector_load_idx %gather3A_1143[%select_n3A_33] : memref<160xf32, #tpu.memory_space<vmem>>[vector<16xi32>], vector<16xf32>,
        %mul3A_1145 = arith.constant 32 : i32
        %mul3A_1146 = arith.muli %add3A_809, %mul3A_1145 : i32
        %add3A_1147 = arith.constant 25 : i32
        %add3A_1148 = arith.addi %mul3A_1146, %add3A_1147 : i32
        %get3A_1149 = arith.index_cast %add3A_1148 : i32 to index
        %get3A_1150 = arith.constant 0 : index
        %get3A_1151 = tpu.vector_load %arg8[%get3A_1149, %get3A_1150] {strides = array<i32>} : memref<2048x16xf32, #tpu.memory_space<vmem>>, vector<16xf32>,
        %mul3A_1152 = arith.mulf %gather3A_1144, %get3A_1151 : vector<16xf32>
        %add3A_1153 = arith.addf %add3A_1101, %mul3A_1152 : vector<16xf32>
        %gather3A_1154 = arith.constant 24 : i32
        %gather3A_1155 = tpu.memref_slice %arg12[%add3A_809, %gather3A_1154] : memref<64x184xf32, #tpu.memory_space<vmem>> -> memref<1x160xf32, #tpu.memory_space<vmem>>
        %gather3A_1156 = tpu.memref_squeeze %gather3A_1155 : memref<1x160xf32, #tpu.memory_space<vmem>> -> memref<160xf32, #tpu.memory_space<vmem>>
        %gather3A_1157 = tpu.vector_load_idx %gather3A_1156[%select_n3A_43] : memref<160xf32, #tpu.memory_space<vmem>>[vector<16xi32>], vector<16xf32>,
        %mul3A_1158 = arith.constant 32 : i32
        %mul3A_1159 = arith.muli %add3A_809, %mul3A_1158 : i32
        %add3A_1160 = arith.constant 26 : i32
        %add3A_1161 = arith.addi %mul3A_1159, %add3A_1160 : i32
        %get3A_1162 = arith.index_cast %add3A_1161 : i32 to index
        %get3A_1163 = arith.constant 0 : index
        %get3A_1164 = tpu.vector_load %arg8[%get3A_1162, %get3A_1163] {strides = array<i32>} : memref<2048x16xf32, #tpu.memory_space<vmem>>, vector<16xf32>,
        %mul3A_1165 = arith.mulf %gather3A_1157, %get3A_1164 : vector<16xf32>
        %add3A_1166 = arith.addf %add3A_1114, %mul3A_1165 : vector<16xf32>
        %gather3A_1167 = arith.constant 24 : i32
        %gather3A_1168 = tpu.memref_slice %arg12[%add3A_809, %gather3A_1167] : memref<64x184xf32, #tpu.memory_space<vmem>> -> memref<1x160xf32, #tpu.memory_space<vmem>>
        %gather3A_1169 = tpu.memref_squeeze %gather3A_1168 : memref<1x160xf32, #tpu.memory_space<vmem>> -> memref<160xf32, #tpu.memory_space<vmem>>
        %gather3A_1170 = tpu.vector_load_idx %gather3A_1169[%select_n3A_53] : memref<160xf32, #tpu.memory_space<vmem>>[vector<16xi32>], vector<16xf32>,
        %mul3A_1171 = arith.constant 32 : i32
        %mul3A_1172 = arith.muli %add3A_809, %mul3A_1171 : i32
        %add3A_1173 = arith.constant 27 : i32
        %add3A_1174 = arith.addi %mul3A_1172, %add3A_1173 : i32
        %get3A_1175 = arith.index_cast %add3A_1174 : i32 to index
        %get3A_1176 = arith.constant 0 : index
        %get3A_1177 = tpu.vector_load %arg8[%get3A_1175, %get3A_1176] {strides = array<i32>} : memref<2048x16xf32, #tpu.memory_space<vmem>>, vector<16xf32>,
        %mul3A_1178 = arith.mulf %gather3A_1170, %get3A_1177 : vector<16xf32>
        %add3A_1179 = arith.addf %add3A_1127, %mul3A_1178 : vector<16xf32>
        %gather3A_1180 = arith.constant 24 : i32
        %gather3A_1181 = tpu.memref_slice %arg12[%add3A_809, %gather3A_1180] : memref<64x184xf32, #tpu.memory_space<vmem>> -> memref<1x160xf32, #tpu.memory_space<vmem>>
        %gather3A_1182 = tpu.memref_squeeze %gather3A_1181 : memref<1x160xf32, #tpu.memory_space<vmem>> -> memref<160xf32, #tpu.memory_space<vmem>>
        %gather3A_1183 = tpu.vector_load_idx %gather3A_1182[%select_n3A_63] : memref<160xf32, #tpu.memory_space<vmem>>[vector<16xi32>], vector<16xf32>,
        %mul3A_1184 = arith.constant 32 : i32
        %mul3A_1185 = arith.muli %add3A_809, %mul3A_1184 : i32
        %add3A_1186 = arith.constant 28 : i32
        %add3A_1187 = arith.addi %mul3A_1185, %add3A_1186 : i32
        %get3A_1188 = arith.index_cast %add3A_1187 : i32 to index
        %get3A_1189 = arith.constant 0 : index
        %get3A_1190 = tpu.vector_load %arg8[%get3A_1188, %get3A_1189] {strides = array<i32>} : memref<2048x16xf32, #tpu.memory_space<vmem>>, vector<16xf32>,
        %mul3A_1191 = arith.mulf %gather3A_1183, %get3A_1190 : vector<16xf32>
        %add3A_1192 = arith.addf %add3A_1140, %mul3A_1191 : vector<16xf32>
        %gather3A_1193 = arith.constant 24 : i32
        %gather3A_1194 = tpu.memref_slice %arg12[%add3A_809, %gather3A_1193] : memref<64x184xf32, #tpu.memory_space<vmem>> -> memref<1x160xf32, #tpu.memory_space<vmem>>
        %gather3A_1195 = tpu.memref_squeeze %gather3A_1194 : memref<1x160xf32, #tpu.memory_space<vmem>> -> memref<160xf32, #tpu.memory_space<vmem>>
        %gather3A_1196 = tpu.vector_load_idx %gather3A_1195[%select_n3A_73] : memref<160xf32, #tpu.memory_space<vmem>>[vector<16xi32>], vector<16xf32>,
        %mul3A_1197 = arith.constant 32 : i32
        %mul3A_1198 = arith.muli %add3A_809, %mul3A_1197 : i32
        %add3A_1199 = arith.constant 29 : i32
        %add3A_1200 = arith.addi %mul3A_1198, %add3A_1199 : i32
        %get3A_1201 = arith.index_cast %add3A_1200 : i32 to index
        %get3A_1202 = arith.constant 0 : index
        %get3A_1203 = tpu.vector_load %arg8[%get3A_1201, %get3A_1202] {strides = array<i32>} : memref<2048x16xf32, #tpu.memory_space<vmem>>, vector<16xf32>,
        %mul3A_1204 = arith.mulf %gather3A_1196, %get3A_1203 : vector<16xf32>
        %add3A_1205 = arith.addf %add3A_1153, %mul3A_1204 : vector<16xf32>
        %gather3A_1206 = arith.constant 24 : i32
        %gather3A_1207 = tpu.memref_slice %arg12[%add3A_809, %gather3A_1206] : memref<64x184xf32, #tpu.memory_space<vmem>> -> memref<1x160xf32, #tpu.memory_space<vmem>>
        %gather3A_1208 = tpu.memref_squeeze %gather3A_1207 : memref<1x160xf32, #tpu.memory_space<vmem>> -> memref<160xf32, #tpu.memory_space<vmem>>
        %gather3A_1209 = tpu.vector_load_idx %gather3A_1208[%select_n3A_83] : memref<160xf32, #tpu.memory_space<vmem>>[vector<16xi32>], vector<16xf32>,
        %mul3A_1210 = arith.constant 32 : i32
        %mul3A_1211 = arith.muli %add3A_809, %mul3A_1210 : i32
        %add3A_1212 = arith.constant 30 : i32
        %add3A_1213 = arith.addi %mul3A_1211, %add3A_1212 : i32
        %get3A_1214 = arith.index_cast %add3A_1213 : i32 to index
        %get3A_1215 = arith.constant 0 : index
        %get3A_1216 = tpu.vector_load %arg8[%get3A_1214, %get3A_1215] {strides = array<i32>} : memref<2048x16xf32, #tpu.memory_space<vmem>>, vector<16xf32>,
        %mul3A_1217 = arith.mulf %gather3A_1209, %get3A_1216 : vector<16xf32>
        %add3A_1218 = arith.addf %add3A_1166, %mul3A_1217 : vector<16xf32>
        %gather3A_1219 = arith.constant 24 : i32
        %gather3A_1220 = tpu.memref_slice %arg12[%add3A_809, %gather3A_1219] : memref<64x184xf32, #tpu.memory_space<vmem>> -> memref<1x160xf32, #tpu.memory_space<vmem>>
        %gather3A_1221 = tpu.memref_squeeze %gather3A_1220 : memref<1x160xf32, #tpu.memory_space<vmem>> -> memref<160xf32, #tpu.memory_space<vmem>>
        %gather3A_1222 = tpu.vector_load_idx %gather3A_1221[%select_n3A_93] : memref<160xf32, #tpu.memory_space<vmem>>[vector<16xi32>], vector<16xf32>,
        %mul3A_1223 = arith.constant 32 : i32
        %mul3A_1224 = arith.muli %add3A_809, %mul3A_1223 : i32
        %add3A_1225 = arith.constant 31 : i32
        %add3A_1226 = arith.addi %mul3A_1224, %add3A_1225 : i32
        %get3A_1227 = arith.index_cast %add3A_1226 : i32 to index
        %get3A_1228 = arith.constant 0 : index
        %get3A_1229 = tpu.vector_load %arg8[%get3A_1227, %get3A_1228] {strides = array<i32>} : memref<2048x16xf32, #tpu.memory_space<vmem>>, vector<16xf32>,
        %mul3A_1230 = arith.mulf %gather3A_1222, %get3A_1229 : vector<16xf32>
        %add3A_1231 = arith.addf %add3A_1179, %mul3A_1230 : vector<16xf32>
        %add3A_1232 = arith.addf %add3A_1192, %add3A_1205 : vector<16xf32>
        %add3A_1233 = arith.addf %add3A_1218, %add3A_1231 : vector<16xf32>
        %add3A_1234 = arith.addf %add3A_1232, %add3A_1233 : vector<16xf32>
        %mul3A_1235 = arith.constant 16 : i32
        %mul3A_1236 = arith.muli %add3A_809, %mul3A_1235 : i32
        %swap3A_1237 = arith.index_cast %mul3A_1236 : i32 to index
        %swap3A_1238 = tpu.vector_load %arg13[%swap3A_1237] {strides = array<i32>} : memref<1024xf32, #tpu.memory_space<vmem>>, vector<16xf32>,
        tpu.vector_store %arg13[%swap3A_1237], %add3A_1234 {strides = array<i32>} : memref<1024xf32, #tpu.memory_space<vmem>>, vector<16xf32>,
      }
      %scan3A_566 = arith.constant 64 : i32
      %scan3A_567 = arith.constant 0 : i32
      %scan3A_568 = arith.constant 4 : i32
      %scan3A_569 = arith.addi %scan3A_567, %scan3A_568 : i32
      %scan3A_570 = arith.constant 1 : i32
      scf.for %scan3A_805 = %scan3A_567 to %scan3A_569 step %scan3A_570  : i32 {
        %mul3A_806 = arith.constant 1 : i32
        %mul3A_807 = arith.muli %scan3A_805, %mul3A_806 : i32
        %add3A_808 = arith.constant 0 : i32
        %add3A_809 = arith.addi %add3A_808, %mul3A_807 : i32
        %mul3A_810 = arith.constant 16 : i32
        %mul3A_811 = arith.muli %add3A_809, %mul3A_810 : i32
        %add3A_812 = vector.broadcast %mul3A_811 : i32 to vector<16xi32>
        %add3A_813 = arith.addi %add3A_812, %iota3A : vector<16xi32>
        %mul3A_814 = arith.constant 16 : i32
        %mul3A_815 = vector.broadcast %mul3A_814 : i32 to vector<16xi32>
        %mul3A_816 = arith.muli %add3A_813, %mul3A_815 : vector<16xi32>
        %add3A_817 = arith.constant 0 : i32
        %add3A_818 = vector.broadcast %add3A_817 : i32 to vector<16xi32>
        %add3A_819 = arith.addi %mul3A_816, %add3A_818 : vector<16xi32>
        %gather3A = tpu.vector_load_idx %arg13[%add3A_819] : memref<1024xf32, #tpu.memory_space<vmem>>[vector<16xi32>], vector<16xf32>,
        %add3A_820 = arith.constant 1 : i32
        %add3A_821 = vector.broadcast %add3A_820 : i32 to vector<16xi32>
        %add3A_822 = arith.addi %mul3A_816, %add3A_821 : vector<16xi32>
        %gather3A_823 = tpu.vector_load_idx %arg13[%add3A_822] : memref<1024xf32, #tpu.memory_space<vmem>>[vector<16xi32>], vector<16xf32>,
        %add3A_824 = arith.constant 2 : i32
        %add3A_825 = vector.broadcast %add3A_824 : i32 to vector<16xi32>
        %add3A_826 = arith.addi %mul3A_816, %add3A_825 : vector<16xi32>
        %gather3A_827 = tpu.vector_load_idx %arg13[%add3A_826] : memref<1024xf32, #tpu.memory_space<vmem>>[vector<16xi32>], vector<16xf32>,
        %add3A_828 = arith.constant 3 : i32
        %add3A_829 = vector.broadcast %add3A_828 : i32 to vector<16xi32>
        %add3A_830 = arith.addi %mul3A_816, %add3A_829 : vector<16xi32>
        %gather3A_831 = tpu.vector_load_idx %arg13[%add3A_830] : memref<1024xf32, #tpu.memory_space<vmem>>[vector<16xi32>], vector<16xf32>,
        %add3A_832 = arith.addf %gather3A, %gather3A_823 : vector<16xf32>
        %add3A_833 = arith.addf %gather3A_827, %gather3A_831 : vector<16xf32>
        %add3A_834 = arith.addf %add3A_832, %add3A_833 : vector<16xf32>
        %mul3A_835 = arith.constant 64 : i32
        %mul3A_836 = arith.muli %add3A_340, %mul3A_835 : i32
        %add3A_837 = arith.constant 0 : i32
        %add3A_838 = arith.addi %add3A_837, %mul3A_836 : i32
        %mul3A_839 = arith.constant 16 : i32
        %mul3A_840 = arith.muli %add3A_809, %mul3A_839 : i32
        %add3A_841 = arith.addi %add3A_838, %mul3A_840 : i32
        %swap3A_842 = arith.index_cast %add3A_841 : i32 to index
        %swap3A_843 = tpu.vector_load %arg14[%swap3A_842] {strides = array<i32>} : memref<12544xf32, #tpu.memory_space<vmem>>, vector<16xf32>,
        tpu.vector_store %arg14[%swap3A_842], %add3A_834 {strides = array<i32>} : memref<12544xf32, #tpu.memory_space<vmem>>, vector<16xf32>,
        %add3A_844 = arith.constant 4 : i32
        %add3A_845 = vector.broadcast %add3A_844 : i32 to vector<16xi32>
        %add3A_846 = arith.addi %mul3A_816, %add3A_845 : vector<16xi32>
        %gather3A_847 = tpu.vector_load_idx %arg13[%add3A_846] : memref<1024xf32, #tpu.memory_space<vmem>>[vector<16xi32>], vector<16xf32>,
        %add3A_848 = arith.constant 5 : i32
        %add3A_849 = vector.broadcast %add3A_848 : i32 to vector<16xi32>
        %add3A_850 = arith.addi %mul3A_816, %add3A_849 : vector<16xi32>
        %gather3A_851 = tpu.vector_load_idx %arg13[%add3A_850] : memref<1024xf32, #tpu.memory_space<vmem>>[vector<16xi32>], vector<16xf32>,
        %add3A_852 = arith.constant 6 : i32
        %add3A_853 = vector.broadcast %add3A_852 : i32 to vector<16xi32>
        %add3A_854 = arith.addi %mul3A_816, %add3A_853 : vector<16xi32>
        %gather3A_855 = tpu.vector_load_idx %arg13[%add3A_854] : memref<1024xf32, #tpu.memory_space<vmem>>[vector<16xi32>], vector<16xf32>,
        %add3A_856 = arith.constant 7 : i32
        %add3A_857 = vector.broadcast %add3A_856 : i32 to vector<16xi32>
        %add3A_858 = arith.addi %mul3A_816, %add3A_857 : vector<16xi32>
        %gather3A_859 = tpu.vector_load_idx %arg13[%add3A_858] : memref<1024xf32, #tpu.memory_space<vmem>>[vector<16xi32>], vector<16xf32>,
        %add3A_860 = arith.addf %gather3A_847, %gather3A_851 : vector<16xf32>
        %add3A_861 = arith.addf %gather3A_855, %gather3A_859 : vector<16xf32>
        %add3A_862 = arith.addf %add3A_860, %add3A_861 : vector<16xf32>
        %mul3A_863 = arith.constant 64 : i32
        %mul3A_864 = arith.muli %add3A_340, %mul3A_863 : i32
        %add3A_865 = arith.constant 3136 : i32
        %add3A_866 = arith.addi %add3A_865, %mul3A_864 : i32
        %mul3A_867 = arith.constant 16 : i32
        %mul3A_868 = arith.muli %add3A_809, %mul3A_867 : i32
        %add3A_869 = arith.addi %add3A_866, %mul3A_868 : i32
        %swap3A_870 = arith.index_cast %add3A_869 : i32 to index
        %swap3A_871 = tpu.vector_load %arg14[%swap3A_870] {strides = array<i32>} : memref<12544xf32, #tpu.memory_space<vmem>>, vector<16xf32>,
        tpu.vector_store %arg14[%swap3A_870], %add3A_862 {strides = array<i32>} : memref<12544xf32, #tpu.memory_space<vmem>>, vector<16xf32>,
        %add3A_872 = arith.constant 8 : i32
        %add3A_873 = vector.broadcast %add3A_872 : i32 to vector<16xi32>
        %add3A_874 = arith.addi %mul3A_816, %add3A_873 : vector<16xi32>
        %gather3A_875 = tpu.vector_load_idx %arg13[%add3A_874] : memref<1024xf32, #tpu.memory_space<vmem>>[vector<16xi32>], vector<16xf32>,
        %add3A_876 = arith.constant 9 : i32
        %add3A_877 = vector.broadcast %add3A_876 : i32 to vector<16xi32>
        %add3A_878 = arith.addi %mul3A_816, %add3A_877 : vector<16xi32>
        %gather3A_879 = tpu.vector_load_idx %arg13[%add3A_878] : memref<1024xf32, #tpu.memory_space<vmem>>[vector<16xi32>], vector<16xf32>,
        %add3A_880 = arith.constant 10 : i32
        %add3A_881 = vector.broadcast %add3A_880 : i32 to vector<16xi32>
        %add3A_882 = arith.addi %mul3A_816, %add3A_881 : vector<16xi32>
        %gather3A_883 = tpu.vector_load_idx %arg13[%add3A_882] : memref<1024xf32, #tpu.memory_space<vmem>>[vector<16xi32>], vector<16xf32>,
        %add3A_884 = arith.constant 11 : i32
        %add3A_885 = vector.broadcast %add3A_884 : i32 to vector<16xi32>
        %add3A_886 = arith.addi %mul3A_816, %add3A_885 : vector<16xi32>
        %gather3A_887 = tpu.vector_load_idx %arg13[%add3A_886] : memref<1024xf32, #tpu.memory_space<vmem>>[vector<16xi32>], vector<16xf32>,
        %add3A_888 = arith.addf %gather3A_875, %gather3A_879 : vector<16xf32>
        %add3A_889 = arith.addf %gather3A_883, %gather3A_887 : vector<16xf32>
        %add3A_890 = arith.addf %add3A_888, %add3A_889 : vector<16xf32>
        %mul3A_891 = arith.constant 64 : i32
        %mul3A_892 = arith.muli %add3A_340, %mul3A_891 : i32
        %add3A_893 = arith.constant 6272 : i32
        %add3A_894 = arith.addi %add3A_893, %mul3A_892 : i32
        %mul3A_895 = arith.constant 16 : i32
        %mul3A_896 = arith.muli %add3A_809, %mul3A_895 : i32
        %add3A_897 = arith.addi %add3A_894, %mul3A_896 : i32
        %swap3A_898 = arith.index_cast %add3A_897 : i32 to index
        %swap3A_899 = tpu.vector_load %arg14[%swap3A_898] {strides = array<i32>} : memref<12544xf32, #tpu.memory_space<vmem>>, vector<16xf32>,
        tpu.vector_store %arg14[%swap3A_898], %add3A_890 {strides = array<i32>} : memref<12544xf32, #tpu.memory_space<vmem>>, vector<16xf32>,
        %add3A_900 = arith.constant 12 : i32
        %add3A_901 = vector.broadcast %add3A_900 : i32 to vector<16xi32>
        %add3A_902 = arith.addi %mul3A_816, %add3A_901 : vector<16xi32>
        %gather3A_903 = tpu.vector_load_idx %arg13[%add3A_902] : memref<1024xf32, #tpu.memory_space<vmem>>[vector<16xi32>], vector<16xf32>,
        %add3A_904 = arith.constant 13 : i32
        %add3A_905 = vector.broadcast %add3A_904 : i32 to vector<16xi32>
        %add3A_906 = arith.addi %mul3A_816, %add3A_905 : vector<16xi32>
        %gather3A_907 = tpu.vector_load_idx %arg13[%add3A_906] : memref<1024xf32, #tpu.memory_space<vmem>>[vector<16xi32>], vector<16xf32>,
        %add3A_908 = arith.constant 14 : i32
        %add3A_909 = vector.broadcast %add3A_908 : i32 to vector<16xi32>
        %add3A_910 = arith.addi %mul3A_816, %add3A_909 : vector<16xi32>
        %gather3A_911 = tpu.vector_load_idx %arg13[%add3A_910] : memref<1024xf32, #tpu.memory_space<vmem>>[vector<16xi32>], vector<16xf32>,
        %add3A_912 = arith.constant 15 : i32
        %add3A_913 = vector.broadcast %add3A_912 : i32 to vector<16xi32>
        %add3A_914 = arith.addi %mul3A_816, %add3A_913 : vector<16xi32>
        %gather3A_915 = tpu.vector_load_idx %arg13[%add3A_914] : memref<1024xf32, #tpu.memory_space<vmem>>[vector<16xi32>], vector<16xf32>,
        %add3A_916 = arith.addf %gather3A_903, %gather3A_907 : vector<16xf32>
        %add3A_917 = arith.addf %gather3A_911, %gather3A_915 : vector<16xf32>
        %add3A_918 = arith.addf %add3A_916, %add3A_917 : vector<16xf32>
        %mul3A_919 = arith.constant 64 : i32
        %mul3A_920 = arith.muli %add3A_340, %mul3A_919 : i32
        %add3A_921 = arith.constant 9408 : i32
        %add3A_922 = arith.addi %add3A_921, %mul3A_920 : i32
        %mul3A_923 = arith.constant 16 : i32
        %mul3A_924 = arith.muli %add3A_809, %mul3A_923 : i32
        %add3A_925 = arith.addi %add3A_922, %mul3A_924 : i32
        %swap3A_926 = arith.index_cast %add3A_925 : i32 to index
        %swap3A_927 = tpu.vector_load %arg14[%swap3A_926] {strides = array<i32>} : memref<12544xf32, #tpu.memory_space<vmem>>, vector<16xf32>,
        tpu.vector_store %arg14[%swap3A_926], %add3A_918 {strides = array<i32>} : memref<12544xf32, #tpu.memory_space<vmem>>, vector<16xf32>,
      }
      %scan3A_571 = arith.constant 4 : i32
      %add3A_572 = arith.constant 2 : i32
      %add3A_573 = arith.addi %add3A_340, %add3A_572 : i32
      %mul3A_574 = arith.constant 64 : i32
      %mul3A_575 = arith.muli %add3A_573, %mul3A_574 : i32
      %add3A_576 = arith.addi %min3A_3, %mul3A_575 : i32
      %multiple_of3A_577 = tpu.assume_multiple %add3A_576, 32 : i32
      %mul3A_578 = arith.constant 32 : i32
      %mul3A_579 = arith.muli %multiple_of3A_577, %mul3A_578 : i32
      %jit3A_580 = arith.constant 128 : i32
      %div3A_581 = arith.divsi %mul3A_579, %jit3A_580 : i32
      %sign3A_582 = arith.constant 0 : i32
      %sign3A_583 = arith.cmpi sgt, %mul3A_579, %sign3A_582 : i32
      %sign3A_584 = arith.extui %sign3A_583 : i1 to i32
      %sign3A_585 = arith.constant 0 : i32
      %sign3A_586 = arith.cmpi slt, %mul3A_579, %sign3A_585 : i32
      %sign3A_587 = arith.extui %sign3A_586 : i1 to i32
      %sign3A_588 = arith.subi %sign3A_584, %sign3A_587 : i32
      %sign3A_589 = arith.constant 0 : i32
      %sign3A_590 = arith.cmpi sgt, %jit3A_580, %sign3A_589 : i32
      %sign3A_591 = arith.extui %sign3A_590 : i1 to i32
      %sign3A_592 = arith.constant 0 : i32
      %sign3A_593 = arith.cmpi slt, %jit3A_580, %sign3A_592 : i32
      %sign3A_594 = arith.extui %sign3A_593 : i1 to i32
      %sign3A_595 = arith.subi %sign3A_591, %sign3A_594 : i32
      %ne3A_596 = arith.cmpi ne, %sign3A_588, %sign3A_595 : i32
      %rem3A_597 = arith.remsi %mul3A_579, %jit3A_580 : i32
      %ne3A_598 = arith.constant 0 : i32
      %ne3A_599 = arith.cmpi ne, %rem3A_597, %ne3A_598 : i32
      %and3A_600 = arith.andi %ne3A_596, %ne3A_599 : i1
      %sub3A_601 = arith.constant 1 : i32
      %sub3A_602 = arith.subi %div3A_581, %sub3A_601 : i32
      %select_n3A_603 = arith.select %and3A_600, %sub3A_602, %div3A_581 : i32
      "tpu.region"() ({
        %run_scoped3A = tpu.sem_alloc : memref<!tpu.dma_semaphore, #tpu.memory_space<semaphore_mem>>
        %dma_start3A_805 = arith.constant 0 : i32
        %dma_start3A_806 = tpu.memref_slice %arg3[%select_n3A_603, %dma_start3A_805] : memref<25000x128xi32, #tpu.memory_space<hbm>> -> memref<16x128xi32, #tpu.memory_space<hbm>>
        %dma_start3A_807 = arith.constant 0 : i32
        %dma_start3A_808 = tpu.memref_slice %arg3[%select_n3A_603, %dma_start3A_807] : memref<25000x128xi32, #tpu.memory_space<hbm>> -> memref<16x128xi32, #tpu.memory_space<hbm>>
        tpu.enqueue_dma source(%dma_start3A_808 : memref<16x128xi32, #tpu.memory_space<hbm>>) target(%arg6 : memref<16x128xi32, #tpu.memory_space<vmem>>) target_semaphore(%run_scoped3A : memref<!tpu.dma_semaphore, #tpu.memory_space<semaphore_mem>>)
        %dma_wait3A_809 = arith.constant 0 : i32
        %dma_wait3A_810 = tpu.memref_slice %arg3[%select_n3A_603, %dma_wait3A_809] : memref<25000x128xi32, #tpu.memory_space<hbm>> -> memref<16x128xi32, #tpu.memory_space<hbm>>
        %dma_wait3A_811 = arith.constant 0 : i32
        %dma_wait3A_812 = tpu.memref_slice %arg3[%select_n3A_603, %dma_wait3A_811] : memref<25000x128xi32, #tpu.memory_space<hbm>> -> memref<16x128xi32, #tpu.memory_space<hbm>>
        tpu.wait_dma2 semaphore(%run_scoped3A : memref<!tpu.dma_semaphore, #tpu.memory_space<semaphore_mem>>) src(%dma_wait3A_812 : memref<16x128xi32, #tpu.memory_space<hbm>>) dst(%arg6 : memref<16x128xi32, #tpu.memory_space<vmem>>)
        tpu.yield
      }) : () -> ()
      %dma_start3A_604 = arith.constant 0 : i32
      %dma_start3A_605 = arith.constant 0 : i32
      %dma_start3A_606 = arith.constant 0 : i32
      %dma_start3A_607 = tpu.memref_slice %arg8[%dma_start3A_605, %dma_start3A_606] : memref<2048x16xf32, #tpu.memory_space<vmem>> -> memref<128x16xf32, #tpu.memory_space<vmem>>
      %dma_start3A_608 = arith.constant 0 : i32
      %dma_start3A_609 = tpu.memref_slice %arg6[%dma_start3A_604, %dma_start3A_608] : memref<16x128xi32, #tpu.memory_space<vmem>> -> memref<1x128xi32, #tpu.memory_space<vmem>>
      %dma_start3A_610 = tpu.memref_squeeze %dma_start3A_609 : memref<1x128xi32, #tpu.memory_space<vmem>> -> memref<128xi32, #tpu.memory_space<vmem>>
      %dma_start3A_611 = arith.constant 0 : i32
      %dma_start3A_612 = arith.constant 0 : i32
      %dma_start3A_613 = tpu.memref_slice %arg2[%dma_start3A_611, %dma_start3A_612] : memref<100000x16xf32, #tpu.memory_space<hbm>> -> memref<100000x16xf32, #tpu.memory_space<hbm>>
      tpu.enqueue_indirect_dma source(%dma_start3A_613 : memref<100000x16xf32, #tpu.memory_space<hbm>>) target(%dma_start3A_607 : memref<128x16xf32, #tpu.memory_space<vmem>>) offsets(%dma_start3A_610 : memref<128xi32, #tpu.memory_space<vmem>>) semaphore(%arg15 : memref<!tpu.dma_semaphore, #tpu.memory_space<semaphore_mem>>)
      %dma_start3A_614 = arith.constant 1 : i32
      %dma_start3A_615 = arith.constant 128 : i32
      %dma_start3A_616 = arith.constant 0 : i32
      %dma_start3A_617 = tpu.memref_slice %arg8[%dma_start3A_615, %dma_start3A_616] : memref<2048x16xf32, #tpu.memory_space<vmem>> -> memref<128x16xf32, #tpu.memory_space<vmem>>
      %dma_start3A_618 = arith.constant 0 : i32
      %dma_start3A_619 = tpu.memref_slice %arg6[%dma_start3A_614, %dma_start3A_618] : memref<16x128xi32, #tpu.memory_space<vmem>> -> memref<1x128xi32, #tpu.memory_space<vmem>>
      %dma_start3A_620 = tpu.memref_squeeze %dma_start3A_619 : memref<1x128xi32, #tpu.memory_space<vmem>> -> memref<128xi32, #tpu.memory_space<vmem>>
      %dma_start3A_621 = arith.constant 0 : i32
      %dma_start3A_622 = arith.constant 0 : i32
      %dma_start3A_623 = tpu.memref_slice %arg2[%dma_start3A_621, %dma_start3A_622] : memref<100000x16xf32, #tpu.memory_space<hbm>> -> memref<100000x16xf32, #tpu.memory_space<hbm>>
      tpu.enqueue_indirect_dma source(%dma_start3A_623 : memref<100000x16xf32, #tpu.memory_space<hbm>>) target(%dma_start3A_617 : memref<128x16xf32, #tpu.memory_space<vmem>>) offsets(%dma_start3A_620 : memref<128xi32, #tpu.memory_space<vmem>>) semaphore(%arg15 : memref<!tpu.dma_semaphore, #tpu.memory_space<semaphore_mem>>)
      %dma_start3A_624 = arith.constant 2 : i32
      %dma_start3A_625 = arith.constant 256 : i32
      %dma_start3A_626 = arith.constant 0 : i32
      %dma_start3A_627 = tpu.memref_slice %arg8[%dma_start3A_625, %dma_start3A_626] : memref<2048x16xf32, #tpu.memory_space<vmem>> -> memref<128x16xf32, #tpu.memory_space<vmem>>
      %dma_start3A_628 = arith.constant 0 : i32
      %dma_start3A_629 = tpu.memref_slice %arg6[%dma_start3A_624, %dma_start3A_628] : memref<16x128xi32, #tpu.memory_space<vmem>> -> memref<1x128xi32, #tpu.memory_space<vmem>>
      %dma_start3A_630 = tpu.memref_squeeze %dma_start3A_629 : memref<1x128xi32, #tpu.memory_space<vmem>> -> memref<128xi32, #tpu.memory_space<vmem>>
      %dma_start3A_631 = arith.constant 0 : i32
      %dma_start3A_632 = arith.constant 0 : i32
      %dma_start3A_633 = tpu.memref_slice %arg2[%dma_start3A_631, %dma_start3A_632] : memref<100000x16xf32, #tpu.memory_space<hbm>> -> memref<100000x16xf32, #tpu.memory_space<hbm>>
      tpu.enqueue_indirect_dma source(%dma_start3A_633 : memref<100000x16xf32, #tpu.memory_space<hbm>>) target(%dma_start3A_627 : memref<128x16xf32, #tpu.memory_space<vmem>>) offsets(%dma_start3A_630 : memref<128xi32, #tpu.memory_space<vmem>>) semaphore(%arg15 : memref<!tpu.dma_semaphore, #tpu.memory_space<semaphore_mem>>)
      %dma_start3A_634 = arith.constant 3 : i32
      %dma_start3A_635 = arith.constant 384 : i32
      %dma_start3A_636 = arith.constant 0 : i32
      %dma_start3A_637 = tpu.memref_slice %arg8[%dma_start3A_635, %dma_start3A_636] : memref<2048x16xf32, #tpu.memory_space<vmem>> -> memref<128x16xf32, #tpu.memory_space<vmem>>
      %dma_start3A_638 = arith.constant 0 : i32
      %dma_start3A_639 = tpu.memref_slice %arg6[%dma_start3A_634, %dma_start3A_638] : memref<16x128xi32, #tpu.memory_space<vmem>> -> memref<1x128xi32, #tpu.memory_space<vmem>>
      %dma_start3A_640 = tpu.memref_squeeze %dma_start3A_639 : memref<1x128xi32, #tpu.memory_space<vmem>> -> memref<128xi32, #tpu.memory_space<vmem>>
      %dma_start3A_641 = arith.constant 0 : i32
      %dma_start3A_642 = arith.constant 0 : i32
      %dma_start3A_643 = tpu.memref_slice %arg2[%dma_start3A_641, %dma_start3A_642] : memref<100000x16xf32, #tpu.memory_space<hbm>> -> memref<100000x16xf32, #tpu.memory_space<hbm>>
      tpu.enqueue_indirect_dma source(%dma_start3A_643 : memref<100000x16xf32, #tpu.memory_space<hbm>>) target(%dma_start3A_637 : memref<128x16xf32, #tpu.memory_space<vmem>>) offsets(%dma_start3A_640 : memref<128xi32, #tpu.memory_space<vmem>>) semaphore(%arg15 : memref<!tpu.dma_semaphore, #tpu.memory_space<semaphore_mem>>)
      %dma_start3A_644 = arith.constant 4 : i32
      %dma_start3A_645 = arith.constant 512 : i32
      %dma_start3A_646 = arith.constant 0 : i32
      %dma_start3A_647 = tpu.memref_slice %arg8[%dma_start3A_645, %dma_start3A_646] : memref<2048x16xf32, #tpu.memory_space<vmem>> -> memref<128x16xf32, #tpu.memory_space<vmem>>
      %dma_start3A_648 = arith.constant 0 : i32
      %dma_start3A_649 = tpu.memref_slice %arg6[%dma_start3A_644, %dma_start3A_648] : memref<16x128xi32, #tpu.memory_space<vmem>> -> memref<1x128xi32, #tpu.memory_space<vmem>>
      %dma_start3A_650 = tpu.memref_squeeze %dma_start3A_649 : memref<1x128xi32, #tpu.memory_space<vmem>> -> memref<128xi32, #tpu.memory_space<vmem>>
      %dma_start3A_651 = arith.constant 0 : i32
      %dma_start3A_652 = arith.constant 0 : i32
      %dma_start3A_653 = tpu.memref_slice %arg2[%dma_start3A_651, %dma_start3A_652] : memref<100000x16xf32, #tpu.memory_space<hbm>> -> memref<100000x16xf32, #tpu.memory_space<hbm>>
      tpu.enqueue_indirect_dma source(%dma_start3A_653 : memref<100000x16xf32, #tpu.memory_space<hbm>>) target(%dma_start3A_647 : memref<128x16xf32, #tpu.memory_space<vmem>>) offsets(%dma_start3A_650 : memref<128xi32, #tpu.memory_space<vmem>>) semaphore(%arg15 : memref<!tpu.dma_semaphore, #tpu.memory_space<semaphore_mem>>)
      %dma_start3A_654 = arith.constant 5 : i32
      %dma_start3A_655 = arith.constant 640 : i32
      %dma_start3A_656 = arith.constant 0 : i32
      %dma_start3A_657 = tpu.memref_slice %arg8[%dma_start3A_655, %dma_start3A_656] : memref<2048x16xf32, #tpu.memory_space<vmem>> -> memref<128x16xf32, #tpu.memory_space<vmem>>
      %dma_start3A_658 = arith.constant 0 : i32
      %dma_start3A_659 = tpu.memref_slice %arg6[%dma_start3A_654, %dma_start3A_658] : memref<16x128xi32, #tpu.memory_space<vmem>> -> memref<1x128xi32, #tpu.memory_space<vmem>>
      %dma_start3A_660 = tpu.memref_squeeze %dma_start3A_659 : memref<1x128xi32, #tpu.memory_space<vmem>> -> memref<128xi32, #tpu.memory_space<vmem>>
      %dma_start3A_661 = arith.constant 0 : i32
      %dma_start3A_662 = arith.constant 0 : i32
      %dma_start3A_663 = tpu.memref_slice %arg2[%dma_start3A_661, %dma_start3A_662] : memref<100000x16xf32, #tpu.memory_space<hbm>> -> memref<100000x16xf32, #tpu.memory_space<hbm>>
      tpu.enqueue_indirect_dma source(%dma_start3A_663 : memref<100000x16xf32, #tpu.memory_space<hbm>>) target(%dma_start3A_657 : memref<128x16xf32, #tpu.memory_space<vmem>>) offsets(%dma_start3A_660 : memref<128xi32, #tpu.memory_space<vmem>>) semaphore(%arg15 : memref<!tpu.dma_semaphore, #tpu.memory_space<semaphore_mem>>)
      %dma_start3A_664 = arith.constant 6 : i32
      %dma_start3A_665 = arith.constant 768 : i32
      %dma_start3A_666 = arith.constant 0 : i32
      %dma_start3A_667 = tpu.memref_slice %arg8[%dma_start3A_665, %dma_start3A_666] : memref<2048x16xf32, #tpu.memory_space<vmem>> -> memref<128x16xf32, #tpu.memory_space<vmem>>
      %dma_start3A_668 = arith.constant 0 : i32
      %dma_start3A_669 = tpu.memref_slice %arg6[%dma_start3A_664, %dma_start3A_668] : memref<16x128xi32, #tpu.memory_space<vmem>> -> memref<1x128xi32, #tpu.memory_space<vmem>>
      %dma_start3A_670 = tpu.memref_squeeze %dma_start3A_669 : memref<1x128xi32, #tpu.memory_space<vmem>> -> memref<128xi32, #tpu.memory_space<vmem>>
      %dma_start3A_671 = arith.constant 0 : i32
      %dma_start3A_672 = arith.constant 0 : i32
      %dma_start3A_673 = tpu.memref_slice %arg2[%dma_start3A_671, %dma_start3A_672] : memref<100000x16xf32, #tpu.memory_space<hbm>> -> memref<100000x16xf32, #tpu.memory_space<hbm>>
      tpu.enqueue_indirect_dma source(%dma_start3A_673 : memref<100000x16xf32, #tpu.memory_space<hbm>>) target(%dma_start3A_667 : memref<128x16xf32, #tpu.memory_space<vmem>>) offsets(%dma_start3A_670 : memref<128xi32, #tpu.memory_space<vmem>>) semaphore(%arg15 : memref<!tpu.dma_semaphore, #tpu.memory_space<semaphore_mem>>)
      %dma_start3A_674 = arith.constant 7 : i32
      %dma_start3A_675 = arith.constant 896 : i32
      %dma_start3A_676 = arith.constant 0 : i32
      %dma_start3A_677 = tpu.memref_slice %arg8[%dma_start3A_675, %dma_start3A_676] : memref<2048x16xf32, #tpu.memory_space<vmem>> -> memref<128x16xf32, #tpu.memory_space<vmem>>
      %dma_start3A_678 = arith.constant 0 : i32
      %dma_start3A_679 = tpu.memref_slice %arg6[%dma_start3A_674, %dma_start3A_678] : memref<16x128xi32, #tpu.memory_space<vmem>> -> memref<1x128xi32, #tpu.memory_space<vmem>>
      %dma_start3A_680 = tpu.memref_squeeze %dma_start3A_679 : memref<1x128xi32, #tpu.memory_space<vmem>> -> memref<128xi32, #tpu.memory_space<vmem>>
      %dma_start3A_681 = arith.constant 0 : i32
      %dma_start3A_682 = arith.constant 0 : i32
      %dma_start3A_683 = tpu.memref_slice %arg2[%dma_start3A_681, %dma_start3A_682] : memref<100000x16xf32, #tpu.memory_space<hbm>> -> memref<100000x16xf32, #tpu.memory_space<hbm>>
      tpu.enqueue_indirect_dma source(%dma_start3A_683 : memref<100000x16xf32, #tpu.memory_space<hbm>>) target(%dma_start3A_677 : memref<128x16xf32, #tpu.memory_space<vmem>>) offsets(%dma_start3A_680 : memref<128xi32, #tpu.memory_space<vmem>>) semaphore(%arg15 : memref<!tpu.dma_semaphore, #tpu.memory_space<semaphore_mem>>)
      %dma_start3A_684 = arith.constant 8 : i32
      %dma_start3A_685 = arith.constant 1024 : i32
      %dma_start3A_686 = arith.constant 0 : i32
      %dma_start3A_687 = tpu.memref_slice %arg8[%dma_start3A_685, %dma_start3A_686] : memref<2048x16xf32, #tpu.memory_space<vmem>> -> memref<128x16xf32, #tpu.memory_space<vmem>>
      %dma_start3A_688 = arith.constant 0 : i32
      %dma_start3A_689 = tpu.memref_slice %arg6[%dma_start3A_684, %dma_start3A_688] : memref<16x128xi32, #tpu.memory_space<vmem>> -> memref<1x128xi32, #tpu.memory_space<vmem>>
      %dma_start3A_690 = tpu.memref_squeeze %dma_start3A_689 : memref<1x128xi32, #tpu.memory_space<vmem>> -> memref<128xi32, #tpu.memory_space<vmem>>
      %dma_start3A_691 = arith.constant 0 : i32
      %dma_start3A_692 = arith.constant 0 : i32
      %dma_start3A_693 = tpu.memref_slice %arg2[%dma_start3A_691, %dma_start3A_692] : memref<100000x16xf32, #tpu.memory_space<hbm>> -> memref<100000x16xf32, #tpu.memory_space<hbm>>
      tpu.enqueue_indirect_dma source(%dma_start3A_693 : memref<100000x16xf32, #tpu.memory_space<hbm>>) target(%dma_start3A_687 : memref<128x16xf32, #tpu.memory_space<vmem>>) offsets(%dma_start3A_690 : memref<128xi32, #tpu.memory_space<vmem>>) semaphore(%arg15 : memref<!tpu.dma_semaphore, #tpu.memory_space<semaphore_mem>>)
      %dma_start3A_694 = arith.constant 9 : i32
      %dma_start3A_695 = arith.constant 1152 : i32
      %dma_start3A_696 = arith.constant 0 : i32
      %dma_start3A_697 = tpu.memref_slice %arg8[%dma_start3A_695, %dma_start3A_696] : memref<2048x16xf32, #tpu.memory_space<vmem>> -> memref<128x16xf32, #tpu.memory_space<vmem>>
      %dma_start3A_698 = arith.constant 0 : i32
      %dma_start3A_699 = tpu.memref_slice %arg6[%dma_start3A_694, %dma_start3A_698] : memref<16x128xi32, #tpu.memory_space<vmem>> -> memref<1x128xi32, #tpu.memory_space<vmem>>
      %dma_start3A_700 = tpu.memref_squeeze %dma_start3A_699 : memref<1x128xi32, #tpu.memory_space<vmem>> -> memref<128xi32, #tpu.memory_space<vmem>>
      %dma_start3A_701 = arith.constant 0 : i32
      %dma_start3A_702 = arith.constant 0 : i32
      %dma_start3A_703 = tpu.memref_slice %arg2[%dma_start3A_701, %dma_start3A_702] : memref<100000x16xf32, #tpu.memory_space<hbm>> -> memref<100000x16xf32, #tpu.memory_space<hbm>>
      tpu.enqueue_indirect_dma source(%dma_start3A_703 : memref<100000x16xf32, #tpu.memory_space<hbm>>) target(%dma_start3A_697 : memref<128x16xf32, #tpu.memory_space<vmem>>) offsets(%dma_start3A_700 : memref<128xi32, #tpu.memory_space<vmem>>) semaphore(%arg15 : memref<!tpu.dma_semaphore, #tpu.memory_space<semaphore_mem>>)
      %dma_start3A_704 = arith.constant 10 : i32
      %dma_start3A_705 = arith.constant 1280 : i32
      %dma_start3A_706 = arith.constant 0 : i32
      %dma_start3A_707 = tpu.memref_slice %arg8[%dma_start3A_705, %dma_start3A_706] : memref<2048x16xf32, #tpu.memory_space<vmem>> -> memref<128x16xf32, #tpu.memory_space<vmem>>
      %dma_start3A_708 = arith.constant 0 : i32
      %dma_start3A_709 = tpu.memref_slice %arg6[%dma_start3A_704, %dma_start3A_708] : memref<16x128xi32, #tpu.memory_space<vmem>> -> memref<1x128xi32, #tpu.memory_space<vmem>>
      %dma_start3A_710 = tpu.memref_squeeze %dma_start3A_709 : memref<1x128xi32, #tpu.memory_space<vmem>> -> memref<128xi32, #tpu.memory_space<vmem>>
      %dma_start3A_711 = arith.constant 0 : i32
      %dma_start3A_712 = arith.constant 0 : i32
      %dma_start3A_713 = tpu.memref_slice %arg2[%dma_start3A_711, %dma_start3A_712] : memref<100000x16xf32, #tpu.memory_space<hbm>> -> memref<100000x16xf32, #tpu.memory_space<hbm>>
      tpu.enqueue_indirect_dma source(%dma_start3A_713 : memref<100000x16xf32, #tpu.memory_space<hbm>>) target(%dma_start3A_707 : memref<128x16xf32, #tpu.memory_space<vmem>>) offsets(%dma_start3A_710 : memref<128xi32, #tpu.memory_space<vmem>>) semaphore(%arg15 : memref<!tpu.dma_semaphore, #tpu.memory_space<semaphore_mem>>)
      %dma_start3A_714 = arith.constant 11 : i32
      %dma_start3A_715 = arith.constant 1408 : i32
      %dma_start3A_716 = arith.constant 0 : i32
      %dma_start3A_717 = tpu.memref_slice %arg8[%dma_start3A_715, %dma_start3A_716] : memref<2048x16xf32, #tpu.memory_space<vmem>> -> memref<128x16xf32, #tpu.memory_space<vmem>>
      %dma_start3A_718 = arith.constant 0 : i32
      %dma_start3A_719 = tpu.memref_slice %arg6[%dma_start3A_714, %dma_start3A_718] : memref<16x128xi32, #tpu.memory_space<vmem>> -> memref<1x128xi32, #tpu.memory_space<vmem>>
      %dma_start3A_720 = tpu.memref_squeeze %dma_start3A_719 : memref<1x128xi32, #tpu.memory_space<vmem>> -> memref<128xi32, #tpu.memory_space<vmem>>
      %dma_start3A_721 = arith.constant 0 : i32
      %dma_start3A_722 = arith.constant 0 : i32
      %dma_start3A_723 = tpu.memref_slice %arg2[%dma_start3A_721, %dma_start3A_722] : memref<100000x16xf32, #tpu.memory_space<hbm>> -> memref<100000x16xf32, #tpu.memory_space<hbm>>
      tpu.enqueue_indirect_dma source(%dma_start3A_723 : memref<100000x16xf32, #tpu.memory_space<hbm>>) target(%dma_start3A_717 : memref<128x16xf32, #tpu.memory_space<vmem>>) offsets(%dma_start3A_720 : memref<128xi32, #tpu.memory_space<vmem>>) semaphore(%arg15 : memref<!tpu.dma_semaphore, #tpu.memory_space<semaphore_mem>>)
      %dma_start3A_724 = arith.constant 12 : i32
      %dma_start3A_725 = arith.constant 1536 : i32
      %dma_start3A_726 = arith.constant 0 : i32
      %dma_start3A_727 = tpu.memref_slice %arg8[%dma_start3A_725, %dma_start3A_726] : memref<2048x16xf32, #tpu.memory_space<vmem>> -> memref<128x16xf32, #tpu.memory_space<vmem>>
      %dma_start3A_728 = arith.constant 0 : i32
      %dma_start3A_729 = tpu.memref_slice %arg6[%dma_start3A_724, %dma_start3A_728] : memref<16x128xi32, #tpu.memory_space<vmem>> -> memref<1x128xi32, #tpu.memory_space<vmem>>
      %dma_start3A_730 = tpu.memref_squeeze %dma_start3A_729 : memref<1x128xi32, #tpu.memory_space<vmem>> -> memref<128xi32, #tpu.memory_space<vmem>>
      %dma_start3A_731 = arith.constant 0 : i32
      %dma_start3A_732 = arith.constant 0 : i32
      %dma_start3A_733 = tpu.memref_slice %arg2[%dma_start3A_731, %dma_start3A_732] : memref<100000x16xf32, #tpu.memory_space<hbm>> -> memref<100000x16xf32, #tpu.memory_space<hbm>>
      tpu.enqueue_indirect_dma source(%dma_start3A_733 : memref<100000x16xf32, #tpu.memory_space<hbm>>) target(%dma_start3A_727 : memref<128x16xf32, #tpu.memory_space<vmem>>) offsets(%dma_start3A_730 : memref<128xi32, #tpu.memory_space<vmem>>) semaphore(%arg15 : memref<!tpu.dma_semaphore, #tpu.memory_space<semaphore_mem>>)
      %dma_start3A_734 = arith.constant 13 : i32
      %dma_start3A_735 = arith.constant 1664 : i32
      %dma_start3A_736 = arith.constant 0 : i32
      %dma_start3A_737 = tpu.memref_slice %arg8[%dma_start3A_735, %dma_start3A_736] : memref<2048x16xf32, #tpu.memory_space<vmem>> -> memref<128x16xf32, #tpu.memory_space<vmem>>
      %dma_start3A_738 = arith.constant 0 : i32
      %dma_start3A_739 = tpu.memref_slice %arg6[%dma_start3A_734, %dma_start3A_738] : memref<16x128xi32, #tpu.memory_space<vmem>> -> memref<1x128xi32, #tpu.memory_space<vmem>>
      %dma_start3A_740 = tpu.memref_squeeze %dma_start3A_739 : memref<1x128xi32, #tpu.memory_space<vmem>> -> memref<128xi32, #tpu.memory_space<vmem>>
      %dma_start3A_741 = arith.constant 0 : i32
      %dma_start3A_742 = arith.constant 0 : i32
      %dma_start3A_743 = tpu.memref_slice %arg2[%dma_start3A_741, %dma_start3A_742] : memref<100000x16xf32, #tpu.memory_space<hbm>> -> memref<100000x16xf32, #tpu.memory_space<hbm>>
      tpu.enqueue_indirect_dma source(%dma_start3A_743 : memref<100000x16xf32, #tpu.memory_space<hbm>>) target(%dma_start3A_737 : memref<128x16xf32, #tpu.memory_space<vmem>>) offsets(%dma_start3A_740 : memref<128xi32, #tpu.memory_space<vmem>>) semaphore(%arg15 : memref<!tpu.dma_semaphore, #tpu.memory_space<semaphore_mem>>)
      %dma_start3A_744 = arith.constant 14 : i32
      %dma_start3A_745 = arith.constant 1792 : i32
      %dma_start3A_746 = arith.constant 0 : i32
      %dma_start3A_747 = tpu.memref_slice %arg8[%dma_start3A_745, %dma_start3A_746] : memref<2048x16xf32, #tpu.memory_space<vmem>> -> memref<128x16xf32, #tpu.memory_space<vmem>>
      %dma_start3A_748 = arith.constant 0 : i32
      %dma_start3A_749 = tpu.memref_slice %arg6[%dma_start3A_744, %dma_start3A_748] : memref<16x128xi32, #tpu.memory_space<vmem>> -> memref<1x128xi32, #tpu.memory_space<vmem>>
      %dma_start3A_750 = tpu.memref_squeeze %dma_start3A_749 : memref<1x128xi32, #tpu.memory_space<vmem>> -> memref<128xi32, #tpu.memory_space<vmem>>
      %dma_start3A_751 = arith.constant 0 : i32
      %dma_start3A_752 = arith.constant 0 : i32
      %dma_start3A_753 = tpu.memref_slice %arg2[%dma_start3A_751, %dma_start3A_752] : memref<100000x16xf32, #tpu.memory_space<hbm>> -> memref<100000x16xf32, #tpu.memory_space<hbm>>
      tpu.enqueue_indirect_dma source(%dma_start3A_753 : memref<100000x16xf32, #tpu.memory_space<hbm>>) target(%dma_start3A_747 : memref<128x16xf32, #tpu.memory_space<vmem>>) offsets(%dma_start3A_750 : memref<128xi32, #tpu.memory_space<vmem>>) semaphore(%arg15 : memref<!tpu.dma_semaphore, #tpu.memory_space<semaphore_mem>>)
      %dma_start3A_754 = arith.constant 15 : i32
      %dma_start3A_755 = arith.constant 1920 : i32
      %dma_start3A_756 = arith.constant 0 : i32
      %dma_start3A_757 = tpu.memref_slice %arg8[%dma_start3A_755, %dma_start3A_756] : memref<2048x16xf32, #tpu.memory_space<vmem>> -> memref<128x16xf32, #tpu.memory_space<vmem>>
      %dma_start3A_758 = arith.constant 0 : i32
      %dma_start3A_759 = tpu.memref_slice %arg6[%dma_start3A_754, %dma_start3A_758] : memref<16x128xi32, #tpu.memory_space<vmem>> -> memref<1x128xi32, #tpu.memory_space<vmem>>
      %dma_start3A_760 = tpu.memref_squeeze %dma_start3A_759 : memref<1x128xi32, #tpu.memory_space<vmem>> -> memref<128xi32, #tpu.memory_space<vmem>>
      %dma_start3A_761 = arith.constant 0 : i32
      %dma_start3A_762 = arith.constant 0 : i32
      %dma_start3A_763 = tpu.memref_slice %arg2[%dma_start3A_761, %dma_start3A_762] : memref<100000x16xf32, #tpu.memory_space<hbm>> -> memref<100000x16xf32, #tpu.memory_space<hbm>>
      tpu.enqueue_indirect_dma source(%dma_start3A_763 : memref<100000x16xf32, #tpu.memory_space<hbm>>) target(%dma_start3A_757 : memref<128x16xf32, #tpu.memory_space<vmem>>) offsets(%dma_start3A_760 : memref<128xi32, #tpu.memory_space<vmem>>) semaphore(%arg15 : memref<!tpu.dma_semaphore, #tpu.memory_space<semaphore_mem>>)
      %mul3A_764 = arith.constant 3 : i32
      %mul3A_765 = arith.muli %multiple_of3A_577, %mul3A_764 : i32
      %mul3A_766 = arith.constant 32 : i32
      %mul3A_767 = arith.muli %mul3A_765, %mul3A_766 : i32
      %dma_start3A_768 = arith.constant 0 : i32
      %dma_start3A_769 = tpu.memref_slice %arg10[%dma_start3A_768] : memref<6160xf32, #tpu.memory_space<vmem>> -> memref<6144xf32, #tpu.memory_space<vmem>>
      %dma_start3A_770 = tpu.memref_slice %arg4[%mul3A_767] : memref<9600000xf32, #tpu.memory_space<hbm>> -> memref<6144xf32, #tpu.memory_space<hbm>>
      %dma_start3A_771 = arith.constant 0 : i32
      %dma_start3A_772 = tpu.memref_slice %arg10[%dma_start3A_771] : memref<6160xf32, #tpu.memory_space<vmem>> -> memref<6144xf32, #tpu.memory_space<vmem>>
      %dma_start3A_773 = tpu.memref_slice %arg4[%mul3A_767] : memref<9600000xf32, #tpu.memory_space<hbm>> -> memref<6144xf32, #tpu.memory_space<hbm>>
      tpu.enqueue_dma source(%dma_start3A_773 : memref<6144xf32, #tpu.memory_space<hbm>>) target(%dma_start3A_772 : memref<6144xf32, #tpu.memory_space<vmem>>) target_semaphore(%arg15 : memref<!tpu.dma_semaphore, #tpu.memory_space<semaphore_mem>>)
      %dma_wait3A_774 = arith.constant 0 : i32
      %dma_wait3A_775 = arith.constant 0 : i32
      %dma_wait3A_776 = tpu.memref_slice %arg2[%dma_wait3A_774, %dma_wait3A_775] : memref<100000x16xf32, #tpu.memory_space<hbm>> -> memref<2048x16xf32, #tpu.memory_space<hbm>>
      %dma_wait3A_777 = arith.constant 0 : i32
      %dma_wait3A_778 = arith.constant 0 : i32
      %dma_wait3A_779 = tpu.memref_slice %arg2[%dma_wait3A_777, %dma_wait3A_778] : memref<100000x16xf32, #tpu.memory_space<hbm>> -> memref<2048x16xf32, #tpu.memory_space<hbm>>
      tpu.wait_dma2 semaphore(%arg16 : memref<!tpu.dma_semaphore, #tpu.memory_space<semaphore_mem>>) src(%dma_wait3A_779 : memref<2048x16xf32, #tpu.memory_space<hbm>>) dst(%arg9 : memref<2048x16xf32, #tpu.memory_space<vmem>>)
      %dma_wait3A_780 = arith.constant 0 : i32
      %dma_wait3A_781 = tpu.memref_slice %arg11[%dma_wait3A_780] : memref<6160xf32, #tpu.memory_space<vmem>> -> memref<6144xf32, #tpu.memory_space<vmem>>
      %dma_wait3A_782 = arith.constant 0 : i32
      %dma_wait3A_783 = tpu.memref_slice %arg4[%dma_wait3A_782] : memref<9600000xf32, #tpu.memory_space<hbm>> -> memref<6144xf32, #tpu.memory_space<hbm>>
      %dma_wait3A_784 = arith.constant 0 : i32
      %dma_wait3A_785 = tpu.memref_slice %arg11[%dma_wait3A_784] : memref<6160xf32, #tpu.memory_space<vmem>> -> memref<6144xf32, #tpu.memory_space<vmem>>
      %dma_wait3A_786 = arith.constant 0 : i32
      %dma_wait3A_787 = tpu.memref_slice %arg4[%dma_wait3A_786] : memref<9600000xf32, #tpu.memory_space<hbm>> -> memref<6144xf32, #tpu.memory_space<hbm>>
      tpu.wait_dma2 semaphore(%arg16 : memref<!tpu.dma_semaphore, #tpu.memory_space<semaphore_mem>>) src(%dma_wait3A_787 : memref<6144xf32, #tpu.memory_space<hbm>>) dst(%dma_wait3A_785 : memref<6144xf32, #tpu.memory_space<vmem>>)
      %add3A_788 = arith.constant 1 : i32
      %add3A_789 = arith.addi %add3A_340, %add3A_788 : i32
      %scan3A_790 = arith.constant 0 : i32
      %scan3A_791 = arith.constant 64 : i32
      %scan3A_792 = arith.addi %scan3A_790, %scan3A_791 : i32
      %scan3A_793 = arith.constant 1 : i32
      scf.for %scan3A_805 = %scan3A_790 to %scan3A_792 step %scan3A_793  : i32 {
        %mul3A_806 = arith.constant 1 : i32
        %mul3A_807 = arith.muli %scan3A_805, %mul3A_806 : i32
        %add3A_808 = arith.constant 0 : i32
        %add3A_809 = arith.addi %add3A_808, %mul3A_807 : i32
        %mul3A_810 = arith.constant 96 : i32
        %mul3A_811 = arith.muli %add3A_809, %mul3A_810 : i32
        %mul3A_812 = arith.constant 96 : i32
        %mul3A_813 = arith.muli %add3A_809, %mul3A_812 : i32
        %get3A = arith.index_cast %mul3A_813 : i32 to index
        %get3A_814 = tpu.vector_load %arg11[%get3A] {strides = array<i32>} : memref<6160xf32, #tpu.memory_space<vmem>>, vector<16xf32>,
        %mul3A_815 = arith.constant 96 : i32
        %mul3A_816 = arith.muli %add3A_809, %mul3A_815 : i32
        %add3A_817 = arith.constant 16 : i32
        %add3A_818 = arith.addi %mul3A_816, %add3A_817 : i32
        %get3A_819 = arith.index_cast %add3A_818 : i32 to index
        %get3A_820 = tpu.vector_load %arg11[%get3A_819] {strides = array<i32>} : memref<6160xf32, #tpu.memory_space<vmem>>, vector<16xf32>,
        %swap3A_821 = arith.index_cast %add3A_809 : i32 to index
        %swap3A_822 = arith.constant 0 : index
        %swap3A_823 = tpu.vector_load %arg12[%swap3A_821, %swap3A_822] {strides = array<i32>} : memref<64x184xf32, #tpu.memory_space<vmem>>, vector<16xf32>,
        tpu.vector_store %arg12[%swap3A_821, %swap3A_822], %get3A_814 {strides = array<i32>} : memref<64x184xf32, #tpu.memory_space<vmem>>, vector<16xf32>,
        %swap3A_824 = arith.index_cast %add3A_809 : i32 to index
        %swap3A_825 = arith.constant 16 : index
        %swap3A_826 = tpu.vector_load %arg12[%swap3A_824, %swap3A_825] {strides = array<i32>} : memref<64x184xf32, #tpu.memory_space<vmem>>, vector<16xf32>,
        tpu.vector_store %arg12[%swap3A_824, %swap3A_825], %get3A_820 {strides = array<i32>} : memref<64x184xf32, #tpu.memory_space<vmem>>, vector<16xf32>,
        %add3A_827 = arith.constant 31 : i32
        %add3A_828 = vector.broadcast %add3A_827 : i32 to vector<16xi32>
        %add3A_829 = arith.addi %iota3A, %add3A_828 : vector<16xi32>
        %gather3A = tpu.memref_slice %arg11[%mul3A_811] : memref<6160xf32, #tpu.memory_space<vmem>> -> memref<112xf32, #tpu.memory_space<vmem>>
        %gather3A_830 = tpu.vector_load_idx %gather3A[%add3A_829] : memref<112xf32, #tpu.memory_space<vmem>>[vector<16xi32>], vector<16xf32>,
        %add3A_831 = arith.constant 47 : i32
        %add3A_832 = vector.broadcast %add3A_831 : i32 to vector<16xi32>
        %add3A_833 = arith.addi %iota3A, %add3A_832 : vector<16xi32>
        %gather3A_834 = tpu.memref_slice %arg11[%mul3A_811] : memref<6160xf32, #tpu.memory_space<vmem>> -> memref<112xf32, #tpu.memory_space<vmem>>
        %gather3A_835 = tpu.vector_load_idx %gather3A_834[%add3A_833] : memref<112xf32, #tpu.memory_space<vmem>>[vector<16xi32>], vector<16xf32>,
        %add3A_836 = arith.constant 63 : i32
        %add3A_837 = vector.broadcast %add3A_836 : i32 to vector<16xi32>
        %add3A_838 = arith.addi %iota3A, %add3A_837 : vector<16xi32>
        %gather3A_839 = tpu.memref_slice %arg11[%mul3A_811] : memref<6160xf32, #tpu.memory_space<vmem>> -> memref<112xf32, #tpu.memory_space<vmem>>
        %gather3A_840 = tpu.vector_load_idx %gather3A_839[%add3A_838] : memref<112xf32, #tpu.memory_space<vmem>>[vector<16xi32>], vector<16xf32>,
        %swap3A_841 = arith.index_cast %add3A_809 : i32 to index
        %swap3A_842 = arith.constant 48 : index
        %swap3A_843 = tpu.vector_load %arg12[%swap3A_841, %swap3A_842] {strides = array<i32>} : memref<64x184xf32, #tpu.memory_space<vmem>>, vector<16xf32>,
        tpu.vector_store %arg12[%swap3A_841, %swap3A_842], %gather3A_830 {strides = array<i32>} : memref<64x184xf32, #tpu.memory_space<vmem>>, vector<16xf32>,
        %swap3A_844 = arith.index_cast %add3A_809 : i32 to index
        %swap3A_845 = arith.constant 64 : index
        %swap3A_846 = tpu.vector_load %arg12[%swap3A_844, %swap3A_845] {strides = array<i32>} : memref<64x184xf32, #tpu.memory_space<vmem>>, vector<16xf32>,
        tpu.vector_store %arg12[%swap3A_844, %swap3A_845], %gather3A_835 {strides = array<i32>} : memref<64x184xf32, #tpu.memory_space<vmem>>, vector<16xf32>,
        %swap3A_847 = arith.index_cast %add3A_809 : i32 to index
        %swap3A_848 = arith.constant 80 : index
        %swap3A_849 = tpu.vector_load %arg12[%swap3A_847, %swap3A_848] {strides = array<i32>} : memref<64x184xf32, #tpu.memory_space<vmem>>, vector<16xf32>,
        tpu.vector_store %arg12[%swap3A_847, %swap3A_848], %gather3A_840 {strides = array<i32>} : memref<64x184xf32, #tpu.memory_space<vmem>>, vector<16xf32>,
        %add3A_850 = arith.constant 62 : i32
        %add3A_851 = vector.broadcast %add3A_850 : i32 to vector<16xi32>
        %add3A_852 = arith.addi %iota3A, %add3A_851 : vector<16xi32>
        %gather3A_853 = tpu.memref_slice %arg11[%mul3A_811] : memref<6160xf32, #tpu.memory_space<vmem>> -> memref<112xf32, #tpu.memory_space<vmem>>
        %gather3A_854 = tpu.vector_load_idx %gather3A_853[%add3A_852] : memref<112xf32, #tpu.memory_space<vmem>>[vector<16xi32>], vector<16xf32>,
        %add3A_855 = arith.constant 78 : i32
        %add3A_856 = vector.broadcast %add3A_855 : i32 to vector<16xi32>
        %add3A_857 = arith.addi %iota3A, %add3A_856 : vector<16xi32>
        %gather3A_858 = tpu.memref_slice %arg11[%mul3A_811] : memref<6160xf32, #tpu.memory_space<vmem>> -> memref<112xf32, #tpu.memory_space<vmem>>
        %gather3A_859 = tpu.vector_load_idx %gather3A_858[%add3A_857] : memref<112xf32, #tpu.memory_space<vmem>>[vector<16xi32>], vector<16xf32>,
        %add3A_860 = arith.constant 94 : i32
        %add3A_861 = vector.broadcast %add3A_860 : i32 to vector<16xi32>
        %add3A_862 = arith.addi %iota3A, %add3A_861 : vector<16xi32>
        %gather3A_863 = tpu.memref_slice %arg11[%mul3A_811] : memref<6160xf32, #tpu.memory_space<vmem>> -> memref<112xf32, #tpu.memory_space<vmem>>
        %gather3A_864 = tpu.vector_load_idx %gather3A_863[%add3A_862] : memref<112xf32, #tpu.memory_space<vmem>>[vector<16xi32>], vector<16xf32>,
        %swap3A_865 = arith.index_cast %add3A_809 : i32 to index
        %swap3A_866 = arith.constant 96 : index
        %swap3A_867 = tpu.vector_load %arg12[%swap3A_865, %swap3A_866] {strides = array<i32>} : memref<64x184xf32, #tpu.memory_space<vmem>>, vector<16xf32>,
        tpu.vector_store %arg12[%swap3A_865, %swap3A_866], %gather3A_854 {strides = array<i32>} : memref<64x184xf32, #tpu.memory_space<vmem>>, vector<16xf32>,
        %swap3A_868 = arith.index_cast %add3A_809 : i32 to index
        %swap3A_869 = arith.constant 112 : index
        %swap3A_870 = tpu.vector_load %arg12[%swap3A_868, %swap3A_869] {strides = array<i32>} : memref<64x184xf32, #tpu.memory_space<vmem>>, vector<16xf32>,
        tpu.vector_store %arg12[%swap3A_868, %swap3A_869], %gather3A_859 {strides = array<i32>} : memref<64x184xf32, #tpu.memory_space<vmem>>, vector<16xf32>,
        %swap3A_871 = arith.index_cast %add3A_809 : i32 to index
        %swap3A_872 = arith.constant 128 : index
        %swap3A_873 = tpu.vector_load %arg12[%swap3A_871, %swap3A_872] {strides = array<i32>} : memref<64x184xf32, #tpu.memory_space<vmem>>, vector<16xf32>,
        tpu.vector_store %arg12[%swap3A_871, %swap3A_872], %gather3A_864 {strides = array<i32>} : memref<64x184xf32, #tpu.memory_space<vmem>>, vector<16xf32>,
      }
      %scan3A_794 = arith.constant 64 : i32
      %scan3A_795 = arith.constant 0 : i32
      %scan3A_796 = arith.constant 64 : i32
      %scan3A_797 = arith.addi %scan3A_795, %scan3A_796 : i32
      %scan3A_798 = arith.constant 1 : i32
      scf.for %scan3A_805 = %scan3A_795 to %scan3A_797 step %scan3A_798  : i32 {
        %mul3A_806 = arith.constant 1 : i32
        %mul3A_807 = arith.muli %scan3A_805, %mul3A_806 : i32
        %add3A_808 = arith.constant 0 : i32
        %add3A_809 = arith.addi %add3A_808, %mul3A_807 : i32
        %broadcast_in_dim3A_810 = arith.constant 0.000000e+00 : f32
        %broadcast_in_dim3A_811 = vector.broadcast %broadcast_in_dim3A_810 : f32 to vector<16xf32>
        %broadcast_in_dim3A_812 = arith.constant 0.000000e+00 : f32
        %broadcast_in_dim3A_813 = vector.broadcast %broadcast_in_dim3A_812 : f32 to vector<16xf32>
        %broadcast_in_dim3A_814 = arith.constant 0.000000e+00 : f32
        %broadcast_in_dim3A_815 = vector.broadcast %broadcast_in_dim3A_814 : f32 to vector<16xf32>
        %broadcast_in_dim3A_816 = arith.constant 0.000000e+00 : f32
        %broadcast_in_dim3A_817 = vector.broadcast %broadcast_in_dim3A_816 : f32 to vector<16xf32>
        %gather3A = arith.constant 0 : i32
        %gather3A_818 = tpu.memref_slice %arg12[%add3A_809, %gather3A] : memref<64x184xf32, #tpu.memory_space<vmem>> -> memref<1x160xf32, #tpu.memory_space<vmem>>
        %gather3A_819 = tpu.memref_squeeze %gather3A_818 : memref<1x160xf32, #tpu.memory_space<vmem>> -> memref<160xf32, #tpu.memory_space<vmem>>
        %gather3A_820 = tpu.vector_load_idx %gather3A_819[%select_n3A_23] : memref<160xf32, #tpu.memory_space<vmem>>[vector<16xi32>], vector<16xf32>,
        %mul3A_821 = arith.constant 32 : i32
        %mul3A_822 = arith.muli %add3A_809, %mul3A_821 : i32
        %add3A_823 = arith.constant 0 : i32
        %add3A_824 = arith.addi %mul3A_822, %add3A_823 : i32
        %get3A = arith.index_cast %add3A_824 : i32 to index
        %get3A_825 = arith.constant 0 : index
        %get3A_826 = tpu.vector_load %arg9[%get3A, %get3A_825] {strides = array<i32>} : memref<2048x16xf32, #tpu.memory_space<vmem>>, vector<16xf32>,
        %mul3A_827 = arith.mulf %gather3A_820, %get3A_826 : vector<16xf32>
        %add3A_828 = arith.addf %broadcast_in_dim3A_811, %mul3A_827 : vector<16xf32>
        %gather3A_829 = arith.constant 0 : i32
        %gather3A_830 = tpu.memref_slice %arg12[%add3A_809, %gather3A_829] : memref<64x184xf32, #tpu.memory_space<vmem>> -> memref<1x160xf32, #tpu.memory_space<vmem>>
        %gather3A_831 = tpu.memref_squeeze %gather3A_830 : memref<1x160xf32, #tpu.memory_space<vmem>> -> memref<160xf32, #tpu.memory_space<vmem>>
        %gather3A_832 = tpu.vector_load_idx %gather3A_831[%select_n3A_33] : memref<160xf32, #tpu.memory_space<vmem>>[vector<16xi32>], vector<16xf32>,
        %mul3A_833 = arith.constant 32 : i32
        %mul3A_834 = arith.muli %add3A_809, %mul3A_833 : i32
        %add3A_835 = arith.constant 1 : i32
        %add3A_836 = arith.addi %mul3A_834, %add3A_835 : i32
        %get3A_837 = arith.index_cast %add3A_836 : i32 to index
        %get3A_838 = arith.constant 0 : index
        %get3A_839 = tpu.vector_load %arg9[%get3A_837, %get3A_838] {strides = array<i32>} : memref<2048x16xf32, #tpu.memory_space<vmem>>, vector<16xf32>,
        %mul3A_840 = arith.mulf %gather3A_832, %get3A_839 : vector<16xf32>
        %add3A_841 = arith.addf %broadcast_in_dim3A_813, %mul3A_840 : vector<16xf32>
        %gather3A_842 = arith.constant 0 : i32
        %gather3A_843 = tpu.memref_slice %arg12[%add3A_809, %gather3A_842] : memref<64x184xf32, #tpu.memory_space<vmem>> -> memref<1x160xf32, #tpu.memory_space<vmem>>
        %gather3A_844 = tpu.memref_squeeze %gather3A_843 : memref<1x160xf32, #tpu.memory_space<vmem>> -> memref<160xf32, #tpu.memory_space<vmem>>
        %gather3A_845 = tpu.vector_load_idx %gather3A_844[%select_n3A_43] : memref<160xf32, #tpu.memory_space<vmem>>[vector<16xi32>], vector<16xf32>,
        %mul3A_846 = arith.constant 32 : i32
        %mul3A_847 = arith.muli %add3A_809, %mul3A_846 : i32
        %add3A_848 = arith.constant 2 : i32
        %add3A_849 = arith.addi %mul3A_847, %add3A_848 : i32
        %get3A_850 = arith.index_cast %add3A_849 : i32 to index
        %get3A_851 = arith.constant 0 : index
        %get3A_852 = tpu.vector_load %arg9[%get3A_850, %get3A_851] {strides = array<i32>} : memref<2048x16xf32, #tpu.memory_space<vmem>>, vector<16xf32>,
        %mul3A_853 = arith.mulf %gather3A_845, %get3A_852 : vector<16xf32>
        %add3A_854 = arith.addf %broadcast_in_dim3A_815, %mul3A_853 : vector<16xf32>
        %gather3A_855 = arith.constant 0 : i32
        %gather3A_856 = tpu.memref_slice %arg12[%add3A_809, %gather3A_855] : memref<64x184xf32, #tpu.memory_space<vmem>> -> memref<1x160xf32, #tpu.memory_space<vmem>>
        %gather3A_857 = tpu.memref_squeeze %gather3A_856 : memref<1x160xf32, #tpu.memory_space<vmem>> -> memref<160xf32, #tpu.memory_space<vmem>>
        %gather3A_858 = tpu.vector_load_idx %gather3A_857[%select_n3A_53] : memref<160xf32, #tpu.memory_space<vmem>>[vector<16xi32>], vector<16xf32>,
        %mul3A_859 = arith.constant 32 : i32
        %mul3A_860 = arith.muli %add3A_809, %mul3A_859 : i32
        %add3A_861 = arith.constant 3 : i32
        %add3A_862 = arith.addi %mul3A_860, %add3A_861 : i32
        %get3A_863 = arith.index_cast %add3A_862 : i32 to index
        %get3A_864 = arith.constant 0 : index
        %get3A_865 = tpu.vector_load %arg9[%get3A_863, %get3A_864] {strides = array<i32>} : memref<2048x16xf32, #tpu.memory_space<vmem>>, vector<16xf32>,
        %mul3A_866 = arith.mulf %gather3A_858, %get3A_865 : vector<16xf32>
        %add3A_867 = arith.addf %broadcast_in_dim3A_817, %mul3A_866 : vector<16xf32>
        %gather3A_868 = arith.constant 0 : i32
        %gather3A_869 = tpu.memref_slice %arg12[%add3A_809, %gather3A_868] : memref<64x184xf32, #tpu.memory_space<vmem>> -> memref<1x160xf32, #tpu.memory_space<vmem>>
        %gather3A_870 = tpu.memref_squeeze %gather3A_869 : memref<1x160xf32, #tpu.memory_space<vmem>> -> memref<160xf32, #tpu.memory_space<vmem>>
        %gather3A_871 = tpu.vector_load_idx %gather3A_870[%select_n3A_63] : memref<160xf32, #tpu.memory_space<vmem>>[vector<16xi32>], vector<16xf32>,
        %mul3A_872 = arith.constant 32 : i32
        %mul3A_873 = arith.muli %add3A_809, %mul3A_872 : i32
        %add3A_874 = arith.constant 4 : i32
        %add3A_875 = arith.addi %mul3A_873, %add3A_874 : i32
        %get3A_876 = arith.index_cast %add3A_875 : i32 to index
        %get3A_877 = arith.constant 0 : index
        %get3A_878 = tpu.vector_load %arg9[%get3A_876, %get3A_877] {strides = array<i32>} : memref<2048x16xf32, #tpu.memory_space<vmem>>, vector<16xf32>,
        %mul3A_879 = arith.mulf %gather3A_871, %get3A_878 : vector<16xf32>
        %add3A_880 = arith.addf %add3A_828, %mul3A_879 : vector<16xf32>
        %gather3A_881 = arith.constant 0 : i32
        %gather3A_882 = tpu.memref_slice %arg12[%add3A_809, %gather3A_881] : memref<64x184xf32, #tpu.memory_space<vmem>> -> memref<1x160xf32, #tpu.memory_space<vmem>>
        %gather3A_883 = tpu.memref_squeeze %gather3A_882 : memref<1x160xf32, #tpu.memory_space<vmem>> -> memref<160xf32, #tpu.memory_space<vmem>>
        %gather3A_884 = tpu.vector_load_idx %gather3A_883[%select_n3A_73] : memref<160xf32, #tpu.memory_space<vmem>>[vector<16xi32>], vector<16xf32>,
        %mul3A_885 = arith.constant 32 : i32
        %mul3A_886 = arith.muli %add3A_809, %mul3A_885 : i32
        %add3A_887 = arith.constant 5 : i32
        %add3A_888 = arith.addi %mul3A_886, %add3A_887 : i32
        %get3A_889 = arith.index_cast %add3A_888 : i32 to index
        %get3A_890 = arith.constant 0 : index
        %get3A_891 = tpu.vector_load %arg9[%get3A_889, %get3A_890] {strides = array<i32>} : memref<2048x16xf32, #tpu.memory_space<vmem>>, vector<16xf32>,
        %mul3A_892 = arith.mulf %gather3A_884, %get3A_891 : vector<16xf32>
        %add3A_893 = arith.addf %add3A_841, %mul3A_892 : vector<16xf32>
        %gather3A_894 = arith.constant 0 : i32
        %gather3A_895 = tpu.memref_slice %arg12[%add3A_809, %gather3A_894] : memref<64x184xf32, #tpu.memory_space<vmem>> -> memref<1x160xf32, #tpu.memory_space<vmem>>
        %gather3A_896 = tpu.memref_squeeze %gather3A_895 : memref<1x160xf32, #tpu.memory_space<vmem>> -> memref<160xf32, #tpu.memory_space<vmem>>
        %gather3A_897 = tpu.vector_load_idx %gather3A_896[%select_n3A_83] : memref<160xf32, #tpu.memory_space<vmem>>[vector<16xi32>], vector<16xf32>,
        %mul3A_898 = arith.constant 32 : i32
        %mul3A_899 = arith.muli %add3A_809, %mul3A_898 : i32
        %add3A_900 = arith.constant 6 : i32
        %add3A_901 = arith.addi %mul3A_899, %add3A_900 : i32
        %get3A_902 = arith.index_cast %add3A_901 : i32 to index
        %get3A_903 = arith.constant 0 : index
        %get3A_904 = tpu.vector_load %arg9[%get3A_902, %get3A_903] {strides = array<i32>} : memref<2048x16xf32, #tpu.memory_space<vmem>>, vector<16xf32>,
        %mul3A_905 = arith.mulf %gather3A_897, %get3A_904 : vector<16xf32>
        %add3A_906 = arith.addf %add3A_854, %mul3A_905 : vector<16xf32>
        %gather3A_907 = arith.constant 0 : i32
        %gather3A_908 = tpu.memref_slice %arg12[%add3A_809, %gather3A_907] : memref<64x184xf32, #tpu.memory_space<vmem>> -> memref<1x160xf32, #tpu.memory_space<vmem>>
        %gather3A_909 = tpu.memref_squeeze %gather3A_908 : memref<1x160xf32, #tpu.memory_space<vmem>> -> memref<160xf32, #tpu.memory_space<vmem>>
        %gather3A_910 = tpu.vector_load_idx %gather3A_909[%select_n3A_93] : memref<160xf32, #tpu.memory_space<vmem>>[vector<16xi32>], vector<16xf32>,
        %mul3A_911 = arith.constant 32 : i32
        %mul3A_912 = arith.muli %add3A_809, %mul3A_911 : i32
        %add3A_913 = arith.constant 7 : i32
        %add3A_914 = arith.addi %mul3A_912, %add3A_913 : i32
        %get3A_915 = arith.index_cast %add3A_914 : i32 to index
        %get3A_916 = arith.constant 0 : index
        %get3A_917 = tpu.vector_load %arg9[%get3A_915, %get3A_916] {strides = array<i32>} : memref<2048x16xf32, #tpu.memory_space<vmem>>, vector<16xf32>,
        %mul3A_918 = arith.mulf %gather3A_910, %get3A_917 : vector<16xf32>
        %add3A_919 = arith.addf %add3A_867, %mul3A_918 : vector<16xf32>
        %gather3A_920 = arith.constant 8 : i32
        %gather3A_921 = tpu.memref_slice %arg12[%add3A_809, %gather3A_920] : memref<64x184xf32, #tpu.memory_space<vmem>> -> memref<1x160xf32, #tpu.memory_space<vmem>>
        %gather3A_922 = tpu.memref_squeeze %gather3A_921 : memref<1x160xf32, #tpu.memory_space<vmem>> -> memref<160xf32, #tpu.memory_space<vmem>>
        %gather3A_923 = tpu.vector_load_idx %gather3A_922[%select_n3A_23] : memref<160xf32, #tpu.memory_space<vmem>>[vector<16xi32>], vector<16xf32>,
        %mul3A_924 = arith.constant 32 : i32
        %mul3A_925 = arith.muli %add3A_809, %mul3A_924 : i32
        %add3A_926 = arith.constant 8 : i32
        %add3A_927 = arith.addi %mul3A_925, %add3A_926 : i32
        %get3A_928 = arith.index_cast %add3A_927 : i32 to index
        %get3A_929 = arith.constant 0 : index
        %get3A_930 = tpu.vector_load %arg9[%get3A_928, %get3A_929] {strides = array<i32>} : memref<2048x16xf32, #tpu.memory_space<vmem>>, vector<16xf32>,
        %mul3A_931 = arith.mulf %gather3A_923, %get3A_930 : vector<16xf32>
        %add3A_932 = arith.addf %add3A_880, %mul3A_931 : vector<16xf32>
        %gather3A_933 = arith.constant 8 : i32
        %gather3A_934 = tpu.memref_slice %arg12[%add3A_809, %gather3A_933] : memref<64x184xf32, #tpu.memory_space<vmem>> -> memref<1x160xf32, #tpu.memory_space<vmem>>
        %gather3A_935 = tpu.memref_squeeze %gather3A_934 : memref<1x160xf32, #tpu.memory_space<vmem>> -> memref<160xf32, #tpu.memory_space<vmem>>
        %gather3A_936 = tpu.vector_load_idx %gather3A_935[%select_n3A_33] : memref<160xf32, #tpu.memory_space<vmem>>[vector<16xi32>], vector<16xf32>,
        %mul3A_937 = arith.constant 32 : i32
        %mul3A_938 = arith.muli %add3A_809, %mul3A_937 : i32
        %add3A_939 = arith.constant 9 : i32
        %add3A_940 = arith.addi %mul3A_938, %add3A_939 : i32
        %get3A_941 = arith.index_cast %add3A_940 : i32 to index
        %get3A_942 = arith.constant 0 : index
        %get3A_943 = tpu.vector_load %arg9[%get3A_941, %get3A_942] {strides = array<i32>} : memref<2048x16xf32, #tpu.memory_space<vmem>>, vector<16xf32>,
        %mul3A_944 = arith.mulf %gather3A_936, %get3A_943 : vector<16xf32>
        %add3A_945 = arith.addf %add3A_893, %mul3A_944 : vector<16xf32>
        %gather3A_946 = arith.constant 8 : i32
        %gather3A_947 = tpu.memref_slice %arg12[%add3A_809, %gather3A_946] : memref<64x184xf32, #tpu.memory_space<vmem>> -> memref<1x160xf32, #tpu.memory_space<vmem>>
        %gather3A_948 = tpu.memref_squeeze %gather3A_947 : memref<1x160xf32, #tpu.memory_space<vmem>> -> memref<160xf32, #tpu.memory_space<vmem>>
        %gather3A_949 = tpu.vector_load_idx %gather3A_948[%select_n3A_43] : memref<160xf32, #tpu.memory_space<vmem>>[vector<16xi32>], vector<16xf32>,
        %mul3A_950 = arith.constant 32 : i32
        %mul3A_951 = arith.muli %add3A_809, %mul3A_950 : i32
        %add3A_952 = arith.constant 10 : i32
        %add3A_953 = arith.addi %mul3A_951, %add3A_952 : i32
        %get3A_954 = arith.index_cast %add3A_953 : i32 to index
        %get3A_955 = arith.constant 0 : index
        %get3A_956 = tpu.vector_load %arg9[%get3A_954, %get3A_955] {strides = array<i32>} : memref<2048x16xf32, #tpu.memory_space<vmem>>, vector<16xf32>,
        %mul3A_957 = arith.mulf %gather3A_949, %get3A_956 : vector<16xf32>
        %add3A_958 = arith.addf %add3A_906, %mul3A_957 : vector<16xf32>
        %gather3A_959 = arith.constant 8 : i32
        %gather3A_960 = tpu.memref_slice %arg12[%add3A_809, %gather3A_959] : memref<64x184xf32, #tpu.memory_space<vmem>> -> memref<1x160xf32, #tpu.memory_space<vmem>>
        %gather3A_961 = tpu.memref_squeeze %gather3A_960 : memref<1x160xf32, #tpu.memory_space<vmem>> -> memref<160xf32, #tpu.memory_space<vmem>>
        %gather3A_962 = tpu.vector_load_idx %gather3A_961[%select_n3A_53] : memref<160xf32, #tpu.memory_space<vmem>>[vector<16xi32>], vector<16xf32>,
        %mul3A_963 = arith.constant 32 : i32
        %mul3A_964 = arith.muli %add3A_809, %mul3A_963 : i32
        %add3A_965 = arith.constant 11 : i32
        %add3A_966 = arith.addi %mul3A_964, %add3A_965 : i32
        %get3A_967 = arith.index_cast %add3A_966 : i32 to index
        %get3A_968 = arith.constant 0 : index
        %get3A_969 = tpu.vector_load %arg9[%get3A_967, %get3A_968] {strides = array<i32>} : memref<2048x16xf32, #tpu.memory_space<vmem>>, vector<16xf32>,
        %mul3A_970 = arith.mulf %gather3A_962, %get3A_969 : vector<16xf32>
        %add3A_971 = arith.addf %add3A_919, %mul3A_970 : vector<16xf32>
        %gather3A_972 = arith.constant 8 : i32
        %gather3A_973 = tpu.memref_slice %arg12[%add3A_809, %gather3A_972] : memref<64x184xf32, #tpu.memory_space<vmem>> -> memref<1x160xf32, #tpu.memory_space<vmem>>
        %gather3A_974 = tpu.memref_squeeze %gather3A_973 : memref<1x160xf32, #tpu.memory_space<vmem>> -> memref<160xf32, #tpu.memory_space<vmem>>
        %gather3A_975 = tpu.vector_load_idx %gather3A_974[%select_n3A_63] : memref<160xf32, #tpu.memory_space<vmem>>[vector<16xi32>], vector<16xf32>,
        %mul3A_976 = arith.constant 32 : i32
        %mul3A_977 = arith.muli %add3A_809, %mul3A_976 : i32
        %add3A_978 = arith.constant 12 : i32
        %add3A_979 = arith.addi %mul3A_977, %add3A_978 : i32
        %get3A_980 = arith.index_cast %add3A_979 : i32 to index
        %get3A_981 = arith.constant 0 : index
        %get3A_982 = tpu.vector_load %arg9[%get3A_980, %get3A_981] {strides = array<i32>} : memref<2048x16xf32, #tpu.memory_space<vmem>>, vector<16xf32>,
        %mul3A_983 = arith.mulf %gather3A_975, %get3A_982 : vector<16xf32>
        %add3A_984 = arith.addf %add3A_932, %mul3A_983 : vector<16xf32>
        %gather3A_985 = arith.constant 8 : i32
        %gather3A_986 = tpu.memref_slice %arg12[%add3A_809, %gather3A_985] : memref<64x184xf32, #tpu.memory_space<vmem>> -> memref<1x160xf32, #tpu.memory_space<vmem>>
        %gather3A_987 = tpu.memref_squeeze %gather3A_986 : memref<1x160xf32, #tpu.memory_space<vmem>> -> memref<160xf32, #tpu.memory_space<vmem>>
        %gather3A_988 = tpu.vector_load_idx %gather3A_987[%select_n3A_73] : memref<160xf32, #tpu.memory_space<vmem>>[vector<16xi32>], vector<16xf32>,
        %mul3A_989 = arith.constant 32 : i32
        %mul3A_990 = arith.muli %add3A_809, %mul3A_989 : i32
        %add3A_991 = arith.constant 13 : i32
        %add3A_992 = arith.addi %mul3A_990, %add3A_991 : i32
        %get3A_993 = arith.index_cast %add3A_992 : i32 to index
        %get3A_994 = arith.constant 0 : index
        %get3A_995 = tpu.vector_load %arg9[%get3A_993, %get3A_994] {strides = array<i32>} : memref<2048x16xf32, #tpu.memory_space<vmem>>, vector<16xf32>,
        %mul3A_996 = arith.mulf %gather3A_988, %get3A_995 : vector<16xf32>
        %add3A_997 = arith.addf %add3A_945, %mul3A_996 : vector<16xf32>
        %gather3A_998 = arith.constant 8 : i32
        %gather3A_999 = tpu.memref_slice %arg12[%add3A_809, %gather3A_998] : memref<64x184xf32, #tpu.memory_space<vmem>> -> memref<1x160xf32, #tpu.memory_space<vmem>>
        %gather3A_1000 = tpu.memref_squeeze %gather3A_999 : memref<1x160xf32, #tpu.memory_space<vmem>> -> memref<160xf32, #tpu.memory_space<vmem>>
        %gather3A_1001 = tpu.vector_load_idx %gather3A_1000[%select_n3A_83] : memref<160xf32, #tpu.memory_space<vmem>>[vector<16xi32>], vector<16xf32>,
        %mul3A_1002 = arith.constant 32 : i32
        %mul3A_1003 = arith.muli %add3A_809, %mul3A_1002 : i32
        %add3A_1004 = arith.constant 14 : i32
        %add3A_1005 = arith.addi %mul3A_1003, %add3A_1004 : i32
        %get3A_1006 = arith.index_cast %add3A_1005 : i32 to index
        %get3A_1007 = arith.constant 0 : index
        %get3A_1008 = tpu.vector_load %arg9[%get3A_1006, %get3A_1007] {strides = array<i32>} : memref<2048x16xf32, #tpu.memory_space<vmem>>, vector<16xf32>,
        %mul3A_1009 = arith.mulf %gather3A_1001, %get3A_1008 : vector<16xf32>
        %add3A_1010 = arith.addf %add3A_958, %mul3A_1009 : vector<16xf32>
        %gather3A_1011 = arith.constant 8 : i32
        %gather3A_1012 = tpu.memref_slice %arg12[%add3A_809, %gather3A_1011] : memref<64x184xf32, #tpu.memory_space<vmem>> -> memref<1x160xf32, #tpu.memory_space<vmem>>
        %gather3A_1013 = tpu.memref_squeeze %gather3A_1012 : memref<1x160xf32, #tpu.memory_space<vmem>> -> memref<160xf32, #tpu.memory_space<vmem>>
        %gather3A_1014 = tpu.vector_load_idx %gather3A_1013[%select_n3A_93] : memref<160xf32, #tpu.memory_space<vmem>>[vector<16xi32>], vector<16xf32>,
        %mul3A_1015 = arith.constant 32 : i32
        %mul3A_1016 = arith.muli %add3A_809, %mul3A_1015 : i32
        %add3A_1017 = arith.constant 15 : i32
        %add3A_1018 = arith.addi %mul3A_1016, %add3A_1017 : i32
        %get3A_1019 = arith.index_cast %add3A_1018 : i32 to index
        %get3A_1020 = arith.constant 0 : index
        %get3A_1021 = tpu.vector_load %arg9[%get3A_1019, %get3A_1020] {strides = array<i32>} : memref<2048x16xf32, #tpu.memory_space<vmem>>, vector<16xf32>,
        %mul3A_1022 = arith.mulf %gather3A_1014, %get3A_1021 : vector<16xf32>
        %add3A_1023 = arith.addf %add3A_971, %mul3A_1022 : vector<16xf32>
        %gather3A_1024 = arith.constant 16 : i32
        %gather3A_1025 = tpu.memref_slice %arg12[%add3A_809, %gather3A_1024] : memref<64x184xf32, #tpu.memory_space<vmem>> -> memref<1x160xf32, #tpu.memory_space<vmem>>
        %gather3A_1026 = tpu.memref_squeeze %gather3A_1025 : memref<1x160xf32, #tpu.memory_space<vmem>> -> memref<160xf32, #tpu.memory_space<vmem>>
        %gather3A_1027 = tpu.vector_load_idx %gather3A_1026[%select_n3A_23] : memref<160xf32, #tpu.memory_space<vmem>>[vector<16xi32>], vector<16xf32>,
        %mul3A_1028 = arith.constant 32 : i32
        %mul3A_1029 = arith.muli %add3A_809, %mul3A_1028 : i32
        %add3A_1030 = arith.constant 16 : i32
        %add3A_1031 = arith.addi %mul3A_1029, %add3A_1030 : i32
        %get3A_1032 = arith.index_cast %add3A_1031 : i32 to index
        %get3A_1033 = arith.constant 0 : index
        %get3A_1034 = tpu.vector_load %arg9[%get3A_1032, %get3A_1033] {strides = array<i32>} : memref<2048x16xf32, #tpu.memory_space<vmem>>, vector<16xf32>,
        %mul3A_1035 = arith.mulf %gather3A_1027, %get3A_1034 : vector<16xf32>
        %add3A_1036 = arith.addf %add3A_984, %mul3A_1035 : vector<16xf32>
        %gather3A_1037 = arith.constant 16 : i32
        %gather3A_1038 = tpu.memref_slice %arg12[%add3A_809, %gather3A_1037] : memref<64x184xf32, #tpu.memory_space<vmem>> -> memref<1x160xf32, #tpu.memory_space<vmem>>
        %gather3A_1039 = tpu.memref_squeeze %gather3A_1038 : memref<1x160xf32, #tpu.memory_space<vmem>> -> memref<160xf32, #tpu.memory_space<vmem>>
        %gather3A_1040 = tpu.vector_load_idx %gather3A_1039[%select_n3A_33] : memref<160xf32, #tpu.memory_space<vmem>>[vector<16xi32>], vector<16xf32>,
        %mul3A_1041 = arith.constant 32 : i32
        %mul3A_1042 = arith.muli %add3A_809, %mul3A_1041 : i32
        %add3A_1043 = arith.constant 17 : i32
        %add3A_1044 = arith.addi %mul3A_1042, %add3A_1043 : i32
        %get3A_1045 = arith.index_cast %add3A_1044 : i32 to index
        %get3A_1046 = arith.constant 0 : index
        %get3A_1047 = tpu.vector_load %arg9[%get3A_1045, %get3A_1046] {strides = array<i32>} : memref<2048x16xf32, #tpu.memory_space<vmem>>, vector<16xf32>,
        %mul3A_1048 = arith.mulf %gather3A_1040, %get3A_1047 : vector<16xf32>
        %add3A_1049 = arith.addf %add3A_997, %mul3A_1048 : vector<16xf32>
        %gather3A_1050 = arith.constant 16 : i32
        %gather3A_1051 = tpu.memref_slice %arg12[%add3A_809, %gather3A_1050] : memref<64x184xf32, #tpu.memory_space<vmem>> -> memref<1x160xf32, #tpu.memory_space<vmem>>
        %gather3A_1052 = tpu.memref_squeeze %gather3A_1051 : memref<1x160xf32, #tpu.memory_space<vmem>> -> memref<160xf32, #tpu.memory_space<vmem>>
        %gather3A_1053 = tpu.vector_load_idx %gather3A_1052[%select_n3A_43] : memref<160xf32, #tpu.memory_space<vmem>>[vector<16xi32>], vector<16xf32>,
        %mul3A_1054 = arith.constant 32 : i32
        %mul3A_1055 = arith.muli %add3A_809, %mul3A_1054 : i32
        %add3A_1056 = arith.constant 18 : i32
        %add3A_1057 = arith.addi %mul3A_1055, %add3A_1056 : i32
        %get3A_1058 = arith.index_cast %add3A_1057 : i32 to index
        %get3A_1059 = arith.constant 0 : index
        %get3A_1060 = tpu.vector_load %arg9[%get3A_1058, %get3A_1059] {strides = array<i32>} : memref<2048x16xf32, #tpu.memory_space<vmem>>, vector<16xf32>,
        %mul3A_1061 = arith.mulf %gather3A_1053, %get3A_1060 : vector<16xf32>
        %add3A_1062 = arith.addf %add3A_1010, %mul3A_1061 : vector<16xf32>
        %gather3A_1063 = arith.constant 16 : i32
        %gather3A_1064 = tpu.memref_slice %arg12[%add3A_809, %gather3A_1063] : memref<64x184xf32, #tpu.memory_space<vmem>> -> memref<1x160xf32, #tpu.memory_space<vmem>>
        %gather3A_1065 = tpu.memref_squeeze %gather3A_1064 : memref<1x160xf32, #tpu.memory_space<vmem>> -> memref<160xf32, #tpu.memory_space<vmem>>
        %gather3A_1066 = tpu.vector_load_idx %gather3A_1065[%select_n3A_53] : memref<160xf32, #tpu.memory_space<vmem>>[vector<16xi32>], vector<16xf32>,
        %mul3A_1067 = arith.constant 32 : i32
        %mul3A_1068 = arith.muli %add3A_809, %mul3A_1067 : i32
        %add3A_1069 = arith.constant 19 : i32
        %add3A_1070 = arith.addi %mul3A_1068, %add3A_1069 : i32
        %get3A_1071 = arith.index_cast %add3A_1070 : i32 to index
        %get3A_1072 = arith.constant 0 : index
        %get3A_1073 = tpu.vector_load %arg9[%get3A_1071, %get3A_1072] {strides = array<i32>} : memref<2048x16xf32, #tpu.memory_space<vmem>>, vector<16xf32>,
        %mul3A_1074 = arith.mulf %gather3A_1066, %get3A_1073 : vector<16xf32>
        %add3A_1075 = arith.addf %add3A_1023, %mul3A_1074 : vector<16xf32>
        %gather3A_1076 = arith.constant 16 : i32
        %gather3A_1077 = tpu.memref_slice %arg12[%add3A_809, %gather3A_1076] : memref<64x184xf32, #tpu.memory_space<vmem>> -> memref<1x160xf32, #tpu.memory_space<vmem>>
        %gather3A_1078 = tpu.memref_squeeze %gather3A_1077 : memref<1x160xf32, #tpu.memory_space<vmem>> -> memref<160xf32, #tpu.memory_space<vmem>>
        %gather3A_1079 = tpu.vector_load_idx %gather3A_1078[%select_n3A_63] : memref<160xf32, #tpu.memory_space<vmem>>[vector<16xi32>], vector<16xf32>,
        %mul3A_1080 = arith.constant 32 : i32
        %mul3A_1081 = arith.muli %add3A_809, %mul3A_1080 : i32
        %add3A_1082 = arith.constant 20 : i32
        %add3A_1083 = arith.addi %mul3A_1081, %add3A_1082 : i32
        %get3A_1084 = arith.index_cast %add3A_1083 : i32 to index
        %get3A_1085 = arith.constant 0 : index
        %get3A_1086 = tpu.vector_load %arg9[%get3A_1084, %get3A_1085] {strides = array<i32>} : memref<2048x16xf32, #tpu.memory_space<vmem>>, vector<16xf32>,
        %mul3A_1087 = arith.mulf %gather3A_1079, %get3A_1086 : vector<16xf32>
        %add3A_1088 = arith.addf %add3A_1036, %mul3A_1087 : vector<16xf32>
        %gather3A_1089 = arith.constant 16 : i32
        %gather3A_1090 = tpu.memref_slice %arg12[%add3A_809, %gather3A_1089] : memref<64x184xf32, #tpu.memory_space<vmem>> -> memref<1x160xf32, #tpu.memory_space<vmem>>
        %gather3A_1091 = tpu.memref_squeeze %gather3A_1090 : memref<1x160xf32, #tpu.memory_space<vmem>> -> memref<160xf32, #tpu.memory_space<vmem>>
        %gather3A_1092 = tpu.vector_load_idx %gather3A_1091[%select_n3A_73] : memref<160xf32, #tpu.memory_space<vmem>>[vector<16xi32>], vector<16xf32>,
        %mul3A_1093 = arith.constant 32 : i32
        %mul3A_1094 = arith.muli %add3A_809, %mul3A_1093 : i32
        %add3A_1095 = arith.constant 21 : i32
        %add3A_1096 = arith.addi %mul3A_1094, %add3A_1095 : i32
        %get3A_1097 = arith.index_cast %add3A_1096 : i32 to index
        %get3A_1098 = arith.constant 0 : index
        %get3A_1099 = tpu.vector_load %arg9[%get3A_1097, %get3A_1098] {strides = array<i32>} : memref<2048x16xf32, #tpu.memory_space<vmem>>, vector<16xf32>,
        %mul3A_1100 = arith.mulf %gather3A_1092, %get3A_1099 : vector<16xf32>
        %add3A_1101 = arith.addf %add3A_1049, %mul3A_1100 : vector<16xf32>
        %gather3A_1102 = arith.constant 16 : i32
        %gather3A_1103 = tpu.memref_slice %arg12[%add3A_809, %gather3A_1102] : memref<64x184xf32, #tpu.memory_space<vmem>> -> memref<1x160xf32, #tpu.memory_space<vmem>>
        %gather3A_1104 = tpu.memref_squeeze %gather3A_1103 : memref<1x160xf32, #tpu.memory_space<vmem>> -> memref<160xf32, #tpu.memory_space<vmem>>
        %gather3A_1105 = tpu.vector_load_idx %gather3A_1104[%select_n3A_83] : memref<160xf32, #tpu.memory_space<vmem>>[vector<16xi32>], vector<16xf32>,
        %mul3A_1106 = arith.constant 32 : i32
        %mul3A_1107 = arith.muli %add3A_809, %mul3A_1106 : i32
        %add3A_1108 = arith.constant 22 : i32
        %add3A_1109 = arith.addi %mul3A_1107, %add3A_1108 : i32
        %get3A_1110 = arith.index_cast %add3A_1109 : i32 to index
        %get3A_1111 = arith.constant 0 : index
        %get3A_1112 = tpu.vector_load %arg9[%get3A_1110, %get3A_1111] {strides = array<i32>} : memref<2048x16xf32, #tpu.memory_space<vmem>>, vector<16xf32>,
        %mul3A_1113 = arith.mulf %gather3A_1105, %get3A_1112 : vector<16xf32>
        %add3A_1114 = arith.addf %add3A_1062, %mul3A_1113 : vector<16xf32>
        %gather3A_1115 = arith.constant 16 : i32
        %gather3A_1116 = tpu.memref_slice %arg12[%add3A_809, %gather3A_1115] : memref<64x184xf32, #tpu.memory_space<vmem>> -> memref<1x160xf32, #tpu.memory_space<vmem>>
        %gather3A_1117 = tpu.memref_squeeze %gather3A_1116 : memref<1x160xf32, #tpu.memory_space<vmem>> -> memref<160xf32, #tpu.memory_space<vmem>>
        %gather3A_1118 = tpu.vector_load_idx %gather3A_1117[%select_n3A_93] : memref<160xf32, #tpu.memory_space<vmem>>[vector<16xi32>], vector<16xf32>,
        %mul3A_1119 = arith.constant 32 : i32
        %mul3A_1120 = arith.muli %add3A_809, %mul3A_1119 : i32
        %add3A_1121 = arith.constant 23 : i32
        %add3A_1122 = arith.addi %mul3A_1120, %add3A_1121 : i32
        %get3A_1123 = arith.index_cast %add3A_1122 : i32 to index
        %get3A_1124 = arith.constant 0 : index
        %get3A_1125 = tpu.vector_load %arg9[%get3A_1123, %get3A_1124] {strides = array<i32>} : memref<2048x16xf32, #tpu.memory_space<vmem>>, vector<16xf32>,
        %mul3A_1126 = arith.mulf %gather3A_1118, %get3A_1125 : vector<16xf32>
        %add3A_1127 = arith.addf %add3A_1075, %mul3A_1126 : vector<16xf32>
        %gather3A_1128 = arith.constant 24 : i32
        %gather3A_1129 = tpu.memref_slice %arg12[%add3A_809, %gather3A_1128] : memref<64x184xf32, #tpu.memory_space<vmem>> -> memref<1x160xf32, #tpu.memory_space<vmem>>
        %gather3A_1130 = tpu.memref_squeeze %gather3A_1129 : memref<1x160xf32, #tpu.memory_space<vmem>> -> memref<160xf32, #tpu.memory_space<vmem>>
        %gather3A_1131 = tpu.vector_load_idx %gather3A_1130[%select_n3A_23] : memref<160xf32, #tpu.memory_space<vmem>>[vector<16xi32>], vector<16xf32>,
        %mul3A_1132 = arith.constant 32 : i32
        %mul3A_1133 = arith.muli %add3A_809, %mul3A_1132 : i32
        %add3A_1134 = arith.constant 24 : i32
        %add3A_1135 = arith.addi %mul3A_1133, %add3A_1134 : i32
        %get3A_1136 = arith.index_cast %add3A_1135 : i32 to index
        %get3A_1137 = arith.constant 0 : index
        %get3A_1138 = tpu.vector_load %arg9[%get3A_1136, %get3A_1137] {strides = array<i32>} : memref<2048x16xf32, #tpu.memory_space<vmem>>, vector<16xf32>,
        %mul3A_1139 = arith.mulf %gather3A_1131, %get3A_1138 : vector<16xf32>
        %add3A_1140 = arith.addf %add3A_1088, %mul3A_1139 : vector<16xf32>
        %gather3A_1141 = arith.constant 24 : i32
        %gather3A_1142 = tpu.memref_slice %arg12[%add3A_809, %gather3A_1141] : memref<64x184xf32, #tpu.memory_space<vmem>> -> memref<1x160xf32, #tpu.memory_space<vmem>>
        %gather3A_1143 = tpu.memref_squeeze %gather3A_1142 : memref<1x160xf32, #tpu.memory_space<vmem>> -> memref<160xf32, #tpu.memory_space<vmem>>
        %gather3A_1144 = tpu.vector_load_idx %gather3A_1143[%select_n3A_33] : memref<160xf32, #tpu.memory_space<vmem>>[vector<16xi32>], vector<16xf32>,
        %mul3A_1145 = arith.constant 32 : i32
        %mul3A_1146 = arith.muli %add3A_809, %mul3A_1145 : i32
        %add3A_1147 = arith.constant 25 : i32
        %add3A_1148 = arith.addi %mul3A_1146, %add3A_1147 : i32
        %get3A_1149 = arith.index_cast %add3A_1148 : i32 to index
        %get3A_1150 = arith.constant 0 : index
        %get3A_1151 = tpu.vector_load %arg9[%get3A_1149, %get3A_1150] {strides = array<i32>} : memref<2048x16xf32, #tpu.memory_space<vmem>>, vector<16xf32>,
        %mul3A_1152 = arith.mulf %gather3A_1144, %get3A_1151 : vector<16xf32>
        %add3A_1153 = arith.addf %add3A_1101, %mul3A_1152 : vector<16xf32>
        %gather3A_1154 = arith.constant 24 : i32
        %gather3A_1155 = tpu.memref_slice %arg12[%add3A_809, %gather3A_1154] : memref<64x184xf32, #tpu.memory_space<vmem>> -> memref<1x160xf32, #tpu.memory_space<vmem>>
        %gather3A_1156 = tpu.memref_squeeze %gather3A_1155 : memref<1x160xf32, #tpu.memory_space<vmem>> -> memref<160xf32, #tpu.memory_space<vmem>>
        %gather3A_1157 = tpu.vector_load_idx %gather3A_1156[%select_n3A_43] : memref<160xf32, #tpu.memory_space<vmem>>[vector<16xi32>], vector<16xf32>,
        %mul3A_1158 = arith.constant 32 : i32
        %mul3A_1159 = arith.muli %add3A_809, %mul3A_1158 : i32
        %add3A_1160 = arith.constant 26 : i32
        %add3A_1161 = arith.addi %mul3A_1159, %add3A_1160 : i32
        %get3A_1162 = arith.index_cast %add3A_1161 : i32 to index
        %get3A_1163 = arith.constant 0 : index
        %get3A_1164 = tpu.vector_load %arg9[%get3A_1162, %get3A_1163] {strides = array<i32>} : memref<2048x16xf32, #tpu.memory_space<vmem>>, vector<16xf32>,
        %mul3A_1165 = arith.mulf %gather3A_1157, %get3A_1164 : vector<16xf32>
        %add3A_1166 = arith.addf %add3A_1114, %mul3A_1165 : vector<16xf32>
        %gather3A_1167 = arith.constant 24 : i32
        %gather3A_1168 = tpu.memref_slice %arg12[%add3A_809, %gather3A_1167] : memref<64x184xf32, #tpu.memory_space<vmem>> -> memref<1x160xf32, #tpu.memory_space<vmem>>
        %gather3A_1169 = tpu.memref_squeeze %gather3A_1168 : memref<1x160xf32, #tpu.memory_space<vmem>> -> memref<160xf32, #tpu.memory_space<vmem>>
        %gather3A_1170 = tpu.vector_load_idx %gather3A_1169[%select_n3A_53] : memref<160xf32, #tpu.memory_space<vmem>>[vector<16xi32>], vector<16xf32>,
        %mul3A_1171 = arith.constant 32 : i32
        %mul3A_1172 = arith.muli %add3A_809, %mul3A_1171 : i32
        %add3A_1173 = arith.constant 27 : i32
        %add3A_1174 = arith.addi %mul3A_1172, %add3A_1173 : i32
        %get3A_1175 = arith.index_cast %add3A_1174 : i32 to index
        %get3A_1176 = arith.constant 0 : index
        %get3A_1177 = tpu.vector_load %arg9[%get3A_1175, %get3A_1176] {strides = array<i32>} : memref<2048x16xf32, #tpu.memory_space<vmem>>, vector<16xf32>,
        %mul3A_1178 = arith.mulf %gather3A_1170, %get3A_1177 : vector<16xf32>
        %add3A_1179 = arith.addf %add3A_1127, %mul3A_1178 : vector<16xf32>
        %gather3A_1180 = arith.constant 24 : i32
        %gather3A_1181 = tpu.memref_slice %arg12[%add3A_809, %gather3A_1180] : memref<64x184xf32, #tpu.memory_space<vmem>> -> memref<1x160xf32, #tpu.memory_space<vmem>>
        %gather3A_1182 = tpu.memref_squeeze %gather3A_1181 : memref<1x160xf32, #tpu.memory_space<vmem>> -> memref<160xf32, #tpu.memory_space<vmem>>
        %gather3A_1183 = tpu.vector_load_idx %gather3A_1182[%select_n3A_63] : memref<160xf32, #tpu.memory_space<vmem>>[vector<16xi32>], vector<16xf32>,
        %mul3A_1184 = arith.constant 32 : i32
        %mul3A_1185 = arith.muli %add3A_809, %mul3A_1184 : i32
        %add3A_1186 = arith.constant 28 : i32
        %add3A_1187 = arith.addi %mul3A_1185, %add3A_1186 : i32
        %get3A_1188 = arith.index_cast %add3A_1187 : i32 to index
        %get3A_1189 = arith.constant 0 : index
        %get3A_1190 = tpu.vector_load %arg9[%get3A_1188, %get3A_1189] {strides = array<i32>} : memref<2048x16xf32, #tpu.memory_space<vmem>>, vector<16xf32>,
        %mul3A_1191 = arith.mulf %gather3A_1183, %get3A_1190 : vector<16xf32>
        %add3A_1192 = arith.addf %add3A_1140, %mul3A_1191 : vector<16xf32>
        %gather3A_1193 = arith.constant 24 : i32
        %gather3A_1194 = tpu.memref_slice %arg12[%add3A_809, %gather3A_1193] : memref<64x184xf32, #tpu.memory_space<vmem>> -> memref<1x160xf32, #tpu.memory_space<vmem>>
        %gather3A_1195 = tpu.memref_squeeze %gather3A_1194 : memref<1x160xf32, #tpu.memory_space<vmem>> -> memref<160xf32, #tpu.memory_space<vmem>>
        %gather3A_1196 = tpu.vector_load_idx %gather3A_1195[%select_n3A_73] : memref<160xf32, #tpu.memory_space<vmem>>[vector<16xi32>], vector<16xf32>,
        %mul3A_1197 = arith.constant 32 : i32
        %mul3A_1198 = arith.muli %add3A_809, %mul3A_1197 : i32
        %add3A_1199 = arith.constant 29 : i32
        %add3A_1200 = arith.addi %mul3A_1198, %add3A_1199 : i32
        %get3A_1201 = arith.index_cast %add3A_1200 : i32 to index
        %get3A_1202 = arith.constant 0 : index
        %get3A_1203 = tpu.vector_load %arg9[%get3A_1201, %get3A_1202] {strides = array<i32>} : memref<2048x16xf32, #tpu.memory_space<vmem>>, vector<16xf32>,
        %mul3A_1204 = arith.mulf %gather3A_1196, %get3A_1203 : vector<16xf32>
        %add3A_1205 = arith.addf %add3A_1153, %mul3A_1204 : vector<16xf32>
        %gather3A_1206 = arith.constant 24 : i32
        %gather3A_1207 = tpu.memref_slice %arg12[%add3A_809, %gather3A_1206] : memref<64x184xf32, #tpu.memory_space<vmem>> -> memref<1x160xf32, #tpu.memory_space<vmem>>
        %gather3A_1208 = tpu.memref_squeeze %gather3A_1207 : memref<1x160xf32, #tpu.memory_space<vmem>> -> memref<160xf32, #tpu.memory_space<vmem>>
        %gather3A_1209 = tpu.vector_load_idx %gather3A_1208[%select_n3A_83] : memref<160xf32, #tpu.memory_space<vmem>>[vector<16xi32>], vector<16xf32>,
        %mul3A_1210 = arith.constant 32 : i32
        %mul3A_1211 = arith.muli %add3A_809, %mul3A_1210 : i32
        %add3A_1212 = arith.constant 30 : i32
        %add3A_1213 = arith.addi %mul3A_1211, %add3A_1212 : i32
        %get3A_1214 = arith.index_cast %add3A_1213 : i32 to index
        %get3A_1215 = arith.constant 0 : index
        %get3A_1216 = tpu.vector_load %arg9[%get3A_1214, %get3A_1215] {strides = array<i32>} : memref<2048x16xf32, #tpu.memory_space<vmem>>, vector<16xf32>,
        %mul3A_1217 = arith.mulf %gather3A_1209, %get3A_1216 : vector<16xf32>
        %add3A_1218 = arith.addf %add3A_1166, %mul3A_1217 : vector<16xf32>
        %gather3A_1219 = arith.constant 24 : i32
        %gather3A_1220 = tpu.memref_slice %arg12[%add3A_809, %gather3A_1219] : memref<64x184xf32, #tpu.memory_space<vmem>> -> memref<1x160xf32, #tpu.memory_space<vmem>>
        %gather3A_1221 = tpu.memref_squeeze %gather3A_1220 : memref<1x160xf32, #tpu.memory_space<vmem>> -> memref<160xf32, #tpu.memory_space<vmem>>
        %gather3A_1222 = tpu.vector_load_idx %gather3A_1221[%select_n3A_93] : memref<160xf32, #tpu.memory_space<vmem>>[vector<16xi32>], vector<16xf32>,
        %mul3A_1223 = arith.constant 32 : i32
        %mul3A_1224 = arith.muli %add3A_809, %mul3A_1223 : i32
        %add3A_1225 = arith.constant 31 : i32
        %add3A_1226 = arith.addi %mul3A_1224, %add3A_1225 : i32
        %get3A_1227 = arith.index_cast %add3A_1226 : i32 to index
        %get3A_1228 = arith.constant 0 : index
        %get3A_1229 = tpu.vector_load %arg9[%get3A_1227, %get3A_1228] {strides = array<i32>} : memref<2048x16xf32, #tpu.memory_space<vmem>>, vector<16xf32>,
        %mul3A_1230 = arith.mulf %gather3A_1222, %get3A_1229 : vector<16xf32>
        %add3A_1231 = arith.addf %add3A_1179, %mul3A_1230 : vector<16xf32>
        %add3A_1232 = arith.addf %add3A_1192, %add3A_1205 : vector<16xf32>
        %add3A_1233 = arith.addf %add3A_1218, %add3A_1231 : vector<16xf32>
        %add3A_1234 = arith.addf %add3A_1232, %add3A_1233 : vector<16xf32>
        %mul3A_1235 = arith.constant 16 : i32
        %mul3A_1236 = arith.muli %add3A_809, %mul3A_1235 : i32
        %swap3A_1237 = arith.index_cast %mul3A_1236 : i32 to index
        %swap3A_1238 = tpu.vector_load %arg13[%swap3A_1237] {strides = array<i32>} : memref<1024xf32, #tpu.memory_space<vmem>>, vector<16xf32>,
        tpu.vector_store %arg13[%swap3A_1237], %add3A_1234 {strides = array<i32>} : memref<1024xf32, #tpu.memory_space<vmem>>, vector<16xf32>,
      }
      %scan3A_799 = arith.constant 64 : i32
      %scan3A_800 = arith.constant 0 : i32
      %scan3A_801 = arith.constant 4 : i32
      %scan3A_802 = arith.addi %scan3A_800, %scan3A_801 : i32
      %scan3A_803 = arith.constant 1 : i32
      scf.for %scan3A_805 = %scan3A_800 to %scan3A_802 step %scan3A_803  : i32 {
        %mul3A_806 = arith.constant 1 : i32
        %mul3A_807 = arith.muli %scan3A_805, %mul3A_806 : i32
        %add3A_808 = arith.constant 0 : i32
        %add3A_809 = arith.addi %add3A_808, %mul3A_807 : i32
        %mul3A_810 = arith.constant 16 : i32
        %mul3A_811 = arith.muli %add3A_809, %mul3A_810 : i32
        %add3A_812 = vector.broadcast %mul3A_811 : i32 to vector<16xi32>
        %add3A_813 = arith.addi %add3A_812, %iota3A : vector<16xi32>
        %mul3A_814 = arith.constant 16 : i32
        %mul3A_815 = vector.broadcast %mul3A_814 : i32 to vector<16xi32>
        %mul3A_816 = arith.muli %add3A_813, %mul3A_815 : vector<16xi32>
        %add3A_817 = arith.constant 0 : i32
        %add3A_818 = vector.broadcast %add3A_817 : i32 to vector<16xi32>
        %add3A_819 = arith.addi %mul3A_816, %add3A_818 : vector<16xi32>
        %gather3A = tpu.vector_load_idx %arg13[%add3A_819] : memref<1024xf32, #tpu.memory_space<vmem>>[vector<16xi32>], vector<16xf32>,
        %add3A_820 = arith.constant 1 : i32
        %add3A_821 = vector.broadcast %add3A_820 : i32 to vector<16xi32>
        %add3A_822 = arith.addi %mul3A_816, %add3A_821 : vector<16xi32>
        %gather3A_823 = tpu.vector_load_idx %arg13[%add3A_822] : memref<1024xf32, #tpu.memory_space<vmem>>[vector<16xi32>], vector<16xf32>,
        %add3A_824 = arith.constant 2 : i32
        %add3A_825 = vector.broadcast %add3A_824 : i32 to vector<16xi32>
        %add3A_826 = arith.addi %mul3A_816, %add3A_825 : vector<16xi32>
        %gather3A_827 = tpu.vector_load_idx %arg13[%add3A_826] : memref<1024xf32, #tpu.memory_space<vmem>>[vector<16xi32>], vector<16xf32>,
        %add3A_828 = arith.constant 3 : i32
        %add3A_829 = vector.broadcast %add3A_828 : i32 to vector<16xi32>
        %add3A_830 = arith.addi %mul3A_816, %add3A_829 : vector<16xi32>
        %gather3A_831 = tpu.vector_load_idx %arg13[%add3A_830] : memref<1024xf32, #tpu.memory_space<vmem>>[vector<16xi32>], vector<16xf32>,
        %add3A_832 = arith.addf %gather3A, %gather3A_823 : vector<16xf32>
        %add3A_833 = arith.addf %gather3A_827, %gather3A_831 : vector<16xf32>
        %add3A_834 = arith.addf %add3A_832, %add3A_833 : vector<16xf32>
        %mul3A_835 = arith.constant 64 : i32
        %mul3A_836 = arith.muli %add3A_789, %mul3A_835 : i32
        %add3A_837 = arith.constant 0 : i32
        %add3A_838 = arith.addi %add3A_837, %mul3A_836 : i32
        %mul3A_839 = arith.constant 16 : i32
        %mul3A_840 = arith.muli %add3A_809, %mul3A_839 : i32
        %add3A_841 = arith.addi %add3A_838, %mul3A_840 : i32
        %swap3A_842 = arith.index_cast %add3A_841 : i32 to index
        %swap3A_843 = tpu.vector_load %arg14[%swap3A_842] {strides = array<i32>} : memref<12544xf32, #tpu.memory_space<vmem>>, vector<16xf32>,
        tpu.vector_store %arg14[%swap3A_842], %add3A_834 {strides = array<i32>} : memref<12544xf32, #tpu.memory_space<vmem>>, vector<16xf32>,
        %add3A_844 = arith.constant 4 : i32
        %add3A_845 = vector.broadcast %add3A_844 : i32 to vector<16xi32>
        %add3A_846 = arith.addi %mul3A_816, %add3A_845 : vector<16xi32>
        %gather3A_847 = tpu.vector_load_idx %arg13[%add3A_846] : memref<1024xf32, #tpu.memory_space<vmem>>[vector<16xi32>], vector<16xf32>,
        %add3A_848 = arith.constant 5 : i32
        %add3A_849 = vector.broadcast %add3A_848 : i32 to vector<16xi32>
        %add3A_850 = arith.addi %mul3A_816, %add3A_849 : vector<16xi32>
        %gather3A_851 = tpu.vector_load_idx %arg13[%add3A_850] : memref<1024xf32, #tpu.memory_space<vmem>>[vector<16xi32>], vector<16xf32>,
        %add3A_852 = arith.constant 6 : i32
        %add3A_853 = vector.broadcast %add3A_852 : i32 to vector<16xi32>
        %add3A_854 = arith.addi %mul3A_816, %add3A_853 : vector<16xi32>
        %gather3A_855 = tpu.vector_load_idx %arg13[%add3A_854] : memref<1024xf32, #tpu.memory_space<vmem>>[vector<16xi32>], vector<16xf32>,
        %add3A_856 = arith.constant 7 : i32
        %add3A_857 = vector.broadcast %add3A_856 : i32 to vector<16xi32>
        %add3A_858 = arith.addi %mul3A_816, %add3A_857 : vector<16xi32>
        %gather3A_859 = tpu.vector_load_idx %arg13[%add3A_858] : memref<1024xf32, #tpu.memory_space<vmem>>[vector<16xi32>], vector<16xf32>,
        %add3A_860 = arith.addf %gather3A_847, %gather3A_851 : vector<16xf32>
        %add3A_861 = arith.addf %gather3A_855, %gather3A_859 : vector<16xf32>
        %add3A_862 = arith.addf %add3A_860, %add3A_861 : vector<16xf32>
        %mul3A_863 = arith.constant 64 : i32
        %mul3A_864 = arith.muli %add3A_789, %mul3A_863 : i32
        %add3A_865 = arith.constant 3136 : i32
        %add3A_866 = arith.addi %add3A_865, %mul3A_864 : i32
        %mul3A_867 = arith.constant 16 : i32
        %mul3A_868 = arith.muli %add3A_809, %mul3A_867 : i32
        %add3A_869 = arith.addi %add3A_866, %mul3A_868 : i32
        %swap3A_870 = arith.index_cast %add3A_869 : i32 to index
        %swap3A_871 = tpu.vector_load %arg14[%swap3A_870] {strides = array<i32>} : memref<12544xf32, #tpu.memory_space<vmem>>, vector<16xf32>,
        tpu.vector_store %arg14[%swap3A_870], %add3A_862 {strides = array<i32>} : memref<12544xf32, #tpu.memory_space<vmem>>, vector<16xf32>,
        %add3A_872 = arith.constant 8 : i32
        %add3A_873 = vector.broadcast %add3A_872 : i32 to vector<16xi32>
        %add3A_874 = arith.addi %mul3A_816, %add3A_873 : vector<16xi32>
        %gather3A_875 = tpu.vector_load_idx %arg13[%add3A_874] : memref<1024xf32, #tpu.memory_space<vmem>>[vector<16xi32>], vector<16xf32>,
        %add3A_876 = arith.constant 9 : i32
        %add3A_877 = vector.broadcast %add3A_876 : i32 to vector<16xi32>
        %add3A_878 = arith.addi %mul3A_816, %add3A_877 : vector<16xi32>
        %gather3A_879 = tpu.vector_load_idx %arg13[%add3A_878] : memref<1024xf32, #tpu.memory_space<vmem>>[vector<16xi32>], vector<16xf32>,
        %add3A_880 = arith.constant 10 : i32
        %add3A_881 = vector.broadcast %add3A_880 : i32 to vector<16xi32>
        %add3A_882 = arith.addi %mul3A_816, %add3A_881 : vector<16xi32>
        %gather3A_883 = tpu.vector_load_idx %arg13[%add3A_882] : memref<1024xf32, #tpu.memory_space<vmem>>[vector<16xi32>], vector<16xf32>,
        %add3A_884 = arith.constant 11 : i32
        %add3A_885 = vector.broadcast %add3A_884 : i32 to vector<16xi32>
        %add3A_886 = arith.addi %mul3A_816, %add3A_885 : vector<16xi32>
        %gather3A_887 = tpu.vector_load_idx %arg13[%add3A_886] : memref<1024xf32, #tpu.memory_space<vmem>>[vector<16xi32>], vector<16xf32>,
        %add3A_888 = arith.addf %gather3A_875, %gather3A_879 : vector<16xf32>
        %add3A_889 = arith.addf %gather3A_883, %gather3A_887 : vector<16xf32>
        %add3A_890 = arith.addf %add3A_888, %add3A_889 : vector<16xf32>
        %mul3A_891 = arith.constant 64 : i32
        %mul3A_892 = arith.muli %add3A_789, %mul3A_891 : i32
        %add3A_893 = arith.constant 6272 : i32
        %add3A_894 = arith.addi %add3A_893, %mul3A_892 : i32
        %mul3A_895 = arith.constant 16 : i32
        %mul3A_896 = arith.muli %add3A_809, %mul3A_895 : i32
        %add3A_897 = arith.addi %add3A_894, %mul3A_896 : i32
        %swap3A_898 = arith.index_cast %add3A_897 : i32 to index
        %swap3A_899 = tpu.vector_load %arg14[%swap3A_898] {strides = array<i32>} : memref<12544xf32, #tpu.memory_space<vmem>>, vector<16xf32>,
        tpu.vector_store %arg14[%swap3A_898], %add3A_890 {strides = array<i32>} : memref<12544xf32, #tpu.memory_space<vmem>>, vector<16xf32>,
        %add3A_900 = arith.constant 12 : i32
        %add3A_901 = vector.broadcast %add3A_900 : i32 to vector<16xi32>
        %add3A_902 = arith.addi %mul3A_816, %add3A_901 : vector<16xi32>
        %gather3A_903 = tpu.vector_load_idx %arg13[%add3A_902] : memref<1024xf32, #tpu.memory_space<vmem>>[vector<16xi32>], vector<16xf32>,
        %add3A_904 = arith.constant 13 : i32
        %add3A_905 = vector.broadcast %add3A_904 : i32 to vector<16xi32>
        %add3A_906 = arith.addi %mul3A_816, %add3A_905 : vector<16xi32>
        %gather3A_907 = tpu.vector_load_idx %arg13[%add3A_906] : memref<1024xf32, #tpu.memory_space<vmem>>[vector<16xi32>], vector<16xf32>,
        %add3A_908 = arith.constant 14 : i32
        %add3A_909 = vector.broadcast %add3A_908 : i32 to vector<16xi32>
        %add3A_910 = arith.addi %mul3A_816, %add3A_909 : vector<16xi32>
        %gather3A_911 = tpu.vector_load_idx %arg13[%add3A_910] : memref<1024xf32, #tpu.memory_space<vmem>>[vector<16xi32>], vector<16xf32>,
        %add3A_912 = arith.constant 15 : i32
        %add3A_913 = vector.broadcast %add3A_912 : i32 to vector<16xi32>
        %add3A_914 = arith.addi %mul3A_816, %add3A_913 : vector<16xi32>
        %gather3A_915 = tpu.vector_load_idx %arg13[%add3A_914] : memref<1024xf32, #tpu.memory_space<vmem>>[vector<16xi32>], vector<16xf32>,
        %add3A_916 = arith.addf %gather3A_903, %gather3A_907 : vector<16xf32>
        %add3A_917 = arith.addf %gather3A_911, %gather3A_915 : vector<16xf32>
        %add3A_918 = arith.addf %add3A_916, %add3A_917 : vector<16xf32>
        %mul3A_919 = arith.constant 64 : i32
        %mul3A_920 = arith.muli %add3A_789, %mul3A_919 : i32
        %add3A_921 = arith.constant 9408 : i32
        %add3A_922 = arith.addi %add3A_921, %mul3A_920 : i32
        %mul3A_923 = arith.constant 16 : i32
        %mul3A_924 = arith.muli %add3A_809, %mul3A_923 : i32
        %add3A_925 = arith.addi %add3A_922, %mul3A_924 : i32
        %swap3A_926 = arith.index_cast %add3A_925 : i32 to index
        %swap3A_927 = tpu.vector_load %arg14[%swap3A_926] {strides = array<i32>} : memref<12544xf32, #tpu.memory_space<vmem>>, vector<16xf32>,
        tpu.vector_store %arg14[%swap3A_926], %add3A_918 {strides = array<i32>} : memref<12544xf32, #tpu.memory_space<vmem>>, vector<16xf32>,
      }
      %scan3A_804 = arith.constant 4 : i32
    }
    %scan3A_299 = arith.constant 24 : i32
    %dma_wait3A = arith.constant 0 : i32
    %dma_wait3A_300 = arith.constant 0 : i32
    %dma_wait3A_301 = tpu.memref_slice %arg2[%dma_wait3A, %dma_wait3A_300] : memref<100000x16xf32, #tpu.memory_space<hbm>> -> memref<2048x16xf32, #tpu.memory_space<hbm>>
    %dma_wait3A_302 = arith.constant 0 : i32
    %dma_wait3A_303 = arith.constant 0 : i32
    %dma_wait3A_304 = tpu.memref_slice %arg2[%dma_wait3A_302, %dma_wait3A_303] : memref<100000x16xf32, #tpu.memory_space<hbm>> -> memref<2048x16xf32, #tpu.memory_space<hbm>>
    tpu.wait_dma2 semaphore(%arg15 : memref<!tpu.dma_semaphore, #tpu.memory_space<semaphore_mem>>) src(%dma_wait3A_304 : memref<2048x16xf32, #tpu.memory_space<hbm>>) dst(%arg8 : memref<2048x16xf32, #tpu.memory_space<vmem>>)
    %dma_wait3A_305 = arith.constant 0 : i32
    %dma_wait3A_306 = tpu.memref_slice %arg10[%dma_wait3A_305] : memref<6160xf32, #tpu.memory_space<vmem>> -> memref<6144xf32, #tpu.memory_space<vmem>>
    %dma_wait3A_307 = arith.constant 0 : i32
    %dma_wait3A_308 = tpu.memref_slice %arg4[%dma_wait3A_307] : memref<9600000xf32, #tpu.memory_space<hbm>> -> memref<6144xf32, #tpu.memory_space<hbm>>
    %dma_wait3A_309 = arith.constant 0 : i32
    %dma_wait3A_310 = tpu.memref_slice %arg10[%dma_wait3A_309] : memref<6160xf32, #tpu.memory_space<vmem>> -> memref<6144xf32, #tpu.memory_space<vmem>>
    %dma_wait3A_311 = arith.constant 0 : i32
    %dma_wait3A_312 = tpu.memref_slice %arg4[%dma_wait3A_311] : memref<9600000xf32, #tpu.memory_space<hbm>> -> memref<6144xf32, #tpu.memory_space<hbm>>
    tpu.wait_dma2 semaphore(%arg15 : memref<!tpu.dma_semaphore, #tpu.memory_space<semaphore_mem>>) src(%dma_wait3A_312 : memref<6144xf32, #tpu.memory_space<hbm>>) dst(%dma_wait3A_310 : memref<6144xf32, #tpu.memory_space<vmem>>)
    %scan3A_313 = arith.constant 0 : i32
    %scan3A_314 = arith.constant 64 : i32
    %scan3A_315 = arith.addi %scan3A_313, %scan3A_314 : i32
    %scan3A_316 = arith.constant 1 : i32
    scf.for %scan3A_336 = %scan3A_313 to %scan3A_315 step %scan3A_316  : i32 {
      %mul3A_337 = arith.constant 1 : i32
      %mul3A_338 = arith.muli %scan3A_336, %mul3A_337 : i32
      %add3A_339 = arith.constant 0 : i32
      %add3A_340 = arith.addi %add3A_339, %mul3A_338 : i32
      %mul3A_341 = arith.constant 96 : i32
      %mul3A_342 = arith.muli %add3A_340, %mul3A_341 : i32
      %mul3A_343 = arith.constant 96 : i32
      %mul3A_344 = arith.muli %add3A_340, %mul3A_343 : i32
      %get3A = arith.index_cast %mul3A_344 : i32 to index
      %get3A_345 = tpu.vector_load %arg10[%get3A] {strides = array<i32>} : memref<6160xf32, #tpu.memory_space<vmem>>, vector<16xf32>,
      %mul3A_346 = arith.constant 96 : i32
      %mul3A_347 = arith.muli %add3A_340, %mul3A_346 : i32
      %add3A_348 = arith.constant 16 : i32
      %add3A_349 = arith.addi %mul3A_347, %add3A_348 : i32
      %get3A_350 = arith.index_cast %add3A_349 : i32 to index
      %get3A_351 = tpu.vector_load %arg10[%get3A_350] {strides = array<i32>} : memref<6160xf32, #tpu.memory_space<vmem>>, vector<16xf32>,
      %swap3A_352 = arith.index_cast %add3A_340 : i32 to index
      %swap3A_353 = arith.constant 0 : index
      %swap3A_354 = tpu.vector_load %arg12[%swap3A_352, %swap3A_353] {strides = array<i32>} : memref<64x184xf32, #tpu.memory_space<vmem>>, vector<16xf32>,
      tpu.vector_store %arg12[%swap3A_352, %swap3A_353], %get3A_345 {strides = array<i32>} : memref<64x184xf32, #tpu.memory_space<vmem>>, vector<16xf32>,
      %swap3A_355 = arith.index_cast %add3A_340 : i32 to index
      %swap3A_356 = arith.constant 16 : index
      %swap3A_357 = tpu.vector_load %arg12[%swap3A_355, %swap3A_356] {strides = array<i32>} : memref<64x184xf32, #tpu.memory_space<vmem>>, vector<16xf32>,
      tpu.vector_store %arg12[%swap3A_355, %swap3A_356], %get3A_351 {strides = array<i32>} : memref<64x184xf32, #tpu.memory_space<vmem>>, vector<16xf32>,
      %add3A_358 = arith.constant 31 : i32
      %add3A_359 = vector.broadcast %add3A_358 : i32 to vector<16xi32>
      %add3A_360 = arith.addi %iota3A, %add3A_359 : vector<16xi32>
      %gather3A = tpu.memref_slice %arg10[%mul3A_342] : memref<6160xf32, #tpu.memory_space<vmem>> -> memref<112xf32, #tpu.memory_space<vmem>>
      %gather3A_361 = tpu.vector_load_idx %gather3A[%add3A_360] : memref<112xf32, #tpu.memory_space<vmem>>[vector<16xi32>], vector<16xf32>,
      %add3A_362 = arith.constant 47 : i32
      %add3A_363 = vector.broadcast %add3A_362 : i32 to vector<16xi32>
      %add3A_364 = arith.addi %iota3A, %add3A_363 : vector<16xi32>
      %gather3A_365 = tpu.memref_slice %arg10[%mul3A_342] : memref<6160xf32, #tpu.memory_space<vmem>> -> memref<112xf32, #tpu.memory_space<vmem>>
      %gather3A_366 = tpu.vector_load_idx %gather3A_365[%add3A_364] : memref<112xf32, #tpu.memory_space<vmem>>[vector<16xi32>], vector<16xf32>,
      %add3A_367 = arith.constant 63 : i32
      %add3A_368 = vector.broadcast %add3A_367 : i32 to vector<16xi32>
      %add3A_369 = arith.addi %iota3A, %add3A_368 : vector<16xi32>
      %gather3A_370 = tpu.memref_slice %arg10[%mul3A_342] : memref<6160xf32, #tpu.memory_space<vmem>> -> memref<112xf32, #tpu.memory_space<vmem>>
      %gather3A_371 = tpu.vector_load_idx %gather3A_370[%add3A_369] : memref<112xf32, #tpu.memory_space<vmem>>[vector<16xi32>], vector<16xf32>,
      %swap3A_372 = arith.index_cast %add3A_340 : i32 to index
      %swap3A_373 = arith.constant 48 : index
      %swap3A_374 = tpu.vector_load %arg12[%swap3A_372, %swap3A_373] {strides = array<i32>} : memref<64x184xf32, #tpu.memory_space<vmem>>, vector<16xf32>,
      tpu.vector_store %arg12[%swap3A_372, %swap3A_373], %gather3A_361 {strides = array<i32>} : memref<64x184xf32, #tpu.memory_space<vmem>>, vector<16xf32>,
      %swap3A_375 = arith.index_cast %add3A_340 : i32 to index
      %swap3A_376 = arith.constant 64 : index
      %swap3A_377 = tpu.vector_load %arg12[%swap3A_375, %swap3A_376] {strides = array<i32>} : memref<64x184xf32, #tpu.memory_space<vmem>>, vector<16xf32>,
      tpu.vector_store %arg12[%swap3A_375, %swap3A_376], %gather3A_366 {strides = array<i32>} : memref<64x184xf32, #tpu.memory_space<vmem>>, vector<16xf32>,
      %swap3A_378 = arith.index_cast %add3A_340 : i32 to index
      %swap3A_379 = arith.constant 80 : index
      %swap3A_380 = tpu.vector_load %arg12[%swap3A_378, %swap3A_379] {strides = array<i32>} : memref<64x184xf32, #tpu.memory_space<vmem>>, vector<16xf32>,
      tpu.vector_store %arg12[%swap3A_378, %swap3A_379], %gather3A_371 {strides = array<i32>} : memref<64x184xf32, #tpu.memory_space<vmem>>, vector<16xf32>,
      %add3A_381 = arith.constant 62 : i32
      %add3A_382 = vector.broadcast %add3A_381 : i32 to vector<16xi32>
      %add3A_383 = arith.addi %iota3A, %add3A_382 : vector<16xi32>
      %gather3A_384 = tpu.memref_slice %arg10[%mul3A_342] : memref<6160xf32, #tpu.memory_space<vmem>> -> memref<112xf32, #tpu.memory_space<vmem>>
      %gather3A_385 = tpu.vector_load_idx %gather3A_384[%add3A_383] : memref<112xf32, #tpu.memory_space<vmem>>[vector<16xi32>], vector<16xf32>,
      %add3A_386 = arith.constant 78 : i32
      %add3A_387 = vector.broadcast %add3A_386 : i32 to vector<16xi32>
      %add3A_388 = arith.addi %iota3A, %add3A_387 : vector<16xi32>
      %gather3A_389 = tpu.memref_slice %arg10[%mul3A_342] : memref<6160xf32, #tpu.memory_space<vmem>> -> memref<112xf32, #tpu.memory_space<vmem>>
      %gather3A_390 = tpu.vector_load_idx %gather3A_389[%add3A_388] : memref<112xf32, #tpu.memory_space<vmem>>[vector<16xi32>], vector<16xf32>,
      %add3A_391 = arith.constant 94 : i32
      %add3A_392 = vector.broadcast %add3A_391 : i32 to vector<16xi32>
      %add3A_393 = arith.addi %iota3A, %add3A_392 : vector<16xi32>
      %gather3A_394 = tpu.memref_slice %arg10[%mul3A_342] : memref<6160xf32, #tpu.memory_space<vmem>> -> memref<112xf32, #tpu.memory_space<vmem>>
      %gather3A_395 = tpu.vector_load_idx %gather3A_394[%add3A_393] : memref<112xf32, #tpu.memory_space<vmem>>[vector<16xi32>], vector<16xf32>,
      %swap3A_396 = arith.index_cast %add3A_340 : i32 to index
      %swap3A_397 = arith.constant 96 : index
      %swap3A_398 = tpu.vector_load %arg12[%swap3A_396, %swap3A_397] {strides = array<i32>} : memref<64x184xf32, #tpu.memory_space<vmem>>, vector<16xf32>,
      tpu.vector_store %arg12[%swap3A_396, %swap3A_397], %gather3A_385 {strides = array<i32>} : memref<64x184xf32, #tpu.memory_space<vmem>>, vector<16xf32>,
      %swap3A_399 = arith.index_cast %add3A_340 : i32 to index
      %swap3A_400 = arith.constant 112 : index
      %swap3A_401 = tpu.vector_load %arg12[%swap3A_399, %swap3A_400] {strides = array<i32>} : memref<64x184xf32, #tpu.memory_space<vmem>>, vector<16xf32>,
      tpu.vector_store %arg12[%swap3A_399, %swap3A_400], %gather3A_390 {strides = array<i32>} : memref<64x184xf32, #tpu.memory_space<vmem>>, vector<16xf32>,
      %swap3A_402 = arith.index_cast %add3A_340 : i32 to index
      %swap3A_403 = arith.constant 128 : index
      %swap3A_404 = tpu.vector_load %arg12[%swap3A_402, %swap3A_403] {strides = array<i32>} : memref<64x184xf32, #tpu.memory_space<vmem>>, vector<16xf32>,
      tpu.vector_store %arg12[%swap3A_402, %swap3A_403], %gather3A_395 {strides = array<i32>} : memref<64x184xf32, #tpu.memory_space<vmem>>, vector<16xf32>,
    }
    %scan3A_317 = arith.constant 64 : i32
    %scan3A_318 = arith.constant 0 : i32
    %scan3A_319 = arith.constant 64 : i32
    %scan3A_320 = arith.addi %scan3A_318, %scan3A_319 : i32
    %scan3A_321 = arith.constant 1 : i32
    scf.for %scan3A_336 = %scan3A_318 to %scan3A_320 step %scan3A_321  : i32 {
      %mul3A_337 = arith.constant 1 : i32
      %mul3A_338 = arith.muli %scan3A_336, %mul3A_337 : i32
      %add3A_339 = arith.constant 0 : i32
      %add3A_340 = arith.addi %add3A_339, %mul3A_338 : i32
      %broadcast_in_dim3A_341 = arith.constant 0.000000e+00 : f32
      %broadcast_in_dim3A_342 = vector.broadcast %broadcast_in_dim3A_341 : f32 to vector<16xf32>
      %broadcast_in_dim3A_343 = arith.constant 0.000000e+00 : f32
      %broadcast_in_dim3A_344 = vector.broadcast %broadcast_in_dim3A_343 : f32 to vector<16xf32>
      %broadcast_in_dim3A_345 = arith.constant 0.000000e+00 : f32
      %broadcast_in_dim3A_346 = vector.broadcast %broadcast_in_dim3A_345 : f32 to vector<16xf32>
      %broadcast_in_dim3A_347 = arith.constant 0.000000e+00 : f32
      %broadcast_in_dim3A_348 = vector.broadcast %broadcast_in_dim3A_347 : f32 to vector<16xf32>
      %gather3A = arith.constant 0 : i32
      %gather3A_349 = tpu.memref_slice %arg12[%add3A_340, %gather3A] : memref<64x184xf32, #tpu.memory_space<vmem>> -> memref<1x160xf32, #tpu.memory_space<vmem>>
      %gather3A_350 = tpu.memref_squeeze %gather3A_349 : memref<1x160xf32, #tpu.memory_space<vmem>> -> memref<160xf32, #tpu.memory_space<vmem>>
      %gather3A_351 = tpu.vector_load_idx %gather3A_350[%select_n3A_23] : memref<160xf32, #tpu.memory_space<vmem>>[vector<16xi32>], vector<16xf32>,
      %mul3A_352 = arith.constant 32 : i32
      %mul3A_353 = arith.muli %add3A_340, %mul3A_352 : i32
      %add3A_354 = arith.constant 0 : i32
      %add3A_355 = arith.addi %mul3A_353, %add3A_354 : i32
      %get3A = arith.index_cast %add3A_355 : i32 to index
      %get3A_356 = arith.constant 0 : index
      %get3A_357 = tpu.vector_load %arg8[%get3A, %get3A_356] {strides = array<i32>} : memref<2048x16xf32, #tpu.memory_space<vmem>>, vector<16xf32>,
      %mul3A_358 = arith.mulf %gather3A_351, %get3A_357 : vector<16xf32>
      %add3A_359 = arith.addf %broadcast_in_dim3A_342, %mul3A_358 : vector<16xf32>
      %gather3A_360 = arith.constant 0 : i32
      %gather3A_361 = tpu.memref_slice %arg12[%add3A_340, %gather3A_360] : memref<64x184xf32, #tpu.memory_space<vmem>> -> memref<1x160xf32, #tpu.memory_space<vmem>>
      %gather3A_362 = tpu.memref_squeeze %gather3A_361 : memref<1x160xf32, #tpu.memory_space<vmem>> -> memref<160xf32, #tpu.memory_space<vmem>>
      %gather3A_363 = tpu.vector_load_idx %gather3A_362[%select_n3A_33] : memref<160xf32, #tpu.memory_space<vmem>>[vector<16xi32>], vector<16xf32>,
      %mul3A_364 = arith.constant 32 : i32
      %mul3A_365 = arith.muli %add3A_340, %mul3A_364 : i32
      %add3A_366 = arith.constant 1 : i32
      %add3A_367 = arith.addi %mul3A_365, %add3A_366 : i32
      %get3A_368 = arith.index_cast %add3A_367 : i32 to index
      %get3A_369 = arith.constant 0 : index
      %get3A_370 = tpu.vector_load %arg8[%get3A_368, %get3A_369] {strides = array<i32>} : memref<2048x16xf32, #tpu.memory_space<vmem>>, vector<16xf32>,
      %mul3A_371 = arith.mulf %gather3A_363, %get3A_370 : vector<16xf32>
      %add3A_372 = arith.addf %broadcast_in_dim3A_344, %mul3A_371 : vector<16xf32>
      %gather3A_373 = arith.constant 0 : i32
      %gather3A_374 = tpu.memref_slice %arg12[%add3A_340, %gather3A_373] : memref<64x184xf32, #tpu.memory_space<vmem>> -> memref<1x160xf32, #tpu.memory_space<vmem>>
      %gather3A_375 = tpu.memref_squeeze %gather3A_374 : memref<1x160xf32, #tpu.memory_space<vmem>> -> memref<160xf32, #tpu.memory_space<vmem>>
      %gather3A_376 = tpu.vector_load_idx %gather3A_375[%select_n3A_43] : memref<160xf32, #tpu.memory_space<vmem>>[vector<16xi32>], vector<16xf32>,
      %mul3A_377 = arith.constant 32 : i32
      %mul3A_378 = arith.muli %add3A_340, %mul3A_377 : i32
      %add3A_379 = arith.constant 2 : i32
      %add3A_380 = arith.addi %mul3A_378, %add3A_379 : i32
      %get3A_381 = arith.index_cast %add3A_380 : i32 to index
      %get3A_382 = arith.constant 0 : index
      %get3A_383 = tpu.vector_load %arg8[%get3A_381, %get3A_382] {strides = array<i32>} : memref<2048x16xf32, #tpu.memory_space<vmem>>, vector<16xf32>,
      %mul3A_384 = arith.mulf %gather3A_376, %get3A_383 : vector<16xf32>
      %add3A_385 = arith.addf %broadcast_in_dim3A_346, %mul3A_384 : vector<16xf32>
      %gather3A_386 = arith.constant 0 : i32
      %gather3A_387 = tpu.memref_slice %arg12[%add3A_340, %gather3A_386] : memref<64x184xf32, #tpu.memory_space<vmem>> -> memref<1x160xf32, #tpu.memory_space<vmem>>
      %gather3A_388 = tpu.memref_squeeze %gather3A_387 : memref<1x160xf32, #tpu.memory_space<vmem>> -> memref<160xf32, #tpu.memory_space<vmem>>
      %gather3A_389 = tpu.vector_load_idx %gather3A_388[%select_n3A_53] : memref<160xf32, #tpu.memory_space<vmem>>[vector<16xi32>], vector<16xf32>,
      %mul3A_390 = arith.constant 32 : i32
      %mul3A_391 = arith.muli %add3A_340, %mul3A_390 : i32
      %add3A_392 = arith.constant 3 : i32
      %add3A_393 = arith.addi %mul3A_391, %add3A_392 : i32
      %get3A_394 = arith.index_cast %add3A_393 : i32 to index
      %get3A_395 = arith.constant 0 : index
      %get3A_396 = tpu.vector_load %arg8[%get3A_394, %get3A_395] {strides = array<i32>} : memref<2048x16xf32, #tpu.memory_space<vmem>>, vector<16xf32>,
      %mul3A_397 = arith.mulf %gather3A_389, %get3A_396 : vector<16xf32>
      %add3A_398 = arith.addf %broadcast_in_dim3A_348, %mul3A_397 : vector<16xf32>
      %gather3A_399 = arith.constant 0 : i32
      %gather3A_400 = tpu.memref_slice %arg12[%add3A_340, %gather3A_399] : memref<64x184xf32, #tpu.memory_space<vmem>> -> memref<1x160xf32, #tpu.memory_space<vmem>>
      %gather3A_401 = tpu.memref_squeeze %gather3A_400 : memref<1x160xf32, #tpu.memory_space<vmem>> -> memref<160xf32, #tpu.memory_space<vmem>>
      %gather3A_402 = tpu.vector_load_idx %gather3A_401[%select_n3A_63] : memref<160xf32, #tpu.memory_space<vmem>>[vector<16xi32>], vector<16xf32>,
      %mul3A_403 = arith.constant 32 : i32
      %mul3A_404 = arith.muli %add3A_340, %mul3A_403 : i32
      %add3A_405 = arith.constant 4 : i32
      %add3A_406 = arith.addi %mul3A_404, %add3A_405 : i32
      %get3A_407 = arith.index_cast %add3A_406 : i32 to index
      %get3A_408 = arith.constant 0 : index
      %get3A_409 = tpu.vector_load %arg8[%get3A_407, %get3A_408] {strides = array<i32>} : memref<2048x16xf32, #tpu.memory_space<vmem>>, vector<16xf32>,
      %mul3A_410 = arith.mulf %gather3A_402, %get3A_409 : vector<16xf32>
      %add3A_411 = arith.addf %add3A_359, %mul3A_410 : vector<16xf32>
      %gather3A_412 = arith.constant 0 : i32
      %gather3A_413 = tpu.memref_slice %arg12[%add3A_340, %gather3A_412] : memref<64x184xf32, #tpu.memory_space<vmem>> -> memref<1x160xf32, #tpu.memory_space<vmem>>
      %gather3A_414 = tpu.memref_squeeze %gather3A_413 : memref<1x160xf32, #tpu.memory_space<vmem>> -> memref<160xf32, #tpu.memory_space<vmem>>
      %gather3A_415 = tpu.vector_load_idx %gather3A_414[%select_n3A_73] : memref<160xf32, #tpu.memory_space<vmem>>[vector<16xi32>], vector<16xf32>,
      %mul3A_416 = arith.constant 32 : i32
      %mul3A_417 = arith.muli %add3A_340, %mul3A_416 : i32
      %add3A_418 = arith.constant 5 : i32
      %add3A_419 = arith.addi %mul3A_417, %add3A_418 : i32
      %get3A_420 = arith.index_cast %add3A_419 : i32 to index
      %get3A_421 = arith.constant 0 : index
      %get3A_422 = tpu.vector_load %arg8[%get3A_420, %get3A_421] {strides = array<i32>} : memref<2048x16xf32, #tpu.memory_space<vmem>>, vector<16xf32>,
      %mul3A_423 = arith.mulf %gather3A_415, %get3A_422 : vector<16xf32>
      %add3A_424 = arith.addf %add3A_372, %mul3A_423 : vector<16xf32>
      %gather3A_425 = arith.constant 0 : i32
      %gather3A_426 = tpu.memref_slice %arg12[%add3A_340, %gather3A_425] : memref<64x184xf32, #tpu.memory_space<vmem>> -> memref<1x160xf32, #tpu.memory_space<vmem>>
      %gather3A_427 = tpu.memref_squeeze %gather3A_426 : memref<1x160xf32, #tpu.memory_space<vmem>> -> memref<160xf32, #tpu.memory_space<vmem>>
      %gather3A_428 = tpu.vector_load_idx %gather3A_427[%select_n3A_83] : memref<160xf32, #tpu.memory_space<vmem>>[vector<16xi32>], vector<16xf32>,
      %mul3A_429 = arith.constant 32 : i32
      %mul3A_430 = arith.muli %add3A_340, %mul3A_429 : i32
      %add3A_431 = arith.constant 6 : i32
      %add3A_432 = arith.addi %mul3A_430, %add3A_431 : i32
      %get3A_433 = arith.index_cast %add3A_432 : i32 to index
      %get3A_434 = arith.constant 0 : index
      %get3A_435 = tpu.vector_load %arg8[%get3A_433, %get3A_434] {strides = array<i32>} : memref<2048x16xf32, #tpu.memory_space<vmem>>, vector<16xf32>,
      %mul3A_436 = arith.mulf %gather3A_428, %get3A_435 : vector<16xf32>
      %add3A_437 = arith.addf %add3A_385, %mul3A_436 : vector<16xf32>
      %gather3A_438 = arith.constant 0 : i32
      %gather3A_439 = tpu.memref_slice %arg12[%add3A_340, %gather3A_438] : memref<64x184xf32, #tpu.memory_space<vmem>> -> memref<1x160xf32, #tpu.memory_space<vmem>>
      %gather3A_440 = tpu.memref_squeeze %gather3A_439 : memref<1x160xf32, #tpu.memory_space<vmem>> -> memref<160xf32, #tpu.memory_space<vmem>>
      %gather3A_441 = tpu.vector_load_idx %gather3A_440[%select_n3A_93] : memref<160xf32, #tpu.memory_space<vmem>>[vector<16xi32>], vector<16xf32>,
      %mul3A_442 = arith.constant 32 : i32
      %mul3A_443 = arith.muli %add3A_340, %mul3A_442 : i32
      %add3A_444 = arith.constant 7 : i32
      %add3A_445 = arith.addi %mul3A_443, %add3A_444 : i32
      %get3A_446 = arith.index_cast %add3A_445 : i32 to index
      %get3A_447 = arith.constant 0 : index
      %get3A_448 = tpu.vector_load %arg8[%get3A_446, %get3A_447] {strides = array<i32>} : memref<2048x16xf32, #tpu.memory_space<vmem>>, vector<16xf32>,
      %mul3A_449 = arith.mulf %gather3A_441, %get3A_448 : vector<16xf32>
      %add3A_450 = arith.addf %add3A_398, %mul3A_449 : vector<16xf32>
      %gather3A_451 = arith.constant 8 : i32
      %gather3A_452 = tpu.memref_slice %arg12[%add3A_340, %gather3A_451] : memref<64x184xf32, #tpu.memory_space<vmem>> -> memref<1x160xf32, #tpu.memory_space<vmem>>
      %gather3A_453 = tpu.memref_squeeze %gather3A_452 : memref<1x160xf32, #tpu.memory_space<vmem>> -> memref<160xf32, #tpu.memory_space<vmem>>
      %gather3A_454 = tpu.vector_load_idx %gather3A_453[%select_n3A_23] : memref<160xf32, #tpu.memory_space<vmem>>[vector<16xi32>], vector<16xf32>,
      %mul3A_455 = arith.constant 32 : i32
      %mul3A_456 = arith.muli %add3A_340, %mul3A_455 : i32
      %add3A_457 = arith.constant 8 : i32
      %add3A_458 = arith.addi %mul3A_456, %add3A_457 : i32
      %get3A_459 = arith.index_cast %add3A_458 : i32 to index
      %get3A_460 = arith.constant 0 : index
      %get3A_461 = tpu.vector_load %arg8[%get3A_459, %get3A_460] {strides = array<i32>} : memref<2048x16xf32, #tpu.memory_space<vmem>>, vector<16xf32>,
      %mul3A_462 = arith.mulf %gather3A_454, %get3A_461 : vector<16xf32>
      %add3A_463 = arith.addf %add3A_411, %mul3A_462 : vector<16xf32>
      %gather3A_464 = arith.constant 8 : i32
      %gather3A_465 = tpu.memref_slice %arg12[%add3A_340, %gather3A_464] : memref<64x184xf32, #tpu.memory_space<vmem>> -> memref<1x160xf32, #tpu.memory_space<vmem>>
      %gather3A_466 = tpu.memref_squeeze %gather3A_465 : memref<1x160xf32, #tpu.memory_space<vmem>> -> memref<160xf32, #tpu.memory_space<vmem>>
      %gather3A_467 = tpu.vector_load_idx %gather3A_466[%select_n3A_33] : memref<160xf32, #tpu.memory_space<vmem>>[vector<16xi32>], vector<16xf32>,
      %mul3A_468 = arith.constant 32 : i32
      %mul3A_469 = arith.muli %add3A_340, %mul3A_468 : i32
      %add3A_470 = arith.constant 9 : i32
      %add3A_471 = arith.addi %mul3A_469, %add3A_470 : i32
      %get3A_472 = arith.index_cast %add3A_471 : i32 to index
      %get3A_473 = arith.constant 0 : index
      %get3A_474 = tpu.vector_load %arg8[%get3A_472, %get3A_473] {strides = array<i32>} : memref<2048x16xf32, #tpu.memory_space<vmem>>, vector<16xf32>,
      %mul3A_475 = arith.mulf %gather3A_467, %get3A_474 : vector<16xf32>
      %add3A_476 = arith.addf %add3A_424, %mul3A_475 : vector<16xf32>
      %gather3A_477 = arith.constant 8 : i32
      %gather3A_478 = tpu.memref_slice %arg12[%add3A_340, %gather3A_477] : memref<64x184xf32, #tpu.memory_space<vmem>> -> memref<1x160xf32, #tpu.memory_space<vmem>>
      %gather3A_479 = tpu.memref_squeeze %gather3A_478 : memref<1x160xf32, #tpu.memory_space<vmem>> -> memref<160xf32, #tpu.memory_space<vmem>>
      %gather3A_480 = tpu.vector_load_idx %gather3A_479[%select_n3A_43] : memref<160xf32, #tpu.memory_space<vmem>>[vector<16xi32>], vector<16xf32>,
      %mul3A_481 = arith.constant 32 : i32
      %mul3A_482 = arith.muli %add3A_340, %mul3A_481 : i32
      %add3A_483 = arith.constant 10 : i32
      %add3A_484 = arith.addi %mul3A_482, %add3A_483 : i32
      %get3A_485 = arith.index_cast %add3A_484 : i32 to index
      %get3A_486 = arith.constant 0 : index
      %get3A_487 = tpu.vector_load %arg8[%get3A_485, %get3A_486] {strides = array<i32>} : memref<2048x16xf32, #tpu.memory_space<vmem>>, vector<16xf32>,
      %mul3A_488 = arith.mulf %gather3A_480, %get3A_487 : vector<16xf32>
      %add3A_489 = arith.addf %add3A_437, %mul3A_488 : vector<16xf32>
      %gather3A_490 = arith.constant 8 : i32
      %gather3A_491 = tpu.memref_slice %arg12[%add3A_340, %gather3A_490] : memref<64x184xf32, #tpu.memory_space<vmem>> -> memref<1x160xf32, #tpu.memory_space<vmem>>
      %gather3A_492 = tpu.memref_squeeze %gather3A_491 : memref<1x160xf32, #tpu.memory_space<vmem>> -> memref<160xf32, #tpu.memory_space<vmem>>
      %gather3A_493 = tpu.vector_load_idx %gather3A_492[%select_n3A_53] : memref<160xf32, #tpu.memory_space<vmem>>[vector<16xi32>], vector<16xf32>,
      %mul3A_494 = arith.constant 32 : i32
      %mul3A_495 = arith.muli %add3A_340, %mul3A_494 : i32
      %add3A_496 = arith.constant 11 : i32
      %add3A_497 = arith.addi %mul3A_495, %add3A_496 : i32
      %get3A_498 = arith.index_cast %add3A_497 : i32 to index
      %get3A_499 = arith.constant 0 : index
      %get3A_500 = tpu.vector_load %arg8[%get3A_498, %get3A_499] {strides = array<i32>} : memref<2048x16xf32, #tpu.memory_space<vmem>>, vector<16xf32>,
      %mul3A_501 = arith.mulf %gather3A_493, %get3A_500 : vector<16xf32>
      %add3A_502 = arith.addf %add3A_450, %mul3A_501 : vector<16xf32>
      %gather3A_503 = arith.constant 8 : i32
      %gather3A_504 = tpu.memref_slice %arg12[%add3A_340, %gather3A_503] : memref<64x184xf32, #tpu.memory_space<vmem>> -> memref<1x160xf32, #tpu.memory_space<vmem>>
      %gather3A_505 = tpu.memref_squeeze %gather3A_504 : memref<1x160xf32, #tpu.memory_space<vmem>> -> memref<160xf32, #tpu.memory_space<vmem>>
      %gather3A_506 = tpu.vector_load_idx %gather3A_505[%select_n3A_63] : memref<160xf32, #tpu.memory_space<vmem>>[vector<16xi32>], vector<16xf32>,
      %mul3A_507 = arith.constant 32 : i32
      %mul3A_508 = arith.muli %add3A_340, %mul3A_507 : i32
      %add3A_509 = arith.constant 12 : i32
      %add3A_510 = arith.addi %mul3A_508, %add3A_509 : i32
      %get3A_511 = arith.index_cast %add3A_510 : i32 to index
      %get3A_512 = arith.constant 0 : index
      %get3A_513 = tpu.vector_load %arg8[%get3A_511, %get3A_512] {strides = array<i32>} : memref<2048x16xf32, #tpu.memory_space<vmem>>, vector<16xf32>,
      %mul3A_514 = arith.mulf %gather3A_506, %get3A_513 : vector<16xf32>
      %add3A_515 = arith.addf %add3A_463, %mul3A_514 : vector<16xf32>
      %gather3A_516 = arith.constant 8 : i32
      %gather3A_517 = tpu.memref_slice %arg12[%add3A_340, %gather3A_516] : memref<64x184xf32, #tpu.memory_space<vmem>> -> memref<1x160xf32, #tpu.memory_space<vmem>>
      %gather3A_518 = tpu.memref_squeeze %gather3A_517 : memref<1x160xf32, #tpu.memory_space<vmem>> -> memref<160xf32, #tpu.memory_space<vmem>>
      %gather3A_519 = tpu.vector_load_idx %gather3A_518[%select_n3A_73] : memref<160xf32, #tpu.memory_space<vmem>>[vector<16xi32>], vector<16xf32>,
      %mul3A_520 = arith.constant 32 : i32
      %mul3A_521 = arith.muli %add3A_340, %mul3A_520 : i32
      %add3A_522 = arith.constant 13 : i32
      %add3A_523 = arith.addi %mul3A_521, %add3A_522 : i32
      %get3A_524 = arith.index_cast %add3A_523 : i32 to index
      %get3A_525 = arith.constant 0 : index
      %get3A_526 = tpu.vector_load %arg8[%get3A_524, %get3A_525] {strides = array<i32>} : memref<2048x16xf32, #tpu.memory_space<vmem>>, vector<16xf32>,
      %mul3A_527 = arith.mulf %gather3A_519, %get3A_526 : vector<16xf32>
      %add3A_528 = arith.addf %add3A_476, %mul3A_527 : vector<16xf32>
      %gather3A_529 = arith.constant 8 : i32
      %gather3A_530 = tpu.memref_slice %arg12[%add3A_340, %gather3A_529] : memref<64x184xf32, #tpu.memory_space<vmem>> -> memref<1x160xf32, #tpu.memory_space<vmem>>
      %gather3A_531 = tpu.memref_squeeze %gather3A_530 : memref<1x160xf32, #tpu.memory_space<vmem>> -> memref<160xf32, #tpu.memory_space<vmem>>
      %gather3A_532 = tpu.vector_load_idx %gather3A_531[%select_n3A_83] : memref<160xf32, #tpu.memory_space<vmem>>[vector<16xi32>], vector<16xf32>,
      %mul3A_533 = arith.constant 32 : i32
      %mul3A_534 = arith.muli %add3A_340, %mul3A_533 : i32
      %add3A_535 = arith.constant 14 : i32
      %add3A_536 = arith.addi %mul3A_534, %add3A_535 : i32
      %get3A_537 = arith.index_cast %add3A_536 : i32 to index
      %get3A_538 = arith.constant 0 : index
      %get3A_539 = tpu.vector_load %arg8[%get3A_537, %get3A_538] {strides = array<i32>} : memref<2048x16xf32, #tpu.memory_space<vmem>>, vector<16xf32>,
      %mul3A_540 = arith.mulf %gather3A_532, %get3A_539 : vector<16xf32>
      %add3A_541 = arith.addf %add3A_489, %mul3A_540 : vector<16xf32>
      %gather3A_542 = arith.constant 8 : i32
      %gather3A_543 = tpu.memref_slice %arg12[%add3A_340, %gather3A_542] : memref<64x184xf32, #tpu.memory_space<vmem>> -> memref<1x160xf32, #tpu.memory_space<vmem>>
      %gather3A_544 = tpu.memref_squeeze %gather3A_543 : memref<1x160xf32, #tpu.memory_space<vmem>> -> memref<160xf32, #tpu.memory_space<vmem>>
      %gather3A_545 = tpu.vector_load_idx %gather3A_544[%select_n3A_93] : memref<160xf32, #tpu.memory_space<vmem>>[vector<16xi32>], vector<16xf32>,
      %mul3A_546 = arith.constant 32 : i32
      %mul3A_547 = arith.muli %add3A_340, %mul3A_546 : i32
      %add3A_548 = arith.constant 15 : i32
      %add3A_549 = arith.addi %mul3A_547, %add3A_548 : i32
      %get3A_550 = arith.index_cast %add3A_549 : i32 to index
      %get3A_551 = arith.constant 0 : index
      %get3A_552 = tpu.vector_load %arg8[%get3A_550, %get3A_551] {strides = array<i32>} : memref<2048x16xf32, #tpu.memory_space<vmem>>, vector<16xf32>,
      %mul3A_553 = arith.mulf %gather3A_545, %get3A_552 : vector<16xf32>
      %add3A_554 = arith.addf %add3A_502, %mul3A_553 : vector<16xf32>
      %gather3A_555 = arith.constant 16 : i32
      %gather3A_556 = tpu.memref_slice %arg12[%add3A_340, %gather3A_555] : memref<64x184xf32, #tpu.memory_space<vmem>> -> memref<1x160xf32, #tpu.memory_space<vmem>>
      %gather3A_557 = tpu.memref_squeeze %gather3A_556 : memref<1x160xf32, #tpu.memory_space<vmem>> -> memref<160xf32, #tpu.memory_space<vmem>>
      %gather3A_558 = tpu.vector_load_idx %gather3A_557[%select_n3A_23] : memref<160xf32, #tpu.memory_space<vmem>>[vector<16xi32>], vector<16xf32>,
      %mul3A_559 = arith.constant 32 : i32
      %mul3A_560 = arith.muli %add3A_340, %mul3A_559 : i32
      %add3A_561 = arith.constant 16 : i32
      %add3A_562 = arith.addi %mul3A_560, %add3A_561 : i32
      %get3A_563 = arith.index_cast %add3A_562 : i32 to index
      %get3A_564 = arith.constant 0 : index
      %get3A_565 = tpu.vector_load %arg8[%get3A_563, %get3A_564] {strides = array<i32>} : memref<2048x16xf32, #tpu.memory_space<vmem>>, vector<16xf32>,
      %mul3A_566 = arith.mulf %gather3A_558, %get3A_565 : vector<16xf32>
      %add3A_567 = arith.addf %add3A_515, %mul3A_566 : vector<16xf32>
      %gather3A_568 = arith.constant 16 : i32
      %gather3A_569 = tpu.memref_slice %arg12[%add3A_340, %gather3A_568] : memref<64x184xf32, #tpu.memory_space<vmem>> -> memref<1x160xf32, #tpu.memory_space<vmem>>
      %gather3A_570 = tpu.memref_squeeze %gather3A_569 : memref<1x160xf32, #tpu.memory_space<vmem>> -> memref<160xf32, #tpu.memory_space<vmem>>
      %gather3A_571 = tpu.vector_load_idx %gather3A_570[%select_n3A_33] : memref<160xf32, #tpu.memory_space<vmem>>[vector<16xi32>], vector<16xf32>,
      %mul3A_572 = arith.constant 32 : i32
      %mul3A_573 = arith.muli %add3A_340, %mul3A_572 : i32
      %add3A_574 = arith.constant 17 : i32
      %add3A_575 = arith.addi %mul3A_573, %add3A_574 : i32
      %get3A_576 = arith.index_cast %add3A_575 : i32 to index
      %get3A_577 = arith.constant 0 : index
      %get3A_578 = tpu.vector_load %arg8[%get3A_576, %get3A_577] {strides = array<i32>} : memref<2048x16xf32, #tpu.memory_space<vmem>>, vector<16xf32>,
      %mul3A_579 = arith.mulf %gather3A_571, %get3A_578 : vector<16xf32>
      %add3A_580 = arith.addf %add3A_528, %mul3A_579 : vector<16xf32>
      %gather3A_581 = arith.constant 16 : i32
      %gather3A_582 = tpu.memref_slice %arg12[%add3A_340, %gather3A_581] : memref<64x184xf32, #tpu.memory_space<vmem>> -> memref<1x160xf32, #tpu.memory_space<vmem>>
      %gather3A_583 = tpu.memref_squeeze %gather3A_582 : memref<1x160xf32, #tpu.memory_space<vmem>> -> memref<160xf32, #tpu.memory_space<vmem>>
      %gather3A_584 = tpu.vector_load_idx %gather3A_583[%select_n3A_43] : memref<160xf32, #tpu.memory_space<vmem>>[vector<16xi32>], vector<16xf32>,
      %mul3A_585 = arith.constant 32 : i32
      %mul3A_586 = arith.muli %add3A_340, %mul3A_585 : i32
      %add3A_587 = arith.constant 18 : i32
      %add3A_588 = arith.addi %mul3A_586, %add3A_587 : i32
      %get3A_589 = arith.index_cast %add3A_588 : i32 to index
      %get3A_590 = arith.constant 0 : index
      %get3A_591 = tpu.vector_load %arg8[%get3A_589, %get3A_590] {strides = array<i32>} : memref<2048x16xf32, #tpu.memory_space<vmem>>, vector<16xf32>,
      %mul3A_592 = arith.mulf %gather3A_584, %get3A_591 : vector<16xf32>
      %add3A_593 = arith.addf %add3A_541, %mul3A_592 : vector<16xf32>
      %gather3A_594 = arith.constant 16 : i32
      %gather3A_595 = tpu.memref_slice %arg12[%add3A_340, %gather3A_594] : memref<64x184xf32, #tpu.memory_space<vmem>> -> memref<1x160xf32, #tpu.memory_space<vmem>>
      %gather3A_596 = tpu.memref_squeeze %gather3A_595 : memref<1x160xf32, #tpu.memory_space<vmem>> -> memref<160xf32, #tpu.memory_space<vmem>>
      %gather3A_597 = tpu.vector_load_idx %gather3A_596[%select_n3A_53] : memref<160xf32, #tpu.memory_space<vmem>>[vector<16xi32>], vector<16xf32>,
      %mul3A_598 = arith.constant 32 : i32
      %mul3A_599 = arith.muli %add3A_340, %mul3A_598 : i32
      %add3A_600 = arith.constant 19 : i32
      %add3A_601 = arith.addi %mul3A_599, %add3A_600 : i32
      %get3A_602 = arith.index_cast %add3A_601 : i32 to index
      %get3A_603 = arith.constant 0 : index
      %get3A_604 = tpu.vector_load %arg8[%get3A_602, %get3A_603] {strides = array<i32>} : memref<2048x16xf32, #tpu.memory_space<vmem>>, vector<16xf32>,
      %mul3A_605 = arith.mulf %gather3A_597, %get3A_604 : vector<16xf32>
      %add3A_606 = arith.addf %add3A_554, %mul3A_605 : vector<16xf32>
      %gather3A_607 = arith.constant 16 : i32
      %gather3A_608 = tpu.memref_slice %arg12[%add3A_340, %gather3A_607] : memref<64x184xf32, #tpu.memory_space<vmem>> -> memref<1x160xf32, #tpu.memory_space<vmem>>
      %gather3A_609 = tpu.memref_squeeze %gather3A_608 : memref<1x160xf32, #tpu.memory_space<vmem>> -> memref<160xf32, #tpu.memory_space<vmem>>
      %gather3A_610 = tpu.vector_load_idx %gather3A_609[%select_n3A_63] : memref<160xf32, #tpu.memory_space<vmem>>[vector<16xi32>], vector<16xf32>,
      %mul3A_611 = arith.constant 32 : i32
      %mul3A_612 = arith.muli %add3A_340, %mul3A_611 : i32
      %add3A_613 = arith.constant 20 : i32
      %add3A_614 = arith.addi %mul3A_612, %add3A_613 : i32
      %get3A_615 = arith.index_cast %add3A_614 : i32 to index
      %get3A_616 = arith.constant 0 : index
      %get3A_617 = tpu.vector_load %arg8[%get3A_615, %get3A_616] {strides = array<i32>} : memref<2048x16xf32, #tpu.memory_space<vmem>>, vector<16xf32>,
      %mul3A_618 = arith.mulf %gather3A_610, %get3A_617 : vector<16xf32>
      %add3A_619 = arith.addf %add3A_567, %mul3A_618 : vector<16xf32>
      %gather3A_620 = arith.constant 16 : i32
      %gather3A_621 = tpu.memref_slice %arg12[%add3A_340, %gather3A_620] : memref<64x184xf32, #tpu.memory_space<vmem>> -> memref<1x160xf32, #tpu.memory_space<vmem>>
      %gather3A_622 = tpu.memref_squeeze %gather3A_621 : memref<1x160xf32, #tpu.memory_space<vmem>> -> memref<160xf32, #tpu.memory_space<vmem>>
      %gather3A_623 = tpu.vector_load_idx %gather3A_622[%select_n3A_73] : memref<160xf32, #tpu.memory_space<vmem>>[vector<16xi32>], vector<16xf32>,
      %mul3A_624 = arith.constant 32 : i32
      %mul3A_625 = arith.muli %add3A_340, %mul3A_624 : i32
      %add3A_626 = arith.constant 21 : i32
      %add3A_627 = arith.addi %mul3A_625, %add3A_626 : i32
      %get3A_628 = arith.index_cast %add3A_627 : i32 to index
      %get3A_629 = arith.constant 0 : index
      %get3A_630 = tpu.vector_load %arg8[%get3A_628, %get3A_629] {strides = array<i32>} : memref<2048x16xf32, #tpu.memory_space<vmem>>, vector<16xf32>,
      %mul3A_631 = arith.mulf %gather3A_623, %get3A_630 : vector<16xf32>
      %add3A_632 = arith.addf %add3A_580, %mul3A_631 : vector<16xf32>
      %gather3A_633 = arith.constant 16 : i32
      %gather3A_634 = tpu.memref_slice %arg12[%add3A_340, %gather3A_633] : memref<64x184xf32, #tpu.memory_space<vmem>> -> memref<1x160xf32, #tpu.memory_space<vmem>>
      %gather3A_635 = tpu.memref_squeeze %gather3A_634 : memref<1x160xf32, #tpu.memory_space<vmem>> -> memref<160xf32, #tpu.memory_space<vmem>>
      %gather3A_636 = tpu.vector_load_idx %gather3A_635[%select_n3A_83] : memref<160xf32, #tpu.memory_space<vmem>>[vector<16xi32>], vector<16xf32>,
      %mul3A_637 = arith.constant 32 : i32
      %mul3A_638 = arith.muli %add3A_340, %mul3A_637 : i32
      %add3A_639 = arith.constant 22 : i32
      %add3A_640 = arith.addi %mul3A_638, %add3A_639 : i32
      %get3A_641 = arith.index_cast %add3A_640 : i32 to index
      %get3A_642 = arith.constant 0 : index
      %get3A_643 = tpu.vector_load %arg8[%get3A_641, %get3A_642] {strides = array<i32>} : memref<2048x16xf32, #tpu.memory_space<vmem>>, vector<16xf32>,
      %mul3A_644 = arith.mulf %gather3A_636, %get3A_643 : vector<16xf32>
      %add3A_645 = arith.addf %add3A_593, %mul3A_644 : vector<16xf32>
      %gather3A_646 = arith.constant 16 : i32
      %gather3A_647 = tpu.memref_slice %arg12[%add3A_340, %gather3A_646] : memref<64x184xf32, #tpu.memory_space<vmem>> -> memref<1x160xf32, #tpu.memory_space<vmem>>
      %gather3A_648 = tpu.memref_squeeze %gather3A_647 : memref<1x160xf32, #tpu.memory_space<vmem>> -> memref<160xf32, #tpu.memory_space<vmem>>
      %gather3A_649 = tpu.vector_load_idx %gather3A_648[%select_n3A_93] : memref<160xf32, #tpu.memory_space<vmem>>[vector<16xi32>], vector<16xf32>,
      %mul3A_650 = arith.constant 32 : i32
      %mul3A_651 = arith.muli %add3A_340, %mul3A_650 : i32
      %add3A_652 = arith.constant 23 : i32
      %add3A_653 = arith.addi %mul3A_651, %add3A_652 : i32
      %get3A_654 = arith.index_cast %add3A_653 : i32 to index
      %get3A_655 = arith.constant 0 : index
      %get3A_656 = tpu.vector_load %arg8[%get3A_654, %get3A_655] {strides = array<i32>} : memref<2048x16xf32, #tpu.memory_space<vmem>>, vector<16xf32>,
      %mul3A_657 = arith.mulf %gather3A_649, %get3A_656 : vector<16xf32>
      %add3A_658 = arith.addf %add3A_606, %mul3A_657 : vector<16xf32>
      %gather3A_659 = arith.constant 24 : i32
      %gather3A_660 = tpu.memref_slice %arg12[%add3A_340, %gather3A_659] : memref<64x184xf32, #tpu.memory_space<vmem>> -> memref<1x160xf32, #tpu.memory_space<vmem>>
      %gather3A_661 = tpu.memref_squeeze %gather3A_660 : memref<1x160xf32, #tpu.memory_space<vmem>> -> memref<160xf32, #tpu.memory_space<vmem>>
      %gather3A_662 = tpu.vector_load_idx %gather3A_661[%select_n3A_23] : memref<160xf32, #tpu.memory_space<vmem>>[vector<16xi32>], vector<16xf32>,
      %mul3A_663 = arith.constant 32 : i32
      %mul3A_664 = arith.muli %add3A_340, %mul3A_663 : i32
      %add3A_665 = arith.constant 24 : i32
      %add3A_666 = arith.addi %mul3A_664, %add3A_665 : i32
      %get3A_667 = arith.index_cast %add3A_666 : i32 to index
      %get3A_668 = arith.constant 0 : index
      %get3A_669 = tpu.vector_load %arg8[%get3A_667, %get3A_668] {strides = array<i32>} : memref<2048x16xf32, #tpu.memory_space<vmem>>, vector<16xf32>,
      %mul3A_670 = arith.mulf %gather3A_662, %get3A_669 : vector<16xf32>
      %add3A_671 = arith.addf %add3A_619, %mul3A_670 : vector<16xf32>
      %gather3A_672 = arith.constant 24 : i32
      %gather3A_673 = tpu.memref_slice %arg12[%add3A_340, %gather3A_672] : memref<64x184xf32, #tpu.memory_space<vmem>> -> memref<1x160xf32, #tpu.memory_space<vmem>>
      %gather3A_674 = tpu.memref_squeeze %gather3A_673 : memref<1x160xf32, #tpu.memory_space<vmem>> -> memref<160xf32, #tpu.memory_space<vmem>>
      %gather3A_675 = tpu.vector_load_idx %gather3A_674[%select_n3A_33] : memref<160xf32, #tpu.memory_space<vmem>>[vector<16xi32>], vector<16xf32>,
      %mul3A_676 = arith.constant 32 : i32
      %mul3A_677 = arith.muli %add3A_340, %mul3A_676 : i32
      %add3A_678 = arith.constant 25 : i32
      %add3A_679 = arith.addi %mul3A_677, %add3A_678 : i32
      %get3A_680 = arith.index_cast %add3A_679 : i32 to index
      %get3A_681 = arith.constant 0 : index
      %get3A_682 = tpu.vector_load %arg8[%get3A_680, %get3A_681] {strides = array<i32>} : memref<2048x16xf32, #tpu.memory_space<vmem>>, vector<16xf32>,
      %mul3A_683 = arith.mulf %gather3A_675, %get3A_682 : vector<16xf32>
      %add3A_684 = arith.addf %add3A_632, %mul3A_683 : vector<16xf32>
      %gather3A_685 = arith.constant 24 : i32
      %gather3A_686 = tpu.memref_slice %arg12[%add3A_340, %gather3A_685] : memref<64x184xf32, #tpu.memory_space<vmem>> -> memref<1x160xf32, #tpu.memory_space<vmem>>
      %gather3A_687 = tpu.memref_squeeze %gather3A_686 : memref<1x160xf32, #tpu.memory_space<vmem>> -> memref<160xf32, #tpu.memory_space<vmem>>
      %gather3A_688 = tpu.vector_load_idx %gather3A_687[%select_n3A_43] : memref<160xf32, #tpu.memory_space<vmem>>[vector<16xi32>], vector<16xf32>,
      %mul3A_689 = arith.constant 32 : i32
      %mul3A_690 = arith.muli %add3A_340, %mul3A_689 : i32
      %add3A_691 = arith.constant 26 : i32
      %add3A_692 = arith.addi %mul3A_690, %add3A_691 : i32
      %get3A_693 = arith.index_cast %add3A_692 : i32 to index
      %get3A_694 = arith.constant 0 : index
      %get3A_695 = tpu.vector_load %arg8[%get3A_693, %get3A_694] {strides = array<i32>} : memref<2048x16xf32, #tpu.memory_space<vmem>>, vector<16xf32>,
      %mul3A_696 = arith.mulf %gather3A_688, %get3A_695 : vector<16xf32>
      %add3A_697 = arith.addf %add3A_645, %mul3A_696 : vector<16xf32>
      %gather3A_698 = arith.constant 24 : i32
      %gather3A_699 = tpu.memref_slice %arg12[%add3A_340, %gather3A_698] : memref<64x184xf32, #tpu.memory_space<vmem>> -> memref<1x160xf32, #tpu.memory_space<vmem>>
      %gather3A_700 = tpu.memref_squeeze %gather3A_699 : memref<1x160xf32, #tpu.memory_space<vmem>> -> memref<160xf32, #tpu.memory_space<vmem>>
      %gather3A_701 = tpu.vector_load_idx %gather3A_700[%select_n3A_53] : memref<160xf32, #tpu.memory_space<vmem>>[vector<16xi32>], vector<16xf32>,
      %mul3A_702 = arith.constant 32 : i32
      %mul3A_703 = arith.muli %add3A_340, %mul3A_702 : i32
      %add3A_704 = arith.constant 27 : i32
      %add3A_705 = arith.addi %mul3A_703, %add3A_704 : i32
      %get3A_706 = arith.index_cast %add3A_705 : i32 to index
      %get3A_707 = arith.constant 0 : index
      %get3A_708 = tpu.vector_load %arg8[%get3A_706, %get3A_707] {strides = array<i32>} : memref<2048x16xf32, #tpu.memory_space<vmem>>, vector<16xf32>,
      %mul3A_709 = arith.mulf %gather3A_701, %get3A_708 : vector<16xf32>
      %add3A_710 = arith.addf %add3A_658, %mul3A_709 : vector<16xf32>
      %gather3A_711 = arith.constant 24 : i32
      %gather3A_712 = tpu.memref_slice %arg12[%add3A_340, %gather3A_711] : memref<64x184xf32, #tpu.memory_space<vmem>> -> memref<1x160xf32, #tpu.memory_space<vmem>>
      %gather3A_713 = tpu.memref_squeeze %gather3A_712 : memref<1x160xf32, #tpu.memory_space<vmem>> -> memref<160xf32, #tpu.memory_space<vmem>>
      %gather3A_714 = tpu.vector_load_idx %gather3A_713[%select_n3A_63] : memref<160xf32, #tpu.memory_space<vmem>>[vector<16xi32>], vector<16xf32>,
      %mul3A_715 = arith.constant 32 : i32
      %mul3A_716 = arith.muli %add3A_340, %mul3A_715 : i32
      %add3A_717 = arith.constant 28 : i32
      %add3A_718 = arith.addi %mul3A_716, %add3A_717 : i32
      %get3A_719 = arith.index_cast %add3A_718 : i32 to index
      %get3A_720 = arith.constant 0 : index
      %get3A_721 = tpu.vector_load %arg8[%get3A_719, %get3A_720] {strides = array<i32>} : memref<2048x16xf32, #tpu.memory_space<vmem>>, vector<16xf32>,
      %mul3A_722 = arith.mulf %gather3A_714, %get3A_721 : vector<16xf32>
      %add3A_723 = arith.addf %add3A_671, %mul3A_722 : vector<16xf32>
      %gather3A_724 = arith.constant 24 : i32
      %gather3A_725 = tpu.memref_slice %arg12[%add3A_340, %gather3A_724] : memref<64x184xf32, #tpu.memory_space<vmem>> -> memref<1x160xf32, #tpu.memory_space<vmem>>
      %gather3A_726 = tpu.memref_squeeze %gather3A_725 : memref<1x160xf32, #tpu.memory_space<vmem>> -> memref<160xf32, #tpu.memory_space<vmem>>
      %gather3A_727 = tpu.vector_load_idx %gather3A_726[%select_n3A_73] : memref<160xf32, #tpu.memory_space<vmem>>[vector<16xi32>], vector<16xf32>,
      %mul3A_728 = arith.constant 32 : i32
      %mul3A_729 = arith.muli %add3A_340, %mul3A_728 : i32
      %add3A_730 = arith.constant 29 : i32
      %add3A_731 = arith.addi %mul3A_729, %add3A_730 : i32
      %get3A_732 = arith.index_cast %add3A_731 : i32 to index
      %get3A_733 = arith.constant 0 : index
      %get3A_734 = tpu.vector_load %arg8[%get3A_732, %get3A_733] {strides = array<i32>} : memref<2048x16xf32, #tpu.memory_space<vmem>>, vector<16xf32>,
      %mul3A_735 = arith.mulf %gather3A_727, %get3A_734 : vector<16xf32>
      %add3A_736 = arith.addf %add3A_684, %mul3A_735 : vector<16xf32>
      %gather3A_737 = arith.constant 24 : i32
      %gather3A_738 = tpu.memref_slice %arg12[%add3A_340, %gather3A_737] : memref<64x184xf32, #tpu.memory_space<vmem>> -> memref<1x160xf32, #tpu.memory_space<vmem>>
      %gather3A_739 = tpu.memref_squeeze %gather3A_738 : memref<1x160xf32, #tpu.memory_space<vmem>> -> memref<160xf32, #tpu.memory_space<vmem>>
      %gather3A_740 = tpu.vector_load_idx %gather3A_739[%select_n3A_83] : memref<160xf32, #tpu.memory_space<vmem>>[vector<16xi32>], vector<16xf32>,
      %mul3A_741 = arith.constant 32 : i32
      %mul3A_742 = arith.muli %add3A_340, %mul3A_741 : i32
      %add3A_743 = arith.constant 30 : i32
      %add3A_744 = arith.addi %mul3A_742, %add3A_743 : i32
      %get3A_745 = arith.index_cast %add3A_744 : i32 to index
      %get3A_746 = arith.constant 0 : index
      %get3A_747 = tpu.vector_load %arg8[%get3A_745, %get3A_746] {strides = array<i32>} : memref<2048x16xf32, #tpu.memory_space<vmem>>, vector<16xf32>,
      %mul3A_748 = arith.mulf %gather3A_740, %get3A_747 : vector<16xf32>
      %add3A_749 = arith.addf %add3A_697, %mul3A_748 : vector<16xf32>
      %gather3A_750 = arith.constant 24 : i32
      %gather3A_751 = tpu.memref_slice %arg12[%add3A_340, %gather3A_750] : memref<64x184xf32, #tpu.memory_space<vmem>> -> memref<1x160xf32, #tpu.memory_space<vmem>>
      %gather3A_752 = tpu.memref_squeeze %gather3A_751 : memref<1x160xf32, #tpu.memory_space<vmem>> -> memref<160xf32, #tpu.memory_space<vmem>>
      %gather3A_753 = tpu.vector_load_idx %gather3A_752[%select_n3A_93] : memref<160xf32, #tpu.memory_space<vmem>>[vector<16xi32>], vector<16xf32>,
      %mul3A_754 = arith.constant 32 : i32
      %mul3A_755 = arith.muli %add3A_340, %mul3A_754 : i32
      %add3A_756 = arith.constant 31 : i32
      %add3A_757 = arith.addi %mul3A_755, %add3A_756 : i32
      %get3A_758 = arith.index_cast %add3A_757 : i32 to index
      %get3A_759 = arith.constant 0 : index
      %get3A_760 = tpu.vector_load %arg8[%get3A_758, %get3A_759] {strides = array<i32>} : memref<2048x16xf32, #tpu.memory_space<vmem>>, vector<16xf32>,
      %mul3A_761 = arith.mulf %gather3A_753, %get3A_760 : vector<16xf32>
      %add3A_762 = arith.addf %add3A_710, %mul3A_761 : vector<16xf32>
      %add3A_763 = arith.addf %add3A_723, %add3A_736 : vector<16xf32>
      %add3A_764 = arith.addf %add3A_749, %add3A_762 : vector<16xf32>
      %add3A_765 = arith.addf %add3A_763, %add3A_764 : vector<16xf32>
      %mul3A_766 = arith.constant 16 : i32
      %mul3A_767 = arith.muli %add3A_340, %mul3A_766 : i32
      %swap3A_768 = arith.index_cast %mul3A_767 : i32 to index
      %swap3A_769 = tpu.vector_load %arg13[%swap3A_768] {strides = array<i32>} : memref<1024xf32, #tpu.memory_space<vmem>>, vector<16xf32>,
      tpu.vector_store %arg13[%swap3A_768], %add3A_765 {strides = array<i32>} : memref<1024xf32, #tpu.memory_space<vmem>>, vector<16xf32>,
    }
    %scan3A_322 = arith.constant 64 : i32
    %scan3A_323 = arith.constant 0 : i32
    %scan3A_324 = arith.constant 4 : i32
    %scan3A_325 = arith.addi %scan3A_323, %scan3A_324 : i32
    %scan3A_326 = arith.constant 1 : i32
    scf.for %scan3A_336 = %scan3A_323 to %scan3A_325 step %scan3A_326  : i32 {
      %mul3A_337 = arith.constant 1 : i32
      %mul3A_338 = arith.muli %scan3A_336, %mul3A_337 : i32
      %add3A_339 = arith.constant 0 : i32
      %add3A_340 = arith.addi %add3A_339, %mul3A_338 : i32
      %mul3A_341 = arith.constant 16 : i32
      %mul3A_342 = arith.muli %add3A_340, %mul3A_341 : i32
      %add3A_343 = vector.broadcast %mul3A_342 : i32 to vector<16xi32>
      %add3A_344 = arith.addi %add3A_343, %iota3A : vector<16xi32>
      %mul3A_345 = arith.constant 16 : i32
      %mul3A_346 = vector.broadcast %mul3A_345 : i32 to vector<16xi32>
      %mul3A_347 = arith.muli %add3A_344, %mul3A_346 : vector<16xi32>
      %add3A_348 = arith.constant 0 : i32
      %add3A_349 = vector.broadcast %add3A_348 : i32 to vector<16xi32>
      %add3A_350 = arith.addi %mul3A_347, %add3A_349 : vector<16xi32>
      %gather3A = tpu.vector_load_idx %arg13[%add3A_350] : memref<1024xf32, #tpu.memory_space<vmem>>[vector<16xi32>], vector<16xf32>,
      %add3A_351 = arith.constant 1 : i32
      %add3A_352 = vector.broadcast %add3A_351 : i32 to vector<16xi32>
      %add3A_353 = arith.addi %mul3A_347, %add3A_352 : vector<16xi32>
      %gather3A_354 = tpu.vector_load_idx %arg13[%add3A_353] : memref<1024xf32, #tpu.memory_space<vmem>>[vector<16xi32>], vector<16xf32>,
      %add3A_355 = arith.constant 2 : i32
      %add3A_356 = vector.broadcast %add3A_355 : i32 to vector<16xi32>
      %add3A_357 = arith.addi %mul3A_347, %add3A_356 : vector<16xi32>
      %gather3A_358 = tpu.vector_load_idx %arg13[%add3A_357] : memref<1024xf32, #tpu.memory_space<vmem>>[vector<16xi32>], vector<16xf32>,
      %add3A_359 = arith.constant 3 : i32
      %add3A_360 = vector.broadcast %add3A_359 : i32 to vector<16xi32>
      %add3A_361 = arith.addi %mul3A_347, %add3A_360 : vector<16xi32>
      %gather3A_362 = tpu.vector_load_idx %arg13[%add3A_361] : memref<1024xf32, #tpu.memory_space<vmem>>[vector<16xi32>], vector<16xf32>,
      %add3A_363 = arith.addf %gather3A, %gather3A_354 : vector<16xf32>
      %add3A_364 = arith.addf %gather3A_358, %gather3A_362 : vector<16xf32>
      %add3A_365 = arith.addf %add3A_363, %add3A_364 : vector<16xf32>
      %mul3A_366 = arith.constant 16 : i32
      %mul3A_367 = arith.muli %add3A_340, %mul3A_366 : i32
      %add3A_368 = arith.constant 3072 : i32
      %add3A_369 = arith.addi %add3A_368, %mul3A_367 : i32
      %swap3A_370 = arith.index_cast %add3A_369 : i32 to index
      %swap3A_371 = tpu.vector_load %arg14[%swap3A_370] {strides = array<i32>} : memref<12544xf32, #tpu.memory_space<vmem>>, vector<16xf32>,
      tpu.vector_store %arg14[%swap3A_370], %add3A_365 {strides = array<i32>} : memref<12544xf32, #tpu.memory_space<vmem>>, vector<16xf32>,
      %add3A_372 = arith.constant 4 : i32
      %add3A_373 = vector.broadcast %add3A_372 : i32 to vector<16xi32>
      %add3A_374 = arith.addi %mul3A_347, %add3A_373 : vector<16xi32>
      %gather3A_375 = tpu.vector_load_idx %arg13[%add3A_374] : memref<1024xf32, #tpu.memory_space<vmem>>[vector<16xi32>], vector<16xf32>,
      %add3A_376 = arith.constant 5 : i32
      %add3A_377 = vector.broadcast %add3A_376 : i32 to vector<16xi32>
      %add3A_378 = arith.addi %mul3A_347, %add3A_377 : vector<16xi32>
      %gather3A_379 = tpu.vector_load_idx %arg13[%add3A_378] : memref<1024xf32, #tpu.memory_space<vmem>>[vector<16xi32>], vector<16xf32>,
      %add3A_380 = arith.constant 6 : i32
      %add3A_381 = vector.broadcast %add3A_380 : i32 to vector<16xi32>
      %add3A_382 = arith.addi %mul3A_347, %add3A_381 : vector<16xi32>
      %gather3A_383 = tpu.vector_load_idx %arg13[%add3A_382] : memref<1024xf32, #tpu.memory_space<vmem>>[vector<16xi32>], vector<16xf32>,
      %add3A_384 = arith.constant 7 : i32
      %add3A_385 = vector.broadcast %add3A_384 : i32 to vector<16xi32>
      %add3A_386 = arith.addi %mul3A_347, %add3A_385 : vector<16xi32>
      %gather3A_387 = tpu.vector_load_idx %arg13[%add3A_386] : memref<1024xf32, #tpu.memory_space<vmem>>[vector<16xi32>], vector<16xf32>,
      %add3A_388 = arith.addf %gather3A_375, %gather3A_379 : vector<16xf32>
      %add3A_389 = arith.addf %gather3A_383, %gather3A_387 : vector<16xf32>
      %add3A_390 = arith.addf %add3A_388, %add3A_389 : vector<16xf32>
      %mul3A_391 = arith.constant 16 : i32
      %mul3A_392 = arith.muli %add3A_340, %mul3A_391 : i32
      %add3A_393 = arith.constant 6208 : i32
      %add3A_394 = arith.addi %add3A_393, %mul3A_392 : i32
      %swap3A_395 = arith.index_cast %add3A_394 : i32 to index
      %swap3A_396 = tpu.vector_load %arg14[%swap3A_395] {strides = array<i32>} : memref<12544xf32, #tpu.memory_space<vmem>>, vector<16xf32>,
      tpu.vector_store %arg14[%swap3A_395], %add3A_390 {strides = array<i32>} : memref<12544xf32, #tpu.memory_space<vmem>>, vector<16xf32>,
      %add3A_397 = arith.constant 8 : i32
      %add3A_398 = vector.broadcast %add3A_397 : i32 to vector<16xi32>
      %add3A_399 = arith.addi %mul3A_347, %add3A_398 : vector<16xi32>
      %gather3A_400 = tpu.vector_load_idx %arg13[%add3A_399] : memref<1024xf32, #tpu.memory_space<vmem>>[vector<16xi32>], vector<16xf32>,
      %add3A_401 = arith.constant 9 : i32
      %add3A_402 = vector.broadcast %add3A_401 : i32 to vector<16xi32>
      %add3A_403 = arith.addi %mul3A_347, %add3A_402 : vector<16xi32>
      %gather3A_404 = tpu.vector_load_idx %arg13[%add3A_403] : memref<1024xf32, #tpu.memory_space<vmem>>[vector<16xi32>], vector<16xf32>,
      %add3A_405 = arith.constant 10 : i32
      %add3A_406 = vector.broadcast %add3A_405 : i32 to vector<16xi32>
      %add3A_407 = arith.addi %mul3A_347, %add3A_406 : vector<16xi32>
      %gather3A_408 = tpu.vector_load_idx %arg13[%add3A_407] : memref<1024xf32, #tpu.memory_space<vmem>>[vector<16xi32>], vector<16xf32>,
      %add3A_409 = arith.constant 11 : i32
      %add3A_410 = vector.broadcast %add3A_409 : i32 to vector<16xi32>
      %add3A_411 = arith.addi %mul3A_347, %add3A_410 : vector<16xi32>
      %gather3A_412 = tpu.vector_load_idx %arg13[%add3A_411] : memref<1024xf32, #tpu.memory_space<vmem>>[vector<16xi32>], vector<16xf32>,
      %add3A_413 = arith.addf %gather3A_400, %gather3A_404 : vector<16xf32>
      %add3A_414 = arith.addf %gather3A_408, %gather3A_412 : vector<16xf32>
      %add3A_415 = arith.addf %add3A_413, %add3A_414 : vector<16xf32>
      %mul3A_416 = arith.constant 16 : i32
      %mul3A_417 = arith.muli %add3A_340, %mul3A_416 : i32
      %add3A_418 = arith.constant 9344 : i32
      %add3A_419 = arith.addi %add3A_418, %mul3A_417 : i32
      %swap3A_420 = arith.index_cast %add3A_419 : i32 to index
      %swap3A_421 = tpu.vector_load %arg14[%swap3A_420] {strides = array<i32>} : memref<12544xf32, #tpu.memory_space<vmem>>, vector<16xf32>,
      tpu.vector_store %arg14[%swap3A_420], %add3A_415 {strides = array<i32>} : memref<12544xf32, #tpu.memory_space<vmem>>, vector<16xf32>,
      %add3A_422 = arith.constant 12 : i32
      %add3A_423 = vector.broadcast %add3A_422 : i32 to vector<16xi32>
      %add3A_424 = arith.addi %mul3A_347, %add3A_423 : vector<16xi32>
      %gather3A_425 = tpu.vector_load_idx %arg13[%add3A_424] : memref<1024xf32, #tpu.memory_space<vmem>>[vector<16xi32>], vector<16xf32>,
      %add3A_426 = arith.constant 13 : i32
      %add3A_427 = vector.broadcast %add3A_426 : i32 to vector<16xi32>
      %add3A_428 = arith.addi %mul3A_347, %add3A_427 : vector<16xi32>
      %gather3A_429 = tpu.vector_load_idx %arg13[%add3A_428] : memref<1024xf32, #tpu.memory_space<vmem>>[vector<16xi32>], vector<16xf32>,
      %add3A_430 = arith.constant 14 : i32
      %add3A_431 = vector.broadcast %add3A_430 : i32 to vector<16xi32>
      %add3A_432 = arith.addi %mul3A_347, %add3A_431 : vector<16xi32>
      %gather3A_433 = tpu.vector_load_idx %arg13[%add3A_432] : memref<1024xf32, #tpu.memory_space<vmem>>[vector<16xi32>], vector<16xf32>,
      %add3A_434 = arith.constant 15 : i32
      %add3A_435 = vector.broadcast %add3A_434 : i32 to vector<16xi32>
      %add3A_436 = arith.addi %mul3A_347, %add3A_435 : vector<16xi32>
      %gather3A_437 = tpu.vector_load_idx %arg13[%add3A_436] : memref<1024xf32, #tpu.memory_space<vmem>>[vector<16xi32>], vector<16xf32>,
      %add3A_438 = arith.addf %gather3A_425, %gather3A_429 : vector<16xf32>
      %add3A_439 = arith.addf %gather3A_433, %gather3A_437 : vector<16xf32>
      %add3A_440 = arith.addf %add3A_438, %add3A_439 : vector<16xf32>
      %mul3A_441 = arith.constant 16 : i32
      %mul3A_442 = arith.muli %add3A_340, %mul3A_441 : i32
      %add3A_443 = arith.constant 12480 : i32
      %add3A_444 = arith.addi %add3A_443, %mul3A_442 : i32
      %swap3A_445 = arith.index_cast %add3A_444 : i32 to index
      %swap3A_446 = tpu.vector_load %arg14[%swap3A_445] {strides = array<i32>} : memref<12544xf32, #tpu.memory_space<vmem>>, vector<16xf32>,
      tpu.vector_store %arg14[%swap3A_445], %add3A_440 {strides = array<i32>} : memref<12544xf32, #tpu.memory_space<vmem>>, vector<16xf32>,
    }
    %scan3A_327 = arith.constant 4 : i32
    %add3A_328 = arith.constant 0 : i32
    %add3A_329 = arith.addi %add3A_328, %min3A_3 : i32
    "tpu.region"() ({
      %run_scoped3A = tpu.sem_alloc : memref<!tpu.dma_semaphore, #tpu.memory_space<semaphore_mem>>
      %dma_start3A_336 = arith.constant 0 : i32
      %dma_start3A_337 = tpu.memref_slice %arg14[%dma_start3A_336] : memref<12544xf32, #tpu.memory_space<vmem>> -> memref<3136xf32, #tpu.memory_space<vmem>>
      %dma_start3A_338 = tpu.memref_slice %arg5[%add3A_329] : memref<400000xf32, #tpu.memory_space<hbm>> -> memref<3136xf32, #tpu.memory_space<hbm>>
      %dma_start3A_339 = tpu.memref_slice %arg5[%add3A_329] : memref<400000xf32, #tpu.memory_space<hbm>> -> memref<3136xf32, #tpu.memory_space<hbm>>
      %dma_start3A_340 = arith.constant 0 : i32
      %dma_start3A_341 = tpu.memref_slice %arg14[%dma_start3A_340] : memref<12544xf32, #tpu.memory_space<vmem>> -> memref<3136xf32, #tpu.memory_space<vmem>>
      tpu.enqueue_dma source(%dma_start3A_341 : memref<3136xf32, #tpu.memory_space<vmem>>) target(%dma_start3A_339 : memref<3136xf32, #tpu.memory_space<hbm>>) target_semaphore(%run_scoped3A : memref<!tpu.dma_semaphore, #tpu.memory_space<semaphore_mem>>)
      %dma_wait3A_342 = arith.constant 0 : i32
      %dma_wait3A_343 = tpu.memref_slice %arg14[%dma_wait3A_342] : memref<12544xf32, #tpu.memory_space<vmem>> -> memref<3136xf32, #tpu.memory_space<vmem>>
      %dma_wait3A_344 = tpu.memref_slice %arg5[%add3A_329] : memref<400000xf32, #tpu.memory_space<hbm>> -> memref<3136xf32, #tpu.memory_space<hbm>>
      %dma_wait3A_345 = tpu.memref_slice %arg5[%add3A_329] : memref<400000xf32, #tpu.memory_space<hbm>> -> memref<3136xf32, #tpu.memory_space<hbm>>
      %dma_wait3A_346 = arith.constant 0 : i32
      %dma_wait3A_347 = tpu.memref_slice %arg14[%dma_wait3A_346] : memref<12544xf32, #tpu.memory_space<vmem>> -> memref<3136xf32, #tpu.memory_space<vmem>>
      tpu.wait_dma2 semaphore(%run_scoped3A : memref<!tpu.dma_semaphore, #tpu.memory_space<semaphore_mem>>) src(%dma_wait3A_347 : memref<3136xf32, #tpu.memory_space<vmem>>) dst(%dma_wait3A_345 : memref<3136xf32, #tpu.memory_space<hbm>>)
      tpu.yield
    }) : () -> ()
    %add3A_330 = arith.constant 100000 : i32
    %add3A_331 = arith.addi %add3A_330, %min3A_3 : i32
    "tpu.region"() ({
      %run_scoped3A = tpu.sem_alloc : memref<!tpu.dma_semaphore, #tpu.memory_space<semaphore_mem>>
      %dma_start3A_336 = arith.constant 3136 : i32
      %dma_start3A_337 = tpu.memref_slice %arg14[%dma_start3A_336] : memref<12544xf32, #tpu.memory_space<vmem>> -> memref<3136xf32, #tpu.memory_space<vmem>>
      %dma_start3A_338 = tpu.memref_slice %arg5[%add3A_331] : memref<400000xf32, #tpu.memory_space<hbm>> -> memref<3136xf32, #tpu.memory_space<hbm>>
      %dma_start3A_339 = tpu.memref_slice %arg5[%add3A_331] : memref<400000xf32, #tpu.memory_space<hbm>> -> memref<3136xf32, #tpu.memory_space<hbm>>
      %dma_start3A_340 = arith.constant 3136 : i32
      %dma_start3A_341 = tpu.memref_slice %arg14[%dma_start3A_340] : memref<12544xf32, #tpu.memory_space<vmem>> -> memref<3136xf32, #tpu.memory_space<vmem>>
      tpu.enqueue_dma source(%dma_start3A_341 : memref<3136xf32, #tpu.memory_space<vmem>>) target(%dma_start3A_339 : memref<3136xf32, #tpu.memory_space<hbm>>) target_semaphore(%run_scoped3A : memref<!tpu.dma_semaphore, #tpu.memory_space<semaphore_mem>>)
      %dma_wait3A_342 = arith.constant 3136 : i32
      %dma_wait3A_343 = tpu.memref_slice %arg14[%dma_wait3A_342] : memref<12544xf32, #tpu.memory_space<vmem>> -> memref<3136xf32, #tpu.memory_space<vmem>>
      %dma_wait3A_344 = tpu.memref_slice %arg5[%add3A_331] : memref<400000xf32, #tpu.memory_space<hbm>> -> memref<3136xf32, #tpu.memory_space<hbm>>
      %dma_wait3A_345 = tpu.memref_slice %arg5[%add3A_331] : memref<400000xf32, #tpu.memory_space<hbm>> -> memref<3136xf32, #tpu.memory_space<hbm>>
      %dma_wait3A_346 = arith.constant 3136 : i32
      %dma_wait3A_347 = tpu.memref_slice %arg14[%dma_wait3A_346] : memref<12544xf32, #tpu.memory_space<vmem>> -> memref<3136xf32, #tpu.memory_space<vmem>>
      tpu.wait_dma2 semaphore(%run_scoped3A : memref<!tpu.dma_semaphore, #tpu.memory_space<semaphore_mem>>) src(%dma_wait3A_347 : memref<3136xf32, #tpu.memory_space<vmem>>) dst(%dma_wait3A_345 : memref<3136xf32, #tpu.memory_space<hbm>>)
      tpu.yield
    }) : () -> ()
    %add3A_332 = arith.constant 200000 : i32
    %add3A_333 = arith.addi %add3A_332, %min3A_3 : i32
    "tpu.region"() ({
      %run_scoped3A = tpu.sem_alloc : memref<!tpu.dma_semaphore, #tpu.memory_space<semaphore_mem>>
      %dma_start3A_336 = arith.constant 6272 : i32
      %dma_start3A_337 = tpu.memref_slice %arg14[%dma_start3A_336] : memref<12544xf32, #tpu.memory_space<vmem>> -> memref<3136xf32, #tpu.memory_space<vmem>>
      %dma_start3A_338 = tpu.memref_slice %arg5[%add3A_333] : memref<400000xf32, #tpu.memory_space<hbm>> -> memref<3136xf32, #tpu.memory_space<hbm>>
      %dma_start3A_339 = tpu.memref_slice %arg5[%add3A_333] : memref<400000xf32, #tpu.memory_space<hbm>> -> memref<3136xf32, #tpu.memory_space<hbm>>
      %dma_start3A_340 = arith.constant 6272 : i32
      %dma_start3A_341 = tpu.memref_slice %arg14[%dma_start3A_340] : memref<12544xf32, #tpu.memory_space<vmem>> -> memref<3136xf32, #tpu.memory_space<vmem>>
      tpu.enqueue_dma source(%dma_start3A_341 : memref<3136xf32, #tpu.memory_space<vmem>>) target(%dma_start3A_339 : memref<3136xf32, #tpu.memory_space<hbm>>) target_semaphore(%run_scoped3A : memref<!tpu.dma_semaphore, #tpu.memory_space<semaphore_mem>>)
      %dma_wait3A_342 = arith.constant 6272 : i32
      %dma_wait3A_343 = tpu.memref_slice %arg14[%dma_wait3A_342] : memref<12544xf32, #tpu.memory_space<vmem>> -> memref<3136xf32, #tpu.memory_space<vmem>>
      %dma_wait3A_344 = tpu.memref_slice %arg5[%add3A_333] : memref<400000xf32, #tpu.memory_space<hbm>> -> memref<3136xf32, #tpu.memory_space<hbm>>
      %dma_wait3A_345 = tpu.memref_slice %arg5[%add3A_333] : memref<400000xf32, #tpu.memory_space<hbm>> -> memref<3136xf32, #tpu.memory_space<hbm>>
      %dma_wait3A_346 = arith.constant 6272 : i32
      %dma_wait3A_347 = tpu.memref_slice %arg14[%dma_wait3A_346] : memref<12544xf32, #tpu.memory_space<vmem>> -> memref<3136xf32, #tpu.memory_space<vmem>>
      tpu.wait_dma2 semaphore(%run_scoped3A : memref<!tpu.dma_semaphore, #tpu.memory_space<semaphore_mem>>) src(%dma_wait3A_347 : memref<3136xf32, #tpu.memory_space<vmem>>) dst(%dma_wait3A_345 : memref<3136xf32, #tpu.memory_space<hbm>>)
      tpu.yield
    }) : () -> ()
    %add3A_334 = arith.constant 300000 : i32
    %add3A_335 = arith.addi %add3A_334, %min3A_3 : i32
    "tpu.region"() ({
      %run_scoped3A = tpu.sem_alloc : memref<!tpu.dma_semaphore, #tpu.memory_space<semaphore_mem>>
      %dma_start3A_336 = arith.constant 9408 : i32
      %dma_start3A_337 = tpu.memref_slice %arg14[%dma_start3A_336] : memref<12544xf32, #tpu.memory_space<vmem>> -> memref<3136xf32, #tpu.memory_space<vmem>>
      %dma_start3A_338 = tpu.memref_slice %arg5[%add3A_335] : memref<400000xf32, #tpu.memory_space<hbm>> -> memref<3136xf32, #tpu.memory_space<hbm>>
      %dma_start3A_339 = tpu.memref_slice %arg5[%add3A_335] : memref<400000xf32, #tpu.memory_space<hbm>> -> memref<3136xf32, #tpu.memory_space<hbm>>
      %dma_start3A_340 = arith.constant 9408 : i32
      %dma_start3A_341 = tpu.memref_slice %arg14[%dma_start3A_340] : memref<12544xf32, #tpu.memory_space<vmem>> -> memref<3136xf32, #tpu.memory_space<vmem>>
      tpu.enqueue_dma source(%dma_start3A_341 : memref<3136xf32, #tpu.memory_space<vmem>>) target(%dma_start3A_339 : memref<3136xf32, #tpu.memory_space<hbm>>) target_semaphore(%run_scoped3A : memref<!tpu.dma_semaphore, #tpu.memory_space<semaphore_mem>>)
      %dma_wait3A_342 = arith.constant 9408 : i32
      %dma_wait3A_343 = tpu.memref_slice %arg14[%dma_wait3A_342] : memref<12544xf32, #tpu.memory_space<vmem>> -> memref<3136xf32, #tpu.memory_space<vmem>>
      %dma_wait3A_344 = tpu.memref_slice %arg5[%add3A_335] : memref<400000xf32, #tpu.memory_space<hbm>> -> memref<3136xf32, #tpu.memory_space<hbm>>
      %dma_wait3A_345 = tpu.memref_slice %arg5[%add3A_335] : memref<400000xf32, #tpu.memory_space<hbm>> -> memref<3136xf32, #tpu.memory_space<hbm>>
      %dma_wait3A_346 = arith.constant 9408 : i32
      %dma_wait3A_347 = tpu.memref_slice %arg14[%dma_wait3A_346] : memref<12544xf32, #tpu.memory_space<vmem>> -> memref<3136xf32, #tpu.memory_space<vmem>>
      tpu.wait_dma2 semaphore(%run_scoped3A : memref<!tpu.dma_semaphore, #tpu.memory_space<semaphore_mem>>) src(%dma_wait3A_347 : memref<3136xf32, #tpu.memory_space<vmem>>) dst(%dma_wait3A_345 : memref<3136xf32, #tpu.memory_space<hbm>>)
      tpu.yield
    }) : () -> ()
    return
  }
}

</mosaic_0001>

<sc_bundles>
// kernel: _rbffd_divergence_sc.3.cloned.1.call-start
scs
__scs_entry_jumppad:
0x0: {  	(pc) =	sbr.rel $0x88, $3  }
0x1: {  	(tag) =	ssettag $0x0;
	lr =	simm.s32 $0x1  }
0x2: {  	[smem:$0x3F9E] =	sst lr;
	_ =	strace $0xD0000000  }
0x3: {  	_ = 	snop  }
0x4: {  	_ = 	snop  }
0x5: {  	_ = 	snop  }
0x6: {  	_ = 	snop  }
0x7: {  	_ = 	snop  }
__scs_overlays_trampoline_lowered:
0x8: {  	[smem:$0x3FAD] =	sst s0  }
0x9: {  	[smem:$0x3FAE] =	sst s1  }
0xa: {  	[smem:$0x3FAF] =	sst s2  }
0xb: {  	[smem:$0x3FB0] =	sst s3  }
0xc: {  	[smem:$0x3FB1] =	sst s4  }
0xd: {  	[smem:$0x3FB2] =	sst s5  }
0xe: {  	[smem:$0x3FB3] =	sst s6  }
0xf: {  	[smem:$0x3FB4] =	sst s7  }
0x10: {  	[smem:$0x3FB5] =	sst s8  }
0x11: {  	[smem:$0x3FB6] =	sst s9;
	s0 =	simm.s32 @!p0 $0x0  }
0x12: {  	s1 =	sld [smem:$0x3F9C];
	s0 =	simm.s32 @p0 $0x1  }
0x13: {  	[smem:$0x3FB7] =	sst s0;
	s0 =	simm.s32 @!p1 $0x0  }
0x14: {  	s2 =	sld [smem:$0x3F9B];
	s0 =	simm.s32 @p1 $0x1  }
0x15: {  	[smem:$0x3FB8] =	sst s0;
	s0 =	simm.s32 @!p2 $0x0  }
0x16: {  	s3 =	sld [smem:$0x3FDB];
	s0 =	simm.s32 @p2 $0x1  }
0x17: {  	s4 =	simm.s32 $0x1BF5;
	[smem:$0x3FBA] =	sst s0  }
0x18: {  	s0 =	sld [smem:$0x3F9D];
	_ =	swait.ge [sflag:s4], $0x0  }
0x19: {  	s7 =	sld [smem:$0x3F9E]  }
0x1a: {  	s8 =	sadd.s32 $0xFFFFE003, lr  }
0x1b: {  	s9 =	sadd.s32 $0xFFFFFEF7, lr;
	s5 =	simm.s32 $0xFFFFFFFF;
	p2 =	slt.u32 s8, $0xFFFFF086  }
0x1c: {  	p1 =	slt.u32 s9, $0xF7A;
	s5 =	simm.s32 @!p2 $0x0  }
0x1d: {  	s5 =	simm.s32 @p1 $0x1;
	p0 =	seq.s32 s7, s2  }
0x1e: {  	s7 =	smul.u32 @!p0 $0xF7A, s2;
	p2 =	seq.s32 @!p0 s5, $0x0  }
0x1f: {  	s9 =	smul.u32 $0xF7A, s1;
	s8 =	simm.s32 @!p0 $0x1BF5;
	p2 =	por !p2, p0  }
0x20: {  	[sflag:s8] =	ssyncset.s32 @!p0 $0xFFFFF086;
	s6 =	sadd.s32 @!p0 s3, s7;
	s7 =	simm.s32 @!p0 $0x108  }
0x21: {  	s3 =	sadd.s32 s3, s9;
	s6 =	sadd.s32 @!p0 $0x88, s6;
	s7 =	simm.s32 @p2 $0x1082  }
0x22: {  	[simem:s7], [sflag:s8] =	dma.local @!p0 [hbm:s6], $0xF7A  }
0x23: {  	s9 =	sor.u32 $0xD0000000, s2;
	s6 =	simm.s32 $0x108;
	_ =	swait.ge @!p0 [sflag:s8], $0x0  }
0x24: {  	s3 =	sadd.s32 $0x88, s3;
	s6 =	simm.s32 @!p1 $0x1082;
	[sflag:s4] =	ssyncset.s32 $0xFFFFF086  }
0x25: {  	[simem:s6], [sflag:s4] =	dma.local [hbm:s3], $0xF7A  }
0x26: {  	[smem:$0x3F9E] =	sst s1;
	(tag) =	ssettag s2;
	_ =	strace s9  }
0x27: {  	s1 =	sld [smem:$0x3FAE]  }
0x28: {  	s2 =	sld [smem:$0x3FAF]  }
0x29: {  	s4 =	sld [smem:$0x3FB1]  }
0x2a: {  	p0 =	seq.s32 s5, $0x0;
	s5 =	sld [smem:$0x3FB2]  }
0x2b: {  	s6 =	sld [smem:$0x3FB3]  }
0x2c: {  	s7 =	sld [smem:$0x3FB4]  }
0x2d: {  	s3 =	simm.s32 $0x108;
	s8 =	sld [smem:$0x3FB5]  }
0x2e: {  	s3 =	simm.s32 @!p0 $0x1082;
	s9 =	sld [smem:$0x3FB6]  }
0x2f: {  	lr =	sadd.s32 s0, s3;
	s0 =	sld [smem:$0x3FAD]  }
0x30: {  	s3 =	sld [smem:$0x3FB0]  }
0x31: {  	[smem:$0x3FB9] =	sst s10  }
0x32: {  	s10 =	sld [smem:$0x3FB7];
	_ =	sdelay $0x3  }
0x33: {  	p0 =	seq.s32 s10, $0x1;
	s10 =	sld [smem:$0x3FB9];
	_ =	sdelay $0x3  }
0x34: {  	[smem:$0x3FB9] =	sst s10  }
0x35: {  	s10 =	sld [smem:$0x3FB8];
	_ =	sdelay $0x3  }
0x36: {  	p1 =	seq.s32 s10, $0x1;
	s10 =	sld [smem:$0x3FB9];
	_ =	sdelay $0x3  }
0x37: {  	[smem:$0x3FB9] =	sst s10  }
0x38: {  	s10 =	sld [smem:$0x3FBA]  }
0x39: {  	_ = 	snop;
	(pc) =	sbr.ind lr, $3  }
0x3a: {  	_ = 	snop  }
0x3b: {  	_ = 	snop  }
0x3c: {  	p2 =	seq.s32 s10, $0x1;
	s10 =	sld [smem:$0x3FB9]  }
0x3d: {  	_ =	shalt  }
0x3e: {  	_ =	shalt  }
0x3f: {  	_ =	shalt  }
0x40: {  	_ =	shalt  }
0x41: {  	_ =	shalt  }
0x42: {  	_ =	shalt  }
0x43: {  	_ =	shalt  }
0x44: {  	_ =	shalt  }
0x45: {  	_ =	shalt  }
0x46: {  	_ =	shalt  }
0x47: {  	_ =	shalt  }
0x48: {  	_ =	shalt  }
0x49: {  	_ =	shalt  }
0x4a: {  	_ =	shalt  }
0x4b: {  	_ =	shalt  }
0x4c: {  	_ =	shalt  }
0x4d: {  	_ =	shalt  }
0x4e: {  	_ =	shalt  }
0x4f: {  	_ =	shalt  }
0x50: {  	_ =	shalt  }
0x51: {  	_ =	shalt  }
0x52: {  	_ =	shalt  }
0x53: {  	_ =	shalt  }
0x54: {  	_ =	shalt  }
0x55: {  	_ =	shalt  }
0x56: {  	_ =	shalt  }
0x57: {  	_ =	shalt  }
0x58: {  	_ =	shalt  }
0x59: {  	_ =	shalt  }
0x5a: {  	_ =	shalt  }
0x5b: {  	_ =	shalt  }
0x5c: {  	_ =	shalt  }
0x5d: {  	_ =	shalt  }
0x5e: {  	_ =	shalt  }
0x5f: {  	_ =	shalt  }
0x60: {  	_ =	shalt  }
0x61: {  	_ =	shalt  }
0x62: {  	_ =	shalt  }
0x63: {  	_ =	shalt  }
0x64: {  	_ =	shalt  }
0x65: {  	_ =	shalt  }
0x66: {  	_ =	shalt  }
0x67: {  	_ =	shalt  }
0x68: {  	_ =	shalt  }
0x69: {  	_ =	shalt  }
0x6a: {  	_ =	shalt  }
0x6b: {  	_ =	shalt  }
0x6c: {  	_ =	shalt  }
0x6d: {  	_ =	shalt  }
0x6e: {  	_ =	shalt  }
0x6f: {  	_ =	shalt  }
0x70: {  	_ =	shalt  }
0x71: {  	_ =	shalt  }
0x72: {  	_ =	shalt  }
0x73: {  	_ =	shalt  }
0x74: {  	_ =	shalt  }
0x75: {  	_ =	shalt  }
0x76: {  	_ =	shalt  }
0x77: {  	_ =	shalt  }
0x78: {  	_ =	shalt  }
0x79: {  	_ =	shalt  }
0x7a: {  	_ =	shalt  }
0x7b: {  	_ =	shalt  }
0x7c: {  	_ =	shalt  }
0x7d: {  	_ =	shalt  }
0x7e: {  	_ =	shalt  }
0x7f: {  	_ =	shalt  }
0x80: {  	_ =	shalt  }
0x81: {  	_ =	shalt  }
0x82: {  	_ =	shalt  }
0x83: {  	_ =	shalt  }
0x84: {  	_ =	shalt  }
0x85: {  	_ =	shalt  }
0x86: {  	_ =	shalt  }
0x87: {  	_ =	shalt  }
.Lfunc_end0:
.L_simem_size_0:
called_computation_lowered:
.L_overlay_start_0:
0x88: {  	s2 =	sld [smem:$0x3FD9]  }
0x89: {  	s3 =	sld [smem:$0x3FFE];
	_ =	sdelay $0x1  }
0x8a: {  	s1 =	srdreg.scid  }
0x8b: {  	s0 =	sand.u32 $0x1, s1  }
0x8c: {  	s17 =	sshll.u32 s0, $0xA;
	s2 =	sadd.s32 s3, s2  }
0x8d: {  	s2 =	sadd.s32 s2, s17  }
0x8e: {  	[smem:$0x3FC5] =	sst s2  }
0x8f: {  	_ = 	snop  }
0x90: {  	s2 =	sld [smem:$0x3FC8]  }
0x91: {  	s18 =	sld [smem:$0x3FC7]  }
0x92: {  	s4 =	sld [smem:$0x3FD0];
	(tm) =	ssettm $0x1  }
0x93: {  	s5 =	sld [smem:$0x3FFB];
	_ =	sdelay $0x3  }
0x94: {  	_ =	strace s5  }
0x95: {  	s5 =	sld [smem:$0x3FFC];
	_ =	sdelay $0x3  }
0x96: {  	_ =	strace s5  }
0x97: {  	s5 =	sld [smem:$0x3FFD];
	_ =	sdelay $0x3  }
0x98: {  	_ =	strace s5  }
0x99: {  	_ =	strace $0x8FFFFFFF  }
0x9a: {  	s19 =	sld [smem:$0x3FDB];
	_ =	sdelay $0x1  }
0x9b: {  	s6 =	simm.s32 $_scs_section_size  }
0x9c: {  	s7 =	simm.s32 $_size__tile_overlayer_lowered;
	s8 =	simm.s32 $_tile_overlayer_lowered  }
0x9d: {  	s22 =	simm.s32 $0x1BFF;
	s21 =	sshll.u32 s8, $0x1;
	s5 =	sadd.s32 s6, s19  }
0x9e: {  	s9 =	simm.s32 $0x0;
	s20 =	sshll.u32 s7, $0x1;
	s7 =	sadd.s32 s21, s5  }
0x9f: {  	[timem:s9], [sflag:s22] =	dma.local [hbm:s7], s20  }
0xa0: {  	_ =	swait.ge [sflag:s22], s20  }
0xa1: {  	s6 =	ssub.s32 $0x0, s20;
	[sflag:s22] =	ssyncset.done $0x0  }
0xa2: {  	[sflag:s22] =	ssyncadd.s32 s6;
	_ =	sdelay $0x1  }
0xa3: {  	s23 =	simm.s32 $0x1B8B  }
0xa4: {  	_ =	swait.ge [sflag:s23], $0x1  }
0xa5: {  	[sflag:s23] =	ssyncset.done $0x0  }
0xa6: {  	s25 =	simm.s32 $0x1B8E;
	s24 =	sld [smem:$0x3FFE];
	[sflag:s23] =	ssyncadd.s32 $0xFFFFFFFF  }
0xa7: {  	s26 =	simm.s32 $execute0_lowered;
	[smem:$0x3FD2] =	sst s25  }
0xa8: {  	s7 =	sshll.u32 s26, $0x1;
	_ =	strace $0x80000046;
	[dreg:$0x1] =	wrdreg $0xFFFFFFFF  }
0xa9: {  	s28 =	simm.s32 $_size_execute0_lowered;
	s5 =	sadd.s32 s5, s7;
	[dreg:$0x0] =	wrdreg $0x0  }
0xaa: {  	s7 =	sshll.u32 s28, $0x1;
	[dreg:$0x2] =	wrdreg s5  }
0xab: {  	[dreg:$0x3] =	wrdreg s7  }
0xac: {  	[dreg:$0x4] =	wrdreg $0xC0  }
0xad: {  	_ =	task [dreg:s9], $0x5FFFF  }
0xae: {  	[dreg:$0x1] =	wrdreg $0xFFFFFFFF  }
0xaf: {  	[dreg:$0x0] =	wrdreg $0x60  }
0xb0: {  	[dreg:$0x2] =	wrdreg s24  }
0xb1: {  	[dreg:$0x3] =	wrdreg s2  }
0xb2: {  	[dreg:$0x4] =	wrdreg s18  }
0xb3: {  	[dreg:$0x5] =	wrdreg s4  }
0xb4: {  	[dreg:$0x6] =	wrdreg $0x9  }
0xb5: {  	_ =	task.clear_ibuf [dreg:s9], $0x7FFFF;
	_ =	strace $0x90000046  }
0xb6: {  	s29 =	simm.s32 $0x9;
	_ =	strace $0x80000048  }
0xb7: {  	_ =	swait.ge [sflag:s29], $0x1  }
0xb8: {  	[sflag:s29] =	ssyncadd.s32 $0xFFFFFFFF  }
0xb9: {  	_ =	strace $0x90000048  }
0xba: {  	_ =	sfence  }
0xbb: {  	s30 =	sld [smem:$0x0];
	_ =	sdelay $0x2  }
0xbc: {  	s31 =	sshll.u32 s1, $0xD;
	s1 =	sshrl.u32 s1, $0x2  }
0xbd: {  	s3 =	sand.u32 $0x4000, s31;
	s1 =	sadd.s32 s1, s30  }
0xbe: {  	s0 =	sor.u32 s3, s0;
	s1 =	sshll.u32 s1, $0x11  }
0xbf: {  	s0 =	sor.u32 s1, s0  }
0xc0: {  	s0 =	sadd.s32 $0x8F2B, s0  }
0xc1: {  	[sflag:s0] =	ssyncadd.remote.s32 $0x1  }
0xc2: {  	_ =	sfence.sel $0xFFFF  }
0xc3: {  	[dreg:$0x0] =	wrdreg $0xFFFFFFFF;
	(pc) =	sbr.abs _section_cstart, $3  }
0xc4: {  	[dreg:$0x1] =	wrdreg $0xFFFFFFFF  }
0xc5: {  	_ =	task.clear_ibuf [dreg:s9], $0x2FFFF;
	_ =	strace $0x9FFFFFFF  }
0xc6: {  	(tm) =	ssettm $0x7FFFFFFF  }
0xc7: {  	_ =	shalt  }
tec
execute0_lowered:
.L_overlay_start_1:
0x0: {  	(tag) =	ssettag $0x1  }
0x1: {  	s1 =	rddreg [dreg:$0x0]  }
0x2: {  	s0 =	rddreg [dreg:$0x1]  }
0x3: {  	s2 =	srdreg.scid;
	s3 =	rddreg [dreg:$0x2]  }
0x4: {  	s4 =	rddreg [dreg:$0x3];
	s6 =	stileid.u32  }
0x5: {  	s7 =	simm.s32 $0x0;
	s15 =	simm.s32 $0x3;
	s16 =	simm.s32 $0x80  }
0x6: {  	s14 =	simm.s32 $0x6800;
	s10 =	simm.s32 $0x600;
	s17 =	simm.s32 $0x680  }
0x7: {  	s18 =	simm.s32 $0x7800;
	s19 =	simm.s32 $0x700;
	s2 =	sand.u32 $0x1, s2  }
0x8: {  	s20 =	simm.s32 $0x8000;
	s21 =	simm.s32 $0x780;
	s5 =	sshll.u32 s2, $0x4  }
0x9: {  	s22 =	simm.s32 $0x8800;
	v5 =	vimm.s32 $0x9C623100;
	v6 =	vimm.s32 $0x9C633201;
	s23 =	ssub.s32 $0x2, s2;
	s5 =	sor.u32 s6, s5  }
0xa: {  	v9 =	vimm.s32 $0x9C643302;
	v10 =	vimm.s32 $0x9C653403;
	s29 =	simm.s32 $0x16E20;
	s2 =	sshrl.u32 s23, $0x1;
	s6 =	smul.u32 $0xC40, s5  }
0xb: {  	v11 =	vimm.s32 $0x9C663504;
	v12 =	vimm.s32 $0x9C673605;
	s30 =	simm.s32 $0x0;
	s5 =	sadd.s32 $0x186E00, s1;
	s1 =	ssub.s32 s23, s2  }
0xc: {  	v15 =	vlaneseq.u32;
	v13 =	vimm.s32 $0x9C683706;
	v14 =	vimm.s32 $0x9C693807;
	[smem:$0x7FF] =	sst s7;
	s1 =	smax.u32 s1, $0x1;
	s6 =	smin.u32 s6, $0x17A60  }
0xd: {  	v0 =	vadd.s32 $0x1F, v15;
	v1 =	vadd.s32 $0x2F, v15;
	v2 =	vadd.s32 $0x3F, v15;
	_ =	strace $0x80000047;
	[dreg:$0xb] =	wrdreg s1;
	s24 =	sshll.u32 s6, $0x2  }
0xe: {  	v3 =	vadd.s32 $0x3E, v15;
	v4 =	vadd.s32 $0x4E, v15;
	v10 =	vunpack.c.0.s8.s32 v10;
	s8 =	smul.u32 $0xC, s6;
	s26 =	sshrl.u32 s6, $0x3;
	s25 =	sadd.s32 s0, s24  }
0xf: {  	v7 =	vunpack.c.0.s8.s32 v5;
	v8 =	vunpack.c.0.s8.s32 v6;
	v5 =	vimm.f32 $0.0e+00;
	s23 =	simm.s32 $0x11000;
	s2 =	sadd.s32 s4, s26;
	[dreg:$0x5] =	wrdreg s25  }
0x10: {  	v6 =	vadd.s32 $0x5E, v15;
	v14 =	vunpack.c.0.s8.s32 v14;
	v10 =	vand.u32 $0xFF, v10;
	s9 =	sadd.s32 $0x80, s6;
	s28 =	sadd.s32 s3, s8;
	[dreg:$0x7] =	wrdreg s2  }
0x11: {  	v9 =	vunpack.c.0.s8.s32 v9;
	v11 =	vunpack.c.0.s8.s32 v11;
	v12 =	vunpack.c.0.s8.s32 v12;
	s24 =	simm.s32 $0x800;
	s4 =	sadd.s32 $0x30D4, s2;
	[dreg:$0x6] =	wrdreg s28  }
0x12: {  	v13 =	vunpack.c.0.s8.s32 v13;
	v15 =	vmul.u32 $0x10, v15;
	v14 =	vand.u32 $0xFF, v14;
	s26 =	simm.s32 $0x1;
	s31 =	sadd.s32 $0x61A8, s2;
	[dreg:$0x8] =	wrdreg s4  }
0x13: {  	v7 =	vand.u32 $0xFF, v7;
	v8 =	vand.u32 $0xFF, v8;
	v9 =	vand.u32 $0xFF, v9;
	s2 =	sadd.s32 $0x927C, s2;
	s25 =	simm.s32 $0x2;
	[dreg:$0x9] =	wrdreg s31  }
0x14: {  	v11 =	vand.u32 $0xFF, v11;
	v12 =	vand.u32 $0xFF, v12;
	v13 =	vand.u32 $0xFF, v13;
	[dreg:$0xa] =	wrdreg s2;
	s4 =	simm.s32 $0x7000;
	s2 =	simm.s32 $0x0  }
.LBB2_1:
0x15: {  	[dreg:$0xc] =	wrdreg s2;
	s2 =	simm.s32 $0x0  }
0x16: {  	s1 =	simm.s32 $0x2E0;
	[tilespmem:s2+$0x140C0] =	vst v5  }
.LBB2_2:
0x17: {  	p0 =	sne.s32 s1, $0xB520;
	[tilespmem:s2+$0x140C8] =	vst v5;
	s7 =	smov.u32 s1;
	s1 =	sadd.s32 $0x2E0, s1  }
.Ltmp0:
0x18: {  	[tilespmem:s2+$0x140B0] =	vst v5;
	(pc) =	sbr.rel @p0 .LBB2_2-.Ltmp0, $3  }
0x19: {  	_ =	sdelay $0x1  }
0x1a: {  	s2 =	sshra.s32 s7, $0x2  }
0x1b: {  	[tilespmem:s2+$0x140C0] =	vst v5  }
0x1c: {  	[tilespmem:s2+$0x140C8] =	vst v5  }
0x1d: {  	[tilespmem:s2+$0x140B0] =	vst v5  }
0x1e: {  	[tilespmem:$0x12800] =	vst v5  }
0x1f: {  	s1 =	rddreg [dreg:$0x5];
	[tilespmem:$0x14010] =	vst v5  }
0x20: {  	[tilespmem:s30], [sflag:$0x3] =	stream.linear.gather [hbm4b:s1+s30], $0x800, $0x38;
	[tilespmem:$0x1A320] =	vst v63  }
0x21: {  	_ =	swait.ge [sflag:s15], $0x800  }
0x22: {  	[sflag:s15] =	ssyncset.done $0x0  }
0x23: {  	s11 =	simm.s32 $0x1000;
	[sflag:s15] =	ssyncadd.s32 $0xFFFFF800  }
0x24: {  	[tilespmem:s11], [sflag:$0x1] =	stream.indirect.gather [hbm4b:s5+s16], $0x10, s30, s16, $0xb8;
	[tilespmem:$0x1A320] =	vst v63  }
0x25: {  	s12 =	simm.s32 $0x1800  }
0x26: {  	[tilespmem:s12], [sflag:$0x1] =	stream.indirect.gather [hbm4b:s5+s16], $0x10, s16, s16, $0xb8;
	[tilespmem:$0x1A320] =	vst v63  }
0x27: {  	s13 =	simm.s32 $0x100;
	s28 =	simm.s32 $0x2000  }
0x28: {  	[tilespmem:s28], [sflag:$0x1] =	stream.indirect.gather [hbm4b:s5+s16], $0x10, s13, s16, $0xb8;
	[tilespmem:$0x1A320] =	vst v63  }
0x29: {  	s7 =	simm.s32 $0x180;
	s8 =	simm.s32 $0x2800  }
0x2a: {  	[tilespmem:s8], [sflag:$0x1] =	stream.indirect.gather [hbm4b:s5+s16], $0x10, s7, s16, $0xb8;
	[tilespmem:$0x1A320] =	vst v63  }
0x2b: {  	s11 =	simm.s32 $0x200;
	s12 =	simm.s32 $0x3000  }
0x2c: {  	[tilespmem:s12], [sflag:$0x1] =	stream.indirect.gather [hbm4b:s5+s16], $0x10, s11, s16, $0xb8;
	[tilespmem:$0x1A320] =	vst v63  }
0x2d: {  	s13 =	simm.s32 $0x280;
	s28 =	simm.s32 $0x3800  }
0x2e: {  	[tilespmem:s28], [sflag:$0x1] =	stream.indirect.gather [hbm4b:s5+s16], $0x10, s13, s16, $0xb8;
	[tilespmem:$0x1A320] =	vst v63  }
0x2f: {  	s7 =	simm.s32 $0x300;
	s8 =	simm.s32 $0x4000  }
0x30: {  	[tilespmem:s8], [sflag:$0x1] =	stream.indirect.gather [hbm4b:s5+s16], $0x10, s7, s16, $0xb8;
	[tilespmem:$0x1A320] =	vst v63  }
0x31: {  	s11 =	simm.s32 $0x380;
	s12 =	simm.s32 $0x4800  }
0x32: {  	[tilespmem:s12], [sflag:$0x1] =	stream.indirect.gather [hbm4b:s5+s16], $0x10, s11, s16, $0xb8;
	[tilespmem:$0x1A320] =	vst v63  }
0x33: {  	s13 =	simm.s32 $0x400;
	s28 =	simm.s32 $0x5000  }
0x34: {  	[tilespmem:s28], [sflag:$0x1] =	stream.indirect.gather [hbm4b:s5+s16], $0x10, s13, s16, $0xb8;
	[tilespmem:$0x1A320] =	vst v63  }
0x35: {  	s7 =	simm.s32 $0x480;
	s8 =	simm.s32 $0x5800  }
0x36: {  	[tilespmem:s8], [sflag:$0x1] =	stream.indirect.gather [hbm4b:s5+s16], $0x10, s7, s16, $0xb8;
	[tilespmem:$0x1A320] =	vst v63  }
0x37: {  	s11 =	simm.s32 $0x500;
	s12 =	simm.s32 $0x6000  }
0x38: {  	[tilespmem:s12], [sflag:$0x1] =	stream.indirect.gather [hbm4b:s5+s16], $0x10, s11, s16, $0xb8;
	[tilespmem:$0x1A320] =	vst v63  }
0x39: {  	s13 =	simm.s32 $0x580  }
0x3a: {  	[tilespmem:s14], [sflag:$0x1] =	stream.indirect.gather [hbm4b:s5+s16], $0x10, s13, s16, $0xb8;
	[tilespmem:$0x1A320] =	vst v63  }
0x3b: {  	_ = 	snop  }
0x3c: {  	[tilespmem:s4], [sflag:$0x1] =	stream.indirect.gather [hbm4b:s5+s16], $0x10, s10, s16, $0xb8;
	[tilespmem:$0x1A320] =	vst v63  }
0x3d: {  	_ = 	snop  }
0x3e: {  	[tilespmem:s18], [sflag:$0x1] =	stream.indirect.gather [hbm4b:s5+s16], $0x10, s17, s16, $0xb8;
	[tilespmem:$0x1A320] =	vst v63  }
0x3f: {  	_ = 	snop  }
0x40: {  	[tilespmem:s20], [sflag:$0x1] =	stream.indirect.gather [hbm4b:s5+s16], $0x10, s19, s16, $0xb8;
	[tilespmem:$0x1A320] =	vst v63  }
0x41: {  	s31 =	simm.s32 $0x18AA0  }
0x42: {  	[tilespmem:s22], [sflag:$0x1] =	stream.indirect.gather [hbm4b:s5+s16], $0x10, s21, s16, $0xb8;
	[tilespmem:$0x1A320] =	vst v63  }
0x43: {  	s2 =	simm.s32 $0x0;
	s1 =	simm.s32 $0x18AE0;
	s28 =	rddreg [dreg:$0x6]  }
0x44: {  	[tilespmem:s23], [sflag:$0x1] =	stream.linear.gather [hbm4b:s28+s30], $0x1800, $0x38;
	[tilespmem:$0x1A320] =	vst v63  }
.LBB2_4:
0x45: {  	s28 =	sshll.u32 s2, $0x7  }
0x46: {  	s7 =	sadd.s32 s28, s6  }
0x47: {  	s7 =	sadd.s32 $0x40, s7  }
0x48: {  	s8 =	sshll.u32 s7, $0x2  }
0x49: {  	s8 =	sadd.s32 s0, s8  }
0x4a: {  	[tilespmem:s24], [sflag:$0x3] =	stream.linear.gather [hbm4b:s8+s30], $0x800, $0x38;
	[tilespmem:$0x1A320] =	vst v63  }
0x4b: {  	_ =	swait.ge [sflag:s15], $0x800  }
0x4c: {  	[sflag:s15] =	ssyncset.done $0x0  }
0x4d: {  	s12 =	simm.s32 $0x9000;
	[sflag:s15] =	ssyncadd.s32 $0xFFFFF800  }
0x4e: {  	[tilespmem:s12], [sflag:$0x2] =	stream.indirect.gather [hbm4b:s5+s16], $0x10, s24, s16, $0xb8;
	[tilespmem:$0x1A320] =	vst v63  }
0x4f: {  	s13 =	simm.s32 $0x880;
	s11 =	simm.s32 $0x9800  }
0x50: {  	[tilespmem:s11], [sflag:$0x2] =	stream.indirect.gather [hbm4b:s5+s16], $0x10, s13, s16, $0xb8;
	[tilespmem:$0x1A320] =	vst v63  }
0x51: {  	s12 =	simm.s32 $0x900;
	s13 =	simm.s32 $0xA000  }
0x52: {  	[tilespmem:s13], [sflag:$0x2] =	stream.indirect.gather [hbm4b:s5+s16], $0x10, s12, s16, $0xb8;
	[tilespmem:$0x1A320] =	vst v63  }
0x53: {  	s12 =	simm.s32 $0x980;
	s13 =	simm.s32 $0xA800  }
0x54: {  	[tilespmem:s13], [sflag:$0x2] =	stream.indirect.gather [hbm4b:s5+s16], $0x10, s12, s16, $0xb8;
	[tilespmem:$0x1A320] =	vst v63  }
0x55: {  	s12 =	simm.s32 $0xA00;
	s13 =	simm.s32 $0xB000  }
0x56: {  	[tilespmem:s13], [sflag:$0x2] =	stream.indirect.gather [hbm4b:s5+s16], $0x10, s12, s16, $0xb8;
	[tilespmem:$0x1A320] =	vst v63  }
0x57: {  	s12 =	simm.s32 $0xA80;
	s13 =	simm.s32 $0xB800  }
0x58: {  	[tilespmem:s13], [sflag:$0x2] =	stream.indirect.gather [hbm4b:s5+s16], $0x10, s12, s16, $0xb8;
	[tilespmem:$0x1A320] =	vst v63  }
0x59: {  	s12 =	simm.s32 $0xB00;
	s13 =	simm.s32 $0xC000  }
0x5a: {  	[tilespmem:s13], [sflag:$0x2] =	stream.indirect.gather [hbm4b:s5+s16], $0x10, s12, s16, $0xb8;
	[tilespmem:$0x1A320] =	vst v63  }
0x5b: {  	s12 =	simm.s32 $0xB80;
	s13 =	simm.s32 $0xC800  }
0x5c: {  	[tilespmem:s13], [sflag:$0x2] =	stream.indirect.gather [hbm4b:s5+s16], $0x10, s12, s16, $0xb8;
	[tilespmem:$0x1A320] =	vst v63  }
0x5d: {  	s12 =	simm.s32 $0xC00;
	s13 =	simm.s32 $0xD000  }
0x5e: {  	[tilespmem:s13], [sflag:$0x2] =	stream.indirect.gather [hbm4b:s5+s16], $0x10, s12, s16, $0xb8;
	[tilespmem:$0x1A320] =	vst v63  }
0x5f: {  	s12 =	simm.s32 $0xC80;
	s13 =	simm.s32 $0xD800  }
0x60: {  	[tilespmem:s13], [sflag:$0x2] =	stream.indirect.gather [hbm4b:s5+s16], $0x10, s12, s16, $0xb8;
	[tilespmem:$0x1A320] =	vst v63  }
0x61: {  	s12 =	simm.s32 $0xD00;
	s13 =	simm.s32 $0xE000  }
0x62: {  	[tilespmem:s13], [sflag:$0x2] =	stream.indirect.gather [hbm4b:s5+s16], $0x10, s12, s16, $0xb8;
	[tilespmem:$0x1A320] =	vst v63  }
0x63: {  	s12 =	simm.s32 $0xD80;
	s13 =	simm.s32 $0xE800  }
0x64: {  	[tilespmem:s13], [sflag:$0x2] =	stream.indirect.gather [hbm4b:s5+s16], $0x10, s12, s16, $0xb8;
	[tilespmem:$0x1A320] =	vst v63  }
0x65: {  	s12 =	simm.s32 $0xE00;
	s13 =	simm.s32 $0xF000  }
0x66: {  	[tilespmem:s13], [sflag:$0x2] =	stream.indirect.gather [hbm4b:s5+s16], $0x10, s12, s16, $0xb8;
	[tilespmem:$0x1A320] =	vst v63  }
0x67: {  	s12 =	simm.s32 $0xE80;
	s13 =	simm.s32 $0xF800  }
0x68: {  	[tilespmem:s13], [sflag:$0x2] =	stream.indirect.gather [hbm4b:s5+s16], $0x10, s12, s16, $0xb8;
	[tilespmem:$0x1A320] =	vst v63  }
0x69: {  	s12 =	simm.s32 $0xF00;
	s13 =	simm.s32 $0x10000  }
0x6a: {  	[tilespmem:s13], [sflag:$0x2] =	stream.indirect.gather [hbm4b:s5+s16], $0x10, s12, s16, $0xb8;
	[tilespmem:$0x1A320] =	vst v63  }
0x6b: {  	s7 =	smul.u32 $0xC, s7;
	s12 =	simm.s32 $0xF80;
	s13 =	simm.s32 $0x10800  }
0x6c: {  	[tilespmem:s13], [sflag:$0x2] =	stream.indirect.gather [hbm4b:s5+s16], $0x10, s12, s16, $0xb8;
	[tilespmem:$0x1A320] =	vst v63  }
0x6d: {  	s7 =	sadd.s32 s3, s7;
	s12 =	simm.s32 $0x12810  }
0x6e: {  	[tilespmem:s12], [sflag:$0x2] =	stream.linear.gather [hbm4b:s7+s30], $0x1800, $0x38;
	[tilespmem:$0x1A320] =	vst v63  }
0x6f: {  	_ =	swait.ge [sflag:s26], $0x8000  }
0x70: {  	[sflag:s26] =	ssyncset.done $0x0  }
0x71: {  	[sflag:s26] =	ssyncadd.s32 $0xFFFF8000  }
0x72: {  	_ =	swait.ge [sflag:s26], $0x1800  }
0x73: {  	[sflag:s26] =	ssyncset.done $0x0  }
0x74: {  	s13 =	simm.s32 $0x0;
	[sflag:s26] =	ssyncadd.s32 $0xFFFFE800  }
0x75: {  	v16 =	vld [tilespmem:s13+$0x11000]  }
0x76: {  	v17 =	vld [tilespmem:s13+$0x11010];
	_ =	sdelay $0x2  }
0x77: {  	s7 =	simm.s32 $0x14060  }
0x78: {  	[tilespmem:s7+$0xFFFFFFC0] =	vst v16  }
0x79: {  	[tilespmem:s7+$0xFFFFFFD0] =	vst v17  }
0x7a: {  	v16 =	vld.idx.msk [tilespmem:v2+s13+$0x11000], $0xffff  }
0x7b: {  	v17 =	vld.idx.msk [tilespmem:v0+s13+$0x11000], $0xffff  }
0x7c: {  	v18 =	vld.idx.msk [tilespmem:v1+s13+$0x11000], $0xffff;
	_ =	sdelay $0x2  }
0x7d: {  	[tilespmem:s7+$0x10] =	vst v16  }
0x7e: {  	[tilespmem:s7+$0xFFFFFFF0] =	vst v17  }
0x7f: {  	[tilespmem:s7+$0x0] =	vst v18  }
0x80: {  	v16 =	vld.idx.msk [tilespmem:v3+s13+$0x11000], $0xffff  }
0x81: {  	v17 =	vld.idx.msk [tilespmem:v6+s13+$0x11000], $0xffff  }
0x82: {  	s8 =	simm.s32 $0x14060;
	s11 =	simm.s32 $0x180;
	v18 =	vld.idx.msk [tilespmem:v4+s13+$0x11000], $0xffff  }
.LBB2_5:
0x83: {  	p0 =	sne.s32 s11, $0x5E80  }
0x84: {  	s7 =	sadd.s32 $0xB8, s7;
	s12 =	smov.u32 s11;
	s11 =	sadd.s32 $0x180, s11  }
0x85: {  	_ =	sdelay $0x1  }
0x86: {  	[tilespmem:s8+$0x20] =	vst v16  }
0x87: {  	[tilespmem:s8+$0x40] =	vst v17  }
0x88: {  	s12 =	sshra.s32 s12, $0x2;
	[tilespmem:s8+$0x30] =	vst v18;
	s8 =	smov.u32 s7  }
0x89: {  	v16 =	vld [tilespmem:s12+$0x11000]  }
0x8a: {  	v17 =	vld [tilespmem:s12+$0x11010];
	_ =	sdelay $0x3  }
0x8b: {  	[tilespmem:s7+$0xFFFFFFC0] =	vst v16  }
0x8c: {  	[tilespmem:s7+$0xFFFFFFD0] =	vst v17  }
0x8d: {  	v16 =	vld.idx.msk [tilespmem:v2+s12+$0x11000], $0xffff  }
0x8e: {  	v17 =	vld.idx.msk [tilespmem:v0+s12+$0x11000], $0xffff  }
0x8f: {  	v18 =	vld.idx.msk [tilespmem:v1+s12+$0x11000], $0xffff;
	_ =	sdelay $0x3  }
0x90: {  	[tilespmem:s7+$0x10] =	vst v16  }
.Ltmp1:
0x91: {  	[tilespmem:s7+$0xFFFFFFF0] =	vst v17;
	(pc) =	sbr.rel @p0 .LBB2_5-.Ltmp1, $4  }
0x92: {  	[tilespmem:s7+$0x0] =	vst v18  }
0x93: {  	v16 =	vld.idx.msk [tilespmem:v3+s12+$0x11000], $0xffff  }
0x94: {  	v17 =	vld.idx.msk [tilespmem:v6+s12+$0x11000], $0xffff  }
0x95: {  	v18 =	vld.idx.msk [tilespmem:v4+s12+$0x11000], $0xffff  }
0x96: {  	_ =	sdelay $0x1  }
0x97: {  	[tilespmem:s8+$0x20] =	vst v16  }
0x98: {  	[tilespmem:s8+$0x40] =	vst v17  }
0x99: {  	s13 =	simm.s32 $0x0;
	[tilespmem:s8+$0x30] =	vst v18  }
0x9a: {  	s7 =	simm.s32 $0x1100;
	v16 =	vld.idx.msk [tilespmem:v11+s13+$0x14038], $0xffff  }
0x9b: {  	v17 =	vld [tilespmem:s7+$0xC0]  }
0x9c: {  	v18 =	vld.idx.msk [tilespmem:v12+s13+$0x14038], $0xffff  }
0x9d: {  	v19 =	vld [tilespmem:s7+$0xD0]  }
0x9e: {  	v20 =	vld.idx.msk [tilespmem:v13+s13+$0x14038], $0xffff  }
0x9f: {  	v21 =	vld [tilespmem:s7+$0xE0]  }
0xa0: {  	v22 =	vld.idx.msk [tilespmem:v7+s13+$0x14038], $0xffff  }
0xa1: {  	v23 =	vld [tilespmem:s7+$0x80]  }
0xa2: {  	v24 =	vld.idx.msk [tilespmem:v8+s13+$0x14038], $0xffff  }
0xa3: {  	v25 =	vld [tilespmem:s7+$0x90]  }
0xa4: {  	v26 =	vld.idx.msk [tilespmem:v9+s13+$0x14038], $0xffff  }
0xa5: {  	v27 =	vld [tilespmem:s7+$0xA0]  }
0xa6: {  	v28 =	vld.idx.msk [tilespmem:v11+s13+$0x14030], $0xffff  }
0xa7: {  	v29 =	vld [tilespmem:s7+$0x40]  }
0xa8: {  	v30 =	vld.idx.msk [tilespmem:v12+s13+$0x14030], $0xffff  }
0xa9: {  	v31 =	vld [tilespmem:s7+$0x50]  }
0xaa: {  	v32 =	vld.idx.msk [tilespmem:v13+s13+$0x14030], $0xffff  }
0xab: {  	v33 =	vld [tilespmem:s7+$0x60]  }
0xac: {  	v34 =	vld.idx.msk [tilespmem:v7+s13+$0x14030], $0xffff  }
0xad: {  	v35 =	vld [tilespmem:s7+$0x0]  }
0xae: {  	v36 =	vld.idx.msk [tilespmem:v8+s13+$0x14030], $0xffff  }
0xaf: {  	v37 =	vld [tilespmem:s7+$0x10]  }
0xb0: {  	v38 =	vld.idx.msk [tilespmem:v9+s13+$0x14030], $0xffff  }
0xb1: {  	v39 =	vld [tilespmem:s7+$0x20]  }
0xb2: {  	v40 =	vld.idx.msk [tilespmem:v11+s13+$0x14028], $0xffff  }
0xb3: {  	v41 =	vld [tilespmem:s7+$0xFFFFFFC0]  }
0xb4: {  	v42 =	vld.idx.msk [tilespmem:v12+s13+$0x14028], $0xffff  }
0xb5: {  	v43 =	vld [tilespmem:s7+$0xFFFFFFD0]  }
0xb6: {  	v44 =	vld.idx.msk [tilespmem:v13+s13+$0x14028], $0xffff  }
0xb7: {  	v45 =	vld [tilespmem:s7+$0xFFFFFFE0]  }
0xb8: {  	v46 =	vld.idx.msk [tilespmem:v7+s13+$0x14028], $0xffff  }
0xb9: {  	v47 =	vld [tilespmem:s7+$0xFFFFFF80]  }
0xba: {  	v48 =	vld.idx.msk [tilespmem:v8+s13+$0x14028], $0xffff  }
0xbb: {  	v49 =	vld [tilespmem:s7+$0xFFFFFF90]  }
0xbc: {  	v50 =	vld.idx.msk [tilespmem:v9+s13+$0x14028], $0xffff  }
0xbd: {  	v51 =	vld [tilespmem:s7+$0xFFFFFFA0]  }
0xbe: {  	v52 =	vld.idx.msk [tilespmem:v11+s13+$0x14020], $0xffff  }
0xbf: {  	v53 =	vld [tilespmem:s7+$0xFFFFFF40]  }
0xc0: {  	v54 =	vld.idx.msk [tilespmem:v12+s13+$0x14020], $0xffff  }
0xc1: {  	v55 =	vld [tilespmem:s7+$0xFFFFFF50]  }
0xc2: {  	v56 =	vld.idx.msk [tilespmem:v13+s13+$0x14020], $0xffff  }
0xc3: {  	v57 =	vld [tilespmem:s7+$0xFFFFFF60]  }
0xc4: {  	v58 =	vld [tilespmem:s7+$0xFFFFFF00]  }
0xc5: {  	v59 =	vld.idx.msk [tilespmem:v7+s13+$0x14020], $0xffff  }
0xc6: {  	v60 =	vld.idx.msk [tilespmem:v8+s13+$0x14020], $0xffff  }
0xc7: {  	v61 =	vld [tilespmem:s7+$0xFFFFFF10]  }
0xc8: {  	v62 =	vld.idx.msk [tilespmem:v9+s13+$0x14020], $0xffff;
	v16 =	vmul.f32 v17, v16;
	v17 =	vmul.f32 v19, v18  }
0xc9: {  	v18 =	vld [tilespmem:s7+$0xFFFFFF20];
	v19 =	vmul.f32 v23, v22;
	v22 =	vmul.f32 v25, v24  }
0xca: {  	v23 =	vld.idx.msk [tilespmem:v10+s13+$0x14020], $0xffff;
	v24 =	vmul.f32 v29, v28;
	v25 =	vmul.f32 v31, v30  }
0xcb: {  	v28 =	vld [tilespmem:s7+$0xFFFFFF30];
	v29 =	vmul.f32 v35, v34;
	v30 =	vmul.f32 v37, v36  }
0xcc: {  	v31 =	vld.idx.msk [tilespmem:v14+s13+$0x14020], $0xffff;
	v34 =	vmul.f32 v41, v40;
	v35 =	vmul.f32 v43, v42  }
0xcd: {  	v36 =	vld [tilespmem:s7+$0xFFFFFF70];
	v37 =	vmul.f32 v47, v46;
	v40 =	vmul.f32 v49, v48  }
0xce: {  	v41 =	vmul.f32 v53, v52;
	v42 =	vmul.f32 v55, v54;
	v43 =	vld.idx.msk [tilespmem:v10+s13+$0x14028], $0xffff  }
0xcf: {  	v59 =	vmul.f32 v58, v59;
	v60 =	vmul.f32 v61, v60;
	v61 =	vld [tilespmem:s7+$0xFFFFFFB0]  }
0xd0: {  	v63 =	vld [tilespmem:s7+$0xFFFFFFF0];
	v18 =	vmul.f32 v18, v62;
	v23 =	vmul.f32 v28, v23  }
0xd1: {  	v46 =	vadd.f32 $0.0e+00, v59;
	v47 =	vadd.f32 $0.0e+00, v60;
	v28 =	vld.idx.msk [tilespmem:v14+s13+$0x14028], $0xffff;
	v62 =	vmul.f32 v57, v56  }
0xd2: {  	v54 =	vld.idx.msk [tilespmem:v10+s13+$0x14030], $0xffff;
	v31 =	vmul.f32 v36, v31;
	v18 =	vadd.f32 $0.0e+00, v18;
	v23 =	vadd.f32 $0.0e+00, v23  }
0xd3: {  	v55 =	vmul.f32 v51, v50;
	v41 =	vadd.f32 v41, v46;
	v42 =	vadd.f32 v42, v47;
	v56 =	vld [tilespmem:s7+$0x30]  }
0xd4: {  	v59 =	vld [tilespmem:s7+$0x70];
	v18 =	vadd.f32 v62, v18;
	v23 =	vadd.f32 v31, v23;
	v31 =	vmul.f32 v61, v43  }
0xd5: {  	v58 =	vmul.f32 v45, v44;
	v57 =	vld.idx.msk [tilespmem:v14+s13+$0x14030], $0xffff;
	v37 =	vadd.f32 v37, v41;
	v40 =	vadd.f32 v40, v42  }
0xd6: {  	v61 =	vld [tilespmem:s7+$0xB0];
	v28 =	vmul.f32 v63, v28;
	v18 =	vadd.f32 v55, v18;
	v23 =	vadd.f32 v31, v23  }
0xd7: {  	v60 =	vmul.f32 v39, v38;
	v34 =	vadd.f32 v34, v37;
	v35 =	vadd.f32 v35, v40;
	v31 =	vld.idx.msk [tilespmem:v10+s13+$0x14038], $0xffff  }
0xd8: {  	v62 =	vld.idx.msk [tilespmem:v14+s13+$0x14038], $0xffff;
	v18 =	vadd.f32 v58, v18;
	v23 =	vadd.f32 v28, v23;
	v28 =	vmul.f32 v56, v54  }
0xd9: {  	v32 =	vmul.f32 v33, v32;
	v29 =	vadd.f32 v29, v34;
	v30 =	vadd.f32 v30, v35;
	v63 =	vld [tilespmem:s7+$0xF0]  }
0xda: {  	v18 =	vadd.f32 v60, v18;
	v23 =	vadd.f32 v28, v23;
	v28 =	vmul.f32 v59, v57  }
0xdb: {  	v26 =	vmul.f32 v27, v26;
	v24 =	vadd.f32 v24, v29;
	v25 =	vadd.f32 v25, v30  }
0xdc: {  	v27 =	vmul.f32 v61, v31;
	v18 =	vadd.f32 v32, v18;
	v23 =	vadd.f32 v28, v23  }
0xdd: {  	v20 =	vmul.f32 v21, v20;
	v19 =	vadd.f32 v19, v24;
	v22 =	vadd.f32 v22, v25  }
0xde: {  	v18 =	vadd.f32 v26, v18;
	v21 =	vadd.f32 v27, v23;
	v23 =	vmul.f32 v63, v62  }
0xdf: {  	v16 =	vadd.f32 v16, v19;
	v17 =	vadd.f32 v17, v22  }
0xe0: {  	v18 =	vadd.f32 v20, v18;
	v19 =	vadd.f32 v23, v21;
	_ =	sdelay $0x1  }
0xe1: {  	v16 =	vadd.f32 v17, v16;
	v17 =	vadd.f32 v19, v18;
	_ =	sdelay $0x1  }
0xe2: {  	v16 =	vadd.f32 v17, v16  }
0xe3: {  	s7 =	simm.s32 $0x16E20  }
0xe4: {  	s12 =	simm.s32 $0xB8;
	[tilespmem:s7+$0x0] =	vst v16  }
0xe5: {  	s8 =	simm.s32 $0x1300;
	v24 =	vld.idx.msk [tilespmem:v11+s12+$0x14038], $0xffff  }
0xe6: {  	v25 =	vld [tilespmem:s8+$0xC0]  }
0xe7: {  	v27 =	vld.idx.msk [tilespmem:v12+s12+$0x14038], $0xffff  }
0xe8: {  	v28 =	vld [tilespmem:s8+$0xD0]  }
0xe9: {  	v16 =	vld.idx.msk [tilespmem:v13+s12+$0x14038], $0xffff  }
0xea: {  	v17 =	vld [tilespmem:s8+$0xE0]  }
0xeb: {  	v60 =	vld.idx.msk [tilespmem:v7+s12+$0x14038], $0xffff  }
0xec: {  	v61 =	vld [tilespmem:s8+$0x80]  }
0xed: {  	v62 =	vld.idx.msk [tilespmem:v8+s12+$0x14038], $0xffff  }
0xee: {  	v63 =	vld [tilespmem:s8+$0x90]  }
0xef: {  	v18 =	vld.idx.msk [tilespmem:v9+s12+$0x14038], $0xffff  }
0xf0: {  	v19 =	vld [tilespmem:s8+$0xA0]  }
0xf1: {  	v31 =	vld.idx.msk [tilespmem:v11+s12+$0x14030], $0xffff  }
0xf2: {  	v33 =	vld [tilespmem:s8+$0x40]  }
0xf3: {  	v34 =	vld.idx.msk [tilespmem:v12+s12+$0x14030], $0xffff  }
0xf4: {  	v35 =	vld [tilespmem:s8+$0x50]  }
0xf5: {  	v20 =	vld.idx.msk [tilespmem:v13+s12+$0x14030], $0xffff  }
0xf6: {  	v21 =	vld [tilespmem:s8+$0x60]  }
0xf7: {  	v36 =	vld.idx.msk [tilespmem:v7+s12+$0x14030], $0xffff  }
0xf8: {  	v37 =	vld [tilespmem:s8+$0x0]  }
0xf9: {  	v38 =	vld.idx.msk [tilespmem:v8+s12+$0x14030], $0xffff  }
0xfa: {  	v39 =	vld [tilespmem:s8+$0x10]  }
0xfb: {  	v22 =	vld.idx.msk [tilespmem:v9+s12+$0x14030], $0xffff  }
0xfc: {  	v23 =	vld [tilespmem:s8+$0x20]  }
0xfd: {  	v40 =	vld.idx.msk [tilespmem:v11+s12+$0x14028], $0xffff  }
0xfe: {  	v41 =	vld [tilespmem:s8+$0xFFFFFFC0]  }
0xff: {  	v42 =	vld.idx.msk [tilespmem:v12+s12+$0x14028], $0xffff  }
0x100: {  	v43 =	vld [tilespmem:s8+$0xFFFFFFD0]  }
0x101: {  	v26 =	vld.idx.msk [tilespmem:v13+s12+$0x14028], $0xffff  }
0x102: {  	v29 =	vld [tilespmem:s8+$0xFFFFFFE0]  }
0x103: {  	v44 =	vld.idx.msk [tilespmem:v7+s12+$0x14028], $0xffff  }
0x104: {  	v46 =	vld [tilespmem:s8+$0xFFFFFF80]  }
0x105: {  	v48 =	vld.idx.msk [tilespmem:v8+s12+$0x14028], $0xffff  }
0x106: {  	v49 =	vld [tilespmem:s8+$0xFFFFFF90]  }
0x107: {  	v30 =	vld.idx.msk [tilespmem:v9+s12+$0x14028], $0xffff  }
0x108: {  	v32 =	vld [tilespmem:s8+$0xFFFFFFA0]  }
0x109: {  	v50 =	vld.idx.msk [tilespmem:v11+s12+$0x14020], $0xffff  }
0x10a: {  	v51 =	vld [tilespmem:s8+$0xFFFFFF40]  }
0x10b: {  	v52 =	vld.idx.msk [tilespmem:v12+s12+$0x14020], $0xffff  }
0x10c: {  	v53 =	vld [tilespmem:s8+$0xFFFFFF50]  }
0x10d: {  	v45 =	vld.idx.msk [tilespmem:v13+s12+$0x14020], $0xffff  }
0x10e: {  	v47 =	vld [tilespmem:s8+$0xFFFFFF60]  }
0x10f: {  	v54 =	vld [tilespmem:s8+$0xFFFFFF00]  }
0x110: {  	v55 =	vld.idx.msk [tilespmem:v7+s12+$0x14020], $0xffff  }
0x111: {  	v56 =	vld.idx.msk [tilespmem:v8+s12+$0x14020], $0xffff  }
0x112: {  	v58 =	vld [tilespmem:s8+$0xFFFFFF10]  }
0x113: {  	v57 =	vld.idx.msk [tilespmem:v9+s12+$0x14020], $0xffff;
	v24 =	vmul.f32 v25, v24;
	v25 =	vmul.f32 v28, v27  }
0x114: {  	s11 =	simm.s32 $0x0;
	s13 =	simm.s32 $0x5C0;
	v59 =	vld [tilespmem:s8+$0xFFFFFF20];
	v27 =	vmul.f32 v61, v60;
	v28 =	vmul.f32 v63, v62  }
.LBB2_7:
0x115: {  	p0 =	sne.s32 s13, $0xB520;
	v60 =	vld.idx.msk [tilespmem:v10+s12+$0x14020], $0xffff;
	v31 =	vmul.f32 v33, v31;
	v33 =	vmul.f32 v35, v34  }
0x116: {  	v35 =	vmul.f32 v37, v36;
	v36 =	vmul.f32 v39, v38;
	v34 =	vld [tilespmem:s8+$0xFFFFFF30]  }
0x117: {  	v38 =	vmul.f32 v41, v40;
	v39 =	vmul.f32 v43, v42;
	v37 =	vld.idx.msk [tilespmem:v14+s12+$0x14020], $0xffff  }
0x118: {  	v41 =	vmul.f32 v46, v44;
	v42 =	vmul.f32 v49, v48;
	v40 =	vld [tilespmem:s8+$0xFFFFFF70]  }
0x119: {  	v43 =	vmul.f32 v51, v50;
	v44 =	vmul.f32 v53, v52;
	v46 =	vld.idx.msk [tilespmem:v10+s12+$0x14028], $0xffff  }
0x11a: {  	v48 =	vmul.f32 v54, v55;
	v49 =	vmul.f32 v58, v56;
	v50 =	vld [tilespmem:s8+$0xFFFFFFB0]  }
0x11b: {  	v51 =	vmul.f32 v59, v57;
	v34 =	vmul.f32 v34, v60;
	v52 =	vld.idx.msk [tilespmem:v14+s12+$0x14028], $0xffff  }
0x11c: {  	v45 =	vmul.f32 v47, v45;
	v48 =	vadd.f32 $0.0e+00, v48;
	v49 =	vadd.f32 $0.0e+00, v49;
	v47 =	vld [tilespmem:s8+$0xFFFFFFF0]  }
0x11d: {  	v51 =	vadd.f32 $0.0e+00, v51;
	v34 =	vadd.f32 $0.0e+00, v34;
	v37 =	vmul.f32 v40, v37;
	v40 =	vld.idx.msk [tilespmem:v10+s12+$0x14030], $0xffff  }
0x11e: {  	v30 =	vmul.f32 v32, v30;
	v43 =	vadd.f32 v43, v48;
	v44 =	vadd.f32 v44, v49;
	v32 =	vld [tilespmem:s8+$0x30]  }
0x11f: {  	v45 =	vadd.f32 v45, v51;
	v34 =	vadd.f32 v37, v34;
	v37 =	vmul.f32 v50, v46;
	v46 =	vld.idx.msk [tilespmem:v14+s12+$0x14030], $0xffff  }
0x120: {  	v26 =	vmul.f32 v29, v26;
	v41 =	vadd.f32 v41, v43;
	v42 =	vadd.f32 v42, v44;
	v29 =	vld [tilespmem:s8+$0x70]  }
0x121: {  	v30 =	vadd.f32 v30, v45;
	v34 =	vadd.f32 v37, v34;
	v37 =	vmul.f32 v47, v52;
	v43 =	vld.idx.msk [tilespmem:v10+s12+$0x14038], $0xffff  }
0x122: {  	v22 =	vmul.f32 v23, v22;
	v38 =	vadd.f32 v38, v41;
	v39 =	vadd.f32 v39, v42;
	v23 =	vld [tilespmem:s8+$0xB0]  }
0x123: {  	v26 =	vadd.f32 v26, v30;
	v30 =	vadd.f32 v37, v34;
	v32 =	vmul.f32 v32, v40;
	v34 =	vld.idx.msk [tilespmem:v14+s12+$0x14038], $0xffff  }
0x124: {  	v20 =	vmul.f32 v21, v20;
	v35 =	vadd.f32 v35, v38;
	v36 =	vadd.f32 v36, v39;
	v21 =	vld [tilespmem:s8+$0xF0]  }
0x125: {  	v22 =	vadd.f32 v22, v26;
	v26 =	vadd.f32 v32, v30;
	v29 =	vmul.f32 v29, v46  }
0x126: {  	v18 =	vmul.f32 v19, v18;
	v30 =	vadd.f32 v31, v35;
	v31 =	vadd.f32 v33, v36  }
0x127: {  	v19 =	vadd.f32 v20, v22;
	v20 =	vadd.f32 v29, v26;
	v22 =	vmul.f32 v23, v43  }
0x128: {  	v16 =	vmul.f32 v17, v16;
	v23 =	vadd.f32 v27, v30;
	v26 =	vadd.f32 v28, v31  }
0x129: {  	v17 =	vadd.f32 v18, v19;
	v18 =	vadd.f32 v22, v20;
	v19 =	vmul.f32 v21, v34  }
0x12a: {  	v20 =	vadd.f32 v24, v23;
	v21 =	vadd.f32 v25, v26  }
0x12b: {  	v16 =	vadd.f32 v16, v17;
	v17 =	vadd.f32 v19, v18;
	_ =	sdelay $0x1  }
0x12c: {  	v18 =	vadd.f32 v21, v20;
	v16 =	vadd.f32 v17, v16;
	_ =	sdelay $0x1  }
0x12d: {  	v16 =	vadd.f32 v16, v18  }
0x12e: {  	s7 =	sadd.s32 $0x10, s7  }
0x12f: {  	s12 =	sshra.s32 s13, $0x2;
	[tilespmem:s7+$0x0] =	vst v16  }
0x130: {  	s8 =	sadd.s32 $0x200, s8;
	v24 =	vld.idx.msk [tilespmem:v11+s12+$0x14038], $0xffff  }
0x131: {  	v25 =	vld [tilespmem:s8+$0xC0]  }
0x132: {  	v27 =	vld.idx.msk [tilespmem:v12+s12+$0x14038], $0xffff  }
0x133: {  	v28 =	vld [tilespmem:s8+$0xD0]  }
0x134: {  	v16 =	vld.idx.msk [tilespmem:v13+s12+$0x14038], $0xffff  }
0x135: {  	v17 =	vld [tilespmem:s8+$0xE0]  }
0x136: {  	v60 =	vld.idx.msk [tilespmem:v7+s12+$0x14038], $0xffff  }
0x137: {  	v61 =	vld [tilespmem:s8+$0x80]  }
0x138: {  	v62 =	vld.idx.msk [tilespmem:v8+s12+$0x14038], $0xffff  }
0x139: {  	v63 =	vld [tilespmem:s8+$0x90]  }
0x13a: {  	v18 =	vld.idx.msk [tilespmem:v9+s12+$0x14038], $0xffff  }
0x13b: {  	v19 =	vld [tilespmem:s8+$0xA0]  }
0x13c: {  	v31 =	vld.idx.msk [tilespmem:v11+s12+$0x14030], $0xffff  }
0x13d: {  	v33 =	vld [tilespmem:s8+$0x40]  }
0x13e: {  	v34 =	vld.idx.msk [tilespmem:v12+s12+$0x14030], $0xffff  }
0x13f: {  	v35 =	vld [tilespmem:s8+$0x50]  }
0x140: {  	v20 =	vld.idx.msk [tilespmem:v13+s12+$0x14030], $0xffff  }
0x141: {  	v21 =	vld [tilespmem:s8+$0x60]  }
0x142: {  	v36 =	vld.idx.msk [tilespmem:v7+s12+$0x14030], $0xffff  }
0x143: {  	v37 =	vld [tilespmem:s8+$0x0]  }
0x144: {  	v38 =	vld.idx.msk [tilespmem:v8+s12+$0x14030], $0xffff  }
0x145: {  	v39 =	vld [tilespmem:s8+$0x10]  }
0x146: {  	v22 =	vld.idx.msk [tilespmem:v9+s12+$0x14030], $0xffff  }
0x147: {  	v23 =	vld [tilespmem:s8+$0x20]  }
0x148: {  	v40 =	vld.idx.msk [tilespmem:v11+s12+$0x14028], $0xffff  }
0x149: {  	v41 =	vld [tilespmem:s8+$0xFFFFFFC0]  }
0x14a: {  	v42 =	vld.idx.msk [tilespmem:v12+s12+$0x14028], $0xffff  }
0x14b: {  	v43 =	vld [tilespmem:s8+$0xFFFFFFD0]  }
0x14c: {  	v26 =	vld.idx.msk [tilespmem:v13+s12+$0x14028], $0xffff  }
0x14d: {  	v29 =	vld [tilespmem:s8+$0xFFFFFFE0]  }
0x14e: {  	v44 =	vld.idx.msk [tilespmem:v7+s12+$0x14028], $0xffff  }
0x14f: {  	v46 =	vld [tilespmem:s8+$0xFFFFFF80]  }
0x150: {  	v48 =	vld.idx.msk [tilespmem:v8+s12+$0x14028], $0xffff  }
0x151: {  	v49 =	vld [tilespmem:s8+$0xFFFFFF90]  }
0x152: {  	v30 =	vld.idx.msk [tilespmem:v9+s12+$0x14028], $0xffff  }
0x153: {  	v32 =	vld [tilespmem:s8+$0xFFFFFFA0]  }
0x154: {  	v50 =	vld.idx.msk [tilespmem:v11+s12+$0x14020], $0xffff  }
0x155: {  	v51 =	vld [tilespmem:s8+$0xFFFFFF40]  }
0x156: {  	v52 =	vld.idx.msk [tilespmem:v12+s12+$0x14020], $0xffff  }
0x157: {  	v53 =	vld [tilespmem:s8+$0xFFFFFF50]  }
0x158: {  	v45 =	vld.idx.msk [tilespmem:v13+s12+$0x14020], $0xffff  }
0x159: {  	v47 =	vld [tilespmem:s8+$0xFFFFFF60]  }
0x15a: {  	v54 =	vld [tilespmem:s8+$0xFFFFFF00]  }
.Ltmp2:
0x15b: {  	v55 =	vld.idx.msk [tilespmem:v7+s12+$0x14020], $0xffff;
	(pc) =	sbr.rel @p0 .LBB2_7-.Ltmp2, $4  }
0x15c: {  	v56 =	vld.idx.msk [tilespmem:v8+s12+$0x14020], $0xffff  }
0x15d: {  	v58 =	vld [tilespmem:s8+$0xFFFFFF10]  }
0x15e: {  	v24 =	vmul.f32 v25, v24;
	v25 =	vmul.f32 v28, v27;
	v57 =	vld.idx.msk [tilespmem:v9+s12+$0x14020], $0xffff  }
0x15f: {  	s13 =	sadd.s32 $0x2E0, s13;
	v27 =	vmul.f32 v61, v60;
	v28 =	vmul.f32 v63, v62;
	v59 =	vld [tilespmem:s8+$0xFFFFFF20]  }
0x160: {  	_ =	sdelay $0x3  }
0x161: {  	v60 =	vld.idx.msk [tilespmem:v10+s12+$0x14020], $0xffff;
	v31 =	vmul.f32 v33, v31;
	v33 =	vmul.f32 v35, v34  }
0x162: {  	v34 =	vld [tilespmem:s8+$0xFFFFFF30];
	v35 =	vmul.f32 v37, v36;
	v36 =	vmul.f32 v39, v38  }
0x163: {  	v37 =	vld.idx.msk [tilespmem:v14+s12+$0x14020], $0xffff;
	v38 =	vmul.f32 v41, v40;
	v39 =	vmul.f32 v43, v42  }
0x164: {  	v40 =	vld [tilespmem:s8+$0xFFFFFF70];
	v41 =	vmul.f32 v46, v44;
	v42 =	vmul.f32 v49, v48  }
0x165: {  	v43 =	vmul.f32 v51, v50;
	v61 =	vmul.f32 v53, v52;
	v46 =	vld.idx.msk [tilespmem:v10+s12+$0x14028], $0xffff  }
0x166: {  	v62 =	vmul.f32 v54, v55;
	v63 =	vmul.f32 v58, v56;
	v56 =	vld [tilespmem:s8+$0xFFFFFFB0]  }
0x167: {  	v58 =	vld.idx.msk [tilespmem:v14+s12+$0x14028], $0xffff;
	v57 =	vmul.f32 v59, v57;
	v34 =	vmul.f32 v34, v60  }
0x168: {  	v45 =	vmul.f32 v47, v45;
	v48 =	vadd.f32 $0.0e+00, v62;
	v49 =	vadd.f32 $0.0e+00, v63;
	v59 =	vld [tilespmem:s8+$0xFFFFFFF0]  }
0x169: {  	v37 =	vmul.f32 v40, v37;
	v60 =	vld.idx.msk [tilespmem:v10+s12+$0x14030], $0xffff;
	v51 =	vadd.f32 $0.0e+00, v57;
	v34 =	vadd.f32 $0.0e+00, v34  }
0x16a: {  	v30 =	vmul.f32 v32, v30;
	v43 =	vadd.f32 v43, v48;
	v44 =	vadd.f32 v61, v49;
	v61 =	vld [tilespmem:s8+$0x30]  }
0x16b: {  	v63 =	vld.idx.msk [tilespmem:v14+s12+$0x14030], $0xffff;
	v62 =	vmul.f32 v56, v46;
	v45 =	vadd.f32 v45, v51;
	v34 =	vadd.f32 v37, v34  }
0x16c: {  	v26 =	vmul.f32 v29, v26;
	v48 =	vld [tilespmem:s8+$0x70];
	v41 =	vadd.f32 v41, v43;
	v42 =	vadd.f32 v42, v44  }
0x16d: {  	v50 =	vld.idx.msk [tilespmem:v10+s12+$0x14038], $0xffff;
	v49 =	vmul.f32 v59, v58;
	v30 =	vadd.f32 v30, v45;
	v34 =	vadd.f32 v62, v34  }
0x16e: {  	v22 =	vmul.f32 v23, v22;
	v38 =	vadd.f32 v38, v41;
	v51 =	vld [tilespmem:s8+$0xB0];
	v39 =	vadd.f32 v39, v42  }
0x16f: {  	v53 =	vld.idx.msk [tilespmem:v14+s12+$0x14038], $0xffff;
	v32 =	vmul.f32 v61, v60;
	v26 =	vadd.f32 v26, v30;
	v52 =	vadd.f32 v49, v34  }
0x170: {  	v20 =	vmul.f32 v21, v20;
	v54 =	vld [tilespmem:s8+$0xF0];
	v35 =	vadd.f32 v35, v38;
	v36 =	vadd.f32 v36, v39  }
0x171: {  	v29 =	vmul.f32 v48, v63;
	v22 =	vadd.f32 v22, v26;
	v55 =	vadd.f32 v32, v52  }
0x172: {  	v18 =	vmul.f32 v19, v18;
	v56 =	vadd.f32 v31, v35;
	v57 =	vadd.f32 v33, v36  }
0x173: {  	v58 =	vmul.f32 v51, v50;
	v19 =	vadd.f32 v20, v22;
	v20 =	vadd.f32 v29, v55  }
0x174: {  	v16 =	vmul.f32 v17, v16;
	v59 =	vadd.f32 v27, v56;
	v60 =	vadd.f32 v28, v57  }
0x175: {  	v17 =	vadd.f32 v18, v19;
	v19 =	vmul.f32 v54, v53;
	v18 =	vadd.f32 v58, v20  }
0x176: {  	v61 =	vadd.f32 v25, v60;
	v20 =	vadd.f32 v24, v59  }
0x177: {  	v16 =	vadd.f32 v16, v17;
	v17 =	vadd.f32 v19, v18;
	v18 =	vmov s11  }
0x178: {  	v18 =	vshll.u32 v18, $0x4  }
0x179: {  	v19 =	vadd.f32 v61, v20;
	v16 =	vadd.f32 v17, v16;
	v17 =	vor.u32 v15, v18  }
0x17a: {  	v18 =	vor.u32 $0x3, v17  }
0x17b: {  	v20 =	vor.u32 $0x2, v17;
	v16 =	vadd.f32 v16, v19  }
0x17c: {  	s7 =	sadd.s32 $0x10, s7;
	v19 =	vor.u32 $0x1, v17  }
0x17d: {  	[tilespmem:s7+$0x0] =	vst v16  }
0x17e: {  	v16 =	vld.idx.msk [tilespmem:v17+s29+$0x0], $0xffff  }
0x17f: {  	v18 =	vld.idx.msk [tilespmem:v18+s29+$0x0], $0xffff  }
0x180: {  	v20 =	vld.idx.msk [tilespmem:v20+s29+$0x0], $0xffff  }
0x181: {  	v19 =	vld.idx.msk [tilespmem:v19+s29+$0x0], $0xffff;
	_ =	sdelay $0x4  }
0x182: {  	v18 =	vadd.f32 v18, v20;
	v16 =	vadd.f32 v19, v16;
	v19 =	vor.u32 $0x4, v17  }
0x183: {  	v20 =	vor.u32 $0x6, v17  }
0x184: {  	v62 =	vor.u32 $0x7, v17;
	v16 =	vadd.f32 v18, v16  }
0x185: {  	v18 =	vor.u32 $0x5, v17  }
0x186: {  	[tilespmem:s31+$0xFFFFE780] =	vst v16  }
0x187: {  	v16 =	vld.idx.msk [tilespmem:v19+s29+$0x0], $0xffff  }
0x188: {  	v19 =	vld.idx.msk [tilespmem:v20+s29+$0x0], $0xffff  }
0x189: {  	v20 =	vld.idx.msk [tilespmem:v62+s29+$0x0], $0xffff  }
0x18a: {  	v18 =	vld.idx.msk [tilespmem:v18+s29+$0x0], $0xffff;
	_ =	sdelay $0x4  }
0x18b: {  	v16 =	vadd.f32 v18, v16;
	v18 =	vadd.f32 v20, v19;
	v19 =	vor.u32 $0xB, v17  }
0x18c: {  	v20 =	vor.u32 $0x8, v17  }
0x18d: {  	v63 =	vor.u32 $0x9, v17;
	v16 =	vadd.f32 v18, v16  }
0x18e: {  	v18 =	vor.u32 $0xA, v17  }
0x18f: {  	[tilespmem:s31+$0xFFFFF3C0] =	vst v16  }
0x190: {  	v16 =	vld.idx.msk [tilespmem:v19+s29+$0x0], $0xffff  }
0x191: {  	v19 =	vld.idx.msk [tilespmem:v20+s29+$0x0], $0xffff  }
0x192: {  	v20 =	vld.idx.msk [tilespmem:v63+s29+$0x0], $0xffff  }
0x193: {  	v18 =	vld.idx.msk [tilespmem:v18+s29+$0x0], $0xffff;
	_ =	sdelay $0x4  }
0x194: {  	v16 =	vadd.f32 v16, v18;
	v18 =	vadd.f32 v20, v19;
	v19 =	vor.u32 $0xC, v17;
	_ =	sdelay $0x1  }
0x195: {  	v16 =	vadd.f32 v16, v18  }
0x196: {  	v20 =	vor.u32 $0xD, v17  }
0x197: {  	[tilespmem:s31+$0x0] =	vst v16  }
0x198: {  	v16 =	vld.idx.msk [tilespmem:v19+s29+$0x0], $0xffff;
	v19 =	vor.u32 $0xF, v17  }
0x199: {  	v17 =	vor.u32 $0xE, v17;
	_ =	sdelay $0x1  }
0x19a: {  	s8 =	simm.s32 $0x10;
	s11 =	smov.u32 s31;
	s7 =	smov.u32 s31;
	v18 =	vld.idx.msk [tilespmem:v20+s29+$0x0], $0xffff  }
.LBB2_9:
0x19b: {  	p0 =	sne.s32 s8, $0x30  }
0x19c: {  	v19 =	vld.idx.msk [tilespmem:v19+s29+$0x0], $0xffff;
	s11 =	sadd.s32 $0x10, s11;
	s12 =	smov.u32 s8;
	s8 =	sadd.s32 $0x10, s8  }
0x19d: {  	v17 =	vld.idx.msk [tilespmem:v17+s29+$0x0], $0xffff;
	_ =	sdelay $0x3  }
0x19e: {  	v20 =	vmov s12;
	v16 =	vadd.f32 v18, v16  }
0x19f: {  	v18 =	vshll.u32 v20, $0x4  }
0x1a0: {  	v18 =	vor.u32 v15, v18;
	v17 =	vadd.f32 v19, v17  }
0x1a1: {  	v19 =	vor.u32 $0x1, v18;
	v20 =	vor.u32 $0x2, v18;
	v21 =	vor.u32 $0x3, v18  }
0x1a2: {  	v16 =	vadd.f32 v17, v16;
	_ =	sdelay $0x1  }
0x1a3: {  	[tilespmem:s7+$0xC40] =	vst v16;
	s7 =	smov.u32 s11  }
0x1a4: {  	v16 =	vld.idx.msk [tilespmem:v18+s29+$0x0], $0xffff  }
0x1a5: {  	v17 =	vld.idx.msk [tilespmem:v21+s29+$0x0], $0xffff  }
0x1a6: {  	v19 =	vld.idx.msk [tilespmem:v19+s29+$0x0], $0xffff  }
0x1a7: {  	v20 =	vld.idx.msk [tilespmem:v20+s29+$0x0], $0xffff;
	_ =	sdelay $0x4  }
0x1a8: {  	v16 =	vadd.f32 v19, v16  }
0x1a9: {  	v19 =	vor.u32 $0x4, v18;
	v17 =	vadd.f32 v17, v20  }
0x1aa: {  	v20 =	vor.u32 $0x6, v18  }
0x1ab: {  	v16 =	vadd.f32 v17, v16;
	v17 =	vor.u32 $0x5, v18  }
0x1ac: {  	v21 =	vor.u32 $0x7, v18  }
0x1ad: {  	[tilespmem:s11+$0xFFFFE780] =	vst v16  }
0x1ae: {  	v16 =	vld.idx.msk [tilespmem:v19+s29+$0x0], $0xffff  }
0x1af: {  	v19 =	vld.idx.msk [tilespmem:v20+s29+$0x0], $0xffff  }
0x1b0: {  	v17 =	vld.idx.msk [tilespmem:v17+s29+$0x0], $0xffff  }
0x1b1: {  	v20 =	vld.idx.msk [tilespmem:v21+s29+$0x0], $0xffff;
	_ =	sdelay $0x4  }
0x1b2: {  	v16 =	vadd.f32 v17, v16  }
0x1b3: {  	v17 =	vadd.f32 v20, v19;
	v19 =	vor.u32 $0xB, v18  }
0x1b4: {  	v20 =	vor.u32 $0x8, v18  }
0x1b5: {  	v16 =	vadd.f32 v17, v16;
	v17 =	vor.u32 $0xA, v18  }
0x1b6: {  	v21 =	vor.u32 $0x9, v18  }
0x1b7: {  	[tilespmem:s11+$0xFFFFF3C0] =	vst v16  }
0x1b8: {  	v16 =	vld.idx.msk [tilespmem:v19+s29+$0x0], $0xffff  }
0x1b9: {  	v19 =	vld.idx.msk [tilespmem:v20+s29+$0x0], $0xffff  }
0x1ba: {  	v17 =	vld.idx.msk [tilespmem:v17+s29+$0x0], $0xffff  }
0x1bb: {  	v20 =	vld.idx.msk [tilespmem:v21+s29+$0x0], $0xffff;
	_ =	sdelay $0x4  }
0x1bc: {  	v16 =	vadd.f32 v16, v17  }
0x1bd: {  	v17 =	vadd.f32 v20, v19;
	v20 =	vor.u32 $0xC, v18  }
0x1be: {  	v21 =	vor.u32 $0xD, v18  }
.Ltmp3:
0x1bf: {  	v19 =	vor.u32 $0xF, v18;
	v16 =	vadd.f32 v16, v17;
	(pc) =	sbr.rel @p0 .LBB2_9-.Ltmp3, $4  }
0x1c0: {  	v17 =	vor.u32 $0xE, v18  }
0x1c1: {  	[tilespmem:s11+$0x0] =	vst v16  }
0x1c2: {  	v16 =	vld.idx.msk [tilespmem:v20+s29+$0x0], $0xffff  }
0x1c3: {  	v18 =	vld.idx.msk [tilespmem:v21+s29+$0x0], $0xffff  }
0x1c4: {  	_ =	sdelay $0x3  }
0x1c5: {  	v19 =	vld.idx.msk [tilespmem:v19+s29+$0x0], $0xffff  }
0x1c6: {  	v17 =	vld.idx.msk [tilespmem:v17+s29+$0x0], $0xffff;
	_ =	sdelay $0x4  }
0x1c7: {  	v16 =	vadd.f32 v18, v16;
	v17 =	vadd.f32 v19, v17;
	_ =	sdelay $0x1  }
0x1c8: {  	s8 =	sadd.s32 s28, s9;
	v16 =	vadd.f32 v17, v16  }
0x1c9: {  	s11 =	sshll.u32 s8, $0x2  }
0x1ca: {  	s28 =	sadd.s32 s0, s11;
	s11 =	simm.s32 $0x0;
	[tilespmem:s7+$0xC40] =	vst v16  }
0x1cb: {  	[tilespmem:s11], [sflag:$0x3] =	stream.linear.gather [hbm4b:s28+s11], $0x800, $0x38;
	[tilespmem:$0x1A320] =	vst v63  }
0x1cc: {  	_ =	swait.ge [sflag:s15], $0x800  }
0x1cd: {  	[sflag:s15] =	ssyncset.done $0x0  }
0x1ce: {  	s12 =	simm.s32 $0x1000;
	[sflag:s15] =	ssyncadd.s32 $0xFFFFF800  }
0x1cf: {  	[tilespmem:s12], [sflag:$0x1] =	stream.indirect.gather [hbm4b:s5+s16], $0x10, s11, s16, $0xb8;
	[tilespmem:$0x1A320] =	vst v63  }
0x1d0: {  	s13 =	simm.s32 $0x1800  }
0x1d1: {  	[tilespmem:s13], [sflag:$0x1] =	stream.indirect.gather [hbm4b:s5+s16], $0x10, s16, s16, $0xb8;
	[tilespmem:$0x1A320] =	vst v63  }
0x1d2: {  	s28 =	simm.s32 $0x100;
	s12 =	simm.s32 $0x2000  }
0x1d3: {  	[tilespmem:s12], [sflag:$0x1] =	stream.indirect.gather [hbm4b:s5+s16], $0x10, s28, s16, $0xb8;
	[tilespmem:$0x1A320] =	vst v63  }
0x1d4: {  	s13 =	simm.s32 $0x180;
	s28 =	simm.s32 $0x2800  }
0x1d5: {  	[tilespmem:s28], [sflag:$0x1] =	stream.indirect.gather [hbm4b:s5+s16], $0x10, s13, s16, $0xb8;
	[tilespmem:$0x1A320] =	vst v63  }
0x1d6: {  	s13 =	simm.s32 $0x200;
	s28 =	simm.s32 $0x3000  }
0x1d7: {  	[tilespmem:s28], [sflag:$0x1] =	stream.indirect.gather [hbm4b:s5+s16], $0x10, s13, s16, $0xb8;
	[tilespmem:$0x1A320] =	vst v63  }
0x1d8: {  	s13 =	simm.s32 $0x280;
	s28 =	simm.s32 $0x3800  }
0x1d9: {  	[tilespmem:s28], [sflag:$0x1] =	stream.indirect.gather [hbm4b:s5+s16], $0x10, s13, s16, $0xb8;
	[tilespmem:$0x1A320] =	vst v63  }
0x1da: {  	s13 =	simm.s32 $0x300;
	s28 =	simm.s32 $0x4000  }
0x1db: {  	[tilespmem:s28], [sflag:$0x1] =	stream.indirect.gather [hbm4b:s5+s16], $0x10, s13, s16, $0xb8;
	[tilespmem:$0x1A320] =	vst v63  }
0x1dc: {  	s13 =	simm.s32 $0x380;
	s28 =	simm.s32 $0x4800  }
0x1dd: {  	[tilespmem:s28], [sflag:$0x1] =	stream.indirect.gather [hbm4b:s5+s16], $0x10, s13, s16, $0xb8;
	[tilespmem:$0x1A320] =	vst v63  }
0x1de: {  	s13 =	simm.s32 $0x400;
	s28 =	simm.s32 $0x5000  }
0x1df: {  	[tilespmem:s28], [sflag:$0x1] =	stream.indirect.gather [hbm4b:s5+s16], $0x10, s13, s16, $0xb8;
	[tilespmem:$0x1A320] =	vst v63  }
0x1e0: {  	s13 =	simm.s32 $0x480;
	s28 =	simm.s32 $0x5800  }
0x1e1: {  	[tilespmem:s28], [sflag:$0x1] =	stream.indirect.gather [hbm4b:s5+s16], $0x10, s13, s16, $0xb8;
	[tilespmem:$0x1A320] =	vst v63  }
0x1e2: {  	s13 =	simm.s32 $0x500;
	s28 =	simm.s32 $0x6000  }
0x1e3: {  	[tilespmem:s28], [sflag:$0x1] =	stream.indirect.gather [hbm4b:s5+s16], $0x10, s13, s16, $0xb8;
	[tilespmem:$0x1A320] =	vst v63  }
0x1e4: {  	s12 =	simm.s32 $0x580  }
0x1e5: {  	[tilespmem:s14], [sflag:$0x1] =	stream.indirect.gather [hbm4b:s5+s16], $0x10, s12, s16, $0xb8;
	[tilespmem:$0x1A320] =	vst v63  }
0x1e6: {  	_ = 	snop  }
0x1e7: {  	[tilespmem:s4], [sflag:$0x1] =	stream.indirect.gather [hbm4b:s5+s16], $0x10, s10, s16, $0xb8;
	[tilespmem:$0x1A320] =	vst v63  }
0x1e8: {  	_ = 	snop  }
0x1e9: {  	[tilespmem:s18], [sflag:$0x1] =	stream.indirect.gather [hbm4b:s5+s16], $0x10, s17, s16, $0xb8;
	[tilespmem:$0x1A320] =	vst v63  }
0x1ea: {  	_ = 	snop  }
0x1eb: {  	[tilespmem:s20], [sflag:$0x1] =	stream.indirect.gather [hbm4b:s5+s16], $0x10, s19, s16, $0xb8;
	[tilespmem:$0x1A320] =	vst v63  }
0x1ec: {  	s13 =	smul.u32 $0xC, s8  }
0x1ed: {  	[tilespmem:s22], [sflag:$0x1] =	stream.indirect.gather [hbm4b:s5+s16], $0x10, s21, s16, $0xb8;
	[tilespmem:$0x1A320] =	vst v63  }
0x1ee: {  	s7 =	sadd.s32 s3, s13  }
0x1ef: {  	[tilespmem:s23], [sflag:$0x1] =	stream.linear.gather [hbm4b:s7+s11], $0x1800, $0x38;
	[tilespmem:$0x1A320] =	vst v63  }
0x1f0: {  	_ =	swait.ge [sflag:s25], $0x8000  }
0x1f1: {  	[sflag:s25] =	ssyncset.done $0x0  }
0x1f2: {  	[sflag:s25] =	ssyncadd.s32 $0xFFFF8000  }
0x1f3: {  	_ =	swait.ge [sflag:s25], $0x1800  }
0x1f4: {  	[sflag:s25] =	ssyncset.done $0x0  }
0x1f5: {  	s28 =	simm.s32 $0x0;
	[sflag:s25] =	ssyncadd.s32 $0xFFFFE800  }
0x1f6: {  	v16 =	vld [tilespmem:s28+$0x12810]  }
0x1f7: {  	v17 =	vld [tilespmem:s28+$0x12820];
	_ =	sdelay $0x2  }
0x1f8: {  	s7 =	simm.s32 $0x14060  }
0x1f9: {  	[tilespmem:s7+$0xFFFFFFC0] =	vst v16  }
0x1fa: {  	[tilespmem:s7+$0xFFFFFFD0] =	vst v17  }
0x1fb: {  	v16 =	vld.idx.msk [tilespmem:v2+s28+$0x12810], $0xffff  }
0x1fc: {  	v17 =	vld.idx.msk [tilespmem:v0+s28+$0x12810], $0xffff  }
0x1fd: {  	v18 =	vld.idx.msk [tilespmem:v1+s28+$0x12810], $0xffff;
	_ =	sdelay $0x2  }
0x1fe: {  	[tilespmem:s7+$0x10] =	vst v16  }
0x1ff: {  	[tilespmem:s7+$0xFFFFFFF0] =	vst v17  }
0x200: {  	[tilespmem:s7+$0x0] =	vst v18  }
0x201: {  	v16 =	vld.idx.msk [tilespmem:v3+s28+$0x12810], $0xffff  }
0x202: {  	v17 =	vld.idx.msk [tilespmem:v6+s28+$0x12810], $0xffff  }
0x203: {  	s8 =	simm.s32 $0x14060;
	s11 =	simm.s32 $0x180;
	v18 =	vld.idx.msk [tilespmem:v4+s28+$0x12810], $0xffff  }
.LBB2_11:
0x204: {  	p0 =	sne.s32 s11, $0x5E80  }
0x205: {  	s7 =	sadd.s32 $0xB8, s7;
	s12 =	smov.u32 s11;
	s11 =	sadd.s32 $0x180, s11  }
0x206: {  	_ =	sdelay $0x1  }
0x207: {  	[tilespmem:s8+$0x20] =	vst v16  }
0x208: {  	[tilespmem:s8+$0x40] =	vst v17  }
0x209: {  	s12 =	sshra.s32 s12, $0x2;
	[tilespmem:s8+$0x30] =	vst v18;
	s8 =	smov.u32 s7  }
0x20a: {  	v16 =	vld [tilespmem:s12+$0x12810]  }
0x20b: {  	v17 =	vld [tilespmem:s12+$0x12820];
	_ =	sdelay $0x3  }
0x20c: {  	[tilespmem:s7+$0xFFFFFFC0] =	vst v16  }
0x20d: {  	[tilespmem:s7+$0xFFFFFFD0] =	vst v17  }
0x20e: {  	v16 =	vld.idx.msk [tilespmem:v2+s12+$0x12810], $0xffff  }
0x20f: {  	v17 =	vld.idx.msk [tilespmem:v0+s12+$0x12810], $0xffff  }
0x210: {  	v18 =	vld.idx.msk [tilespmem:v1+s12+$0x12810], $0xffff;
	_ =	sdelay $0x3  }
0x211: {  	[tilespmem:s7+$0x10] =	vst v16  }
.Ltmp4:
0x212: {  	[tilespmem:s7+$0xFFFFFFF0] =	vst v17;
	(pc) =	sbr.rel @p0 .LBB2_11-.Ltmp4, $4  }
0x213: {  	[tilespmem:s7+$0x0] =	vst v18  }
0x214: {  	v16 =	vld.idx.msk [tilespmem:v3+s12+$0x12810], $0xffff  }
0x215: {  	v17 =	vld.idx.msk [tilespmem:v6+s12+$0x12810], $0xffff  }
0x216: {  	v18 =	vld.idx.msk [tilespmem:v4+s12+$0x12810], $0xffff  }
0x217: {  	_ =	sdelay $0x1  }
0x218: {  	[tilespmem:s8+$0x20] =	vst v16  }
0x219: {  	[tilespmem:s8+$0x40] =	vst v17  }
0x21a: {  	s28 =	simm.s32 $0x0;
	[tilespmem:s8+$0x30] =	vst v18  }
0x21b: {  	s7 =	simm.s32 $0x9100;
	v16 =	vld.idx.msk [tilespmem:v11+s28+$0x14038], $0xffff  }
0x21c: {  	v17 =	vld [tilespmem:s7+$0xC0]  }
0x21d: {  	v18 =	vld.idx.msk [tilespmem:v12+s28+$0x14038], $0xffff  }
0x21e: {  	v19 =	vld [tilespmem:s7+$0xD0]  }
0x21f: {  	v20 =	vld.idx.msk [tilespmem:v13+s28+$0x14038], $0xffff  }
0x220: {  	v21 =	vld [tilespmem:s7+$0xE0]  }
0x221: {  	v22 =	vld.idx.msk [tilespmem:v7+s28+$0x14038], $0xffff  }
0x222: {  	v23 =	vld [tilespmem:s7+$0x80]  }
0x223: {  	v24 =	vld.idx.msk [tilespmem:v8+s28+$0x14038], $0xffff  }
0x224: {  	v25 =	vld [tilespmem:s7+$0x90]  }
0x225: {  	v26 =	vld.idx.msk [tilespmem:v9+s28+$0x14038], $0xffff  }
0x226: {  	v27 =	vld [tilespmem:s7+$0xA0]  }
0x227: {  	v28 =	vld.idx.msk [tilespmem:v11+s28+$0x14030], $0xffff  }
0x228: {  	v29 =	vld [tilespmem:s7+$0x40]  }
0x229: {  	v30 =	vld.idx.msk [tilespmem:v12+s28+$0x14030], $0xffff  }
0x22a: {  	v31 =	vld [tilespmem:s7+$0x50]  }
0x22b: {  	v32 =	vld.idx.msk [tilespmem:v13+s28+$0x14030], $0xffff  }
0x22c: {  	v33 =	vld [tilespmem:s7+$0x60]  }
0x22d: {  	v34 =	vld.idx.msk [tilespmem:v7+s28+$0x14030], $0xffff  }
0x22e: {  	v35 =	vld [tilespmem:s7+$0x0]  }
0x22f: {  	v36 =	vld.idx.msk [tilespmem:v8+s28+$0x14030], $0xffff  }
0x230: {  	v37 =	vld [tilespmem:s7+$0x10]  }
0x231: {  	v38 =	vld.idx.msk [tilespmem:v9+s28+$0x14030], $0xffff  }
0x232: {  	v39 =	vld [tilespmem:s7+$0x20]  }
0x233: {  	v40 =	vld.idx.msk [tilespmem:v11+s28+$0x14028], $0xffff  }
0x234: {  	v41 =	vld [tilespmem:s7+$0xFFFFFFC0]  }
0x235: {  	v42 =	vld.idx.msk [tilespmem:v12+s28+$0x14028], $0xffff  }
0x236: {  	v43 =	vld [tilespmem:s7+$0xFFFFFFD0]  }
0x237: {  	v44 =	vld.idx.msk [tilespmem:v13+s28+$0x14028], $0xffff  }
0x238: {  	v45 =	vld [tilespmem:s7+$0xFFFFFFE0]  }
0x239: {  	v46 =	vld.idx.msk [tilespmem:v7+s28+$0x14028], $0xffff  }
0x23a: {  	v47 =	vld [tilespmem:s7+$0xFFFFFF80]  }
0x23b: {  	v48 =	vld.idx.msk [tilespmem:v8+s28+$0x14028], $0xffff  }
0x23c: {  	v49 =	vld [tilespmem:s7+$0xFFFFFF90]  }
0x23d: {  	v50 =	vld.idx.msk [tilespmem:v9+s28+$0x14028], $0xffff  }
0x23e: {  	v51 =	vld [tilespmem:s7+$0xFFFFFFA0]  }
0x23f: {  	v52 =	vld.idx.msk [tilespmem:v11+s28+$0x14020], $0xffff  }
0x240: {  	v53 =	vld [tilespmem:s7+$0xFFFFFF40]  }
0x241: {  	v54 =	vld.idx.msk [tilespmem:v12+s28+$0x14020], $0xffff  }
0x242: {  	v55 =	vld [tilespmem:s7+$0xFFFFFF50]  }
0x243: {  	v56 =	vld.idx.msk [tilespmem:v13+s28+$0x14020], $0xffff  }
0x244: {  	v57 =	vld [tilespmem:s7+$0xFFFFFF60]  }
0x245: {  	v58 =	vld [tilespmem:s7+$0xFFFFFF00]  }
0x246: {  	v59 =	vld.idx.msk [tilespmem:v7+s28+$0x14020], $0xffff  }
0x247: {  	v60 =	vld.idx.msk [tilespmem:v8+s28+$0x14020], $0xffff  }
0x248: {  	v61 =	vld [tilespmem:s7+$0xFFFFFF10]  }
0x249: {  	v62 =	vld.idx.msk [tilespmem:v9+s28+$0x14020], $0xffff;
	v16 =	vmul.f32 v17, v16;
	v17 =	vmul.f32 v19, v18  }
0x24a: {  	v18 =	vld [tilespmem:s7+$0xFFFFFF20];
	v19 =	vmul.f32 v23, v22;
	v22 =	vmul.f32 v25, v24  }
0x24b: {  	v23 =	vld.idx.msk [tilespmem:v10+s28+$0x14020], $0xffff;
	v24 =	vmul.f32 v29, v28;
	v25 =	vmul.f32 v31, v30  }
0x24c: {  	v28 =	vld [tilespmem:s7+$0xFFFFFF30];
	v29 =	vmul.f32 v35, v34;
	v30 =	vmul.f32 v37, v36  }
0x24d: {  	v31 =	vld.idx.msk [tilespmem:v14+s28+$0x14020], $0xffff;
	v34 =	vmul.f32 v41, v40;
	v35 =	vmul.f32 v43, v42  }
0x24e: {  	v36 =	vld [tilespmem:s7+$0xFFFFFF70];
	v37 =	vmul.f32 v47, v46;
	v40 =	vmul.f32 v49, v48  }
0x24f: {  	v41 =	vmul.f32 v53, v52;
	v42 =	vmul.f32 v55, v54;
	v43 =	vld.idx.msk [tilespmem:v10+s28+$0x14028], $0xffff  }
0x250: {  	v59 =	vmul.f32 v58, v59;
	v60 =	vmul.f32 v61, v60;
	v61 =	vld [tilespmem:s7+$0xFFFFFFB0]  }
0x251: {  	v63 =	vld [tilespmem:s7+$0xFFFFFFF0];
	v18 =	vmul.f32 v18, v62;
	v23 =	vmul.f32 v28, v23  }
0x252: {  	v46 =	vadd.f32 $0.0e+00, v59;
	v47 =	vadd.f32 $0.0e+00, v60;
	v28 =	vld.idx.msk [tilespmem:v14+s28+$0x14028], $0xffff;
	v62 =	vmul.f32 v57, v56  }
0x253: {  	v54 =	vld.idx.msk [tilespmem:v10+s28+$0x14030], $0xffff;
	v31 =	vmul.f32 v36, v31;
	v18 =	vadd.f32 $0.0e+00, v18;
	v23 =	vadd.f32 $0.0e+00, v23  }
0x254: {  	v55 =	vmul.f32 v51, v50;
	v41 =	vadd.f32 v41, v46;
	v42 =	vadd.f32 v42, v47;
	v56 =	vld [tilespmem:s7+$0x30]  }
0x255: {  	v59 =	vld [tilespmem:s7+$0x70];
	v18 =	vadd.f32 v62, v18;
	v23 =	vadd.f32 v31, v23;
	v31 =	vmul.f32 v61, v43  }
0x256: {  	v58 =	vmul.f32 v45, v44;
	v57 =	vld.idx.msk [tilespmem:v14+s28+$0x14030], $0xffff;
	v37 =	vadd.f32 v37, v41;
	v40 =	vadd.f32 v40, v42  }
0x257: {  	v61 =	vld [tilespmem:s7+$0xB0];
	v28 =	vmul.f32 v63, v28;
	v18 =	vadd.f32 v55, v18;
	v23 =	vadd.f32 v31, v23  }
0x258: {  	v60 =	vmul.f32 v39, v38;
	v34 =	vadd.f32 v34, v37;
	v35 =	vadd.f32 v35, v40;
	v31 =	vld.idx.msk [tilespmem:v10+s28+$0x14038], $0xffff  }
0x259: {  	v62 =	vld.idx.msk [tilespmem:v14+s28+$0x14038], $0xffff;
	v18 =	vadd.f32 v58, v18;
	v23 =	vadd.f32 v28, v23;
	v28 =	vmul.f32 v56, v54  }
0x25a: {  	v32 =	vmul.f32 v33, v32;
	v29 =	vadd.f32 v29, v34;
	v30 =	vadd.f32 v30, v35;
	v63 =	vld [tilespmem:s7+$0xF0]  }
0x25b: {  	v18 =	vadd.f32 v60, v18;
	v23 =	vadd.f32 v28, v23;
	v28 =	vmul.f32 v59, v57  }
0x25c: {  	v26 =	vmul.f32 v27, v26;
	v24 =	vadd.f32 v24, v29;
	v25 =	vadd.f32 v25, v30  }
0x25d: {  	v27 =	vmul.f32 v61, v31;
	v18 =	vadd.f32 v32, v18;
	v23 =	vadd.f32 v28, v23  }
0x25e: {  	v20 =	vmul.f32 v21, v20;
	v19 =	vadd.f32 v19, v24;
	v22 =	vadd.f32 v22, v25  }
0x25f: {  	v18 =	vadd.f32 v26, v18;
	v21 =	vadd.f32 v27, v23;
	v23 =	vmul.f32 v63, v62  }
0x260: {  	v16 =	vadd.f32 v16, v19;
	v17 =	vadd.f32 v17, v22  }
0x261: {  	v18 =	vadd.f32 v20, v18;
	v19 =	vadd.f32 v23, v21;
	_ =	sdelay $0x1  }
0x262: {  	v16 =	vadd.f32 v17, v16;
	v17 =	vadd.f32 v19, v18;
	_ =	sdelay $0x1  }
0x263: {  	v16 =	vadd.f32 v17, v16  }
0x264: {  	s7 =	simm.s32 $0x16E20  }
0x265: {  	s11 =	simm.s32 $0xB8;
	[tilespmem:s7+$0x0] =	vst v16  }
0x266: {  	s8 =	simm.s32 $0x9300;
	v24 =	vld.idx.msk [tilespmem:v11+s11+$0x14038], $0xffff  }
0x267: {  	v25 =	vld [tilespmem:s8+$0xC0]  }
0x268: {  	v27 =	vld.idx.msk [tilespmem:v12+s11+$0x14038], $0xffff  }
0x269: {  	v28 =	vld [tilespmem:s8+$0xD0]  }
0x26a: {  	v16 =	vld.idx.msk [tilespmem:v13+s11+$0x14038], $0xffff  }
0x26b: {  	v17 =	vld [tilespmem:s8+$0xE0]  }
0x26c: {  	v60 =	vld.idx.msk [tilespmem:v7+s11+$0x14038], $0xffff  }
0x26d: {  	v61 =	vld [tilespmem:s8+$0x80]  }
0x26e: {  	v62 =	vld.idx.msk [tilespmem:v8+s11+$0x14038], $0xffff  }
0x26f: {  	v63 =	vld [tilespmem:s8+$0x90]  }
0x270: {  	v18 =	vld.idx.msk [tilespmem:v9+s11+$0x14038], $0xffff  }
0x271: {  	v19 =	vld [tilespmem:s8+$0xA0]  }
0x272: {  	v31 =	vld.idx.msk [tilespmem:v11+s11+$0x14030], $0xffff  }
0x273: {  	v33 =	vld [tilespmem:s8+$0x40]  }
0x274: {  	v34 =	vld.idx.msk [tilespmem:v12+s11+$0x14030], $0xffff  }
0x275: {  	v35 =	vld [tilespmem:s8+$0x50]  }
0x276: {  	v20 =	vld.idx.msk [tilespmem:v13+s11+$0x14030], $0xffff  }
0x277: {  	v21 =	vld [tilespmem:s8+$0x60]  }
0x278: {  	v36 =	vld.idx.msk [tilespmem:v7+s11+$0x14030], $0xffff  }
0x279: {  	v37 =	vld [tilespmem:s8+$0x0]  }
0x27a: {  	v38 =	vld.idx.msk [tilespmem:v8+s11+$0x14030], $0xffff  }
0x27b: {  	v39 =	vld [tilespmem:s8+$0x10]  }
0x27c: {  	v22 =	vld.idx.msk [tilespmem:v9+s11+$0x14030], $0xffff  }
0x27d: {  	v23 =	vld [tilespmem:s8+$0x20]  }
0x27e: {  	v40 =	vld.idx.msk [tilespmem:v11+s11+$0x14028], $0xffff  }
0x27f: {  	v41 =	vld [tilespmem:s8+$0xFFFFFFC0]  }
0x280: {  	v42 =	vld.idx.msk [tilespmem:v12+s11+$0x14028], $0xffff  }
0x281: {  	v43 =	vld [tilespmem:s8+$0xFFFFFFD0]  }
0x282: {  	v26 =	vld.idx.msk [tilespmem:v13+s11+$0x14028], $0xffff  }
0x283: {  	v29 =	vld [tilespmem:s8+$0xFFFFFFE0]  }
0x284: {  	v44 =	vld.idx.msk [tilespmem:v7+s11+$0x14028], $0xffff  }
0x285: {  	v46 =	vld [tilespmem:s8+$0xFFFFFF80]  }
0x286: {  	v48 =	vld.idx.msk [tilespmem:v8+s11+$0x14028], $0xffff  }
0x287: {  	v49 =	vld [tilespmem:s8+$0xFFFFFF90]  }
0x288: {  	v30 =	vld.idx.msk [tilespmem:v9+s11+$0x14028], $0xffff  }
0x289: {  	v32 =	vld [tilespmem:s8+$0xFFFFFFA0]  }
0x28a: {  	v50 =	vld.idx.msk [tilespmem:v11+s11+$0x14020], $0xffff  }
0x28b: {  	v51 =	vld [tilespmem:s8+$0xFFFFFF40]  }
0x28c: {  	v52 =	vld.idx.msk [tilespmem:v12+s11+$0x14020], $0xffff  }
0x28d: {  	v53 =	vld [tilespmem:s8+$0xFFFFFF50]  }
0x28e: {  	v45 =	vld.idx.msk [tilespmem:v13+s11+$0x14020], $0xffff  }
0x28f: {  	v47 =	vld [tilespmem:s8+$0xFFFFFF60]  }
0x290: {  	v54 =	vld [tilespmem:s8+$0xFFFFFF00]  }
0x291: {  	v55 =	vld.idx.msk [tilespmem:v7+s11+$0x14020], $0xffff  }
0x292: {  	v56 =	vld.idx.msk [tilespmem:v8+s11+$0x14020], $0xffff  }
0x293: {  	v58 =	vld [tilespmem:s8+$0xFFFFFF10]  }
0x294: {  	v57 =	vld.idx.msk [tilespmem:v9+s11+$0x14020], $0xffff;
	v24 =	vmul.f32 v25, v24;
	v25 =	vmul.f32 v28, v27  }
0x295: {  	s12 =	simm.s32 $0x5C0;
	v59 =	vld [tilespmem:s8+$0xFFFFFF20];
	v27 =	vmul.f32 v61, v60;
	v28 =	vmul.f32 v63, v62  }
.LBB2_13:
0x296: {  	p0 =	sne.s32 s12, $0xB520;
	v60 =	vld.idx.msk [tilespmem:v10+s11+$0x14020], $0xffff;
	v31 =	vmul.f32 v33, v31;
	v33 =	vmul.f32 v35, v34  }
0x297: {  	v35 =	vmul.f32 v37, v36;
	v36 =	vmul.f32 v39, v38;
	v34 =	vld [tilespmem:s8+$0xFFFFFF30]  }
0x298: {  	v38 =	vmul.f32 v41, v40;
	v39 =	vmul.f32 v43, v42;
	v37 =	vld.idx.msk [tilespmem:v14+s11+$0x14020], $0xffff  }
0x299: {  	v41 =	vmul.f32 v46, v44;
	v42 =	vmul.f32 v49, v48;
	v40 =	vld [tilespmem:s8+$0xFFFFFF70]  }
0x29a: {  	v43 =	vmul.f32 v51, v50;
	v44 =	vmul.f32 v53, v52;
	v46 =	vld.idx.msk [tilespmem:v10+s11+$0x14028], $0xffff  }
0x29b: {  	v48 =	vmul.f32 v54, v55;
	v49 =	vmul.f32 v58, v56;
	v50 =	vld [tilespmem:s8+$0xFFFFFFB0]  }
0x29c: {  	v51 =	vmul.f32 v59, v57;
	v34 =	vmul.f32 v34, v60;
	v52 =	vld.idx.msk [tilespmem:v14+s11+$0x14028], $0xffff  }
0x29d: {  	v45 =	vmul.f32 v47, v45;
	v48 =	vadd.f32 $0.0e+00, v48;
	v49 =	vadd.f32 $0.0e+00, v49;
	v47 =	vld [tilespmem:s8+$0xFFFFFFF0]  }
0x29e: {  	v51 =	vadd.f32 $0.0e+00, v51;
	v34 =	vadd.f32 $0.0e+00, v34;
	v37 =	vmul.f32 v40, v37;
	v40 =	vld.idx.msk [tilespmem:v10+s11+$0x14030], $0xffff  }
0x29f: {  	v30 =	vmul.f32 v32, v30;
	v43 =	vadd.f32 v43, v48;
	v44 =	vadd.f32 v44, v49;
	v32 =	vld [tilespmem:s8+$0x30]  }
0x2a0: {  	v45 =	vadd.f32 v45, v51;
	v34 =	vadd.f32 v37, v34;
	v37 =	vmul.f32 v50, v46;
	v46 =	vld.idx.msk [tilespmem:v14+s11+$0x14030], $0xffff  }
0x2a1: {  	v26 =	vmul.f32 v29, v26;
	v41 =	vadd.f32 v41, v43;
	v42 =	vadd.f32 v42, v44;
	v29 =	vld [tilespmem:s8+$0x70]  }
0x2a2: {  	v30 =	vadd.f32 v30, v45;
	v34 =	vadd.f32 v37, v34;
	v37 =	vmul.f32 v47, v52;
	v43 =	vld.idx.msk [tilespmem:v10+s11+$0x14038], $0xffff  }
0x2a3: {  	v22 =	vmul.f32 v23, v22;
	v38 =	vadd.f32 v38, v41;
	v39 =	vadd.f32 v39, v42;
	v23 =	vld [tilespmem:s8+$0xB0]  }
0x2a4: {  	v26 =	vadd.f32 v26, v30;
	v30 =	vadd.f32 v37, v34;
	v32 =	vmul.f32 v32, v40;
	v34 =	vld.idx.msk [tilespmem:v14+s11+$0x14038], $0xffff  }
0x2a5: {  	v20 =	vmul.f32 v21, v20;
	v35 =	vadd.f32 v35, v38;
	v36 =	vadd.f32 v36, v39;
	v21 =	vld [tilespmem:s8+$0xF0]  }
0x2a6: {  	v22 =	vadd.f32 v22, v26;
	v26 =	vadd.f32 v32, v30;
	v29 =	vmul.f32 v29, v46  }
0x2a7: {  	v18 =	vmul.f32 v19, v18;
	v30 =	vadd.f32 v31, v35;
	v31 =	vadd.f32 v33, v36  }
0x2a8: {  	v19 =	vadd.f32 v20, v22;
	v20 =	vadd.f32 v29, v26;
	v22 =	vmul.f32 v23, v43  }
0x2a9: {  	v16 =	vmul.f32 v17, v16;
	v23 =	vadd.f32 v27, v30;
	v26 =	vadd.f32 v28, v31  }
0x2aa: {  	v17 =	vadd.f32 v18, v19;
	v18 =	vadd.f32 v22, v20;
	v19 =	vmul.f32 v21, v34  }
0x2ab: {  	v20 =	vadd.f32 v24, v23;
	v21 =	vadd.f32 v25, v26  }
0x2ac: {  	v16 =	vadd.f32 v16, v17;
	v17 =	vadd.f32 v19, v18;
	_ =	sdelay $0x1  }
0x2ad: {  	v18 =	vadd.f32 v21, v20;
	v16 =	vadd.f32 v17, v16;
	_ =	sdelay $0x1  }
0x2ae: {  	v16 =	vadd.f32 v16, v18  }
0x2af: {  	s7 =	sadd.s32 $0x10, s7  }
0x2b0: {  	s11 =	sshra.s32 s12, $0x2;
	[tilespmem:s7+$0x0] =	vst v16  }
0x2b1: {  	s8 =	sadd.s32 $0x200, s8;
	v24 =	vld.idx.msk [tilespmem:v11+s11+$0x14038], $0xffff  }
0x2b2: {  	v25 =	vld [tilespmem:s8+$0xC0]  }
0x2b3: {  	v27 =	vld.idx.msk [tilespmem:v12+s11+$0x14038], $0xffff  }
0x2b4: {  	v28 =	vld [tilespmem:s8+$0xD0]  }
0x2b5: {  	v16 =	vld.idx.msk [tilespmem:v13+s11+$0x14038], $0xffff  }
0x2b6: {  	v17 =	vld [tilespmem:s8+$0xE0]  }
0x2b7: {  	v60 =	vld.idx.msk [tilespmem:v7+s11+$0x14038], $0xffff  }
0x2b8: {  	v61 =	vld [tilespmem:s8+$0x80]  }
0x2b9: {  	v62 =	vld.idx.msk [tilespmem:v8+s11+$0x14038], $0xffff  }
0x2ba: {  	v63 =	vld [tilespmem:s8+$0x90]  }
0x2bb: {  	v18 =	vld.idx.msk [tilespmem:v9+s11+$0x14038], $0xffff  }
0x2bc: {  	v19 =	vld [tilespmem:s8+$0xA0]  }
0x2bd: {  	v31 =	vld.idx.msk [tilespmem:v11+s11+$0x14030], $0xffff  }
0x2be: {  	v33 =	vld [tilespmem:s8+$0x40]  }
0x2bf: {  	v34 =	vld.idx.msk [tilespmem:v12+s11+$0x14030], $0xffff  }
0x2c0: {  	v35 =	vld [tilespmem:s8+$0x50]  }
0x2c1: {  	v20 =	vld.idx.msk [tilespmem:v13+s11+$0x14030], $0xffff  }
0x2c2: {  	v21 =	vld [tilespmem:s8+$0x60]  }
0x2c3: {  	v36 =	vld.idx.msk [tilespmem:v7+s11+$0x14030], $0xffff  }
0x2c4: {  	v37 =	vld [tilespmem:s8+$0x0]  }
0x2c5: {  	v38 =	vld.idx.msk [tilespmem:v8+s11+$0x14030], $0xffff  }
0x2c6: {  	v39 =	vld [tilespmem:s8+$0x10]  }
0x2c7: {  	v22 =	vld.idx.msk [tilespmem:v9+s11+$0x14030], $0xffff  }
0x2c8: {  	v23 =	vld [tilespmem:s8+$0x20]  }
0x2c9: {  	v40 =	vld.idx.msk [tilespmem:v11+s11+$0x14028], $0xffff  }
0x2ca: {  	v41 =	vld [tilespmem:s8+$0xFFFFFFC0]  }
0x2cb: {  	v42 =	vld.idx.msk [tilespmem:v12+s11+$0x14028], $0xffff  }
0x2cc: {  	v43 =	vld [tilespmem:s8+$0xFFFFFFD0]  }
0x2cd: {  	v26 =	vld.idx.msk [tilespmem:v13+s11+$0x14028], $0xffff  }
0x2ce: {  	v29 =	vld [tilespmem:s8+$0xFFFFFFE0]  }
0x2cf: {  	v44 =	vld.idx.msk [tilespmem:v7+s11+$0x14028], $0xffff  }
0x2d0: {  	v46 =	vld [tilespmem:s8+$0xFFFFFF80]  }
0x2d1: {  	v48 =	vld.idx.msk [tilespmem:v8+s11+$0x14028], $0xffff  }
0x2d2: {  	v49 =	vld [tilespmem:s8+$0xFFFFFF90]  }
0x2d3: {  	v30 =	vld.idx.msk [tilespmem:v9+s11+$0x14028], $0xffff  }
0x2d4: {  	v32 =	vld [tilespmem:s8+$0xFFFFFFA0]  }
0x2d5: {  	v50 =	vld.idx.msk [tilespmem:v11+s11+$0x14020], $0xffff  }
0x2d6: {  	v51 =	vld [tilespmem:s8+$0xFFFFFF40]  }
0x2d7: {  	v52 =	vld.idx.msk [tilespmem:v12+s11+$0x14020], $0xffff  }
0x2d8: {  	v53 =	vld [tilespmem:s8+$0xFFFFFF50]  }
0x2d9: {  	v45 =	vld.idx.msk [tilespmem:v13+s11+$0x14020], $0xffff  }
0x2da: {  	v47 =	vld [tilespmem:s8+$0xFFFFFF60]  }
0x2db: {  	v54 =	vld [tilespmem:s8+$0xFFFFFF00]  }
.Ltmp5:
0x2dc: {  	v55 =	vld.idx.msk [tilespmem:v7+s11+$0x14020], $0xffff;
	(pc) =	sbr.rel @p0 .LBB2_13-.Ltmp5, $4  }
0x2dd: {  	v56 =	vld.idx.msk [tilespmem:v8+s11+$0x14020], $0xffff  }
0x2de: {  	v58 =	vld [tilespmem:s8+$0xFFFFFF10]  }
0x2df: {  	v24 =	vmul.f32 v25, v24;
	v25 =	vmul.f32 v28, v27;
	v57 =	vld.idx.msk [tilespmem:v9+s11+$0x14020], $0xffff  }
0x2e0: {  	s12 =	sadd.s32 $0x2E0, s12;
	v27 =	vmul.f32 v61, v60;
	v28 =	vmul.f32 v63, v62;
	v59 =	vld [tilespmem:s8+$0xFFFFFF20]  }
0x2e1: {  	_ =	sdelay $0x3  }
0x2e2: {  	v60 =	vld.idx.msk [tilespmem:v10+s11+$0x14020], $0xffff;
	v31 =	vmul.f32 v33, v31;
	v33 =	vmul.f32 v35, v34  }
0x2e3: {  	v34 =	vld [tilespmem:s8+$0xFFFFFF30];
	v35 =	vmul.f32 v37, v36;
	v36 =	vmul.f32 v39, v38  }
0x2e4: {  	v37 =	vld.idx.msk [tilespmem:v14+s11+$0x14020], $0xffff;
	v38 =	vmul.f32 v41, v40;
	v39 =	vmul.f32 v43, v42  }
0x2e5: {  	v40 =	vld [tilespmem:s8+$0xFFFFFF70];
	v41 =	vmul.f32 v46, v44;
	v42 =	vmul.f32 v49, v48  }
0x2e6: {  	v43 =	vmul.f32 v51, v50;
	v61 =	vmul.f32 v53, v52;
	v46 =	vld.idx.msk [tilespmem:v10+s11+$0x14028], $0xffff  }
0x2e7: {  	v62 =	vmul.f32 v54, v55;
	v63 =	vmul.f32 v58, v56;
	v56 =	vld [tilespmem:s8+$0xFFFFFFB0]  }
0x2e8: {  	v58 =	vld.idx.msk [tilespmem:v14+s11+$0x14028], $0xffff;
	v57 =	vmul.f32 v59, v57;
	v34 =	vmul.f32 v34, v60  }
0x2e9: {  	v45 =	vmul.f32 v47, v45;
	v48 =	vadd.f32 $0.0e+00, v62;
	v49 =	vadd.f32 $0.0e+00, v63;
	v59 =	vld [tilespmem:s8+$0xFFFFFFF0]  }
0x2ea: {  	v37 =	vmul.f32 v40, v37;
	v60 =	vld.idx.msk [tilespmem:v10+s11+$0x14030], $0xffff;
	v51 =	vadd.f32 $0.0e+00, v57;
	v34 =	vadd.f32 $0.0e+00, v34  }
0x2eb: {  	v30 =	vmul.f32 v32, v30;
	v43 =	vadd.f32 v43, v48;
	v44 =	vadd.f32 v61, v49;
	v61 =	vld [tilespmem:s8+$0x30]  }
0x2ec: {  	v63 =	vld.idx.msk [tilespmem:v14+s11+$0x14030], $0xffff;
	v62 =	vmul.f32 v56, v46;
	v45 =	vadd.f32 v45, v51;
	v34 =	vadd.f32 v37, v34  }
0x2ed: {  	v26 =	vmul.f32 v29, v26;
	v48 =	vld [tilespmem:s8+$0x70];
	v41 =	vadd.f32 v41, v43;
	v42 =	vadd.f32 v42, v44  }
0x2ee: {  	v50 =	vld.idx.msk [tilespmem:v10+s11+$0x14038], $0xffff;
	v49 =	vmul.f32 v59, v58;
	v30 =	vadd.f32 v30, v45;
	v34 =	vadd.f32 v62, v34  }
0x2ef: {  	v22 =	vmul.f32 v23, v22;
	v38 =	vadd.f32 v38, v41;
	v51 =	vld [tilespmem:s8+$0xB0];
	v39 =	vadd.f32 v39, v42  }
0x2f0: {  	v53 =	vld.idx.msk [tilespmem:v14+s11+$0x14038], $0xffff;
	v32 =	vmul.f32 v61, v60;
	v26 =	vadd.f32 v26, v30;
	v52 =	vadd.f32 v49, v34  }
0x2f1: {  	v20 =	vmul.f32 v21, v20;
	v54 =	vld [tilespmem:s8+$0xF0];
	v35 =	vadd.f32 v35, v38;
	v36 =	vadd.f32 v36, v39  }
0x2f2: {  	v29 =	vmul.f32 v48, v63;
	v22 =	vadd.f32 v22, v26;
	v55 =	vadd.f32 v32, v52  }
0x2f3: {  	v18 =	vmul.f32 v19, v18;
	v56 =	vadd.f32 v31, v35;
	v57 =	vadd.f32 v33, v36  }
0x2f4: {  	v58 =	vmul.f32 v51, v50;
	v19 =	vadd.f32 v20, v22;
	v20 =	vadd.f32 v29, v55  }
0x2f5: {  	v16 =	vmul.f32 v17, v16;
	v59 =	vadd.f32 v27, v56;
	v60 =	vadd.f32 v28, v57  }
0x2f6: {  	v17 =	vadd.f32 v18, v19;
	v19 =	vmul.f32 v54, v53;
	v18 =	vadd.f32 v58, v20  }
0x2f7: {  	s28 =	simm.s32 $0x0;
	v61 =	vadd.f32 v25, v60;
	v20 =	vadd.f32 v24, v59  }
0x2f8: {  	v16 =	vadd.f32 v16, v17;
	v17 =	vadd.f32 v19, v18;
	v18 =	vmov s28  }
0x2f9: {  	v18 =	vshll.u32 v18, $0x4  }
0x2fa: {  	v19 =	vadd.f32 v61, v20;
	v16 =	vadd.f32 v17, v16;
	v17 =	vor.u32 v15, v18  }
0x2fb: {  	v18 =	vor.u32 $0x3, v17  }
0x2fc: {  	v20 =	vor.u32 $0x2, v17;
	v16 =	vadd.f32 v16, v19  }
0x2fd: {  	s7 =	sadd.s32 $0x10, s7;
	v19 =	vor.u32 $0x1, v17  }
0x2fe: {  	[tilespmem:s7+$0x0] =	vst v16  }
0x2ff: {  	v16 =	vld.idx.msk [tilespmem:v17+s29+$0x0], $0xffff  }
0x300: {  	v18 =	vld.idx.msk [tilespmem:v18+s29+$0x0], $0xffff  }
0x301: {  	v20 =	vld.idx.msk [tilespmem:v20+s29+$0x0], $0xffff  }
0x302: {  	v19 =	vld.idx.msk [tilespmem:v19+s29+$0x0], $0xffff;
	_ =	sdelay $0x4  }
0x303: {  	v18 =	vadd.f32 v18, v20;
	v16 =	vadd.f32 v19, v16;
	v19 =	vor.u32 $0x4, v17  }
0x304: {  	v20 =	vor.u32 $0x6, v17  }
0x305: {  	v62 =	vor.u32 $0x7, v17;
	v16 =	vadd.f32 v18, v16  }
0x306: {  	v18 =	vor.u32 $0x5, v17  }
0x307: {  	[tilespmem:s1+$0xFFFFE780] =	vst v16  }
0x308: {  	v16 =	vld.idx.msk [tilespmem:v19+s29+$0x0], $0xffff  }
0x309: {  	v19 =	vld.idx.msk [tilespmem:v20+s29+$0x0], $0xffff  }
0x30a: {  	v20 =	vld.idx.msk [tilespmem:v62+s29+$0x0], $0xffff  }
0x30b: {  	v18 =	vld.idx.msk [tilespmem:v18+s29+$0x0], $0xffff;
	_ =	sdelay $0x4  }
0x30c: {  	v16 =	vadd.f32 v18, v16;
	v18 =	vadd.f32 v20, v19;
	v19 =	vor.u32 $0xB, v17  }
0x30d: {  	v20 =	vor.u32 $0x8, v17  }
0x30e: {  	v63 =	vor.u32 $0x9, v17;
	v16 =	vadd.f32 v18, v16  }
0x30f: {  	v18 =	vor.u32 $0xA, v17  }
0x310: {  	[tilespmem:s1+$0xFFFFF3C0] =	vst v16  }
0x311: {  	v16 =	vld.idx.msk [tilespmem:v19+s29+$0x0], $0xffff  }
0x312: {  	v19 =	vld.idx.msk [tilespmem:v20+s29+$0x0], $0xffff  }
0x313: {  	v20 =	vld.idx.msk [tilespmem:v63+s29+$0x0], $0xffff  }
0x314: {  	v18 =	vld.idx.msk [tilespmem:v18+s29+$0x0], $0xffff;
	_ =	sdelay $0x4  }
0x315: {  	v16 =	vadd.f32 v16, v18;
	v18 =	vadd.f32 v20, v19;
	v19 =	vor.u32 $0xC, v17;
	_ =	sdelay $0x1  }
0x316: {  	v16 =	vadd.f32 v16, v18  }
0x317: {  	v20 =	vor.u32 $0xD, v17  }
0x318: {  	[tilespmem:s1+$0x0] =	vst v16  }
0x319: {  	v16 =	vld.idx.msk [tilespmem:v19+s29+$0x0], $0xffff;
	v19 =	vor.u32 $0xF, v17  }
0x31a: {  	v17 =	vor.u32 $0xE, v17;
	_ =	sdelay $0x1  }
0x31b: {  	s11 =	smov.u32 s1;
	s8 =	simm.s32 $0x10;
	s7 =	smov.u32 s1;
	v18 =	vld.idx.msk [tilespmem:v20+s29+$0x0], $0xffff  }
.LBB2_15:
0x31c: {  	p0 =	sne.s32 s8, $0x30  }
0x31d: {  	v19 =	vld.idx.msk [tilespmem:v19+s29+$0x0], $0xffff;
	s11 =	sadd.s32 $0x10, s11;
	s12 =	smov.u32 s8;
	s8 =	sadd.s32 $0x10, s8  }
0x31e: {  	v17 =	vld.idx.msk [tilespmem:v17+s29+$0x0], $0xffff;
	_ =	sdelay $0x3  }
0x31f: {  	v20 =	vmov s12;
	v16 =	vadd.f32 v18, v16  }
0x320: {  	v18 =	vshll.u32 v20, $0x4  }
0x321: {  	v18 =	vor.u32 v15, v18;
	v17 =	vadd.f32 v19, v17  }
0x322: {  	v19 =	vor.u32 $0x1, v18;
	v20 =	vor.u32 $0x2, v18;
	v21 =	vor.u32 $0x3, v18  }
0x323: {  	v16 =	vadd.f32 v17, v16;
	_ =	sdelay $0x1  }
0x324: {  	[tilespmem:s7+$0xC40] =	vst v16;
	s7 =	smov.u32 s11  }
0x325: {  	v16 =	vld.idx.msk [tilespmem:v18+s29+$0x0], $0xffff  }
0x326: {  	v17 =	vld.idx.msk [tilespmem:v21+s29+$0x0], $0xffff  }
0x327: {  	v19 =	vld.idx.msk [tilespmem:v19+s29+$0x0], $0xffff  }
0x328: {  	v20 =	vld.idx.msk [tilespmem:v20+s29+$0x0], $0xffff;
	_ =	sdelay $0x4  }
0x329: {  	v16 =	vadd.f32 v19, v16  }
0x32a: {  	v19 =	vor.u32 $0x4, v18;
	v17 =	vadd.f32 v17, v20  }
0x32b: {  	v20 =	vor.u32 $0x6, v18  }
0x32c: {  	v16 =	vadd.f32 v17, v16;
	v17 =	vor.u32 $0x5, v18  }
0x32d: {  	v21 =	vor.u32 $0x7, v18  }
0x32e: {  	[tilespmem:s11+$0xFFFFE780] =	vst v16  }
0x32f: {  	v16 =	vld.idx.msk [tilespmem:v19+s29+$0x0], $0xffff  }
0x330: {  	v19 =	vld.idx.msk [tilespmem:v20+s29+$0x0], $0xffff  }
0x331: {  	v17 =	vld.idx.msk [tilespmem:v17+s29+$0x0], $0xffff  }
0x332: {  	v20 =	vld.idx.msk [tilespmem:v21+s29+$0x0], $0xffff;
	_ =	sdelay $0x4  }
0x333: {  	v16 =	vadd.f32 v17, v16  }
0x334: {  	v17 =	vadd.f32 v20, v19;
	v19 =	vor.u32 $0xB, v18  }
0x335: {  	v20 =	vor.u32 $0x8, v18  }
0x336: {  	v16 =	vadd.f32 v17, v16;
	v17 =	vor.u32 $0xA, v18  }
0x337: {  	v21 =	vor.u32 $0x9, v18  }
0x338: {  	[tilespmem:s11+$0xFFFFF3C0] =	vst v16  }
0x339: {  	v16 =	vld.idx.msk [tilespmem:v19+s29+$0x0], $0xffff  }
0x33a: {  	v19 =	vld.idx.msk [tilespmem:v20+s29+$0x0], $0xffff  }
0x33b: {  	v17 =	vld.idx.msk [tilespmem:v17+s29+$0x0], $0xffff  }
0x33c: {  	v20 =	vld.idx.msk [tilespmem:v21+s29+$0x0], $0xffff;
	_ =	sdelay $0x4  }
0x33d: {  	v16 =	vadd.f32 v16, v17  }
0x33e: {  	v17 =	vadd.f32 v20, v19;
	v20 =	vor.u32 $0xC, v18  }
0x33f: {  	v21 =	vor.u32 $0xD, v18  }
.Ltmp6:
0x340: {  	v19 =	vor.u32 $0xF, v18;
	v16 =	vadd.f32 v16, v17;
	(pc) =	sbr.rel @p0 .LBB2_15-.Ltmp6, $4  }
0x341: {  	v17 =	vor.u32 $0xE, v18  }
0x342: {  	[tilespmem:s11+$0x0] =	vst v16  }
0x343: {  	v16 =	vld.idx.msk [tilespmem:v20+s29+$0x0], $0xffff  }
0x344: {  	v18 =	vld.idx.msk [tilespmem:v21+s29+$0x0], $0xffff  }
0x345: {  	_ =	sdelay $0x3  }
0x346: {  	v19 =	vld.idx.msk [tilespmem:v19+s29+$0x0], $0xffff  }
0x347: {  	v17 =	vld.idx.msk [tilespmem:v17+s29+$0x0], $0xffff;
	_ =	sdelay $0x2  }
0x348: {  	s2 =	sadd.s32 $0x1, s2  }
0x349: {  	p0 =	sne.s32 s2, $0x18  }
.Ltmp7:
0x34a: {  	v16 =	vadd.f32 v18, v16;
	v17 =	vadd.f32 v19, v17;
	(pc) =	sbr.rel @p0 .LBB2_4-.Ltmp7, $3  }
0x34b: {  	_ = 	snop  }
0x34c: {  	v16 =	vadd.f32 v17, v16;
	_ =	sdelay $0x1  }
0x34d: {  	s31 =	sadd.s32 $0x80, s31;
	s1 =	sadd.s32 $0x80, s1;
	[tilespmem:s7+$0xC40] =	vst v16  }
0x34e: {  	_ =	swait.ge [sflag:s26], $0x8000  }
0x34f: {  	[sflag:s26] =	ssyncset.done $0x0  }
0x350: {  	[sflag:s26] =	ssyncadd.s32 $0xFFFF8000  }
0x351: {  	_ =	swait.ge [sflag:s26], $0x1800  }
0x352: {  	[sflag:s26] =	ssyncset.done $0x0  }
0x353: {  	s2 =	simm.s32 $0x0;
	[sflag:s26] =	ssyncadd.s32 $0xFFFFE800  }
0x354: {  	v16 =	vld [tilespmem:s2+$0x11000]  }
0x355: {  	v17 =	vld [tilespmem:s2+$0x11010];
	_ =	sdelay $0x2  }
0x356: {  	s1 =	simm.s32 $0x14060  }
0x357: {  	[tilespmem:s1+$0xFFFFFFC0] =	vst v16  }
0x358: {  	[tilespmem:s1+$0xFFFFFFD0] =	vst v17  }
0x359: {  	v16 =	vld.idx.msk [tilespmem:v2+s2+$0x11000], $0xffff  }
0x35a: {  	v17 =	vld.idx.msk [tilespmem:v0+s2+$0x11000], $0xffff  }
0x35b: {  	v18 =	vld.idx.msk [tilespmem:v1+s2+$0x11000], $0xffff;
	_ =	sdelay $0x2  }
0x35c: {  	[tilespmem:s1+$0x10] =	vst v16  }
0x35d: {  	[tilespmem:s1+$0xFFFFFFF0] =	vst v17  }
0x35e: {  	[tilespmem:s1+$0x0] =	vst v18  }
0x35f: {  	v16 =	vld.idx.msk [tilespmem:v3+s2+$0x11000], $0xffff  }
0x360: {  	v17 =	vld.idx.msk [tilespmem:v6+s2+$0x11000], $0xffff  }
0x361: {  	s7 =	simm.s32 $0x180;
	v18 =	vld.idx.msk [tilespmem:v4+s2+$0x11000], $0xffff;
	s2 =	simm.s32 $0x14060  }
.LBB2_18:
0x362: {  	p0 =	sne.s32 s7, $0x5E80  }
0x363: {  	s1 =	sadd.s32 $0xB8, s1;
	s8 =	smov.u32 s7;
	s7 =	sadd.s32 $0x180, s7  }
0x364: {  	_ =	sdelay $0x1  }
0x365: {  	[tilespmem:s2+$0x20] =	vst v16  }
0x366: {  	[tilespmem:s2+$0x40] =	vst v17  }
0x367: {  	s8 =	sshra.s32 s8, $0x2;
	[tilespmem:s2+$0x30] =	vst v18;
	s2 =	smov.u32 s1  }
0x368: {  	v16 =	vld [tilespmem:s8+$0x11000]  }
0x369: {  	v17 =	vld [tilespmem:s8+$0x11010];
	_ =	sdelay $0x3  }
0x36a: {  	[tilespmem:s1+$0xFFFFFFC0] =	vst v16  }
0x36b: {  	[tilespmem:s1+$0xFFFFFFD0] =	vst v17  }
0x36c: {  	v16 =	vld.idx.msk [tilespmem:v2+s8+$0x11000], $0xffff  }
0x36d: {  	v17 =	vld.idx.msk [tilespmem:v0+s8+$0x11000], $0xffff  }
0x36e: {  	v18 =	vld.idx.msk [tilespmem:v1+s8+$0x11000], $0xffff;
	_ =	sdelay $0x3  }
0x36f: {  	[tilespmem:s1+$0x10] =	vst v16  }
.Ltmp8:
0x370: {  	[tilespmem:s1+$0xFFFFFFF0] =	vst v17;
	(pc) =	sbr.rel @p0 .LBB2_18-.Ltmp8, $4  }
0x371: {  	[tilespmem:s1+$0x0] =	vst v18  }
0x372: {  	v16 =	vld.idx.msk [tilespmem:v3+s8+$0x11000], $0xffff  }
0x373: {  	v17 =	vld.idx.msk [tilespmem:v6+s8+$0x11000], $0xffff  }
0x374: {  	v18 =	vld.idx.msk [tilespmem:v4+s8+$0x11000], $0xffff  }
0x375: {  	_ =	sdelay $0x1  }
0x376: {  	[tilespmem:s2+$0x20] =	vst v16  }
0x377: {  	[tilespmem:s2+$0x40] =	vst v17  }
0x378: {  	s31 =	simm.s32 $0x0;
	[tilespmem:s2+$0x30] =	vst v18  }
0x379: {  	s1 =	simm.s32 $0x1100;
	v16 =	vld.idx.msk [tilespmem:v11+s31+$0x14038], $0xffff  }
0x37a: {  	v17 =	vld [tilespmem:s1+$0xC0]  }
0x37b: {  	v18 =	vld.idx.msk [tilespmem:v12+s31+$0x14038], $0xffff  }
0x37c: {  	v19 =	vld [tilespmem:s1+$0xD0]  }
0x37d: {  	v20 =	vld.idx.msk [tilespmem:v13+s31+$0x14038], $0xffff  }
0x37e: {  	v21 =	vld [tilespmem:s1+$0xE0]  }
0x37f: {  	v22 =	vld.idx.msk [tilespmem:v7+s31+$0x14038], $0xffff  }
0x380: {  	v23 =	vld [tilespmem:s1+$0x80]  }
0x381: {  	v24 =	vld.idx.msk [tilespmem:v8+s31+$0x14038], $0xffff  }
0x382: {  	v25 =	vld [tilespmem:s1+$0x90]  }
0x383: {  	v26 =	vld.idx.msk [tilespmem:v9+s31+$0x14038], $0xffff  }
0x384: {  	v27 =	vld [tilespmem:s1+$0xA0]  }
0x385: {  	v28 =	vld.idx.msk [tilespmem:v11+s31+$0x14030], $0xffff  }
0x386: {  	v29 =	vld [tilespmem:s1+$0x40]  }
0x387: {  	v30 =	vld.idx.msk [tilespmem:v12+s31+$0x14030], $0xffff  }
0x388: {  	v31 =	vld [tilespmem:s1+$0x50]  }
0x389: {  	v32 =	vld.idx.msk [tilespmem:v13+s31+$0x14030], $0xffff  }
0x38a: {  	v33 =	vld [tilespmem:s1+$0x60]  }
0x38b: {  	v34 =	vld.idx.msk [tilespmem:v7+s31+$0x14030], $0xffff  }
0x38c: {  	v35 =	vld [tilespmem:s1+$0x0]  }
0x38d: {  	v36 =	vld.idx.msk [tilespmem:v8+s31+$0x14030], $0xffff  }
0x38e: {  	v37 =	vld [tilespmem:s1+$0x10]  }
0x38f: {  	v38 =	vld.idx.msk [tilespmem:v9+s31+$0x14030], $0xffff  }
0x390: {  	v39 =	vld [tilespmem:s1+$0x20]  }
0x391: {  	v40 =	vld.idx.msk [tilespmem:v11+s31+$0x14028], $0xffff  }
0x392: {  	v41 =	vld [tilespmem:s1+$0xFFFFFFC0]  }
0x393: {  	v42 =	vld.idx.msk [tilespmem:v12+s31+$0x14028], $0xffff  }
0x394: {  	v43 =	vld [tilespmem:s1+$0xFFFFFFD0]  }
0x395: {  	v44 =	vld.idx.msk [tilespmem:v13+s31+$0x14028], $0xffff  }
0x396: {  	v45 =	vld [tilespmem:s1+$0xFFFFFFE0]  }
0x397: {  	v46 =	vld.idx.msk [tilespmem:v7+s31+$0x14028], $0xffff  }
0x398: {  	v47 =	vld [tilespmem:s1+$0xFFFFFF80]  }
0x399: {  	v48 =	vld.idx.msk [tilespmem:v8+s31+$0x14028], $0xffff  }
0x39a: {  	v49 =	vld [tilespmem:s1+$0xFFFFFF90]  }
0x39b: {  	v50 =	vld.idx.msk [tilespmem:v9+s31+$0x14028], $0xffff  }
0x39c: {  	v51 =	vld [tilespmem:s1+$0xFFFFFFA0]  }
0x39d: {  	v52 =	vld.idx.msk [tilespmem:v11+s31+$0x14020], $0xffff  }
0x39e: {  	v53 =	vld [tilespmem:s1+$0xFFFFFF40]  }
0x39f: {  	v54 =	vld.idx.msk [tilespmem:v12+s31+$0x14020], $0xffff  }
0x3a0: {  	v55 =	vld [tilespmem:s1+$0xFFFFFF50]  }
0x3a1: {  	v56 =	vld.idx.msk [tilespmem:v13+s31+$0x14020], $0xffff  }
0x3a2: {  	v57 =	vld [tilespmem:s1+$0xFFFFFF60]  }
0x3a3: {  	v58 =	vld [tilespmem:s1+$0xFFFFFF00]  }
0x3a4: {  	v59 =	vld.idx.msk [tilespmem:v7+s31+$0x14020], $0xffff  }
0x3a5: {  	v60 =	vld.idx.msk [tilespmem:v8+s31+$0x14020], $0xffff  }
0x3a6: {  	v61 =	vld [tilespmem:s1+$0xFFFFFF10]  }
0x3a7: {  	v62 =	vld.idx.msk [tilespmem:v9+s31+$0x14020], $0xffff;
	v16 =	vmul.f32 v17, v16;
	v17 =	vmul.f32 v19, v18  }
0x3a8: {  	v18 =	vld [tilespmem:s1+$0xFFFFFF20];
	v19 =	vmul.f32 v23, v22;
	v22 =	vmul.f32 v25, v24  }
0x3a9: {  	v23 =	vld.idx.msk [tilespmem:v10+s31+$0x14020], $0xffff;
	v24 =	vmul.f32 v29, v28;
	v25 =	vmul.f32 v31, v30  }
0x3aa: {  	v28 =	vld [tilespmem:s1+$0xFFFFFF30];
	v29 =	vmul.f32 v35, v34;
	v30 =	vmul.f32 v37, v36  }
0x3ab: {  	v31 =	vld.idx.msk [tilespmem:v14+s31+$0x14020], $0xffff;
	v34 =	vmul.f32 v41, v40;
	v35 =	vmul.f32 v43, v42  }
0x3ac: {  	v36 =	vld [tilespmem:s1+$0xFFFFFF70];
	v37 =	vmul.f32 v47, v46;
	v40 =	vmul.f32 v49, v48  }
0x3ad: {  	v41 =	vmul.f32 v53, v52;
	v42 =	vmul.f32 v55, v54;
	v43 =	vld.idx.msk [tilespmem:v10+s31+$0x14028], $0xffff  }
0x3ae: {  	v59 =	vmul.f32 v58, v59;
	v60 =	vmul.f32 v61, v60;
	v61 =	vld [tilespmem:s1+$0xFFFFFFB0]  }
0x3af: {  	v63 =	vld [tilespmem:s1+$0xFFFFFFF0];
	v18 =	vmul.f32 v18, v62;
	v23 =	vmul.f32 v28, v23  }
0x3b0: {  	v46 =	vadd.f32 $0.0e+00, v59;
	v47 =	vadd.f32 $0.0e+00, v60;
	v28 =	vld.idx.msk [tilespmem:v14+s31+$0x14028], $0xffff;
	v62 =	vmul.f32 v57, v56  }
0x3b1: {  	v54 =	vld.idx.msk [tilespmem:v10+s31+$0x14030], $0xffff;
	v31 =	vmul.f32 v36, v31;
	v18 =	vadd.f32 $0.0e+00, v18;
	v23 =	vadd.f32 $0.0e+00, v23  }
0x3b2: {  	v55 =	vmul.f32 v51, v50;
	v41 =	vadd.f32 v41, v46;
	v42 =	vadd.f32 v42, v47;
	v56 =	vld [tilespmem:s1+$0x30]  }
0x3b3: {  	v59 =	vld [tilespmem:s1+$0x70];
	v18 =	vadd.f32 v62, v18;
	v23 =	vadd.f32 v31, v23;
	v31 =	vmul.f32 v61, v43  }
0x3b4: {  	v58 =	vmul.f32 v45, v44;
	v57 =	vld.idx.msk [tilespmem:v14+s31+$0x14030], $0xffff;
	v37 =	vadd.f32 v37, v41;
	v40 =	vadd.f32 v40, v42  }
0x3b5: {  	v61 =	vld [tilespmem:s1+$0xB0];
	v28 =	vmul.f32 v63, v28;
	v18 =	vadd.f32 v55, v18;
	v23 =	vadd.f32 v31, v23  }
0x3b6: {  	v60 =	vmul.f32 v39, v38;
	v34 =	vadd.f32 v34, v37;
	v35 =	vadd.f32 v35, v40;
	v31 =	vld.idx.msk [tilespmem:v10+s31+$0x14038], $0xffff  }
0x3b7: {  	v62 =	vld.idx.msk [tilespmem:v14+s31+$0x14038], $0xffff;
	v18 =	vadd.f32 v58, v18;
	v23 =	vadd.f32 v28, v23;
	v28 =	vmul.f32 v56, v54  }
0x3b8: {  	v32 =	vmul.f32 v33, v32;
	v29 =	vadd.f32 v29, v34;
	v30 =	vadd.f32 v30, v35;
	v63 =	vld [tilespmem:s1+$0xF0]  }
0x3b9: {  	v18 =	vadd.f32 v60, v18;
	v23 =	vadd.f32 v28, v23;
	v28 =	vmul.f32 v59, v57  }
0x3ba: {  	v26 =	vmul.f32 v27, v26;
	v24 =	vadd.f32 v24, v29;
	v25 =	vadd.f32 v25, v30  }
0x3bb: {  	v27 =	vmul.f32 v61, v31;
	v18 =	vadd.f32 v32, v18;
	v23 =	vadd.f32 v28, v23  }
0x3bc: {  	v20 =	vmul.f32 v21, v20;
	v19 =	vadd.f32 v19, v24;
	v22 =	vadd.f32 v22, v25  }
0x3bd: {  	v18 =	vadd.f32 v26, v18;
	v21 =	vadd.f32 v27, v23;
	v23 =	vmul.f32 v63, v62  }
0x3be: {  	v16 =	vadd.f32 v16, v19;
	v17 =	vadd.f32 v17, v22  }
0x3bf: {  	v18 =	vadd.f32 v20, v18;
	v19 =	vadd.f32 v23, v21;
	_ =	sdelay $0x1  }
0x3c0: {  	v16 =	vadd.f32 v17, v16;
	v17 =	vadd.f32 v19, v18;
	_ =	sdelay $0x1  }
0x3c1: {  	v16 =	vadd.f32 v17, v16  }
0x3c2: {  	s1 =	simm.s32 $0x16E20  }
0x3c3: {  	s7 =	simm.s32 $0xB8;
	[tilespmem:s1+$0x0] =	vst v16  }
0x3c4: {  	s2 =	simm.s32 $0x1300;
	v24 =	vld.idx.msk [tilespmem:v11+s7+$0x14038], $0xffff  }
0x3c5: {  	v25 =	vld [tilespmem:s2+$0xC0]  }
0x3c6: {  	v27 =	vld.idx.msk [tilespmem:v12+s7+$0x14038], $0xffff  }
0x3c7: {  	v28 =	vld [tilespmem:s2+$0xD0]  }
0x3c8: {  	v16 =	vld.idx.msk [tilespmem:v13+s7+$0x14038], $0xffff  }
0x3c9: {  	v17 =	vld [tilespmem:s2+$0xE0]  }
0x3ca: {  	v60 =	vld.idx.msk [tilespmem:v7+s7+$0x14038], $0xffff  }
0x3cb: {  	v61 =	vld [tilespmem:s2+$0x80]  }
0x3cc: {  	v62 =	vld.idx.msk [tilespmem:v8+s7+$0x14038], $0xffff  }
0x3cd: {  	v63 =	vld [tilespmem:s2+$0x90]  }
0x3ce: {  	v18 =	vld.idx.msk [tilespmem:v9+s7+$0x14038], $0xffff  }
0x3cf: {  	v19 =	vld [tilespmem:s2+$0xA0]  }
0x3d0: {  	v31 =	vld.idx.msk [tilespmem:v11+s7+$0x14030], $0xffff  }
0x3d1: {  	v33 =	vld [tilespmem:s2+$0x40]  }
0x3d2: {  	v34 =	vld.idx.msk [tilespmem:v12+s7+$0x14030], $0xffff  }
0x3d3: {  	v35 =	vld [tilespmem:s2+$0x50]  }
0x3d4: {  	v20 =	vld.idx.msk [tilespmem:v13+s7+$0x14030], $0xffff  }
0x3d5: {  	v21 =	vld [tilespmem:s2+$0x60]  }
0x3d6: {  	v36 =	vld.idx.msk [tilespmem:v7+s7+$0x14030], $0xffff  }
0x3d7: {  	v37 =	vld [tilespmem:s2+$0x0]  }
0x3d8: {  	v38 =	vld.idx.msk [tilespmem:v8+s7+$0x14030], $0xffff  }
0x3d9: {  	v39 =	vld [tilespmem:s2+$0x10]  }
0x3da: {  	v22 =	vld.idx.msk [tilespmem:v9+s7+$0x14030], $0xffff  }
0x3db: {  	v23 =	vld [tilespmem:s2+$0x20]  }
0x3dc: {  	v40 =	vld.idx.msk [tilespmem:v11+s7+$0x14028], $0xffff  }
0x3dd: {  	v41 =	vld [tilespmem:s2+$0xFFFFFFC0]  }
0x3de: {  	v42 =	vld.idx.msk [tilespmem:v12+s7+$0x14028], $0xffff  }
0x3df: {  	v43 =	vld [tilespmem:s2+$0xFFFFFFD0]  }
0x3e0: {  	v26 =	vld.idx.msk [tilespmem:v13+s7+$0x14028], $0xffff  }
0x3e1: {  	v29 =	vld [tilespmem:s2+$0xFFFFFFE0]  }
0x3e2: {  	v44 =	vld.idx.msk [tilespmem:v7+s7+$0x14028], $0xffff  }
0x3e3: {  	v46 =	vld [tilespmem:s2+$0xFFFFFF80]  }
0x3e4: {  	v48 =	vld.idx.msk [tilespmem:v8+s7+$0x14028], $0xffff  }
0x3e5: {  	v49 =	vld [tilespmem:s2+$0xFFFFFF90]  }
0x3e6: {  	v30 =	vld.idx.msk [tilespmem:v9+s7+$0x14028], $0xffff  }
0x3e7: {  	v32 =	vld [tilespmem:s2+$0xFFFFFFA0]  }
0x3e8: {  	v50 =	vld.idx.msk [tilespmem:v11+s7+$0x14020], $0xffff  }
0x3e9: {  	v51 =	vld [tilespmem:s2+$0xFFFFFF40]  }
0x3ea: {  	v52 =	vld.idx.msk [tilespmem:v12+s7+$0x14020], $0xffff  }
0x3eb: {  	v53 =	vld [tilespmem:s2+$0xFFFFFF50]  }
0x3ec: {  	v45 =	vld.idx.msk [tilespmem:v13+s7+$0x14020], $0xffff  }
0x3ed: {  	v47 =	vld [tilespmem:s2+$0xFFFFFF60]  }
0x3ee: {  	v54 =	vld [tilespmem:s2+$0xFFFFFF00]  }
0x3ef: {  	v55 =	vld.idx.msk [tilespmem:v7+s7+$0x14020], $0xffff  }
0x3f0: {  	v56 =	vld.idx.msk [tilespmem:v8+s7+$0x14020], $0xffff  }
0x3f1: {  	v58 =	vld [tilespmem:s2+$0xFFFFFF10]  }
0x3f2: {  	v57 =	vld.idx.msk [tilespmem:v9+s7+$0x14020], $0xffff;
	v24 =	vmul.f32 v25, v24;
	v25 =	vmul.f32 v28, v27  }
0x3f3: {  	s8 =	simm.s32 $0x5C0;
	v59 =	vld [tilespmem:s2+$0xFFFFFF20];
	v27 =	vmul.f32 v61, v60;
	v28 =	vmul.f32 v63, v62  }
.LBB2_20:
0x3f4: {  	p0 =	sne.s32 s8, $0xB520;
	v60 =	vld.idx.msk [tilespmem:v10+s7+$0x14020], $0xffff;
	v31 =	vmul.f32 v33, v31;
	v33 =	vmul.f32 v35, v34  }
0x3f5: {  	v35 =	vmul.f32 v37, v36;
	v36 =	vmul.f32 v39, v38;
	v34 =	vld [tilespmem:s2+$0xFFFFFF30]  }
0x3f6: {  	v38 =	vmul.f32 v41, v40;
	v39 =	vmul.f32 v43, v42;
	v37 =	vld.idx.msk [tilespmem:v14+s7+$0x14020], $0xffff  }
0x3f7: {  	v41 =	vmul.f32 v46, v44;
	v42 =	vmul.f32 v49, v48;
	v40 =	vld [tilespmem:s2+$0xFFFFFF70]  }
0x3f8: {  	v43 =	vmul.f32 v51, v50;
	v44 =	vmul.f32 v53, v52;
	v46 =	vld.idx.msk [tilespmem:v10+s7+$0x14028], $0xffff  }
0x3f9: {  	v48 =	vmul.f32 v54, v55;
	v49 =	vmul.f32 v58, v56;
	v50 =	vld [tilespmem:s2+$0xFFFFFFB0]  }
0x3fa: {  	v51 =	vmul.f32 v59, v57;
	v34 =	vmul.f32 v34, v60;
	v52 =	vld.idx.msk [tilespmem:v14+s7+$0x14028], $0xffff  }
0x3fb: {  	v45 =	vmul.f32 v47, v45;
	v48 =	vadd.f32 $0.0e+00, v48;
	v49 =	vadd.f32 $0.0e+00, v49;
	v47 =	vld [tilespmem:s2+$0xFFFFFFF0]  }
0x3fc: {  	v51 =	vadd.f32 $0.0e+00, v51;
	v34 =	vadd.f32 $0.0e+00, v34;
	v37 =	vmul.f32 v40, v37;
	v40 =	vld.idx.msk [tilespmem:v10+s7+$0x14030], $0xffff  }
0x3fd: {  	v30 =	vmul.f32 v32, v30;
	v43 =	vadd.f32 v43, v48;
	v44 =	vadd.f32 v44, v49;
	v32 =	vld [tilespmem:s2+$0x30]  }
0x3fe: {  	v45 =	vadd.f32 v45, v51;
	v34 =	vadd.f32 v37, v34;
	v37 =	vmul.f32 v50, v46;
	v46 =	vld.idx.msk [tilespmem:v14+s7+$0x14030], $0xffff  }
0x3ff: {  	v26 =	vmul.f32 v29, v26;
	v41 =	vadd.f32 v41, v43;
	v42 =	vadd.f32 v42, v44;
	v29 =	vld [tilespmem:s2+$0x70]  }
0x400: {  	v30 =	vadd.f32 v30, v45;
	v34 =	vadd.f32 v37, v34;
	v37 =	vmul.f32 v47, v52;
	v43 =	vld.idx.msk [tilespmem:v10+s7+$0x14038], $0xffff  }
0x401: {  	v22 =	vmul.f32 v23, v22;
	v38 =	vadd.f32 v38, v41;
	v39 =	vadd.f32 v39, v42;
	v23 =	vld [tilespmem:s2+$0xB0]  }
0x402: {  	v26 =	vadd.f32 v26, v30;
	v30 =	vadd.f32 v37, v34;
	v32 =	vmul.f32 v32, v40;
	v34 =	vld.idx.msk [tilespmem:v14+s7+$0x14038], $0xffff  }
0x403: {  	v20 =	vmul.f32 v21, v20;
	v35 =	vadd.f32 v35, v38;
	v36 =	vadd.f32 v36, v39;
	v21 =	vld [tilespmem:s2+$0xF0]  }
0x404: {  	v22 =	vadd.f32 v22, v26;
	v26 =	vadd.f32 v32, v30;
	v29 =	vmul.f32 v29, v46  }
0x405: {  	v18 =	vmul.f32 v19, v18;
	v30 =	vadd.f32 v31, v35;
	v31 =	vadd.f32 v33, v36  }
0x406: {  	v19 =	vadd.f32 v20, v22;
	v20 =	vadd.f32 v29, v26;
	v22 =	vmul.f32 v23, v43  }
0x407: {  	v16 =	vmul.f32 v17, v16;
	v23 =	vadd.f32 v27, v30;
	v26 =	vadd.f32 v28, v31  }
0x408: {  	v17 =	vadd.f32 v18, v19;
	v18 =	vadd.f32 v22, v20;
	v19 =	vmul.f32 v21, v34  }
0x409: {  	v20 =	vadd.f32 v24, v23;
	v21 =	vadd.f32 v25, v26  }
0x40a: {  	v16 =	vadd.f32 v16, v17;
	v17 =	vadd.f32 v19, v18;
	_ =	sdelay $0x1  }
0x40b: {  	v18 =	vadd.f32 v21, v20;
	v16 =	vadd.f32 v17, v16;
	_ =	sdelay $0x1  }
0x40c: {  	v16 =	vadd.f32 v16, v18  }
0x40d: {  	s1 =	sadd.s32 $0x10, s1  }
0x40e: {  	s7 =	sshra.s32 s8, $0x2;
	[tilespmem:s1+$0x0] =	vst v16  }
0x40f: {  	s2 =	sadd.s32 $0x200, s2;
	v24 =	vld.idx.msk [tilespmem:v11+s7+$0x14038], $0xffff  }
0x410: {  	v25 =	vld [tilespmem:s2+$0xC0]  }
0x411: {  	v27 =	vld.idx.msk [tilespmem:v12+s7+$0x14038], $0xffff  }
0x412: {  	v28 =	vld [tilespmem:s2+$0xD0]  }
0x413: {  	v16 =	vld.idx.msk [tilespmem:v13+s7+$0x14038], $0xffff  }
0x414: {  	v17 =	vld [tilespmem:s2+$0xE0]  }
0x415: {  	v60 =	vld.idx.msk [tilespmem:v7+s7+$0x14038], $0xffff  }
0x416: {  	v61 =	vld [tilespmem:s2+$0x80]  }
0x417: {  	v62 =	vld.idx.msk [tilespmem:v8+s7+$0x14038], $0xffff  }
0x418: {  	v63 =	vld [tilespmem:s2+$0x90]  }
0x419: {  	v18 =	vld.idx.msk [tilespmem:v9+s7+$0x14038], $0xffff  }
0x41a: {  	v19 =	vld [tilespmem:s2+$0xA0]  }
0x41b: {  	v31 =	vld.idx.msk [tilespmem:v11+s7+$0x14030], $0xffff  }
0x41c: {  	v33 =	vld [tilespmem:s2+$0x40]  }
0x41d: {  	v34 =	vld.idx.msk [tilespmem:v12+s7+$0x14030], $0xffff  }
0x41e: {  	v35 =	vld [tilespmem:s2+$0x50]  }
0x41f: {  	v20 =	vld.idx.msk [tilespmem:v13+s7+$0x14030], $0xffff  }
0x420: {  	v21 =	vld [tilespmem:s2+$0x60]  }
0x421: {  	v36 =	vld.idx.msk [tilespmem:v7+s7+$0x14030], $0xffff  }
0x422: {  	v37 =	vld [tilespmem:s2+$0x0]  }
0x423: {  	v38 =	vld.idx.msk [tilespmem:v8+s7+$0x14030], $0xffff  }
0x424: {  	v39 =	vld [tilespmem:s2+$0x10]  }
0x425: {  	v22 =	vld.idx.msk [tilespmem:v9+s7+$0x14030], $0xffff  }
0x426: {  	v23 =	vld [tilespmem:s2+$0x20]  }
0x427: {  	v40 =	vld.idx.msk [tilespmem:v11+s7+$0x14028], $0xffff  }
0x428: {  	v41 =	vld [tilespmem:s2+$0xFFFFFFC0]  }
0x429: {  	v42 =	vld.idx.msk [tilespmem:v12+s7+$0x14028], $0xffff  }
0x42a: {  	v43 =	vld [tilespmem:s2+$0xFFFFFFD0]  }
0x42b: {  	v26 =	vld.idx.msk [tilespmem:v13+s7+$0x14028], $0xffff  }
0x42c: {  	v29 =	vld [tilespmem:s2+$0xFFFFFFE0]  }
0x42d: {  	v44 =	vld.idx.msk [tilespmem:v7+s7+$0x14028], $0xffff  }
0x42e: {  	v46 =	vld [tilespmem:s2+$0xFFFFFF80]  }
0x42f: {  	v48 =	vld.idx.msk [tilespmem:v8+s7+$0x14028], $0xffff  }
0x430: {  	v49 =	vld [tilespmem:s2+$0xFFFFFF90]  }
0x431: {  	v30 =	vld.idx.msk [tilespmem:v9+s7+$0x14028], $0xffff  }
0x432: {  	v32 =	vld [tilespmem:s2+$0xFFFFFFA0]  }
0x433: {  	v50 =	vld.idx.msk [tilespmem:v11+s7+$0x14020], $0xffff  }
0x434: {  	v51 =	vld [tilespmem:s2+$0xFFFFFF40]  }
0x435: {  	v52 =	vld.idx.msk [tilespmem:v12+s7+$0x14020], $0xffff  }
0x436: {  	v53 =	vld [tilespmem:s2+$0xFFFFFF50]  }
0x437: {  	v45 =	vld.idx.msk [tilespmem:v13+s7+$0x14020], $0xffff  }
0x438: {  	v47 =	vld [tilespmem:s2+$0xFFFFFF60]  }
0x439: {  	v54 =	vld [tilespmem:s2+$0xFFFFFF00]  }
.Ltmp9:
0x43a: {  	v55 =	vld.idx.msk [tilespmem:v7+s7+$0x14020], $0xffff;
	(pc) =	sbr.rel @p0 .LBB2_20-.Ltmp9, $4  }
0x43b: {  	v56 =	vld.idx.msk [tilespmem:v8+s7+$0x14020], $0xffff  }
0x43c: {  	v58 =	vld [tilespmem:s2+$0xFFFFFF10]  }
0x43d: {  	v24 =	vmul.f32 v25, v24;
	v25 =	vmul.f32 v28, v27;
	v57 =	vld.idx.msk [tilespmem:v9+s7+$0x14020], $0xffff  }
0x43e: {  	s8 =	sadd.s32 $0x2E0, s8;
	v27 =	vmul.f32 v61, v60;
	v28 =	vmul.f32 v63, v62;
	v59 =	vld [tilespmem:s2+$0xFFFFFF20]  }
0x43f: {  	_ =	sdelay $0x3  }
0x440: {  	v60 =	vld.idx.msk [tilespmem:v10+s7+$0x14020], $0xffff;
	v31 =	vmul.f32 v33, v31;
	v33 =	vmul.f32 v35, v34  }
0x441: {  	v34 =	vld [tilespmem:s2+$0xFFFFFF30];
	v35 =	vmul.f32 v37, v36;
	v36 =	vmul.f32 v39, v38  }
0x442: {  	v37 =	vld.idx.msk [tilespmem:v14+s7+$0x14020], $0xffff;
	v38 =	vmul.f32 v41, v40;
	v39 =	vmul.f32 v43, v42  }
0x443: {  	v40 =	vld [tilespmem:s2+$0xFFFFFF70];
	v41 =	vmul.f32 v46, v44;
	v42 =	vmul.f32 v49, v48  }
0x444: {  	v43 =	vmul.f32 v51, v50;
	v61 =	vmul.f32 v53, v52;
	v46 =	vld.idx.msk [tilespmem:v10+s7+$0x14028], $0xffff  }
0x445: {  	v62 =	vmul.f32 v54, v55;
	v63 =	vmul.f32 v58, v56;
	v56 =	vld [tilespmem:s2+$0xFFFFFFB0]  }
0x446: {  	v58 =	vld.idx.msk [tilespmem:v14+s7+$0x14028], $0xffff;
	v57 =	vmul.f32 v59, v57;
	v34 =	vmul.f32 v34, v60  }
0x447: {  	v45 =	vmul.f32 v47, v45;
	v48 =	vadd.f32 $0.0e+00, v62;
	v49 =	vadd.f32 $0.0e+00, v63;
	v59 =	vld [tilespmem:s2+$0xFFFFFFF0]  }
0x448: {  	v37 =	vmul.f32 v40, v37;
	v60 =	vld.idx.msk [tilespmem:v10+s7+$0x14030], $0xffff;
	v51 =	vadd.f32 $0.0e+00, v57;
	v34 =	vadd.f32 $0.0e+00, v34  }
0x449: {  	v30 =	vmul.f32 v32, v30;
	v43 =	vadd.f32 v43, v48;
	v44 =	vadd.f32 v61, v49;
	v61 =	vld [tilespmem:s2+$0x30]  }
0x44a: {  	v63 =	vld.idx.msk [tilespmem:v14+s7+$0x14030], $0xffff;
	v62 =	vmul.f32 v56, v46;
	v45 =	vadd.f32 v45, v51;
	v34 =	vadd.f32 v37, v34  }
0x44b: {  	v26 =	vmul.f32 v29, v26;
	v48 =	vld [tilespmem:s2+$0x70];
	v41 =	vadd.f32 v41, v43;
	v42 =	vadd.f32 v42, v44  }
0x44c: {  	v50 =	vld.idx.msk [tilespmem:v10+s7+$0x14038], $0xffff;
	v49 =	vmul.f32 v59, v58;
	v30 =	vadd.f32 v30, v45;
	v34 =	vadd.f32 v62, v34  }
0x44d: {  	v22 =	vmul.f32 v23, v22;
	v38 =	vadd.f32 v38, v41;
	v51 =	vld [tilespmem:s2+$0xB0];
	v39 =	vadd.f32 v39, v42  }
0x44e: {  	v53 =	vld.idx.msk [tilespmem:v14+s7+$0x14038], $0xffff;
	v32 =	vmul.f32 v61, v60;
	v26 =	vadd.f32 v26, v30;
	v52 =	vadd.f32 v49, v34  }
0x44f: {  	v20 =	vmul.f32 v21, v20;
	v54 =	vld [tilespmem:s2+$0xF0];
	v35 =	vadd.f32 v35, v38;
	v36 =	vadd.f32 v36, v39  }
0x450: {  	v29 =	vmul.f32 v48, v63;
	v22 =	vadd.f32 v22, v26;
	v55 =	vadd.f32 v32, v52  }
0x451: {  	v18 =	vmul.f32 v19, v18;
	v56 =	vadd.f32 v31, v35;
	v57 =	vadd.f32 v33, v36  }
0x452: {  	v58 =	vmul.f32 v51, v50;
	v19 =	vadd.f32 v20, v22;
	v20 =	vadd.f32 v29, v55  }
0x453: {  	v16 =	vmul.f32 v17, v16;
	v59 =	vadd.f32 v27, v56;
	v60 =	vadd.f32 v28, v57  }
0x454: {  	v17 =	vadd.f32 v18, v19;
	v19 =	vmul.f32 v54, v53;
	v18 =	vadd.f32 v58, v20  }
0x455: {  	s31 =	simm.s32 $0x0;
	v61 =	vadd.f32 v25, v60;
	v20 =	vadd.f32 v24, v59  }
0x456: {  	v16 =	vadd.f32 v16, v17;
	v17 =	vadd.f32 v19, v18;
	v18 =	vmov s31  }
0x457: {  	v18 =	vshll.u32 v18, $0x4  }
0x458: {  	v19 =	vadd.f32 v61, v20;
	v16 =	vadd.f32 v17, v16;
	v17 =	vor.u32 v15, v18  }
0x459: {  	v18 =	vor.u32 $0x3, v17  }
0x45a: {  	v20 =	vor.u32 $0x2, v17;
	v16 =	vadd.f32 v16, v19  }
0x45b: {  	s1 =	sadd.s32 $0x10, s1;
	v19 =	vor.u32 $0x1, v17  }
0x45c: {  	[tilespmem:s1+$0x0] =	vst v16  }
0x45d: {  	v16 =	vld.idx.msk [tilespmem:v17+s29+$0x0], $0xffff  }
0x45e: {  	v18 =	vld.idx.msk [tilespmem:v18+s29+$0x0], $0xffff  }
0x45f: {  	v20 =	vld.idx.msk [tilespmem:v20+s29+$0x0], $0xffff  }
0x460: {  	v19 =	vld.idx.msk [tilespmem:v19+s29+$0x0], $0xffff;
	_ =	sdelay $0x4  }
0x461: {  	v18 =	vadd.f32 v18, v20;
	v16 =	vadd.f32 v19, v16;
	v19 =	vor.u32 $0x4, v17  }
0x462: {  	v20 =	vor.u32 $0x6, v17  }
0x463: {  	v62 =	vor.u32 $0x7, v17;
	v16 =	vadd.f32 v18, v16  }
0x464: {  	s1 =	simm.s32 $0x196A0;
	v18 =	vor.u32 $0x5, v17  }
0x465: {  	[tilespmem:s1+$0xFFFFE780] =	vst v16  }
0x466: {  	v16 =	vld.idx.msk [tilespmem:v19+s29+$0x0], $0xffff  }
0x467: {  	v19 =	vld.idx.msk [tilespmem:v20+s29+$0x0], $0xffff  }
0x468: {  	v20 =	vld.idx.msk [tilespmem:v62+s29+$0x0], $0xffff  }
0x469: {  	v18 =	vld.idx.msk [tilespmem:v18+s29+$0x0], $0xffff;
	_ =	sdelay $0x4  }
0x46a: {  	v16 =	vadd.f32 v18, v16;
	v18 =	vadd.f32 v20, v19;
	v19 =	vor.u32 $0xB, v17  }
0x46b: {  	v20 =	vor.u32 $0x8, v17  }
0x46c: {  	v63 =	vor.u32 $0x9, v17;
	v16 =	vadd.f32 v18, v16  }
0x46d: {  	v18 =	vor.u32 $0xA, v17  }
0x46e: {  	[tilespmem:s1+$0xFFFFF3C0] =	vst v16  }
0x46f: {  	v16 =	vld.idx.msk [tilespmem:v19+s29+$0x0], $0xffff  }
0x470: {  	v19 =	vld.idx.msk [tilespmem:v20+s29+$0x0], $0xffff  }
0x471: {  	v20 =	vld.idx.msk [tilespmem:v63+s29+$0x0], $0xffff  }
0x472: {  	v18 =	vld.idx.msk [tilespmem:v18+s29+$0x0], $0xffff;
	_ =	sdelay $0x4  }
0x473: {  	v16 =	vadd.f32 v16, v18;
	v18 =	vadd.f32 v20, v19;
	v19 =	vor.u32 $0xC, v17;
	_ =	sdelay $0x1  }
0x474: {  	v16 =	vadd.f32 v16, v18  }
0x475: {  	v20 =	vor.u32 $0xD, v17  }
0x476: {  	[tilespmem:s1+$0x0] =	vst v16  }
0x477: {  	v16 =	vld.idx.msk [tilespmem:v19+s29+$0x0], $0xffff;
	v19 =	vor.u32 $0xF, v17  }
0x478: {  	v17 =	vor.u32 $0xE, v17;
	_ =	sdelay $0x1  }
0x479: {  	s7 =	simm.s32 $0x10;
	s2 =	simm.s32 $0x196A0;
	v18 =	vld.idx.msk [tilespmem:v20+s29+$0x0], $0xffff  }
.LBB2_22:
0x47a: {  	p0 =	sne.s32 s7, $0x30  }
0x47b: {  	v19 =	vld.idx.msk [tilespmem:v19+s29+$0x0], $0xffff;
	s1 =	sadd.s32 $0x10, s1;
	s8 =	smov.u32 s7;
	s7 =	sadd.s32 $0x10, s7  }
0x47c: {  	v17 =	vld.idx.msk [tilespmem:v17+s29+$0x0], $0xffff;
	_ =	sdelay $0x3  }
0x47d: {  	v20 =	vmov s8;
	v16 =	vadd.f32 v18, v16  }
0x47e: {  	v18 =	vshll.u32 v20, $0x4  }
0x47f: {  	v18 =	vor.u32 v15, v18;
	v17 =	vadd.f32 v19, v17  }
0x480: {  	v19 =	vor.u32 $0x1, v18;
	v20 =	vor.u32 $0x2, v18;
	v21 =	vor.u32 $0x3, v18  }
0x481: {  	v16 =	vadd.f32 v17, v16;
	_ =	sdelay $0x1  }
0x482: {  	[tilespmem:s2+$0xC40] =	vst v16;
	s2 =	smov.u32 s1  }
0x483: {  	v16 =	vld.idx.msk [tilespmem:v18+s29+$0x0], $0xffff  }
0x484: {  	v17 =	vld.idx.msk [tilespmem:v21+s29+$0x0], $0xffff  }
0x485: {  	v19 =	vld.idx.msk [tilespmem:v19+s29+$0x0], $0xffff  }
0x486: {  	v20 =	vld.idx.msk [tilespmem:v20+s29+$0x0], $0xffff;
	_ =	sdelay $0x4  }
0x487: {  	v16 =	vadd.f32 v19, v16  }
0x488: {  	v19 =	vor.u32 $0x4, v18;
	v17 =	vadd.f32 v17, v20  }
0x489: {  	v20 =	vor.u32 $0x6, v18  }
0x48a: {  	v16 =	vadd.f32 v17, v16;
	v17 =	vor.u32 $0x5, v18  }
0x48b: {  	v21 =	vor.u32 $0x7, v18  }
0x48c: {  	[tilespmem:s1+$0xFFFFE780] =	vst v16  }
0x48d: {  	v16 =	vld.idx.msk [tilespmem:v19+s29+$0x0], $0xffff  }
0x48e: {  	v19 =	vld.idx.msk [tilespmem:v20+s29+$0x0], $0xffff  }
0x48f: {  	v17 =	vld.idx.msk [tilespmem:v17+s29+$0x0], $0xffff  }
0x490: {  	v20 =	vld.idx.msk [tilespmem:v21+s29+$0x0], $0xffff;
	_ =	sdelay $0x4  }
0x491: {  	v16 =	vadd.f32 v17, v16  }
0x492: {  	v17 =	vadd.f32 v20, v19;
	v19 =	vor.u32 $0xB, v18  }
0x493: {  	v20 =	vor.u32 $0x8, v18  }
0x494: {  	v16 =	vadd.f32 v17, v16;
	v17 =	vor.u32 $0xA, v18  }
0x495: {  	v21 =	vor.u32 $0x9, v18  }
0x496: {  	[tilespmem:s1+$0xFFFFF3C0] =	vst v16  }
0x497: {  	v16 =	vld.idx.msk [tilespmem:v19+s29+$0x0], $0xffff  }
0x498: {  	v19 =	vld.idx.msk [tilespmem:v20+s29+$0x0], $0xffff  }
0x499: {  	v17 =	vld.idx.msk [tilespmem:v17+s29+$0x0], $0xffff  }
0x49a: {  	v20 =	vld.idx.msk [tilespmem:v21+s29+$0x0], $0xffff;
	_ =	sdelay $0x4  }
0x49b: {  	v16 =	vadd.f32 v16, v17  }
0x49c: {  	v17 =	vadd.f32 v20, v19;
	v20 =	vor.u32 $0xC, v18  }
0x49d: {  	v21 =	vor.u32 $0xD, v18  }
.Ltmp10:
0x49e: {  	v19 =	vor.u32 $0xF, v18;
	v16 =	vadd.f32 v16, v17;
	(pc) =	sbr.rel @p0 .LBB2_22-.Ltmp10, $4  }
0x49f: {  	v17 =	vor.u32 $0xE, v18  }
0x4a0: {  	[tilespmem:s1+$0x0] =	vst v16  }
0x4a1: {  	v16 =	vld.idx.msk [tilespmem:v20+s29+$0x0], $0xffff  }
0x4a2: {  	v18 =	vld.idx.msk [tilespmem:v21+s29+$0x0], $0xffff  }
0x4a3: {  	_ =	sdelay $0x3  }
0x4a4: {  	v19 =	vld.idx.msk [tilespmem:v19+s29+$0x0], $0xffff  }
0x4a5: {  	v17 =	vld.idx.msk [tilespmem:v17+s29+$0x0], $0xffff;
	_ =	sdelay $0x4  }
0x4a6: {  	v16 =	vadd.f32 v18, v16;
	v17 =	vadd.f32 v19, v17;
	_ =	sdelay $0x1  }
0x4a7: {  	v16 =	vadd.f32 v17, v16;
	_ =	sdelay $0x1  }
0x4a8: {  	s1 =	simm.s32 $0x0;
	s13 =	rddreg [dreg:$0x7];
	s7 =	simm.s32 $0x17220;
	[tilespmem:s2+$0xC40] =	vst v16  }
0x4a9: {  	[hbm4b:s13+s1] =	stream.linear.scatter [tilespmem:s7], [sflag:$0x3], $0xC40, $0x38;
	[tilespmem:$0x1A320] =	vst v63  }
0x4aa: {  	_ =	swait.ge [sflag:s15], $0xC40  }
0x4ab: {  	[sflag:s15] =	ssyncset.done $0x0  }
0x4ac: {  	s31 =	simm.s32 $0x17E60;
	s28 =	rddreg [dreg:$0x8];
	[sflag:s15] =	ssyncadd.s32 $0xFFFFF3C0  }
0x4ad: {  	[hbm4b:s28+s1] =	stream.linear.scatter [tilespmem:s31], [sflag:$0x3], $0xC40, $0x38;
	[tilespmem:$0x1A320] =	vst v63  }
0x4ae: {  	_ =	swait.ge [sflag:s15], $0xC40  }
0x4af: {  	[sflag:s15] =	ssyncset.done $0x0  }
0x4b0: {  	s11 =	simm.s32 $0x18AA0;
	s8 =	rddreg [dreg:$0x9];
	[sflag:s15] =	ssyncadd.s32 $0xFFFFF3C0  }
0x4b1: {  	[hbm4b:s8+s1] =	stream.linear.scatter [tilespmem:s11], [sflag:$0x3], $0xC40, $0x38;
	[tilespmem:$0x1A320] =	vst v63  }
0x4b2: {  	_ =	swait.ge [sflag:s15], $0xC40  }
0x4b3: {  	[sflag:s15] =	ssyncset.done $0x0  }
0x4b4: {  	s13 =	simm.s32 $0x196E0;
	s12 =	rddreg [dreg:$0xa];
	[sflag:s15] =	ssyncadd.s32 $0xFFFFF3C0  }
0x4b5: {  	[hbm4b:s12+s1] =	stream.linear.scatter [tilespmem:s13], [sflag:$0x3], $0xC40, $0x38;
	[tilespmem:$0x1A320] =	vst v63  }
0x4b6: {  	_ =	swait.ge [sflag:s15], $0xC40  }
0x4b7: {  	s28 =	rddreg [dreg:$0xc]  }
0x4b8: {  	s31 =	rddreg [dreg:$0xb];
	s2 =	sadd.s32 $0x1, s28  }
0x4b9: {  	p0 =	sne.s32 s2, s31  }
.Ltmp11:
0x4ba: {  	_ = 	snop;
	(pc) =	sbr.rel @p0 .LBB2_1-.Ltmp11, $3  }
0x4bb: {  	_ =	sdelay $0x1  }
0x4bc: {  	[sflag:s15] =	ssyncset.done $0x0  }
0x4bd: {  	[sflag:s15] =	ssyncadd.s32 $0xFFFFF3C0  }
0x4be: {  	_ =	sfence.sel $0x180000  }
0x4bf: {  	[bflag:$0x0] =	sbarrier.arrive $0xFFFF  }
0x4c0: {  	_ =	strace $0x90000047  }
0x4c1: {  	s0 =	stileid.u32;
	[bflag:$0x2] =	sbarrier.arrive $0xFFFF  }
0x4c2: {  	p0 =	sne.s32 s0, $0x0;
	s0 =	rddreg [dreg:$0x4]  }
0x4c3: {  	s0 =	sadd.s32 @!p0 $0x100000, s0  }
0x4c4: {  	[sflag:s0] =	ssyncadd.tile.s32 @!p0 $0x1;
	_ =	shalt  }
.Lfunc_end2:
_tile_overlayer_lowered:
.L_overlay_start_2:
0x4c5: {  	(tag) =	ssettag $0x2  }
0x4c6: {  	s0 =	rddreg [dreg:$0x0];
	s2 =	stileid.u32  }
0x4c7: {  	s1 =	rddreg [dreg:$0x1];
	p0 =	sne.s32 s2, $0x0  }
0x4c8: {  	s3 =	rddreg [dreg:$0x2];
	[bflag:$0x3] =	sbarrier.arrive $0xFFFF;
	s2 =	simm.s32 @!p0 $0x1C03  }
0x4c9: {  	[timem:s3], [sflag:s2] =	dma.local @!p0 [hbm:s0], s1  }
0x4ca: {  	s0 =	simm.s32 @!p0 $0x3  }
0x4cb: {  	_ =	swait.ge @!p0 [sflag:s0], s1  }
0x4cc: {  	s1 =	ssub.s32 @!p0 $0x0, s1;
	[sflag:s0] =	ssyncset.done @!p0 $0x0  }
0x4cd: {  	[sflag:s0] =	ssyncadd.s32 @!p0 s1  }
0x4ce: {  	[bflag:$0x3] =	sbarrier.arrive $0xFFFF  }
0x4cf: {  	_ =	shalt  }

</sc_bundles>
